<compile_context>
chip_gen: v7x
topology: tpu7x:2x2x1
jax: 0.10.2.dev20260603
libtpu: 0.0.44.dev20260713+nightly
codegen_flags: <defaults>
</compile_context>

<pallas_src>
import functools

import jax
import jax.numpy as jnp
from jax import lax
from jax.experimental import pallas as pl
from jax.experimental.pallas import tpu as pltpu
from jax.experimental.pallas import tpu_sc as plsc

_NC = 2
_NS = 16
_NW = _NC * _NS

_CHUNK = 128
_NBUF = 6
_DEPTH = 3


def _sc_gather(embed_p, atn_chunked, dtype=jnp.float32):
    n_chunks_total, chunk = atn_chunked.shape
    Vh, H2 = embed_p.shape
    R = n_chunks_total * chunk
    cpw = n_chunks_total // _NW

    mesh = plsc.VectorSubcoreMesh(core_axis_name="c", subcore_axis_name="s",
                                  num_cores=_NC, num_subcores=_NS)

    @functools.partial(
        pl.kernel,
        mesh=mesh,
        out_type=jax.ShapeDtypeStruct((R, H2), dtype),
        scratch_types=(
            [pltpu.VMEM((cpw, chunk), jnp.int32)]
            + [pltpu.VMEM((chunk, H2), dtype) for _ in range(_NBUF)]
            + [pltpu.SemaphoreType.DMA for _ in range(2 * _NBUF)]
        ),
        compiler_params=pltpu.CompilerParams(needs_layout_passes=False,
                                             use_tc_tiling_on_sc=False),
    )
    def gather_kernel(embed_hbm, idx_hbm, out_hbm, idx_v, *rest):
        bufs = rest[:_NBUF]
        gsem = rest[_NBUF:2 * _NBUF]
        ssem = rest[2 * _NBUF:]
        wid = lax.axis_index("s") * _NC + lax.axis_index("c")
        cbase = wid * cpw
        rbase = cbase * chunk
        pltpu.sync_copy(idx_hbm.at[pl.ds(cbase, cpw)], idx_v)

        gd, sd = {}, {}

        def start_gather(c):
            j = c % _NBUF
            gd[c] = pltpu.async_copy(embed_hbm.at[idx_v.at[c]], bufs[j],
                                     gsem[j])

        def start_store(c):
            j = c % _NBUF
            sd[c] = pltpu.async_copy(
                bufs[j], out_hbm.at[pl.ds(rbase + c * chunk, chunk)], ssem[j])

        for c in range(min(_DEPTH, cpw)):
            start_gather(c)
        for s in range(cpw):
            gd.pop(s).wait()
            start_store(s)
            p = s + _DEPTH
            if p < cpw:
                if p >= _NBUF:
                    sd.pop(p - _NBUF).wait()
                start_gather(p)
        for c in sorted(sd):
            sd.pop(c).wait()

    return gather_kernel(embed_p, atn_chunked)


def _tc_transpose(embT, I64):
    H, V = embT.shape
    C = 2048
    Ch = C // 2
    grid = ((V + C - 1) // C,)
    Vp = grid[0] * Ch

    def body(t_ref, i64_ref, out_ref):
        ident = i64_ref[...]
        t = t_ref[...]
        t1 = t[:, :Ch].astype(jnp.bfloat16).astype(jnp.float32)
        t2 = t[:, Ch:].astype(jnp.bfloat16).astype(jnp.float32)
        tr1 = lax.dot_general(t1, ident, (((0,), (0,)), ((), ())),
                              preferred_element_type=jnp.float32)
        tr2 = lax.dot_general(t2, ident, (((0,), (0,)), ((), ())),
                              preferred_element_type=jnp.float32)
        out_ref[...] = jnp.concatenate([tr1, tr2], axis=1)

    return pl.pallas_call(
        body,
        grid=grid,
        in_specs=[
            pl.BlockSpec((H, C), lambda i: (0, i)),
            pl.BlockSpec((H, H), lambda i: (0, 0)),
        ],
        out_specs=pl.BlockSpec((Ch, 2 * H), lambda i: (i, 0)),
        out_shape=jax.ShapeDtypeStruct((Vp, 2 * H), jnp.float32),
    )(embT, I64)


def _tc_score(targs_p, par, stim, W1, b1, Wfc, bfc):
    Rp, H2 = targs_p.shape
    B, N = par.shape
    H = H2 // 2
    BLK = 128
    bfcr = bfc.reshape(1, 1)

    zeros = jnp.zeros_like(W1)
    w1bd = jnp.concatenate(
        [jnp.concatenate([W1, zeros], axis=0),
         jnp.concatenate([zeros, W1], axis=0)], axis=1)
    b1p = jnp.concatenate([b1, b1]).reshape(1, 1, H2)
    wfc_flat = Wfc.reshape(H)
    zf = jnp.zeros_like(wfc_flat)
    wfce = jnp.concatenate([wfc_flat, zf]).reshape(1, 1, H2)
    wfco = jnp.concatenate([zf, wfc_flat]).reshape(1, 1, H2)
    stimp = jnp.concatenate([stim, stim], axis=1)

    def body(t_ref, par_ref, stimp_ref, w1bd_ref, b1p_ref, wfce_ref,
             wfco_ref, bfc_ref, attn_ref, idx_ref):
        t2 = t_ref[...].astype(jnp.bfloat16)
        x2 = lax.dot_general(t2, w1bd_ref[...].astype(jnp.bfloat16),
                             (((1,), (0,)), ((), ())),
                             preferred_element_type=jnp.float32)
        x3 = x2.reshape(BLK, N, H2) + b1p_ref[...]
        y3 = x3 * stimp_ref[...].reshape(BLK, 1, H2)
        z3 = y3.astype(jnp.bfloat16).astype(jnp.float32)
        wfce_b = wfce_ref[...].astype(jnp.bfloat16).astype(jnp.float32)
        wfco_b = wfco_ref[...].astype(jnp.bfloat16).astype(jnp.float32)
        par3 = par_ref[...].reshape(BLK, N, 1)
        mask = jnp.where(par3 == 1, wfco_b, wfce_b)
        attn = jnp.sum(z3 * mask, axis=2) + bfc_ref[...]
        attn_ref[...] = attn
        m = jnp.max(attn, axis=1, keepdims=True)
        n_iota = lax.broadcasted_iota(jnp.int32, (BLK, N), 1)
        cand = jnp.where(attn == m, n_iota, N)
        idx_ref[...] = jnp.min(cand, axis=1, keepdims=True)

    grid = (B // BLK,)
    attn, idx2 = pl.pallas_call(
        body,
        grid=grid,
        in_specs=[
            pl.BlockSpec((BLK * N, H2), lambda i: (i, 0)),
            pl.BlockSpec((BLK, N), lambda i: (i, 0)),
            pl.BlockSpec((BLK, H2), lambda i: (i, 0)),
            pl.BlockSpec((H2, H2), lambda i: (0, 0)),
            pl.BlockSpec((1, 1, H2), lambda i: (0, 0, 0)),
            pl.BlockSpec((1, 1, H2), lambda i: (0, 0, 0)),
            pl.BlockSpec((1, 1, H2), lambda i: (0, 0, 0)),
            pl.BlockSpec((1, 1), lambda i: (0, 0)),
        ],
        out_specs=[
            pl.BlockSpec((BLK, N), lambda i: (i, 0)),
            pl.BlockSpec((BLK, 1), lambda i: (i, 0)),
        ],
        out_shape=[
            jax.ShapeDtypeStruct((B, N), jnp.float32),
            jax.ShapeDtypeStruct((B, 1), jnp.int32),
        ],
        compiler_params=pltpu.CompilerParams(
            vmem_limit_bytes=100 * 1024 * 1024),
    )(targs_p, par, stimp, w1bd, b1p, wfce, wfco, bfcr)
    return attn, idx2


def kernel(stim, atnTensor, embed, W1, b1, Wfc, bfc):
    B, N = atnTensor.shape
    V, H = embed.shape
    blk = atnTensor // 2048
    q = atnTensor % 2048
    atn_pair = (blk * 1024 + q % 1024).reshape(B * N // _CHUNK, _CHUNK)
    par = q // 1024
    I64 = jnp.eye(H, dtype=jnp.float32)
    emb_packed = _tc_transpose(embed.T, I64)
    targs_p = _sc_gather(emb_packed, atn_pair)
    attn, idx2 = _tc_score(targs_p, par, stim, W1, b1, Wfc, bfc)
    return attn, idx2.reshape(B)

# --- scband reference (transcript-rebuilt; emitter-appended) ---
"""Pipeline reference for scband-net-tree-8280696947214 (READ-ONLY COPY).

The authoritative reference and input builder live on the scoring server;
editing this copy changes nothing except your own understanding.
"""

import jax, jax.numpy as jnp
import numpy as np

B, N, H, VOCAB = 4096, 50, 64, 1000000

def setup_inputs(seed: int = 0):
    key = jax.random.key(seed)
    k = jax.random.split(key, 7)
    stim = jax.random.normal(k[0], (B, H), dtype=jnp.float32)
    atnTensor = jax.random.randint(k[1], (B, N), 0, VOCAB, dtype=jnp.int32)
    embed = jax.random.normal(k[2], (VOCAB, H), dtype=jnp.float32) * 0.02
    W1 = jax.random.normal(k[3], (H, H), dtype=jnp.float32) * (1.0 / np.sqrt(H))
    b1 = jnp.zeros((H,), dtype=jnp.float32)
    Wfc = jax.random.normal(k[4], (H, 1), dtype=jnp.float32) * (1.0 / np.sqrt(H))
    bfc = jnp.zeros((1,), dtype=jnp.float32)
    return {"stim": stim, "atnTensor": atnTensor, "embed": embed,
            "W1": W1, "b1": b1, "Wfc": Wfc, "bfc": bfc}

def reference(stim, atnTensor, embed, W1, b1, Wfc, bfc):
    # NetTree._actions path: targs = embed[atnTensor] (embedding lookup),
    # stim broadcast as the attention key; net = VariableDiscreteAction ->
    # AttnCat: MiniAttend(V, K) = fc1(V) * K (flat=False), then fc -> scalar score,
    # then classify -> argmax index.
    targs = jnp.take(embed, atnTensor, axis=0)           # [B, N, H] gather (SparseCore)
    x = jnp.dot(targs, W1) + b1                          # MiniAttend fc1(V)
    x = x * stim[:, None, :]                             # modulate by key (stim unsqueezed)
    attn = jnp.dot(x, Wfc) + bfc                         # AttnCat.fc -> [B, N, 1]
    attn = jnp.squeeze(attn, -1)                         # [B, N]
    idx = jnp.argmax(attn, axis=-1)                      # classify() -> selected action index
    return (attn, idx)

if __name__ == "__main__":
    import jax
    _d = setup_inputs()
    print(jax.jit(kernel)(*tuple(_d.values())))

</pallas_src>

<mosaic_0001>
#map = affine_map<(d0, d1) -> (0, 0)>
module attributes {stable_mosaic.version = 14 : i64} {
  func.func @gather_kernel(%arg0: i32, %arg1: i32, %arg2: memref<500736x128xf32, #tpu.memory_space<hbm>>, %arg3: memref<1600x128xi32, #tpu.memory_space<hbm>>, %arg4: memref<204800x128xf32, #tpu.memory_space<hbm>>, %arg5: memref<50x128xi32, #tpu.memory_space<vmem>>, %arg6: memref<128x128xf32, #tpu.memory_space<vmem>>, %arg7: memref<128x128xf32, #tpu.memory_space<vmem>>, %arg8: memref<128x128xf32, #tpu.memory_space<vmem>>, %arg9: memref<128x128xf32, #tpu.memory_space<vmem>>, %arg10: memref<128x128xf32, #tpu.memory_space<vmem>>, %arg11: memref<128x128xf32, #tpu.memory_space<vmem>>, %arg12: memref<!tpu.dma_semaphore, #tpu.memory_space<semaphore_mem>>, %arg13: memref<!tpu.dma_semaphore, #tpu.memory_space<semaphore_mem>>, %arg14: memref<!tpu.dma_semaphore, #tpu.memory_space<semaphore_mem>>, %arg15: memref<!tpu.dma_semaphore, #tpu.memory_space<semaphore_mem>>, %arg16: memref<!tpu.dma_semaphore, #tpu.memory_space<semaphore_mem>>, %arg17: memref<!tpu.dma_semaphore, #tpu.memory_space<semaphore_mem>>, %arg18: memref<!tpu.dma_semaphore, #tpu.memory_space<semaphore_mem>>, %arg19: memref<!tpu.dma_semaphore, #tpu.memory_space<semaphore_mem>>, %arg20: memref<!tpu.dma_semaphore, #tpu.memory_space<semaphore_mem>>, %arg21: memref<!tpu.dma_semaphore, #tpu.memory_space<semaphore_mem>>, %arg22: memref<!tpu.dma_semaphore, #tpu.memory_space<semaphore_mem>>, %arg23: memref<!tpu.dma_semaphore, #tpu.memory_space<semaphore_mem>>) attributes {dimension_semantics = [#tpu.dimension_semantics<core_parallel>, #tpu.dimension_semantics<subcore_parallel>], iteration_bounds = array<i64: 2, 16>, scalar_prefetch = 0 : i64, scratch_operands = 19 : i64, tpu.core_type = #tpu.core_type<sc_vector_subcore>, window_params = [{transform_indices = #map}, {transform_indices = #map}, {transform_indices = #map}]} {
    %mul3A = arith.constant 2 : i32
    %mul3A_0 = arith.muli %arg1, %mul3A : i32
    %add3A = arith.addi %mul3A_0, %arg0 : i32
    %mul3A_1 = arith.constant 50 : i32
    %mul3A_2 = arith.muli %add3A, %mul3A_1 : i32
    %mul3A_3 = arith.constant 128 : i32
    %mul3A_4 = arith.muli %mul3A_2, %mul3A_3 : i32
    "tpu.region"() ({
      %run_scoped3A = tpu.sem_alloc : memref<!tpu.dma_semaphore, #tpu.memory_space<semaphore_mem>>
      %dma_start3A_1203 = arith.constant 0 : i32
      %dma_start3A_1204 = tpu.memref_slice %arg3[%mul3A_2, %dma_start3A_1203] : memref<1600x128xi32, #tpu.memory_space<hbm>> -> memref<50x128xi32, #tpu.memory_space<hbm>>
      %dma_start3A_1205 = arith.constant 0 : i32
      %dma_start3A_1206 = tpu.memref_slice %arg3[%mul3A_2, %dma_start3A_1205] : memref<1600x128xi32, #tpu.memory_space<hbm>> -> memref<50x128xi32, #tpu.memory_space<hbm>>
      tpu.enqueue_dma source(%dma_start3A_1206 : memref<50x128xi32, #tpu.memory_space<hbm>>) target(%arg5 : memref<50x128xi32, #tpu.memory_space<vmem>>) target_semaphore(%run_scoped3A : memref<!tpu.dma_semaphore, #tpu.memory_space<semaphore_mem>>)
      %dma_wait3A_1207 = arith.constant 0 : i32
      %dma_wait3A_1208 = tpu.memref_slice %arg3[%mul3A_2, %dma_wait3A_1207] : memref<1600x128xi32, #tpu.memory_space<hbm>> -> memref<50x128xi32, #tpu.memory_space<hbm>>
      %dma_wait3A_1209 = arith.constant 0 : i32
      %dma_wait3A_1210 = tpu.memref_slice %arg3[%mul3A_2, %dma_wait3A_1209] : memref<1600x128xi32, #tpu.memory_space<hbm>> -> memref<50x128xi32, #tpu.memory_space<hbm>>
      tpu.wait_dma2 semaphore(%run_scoped3A : memref<!tpu.dma_semaphore, #tpu.memory_space<semaphore_mem>>) src(%dma_wait3A_1210 : memref<50x128xi32, #tpu.memory_space<hbm>>) dst(%arg5 : memref<50x128xi32, #tpu.memory_space<vmem>>)
      tpu.yield
    }) : () -> ()
    %dma_start3A = arith.constant 0 : i32
    %dma_start3A_5 = arith.constant 0 : i32
    %dma_start3A_6 = tpu.memref_slice %arg5[%dma_start3A, %dma_start3A_5] : memref<50x128xi32, #tpu.memory_space<vmem>> -> memref<1x128xi32, #tpu.memory_space<vmem>>
    %dma_start3A_7 = tpu.memref_squeeze %dma_start3A_6 : memref<1x128xi32, #tpu.memory_space<vmem>> -> memref<128xi32, #tpu.memory_space<vmem>>
    %dma_start3A_8 = arith.constant 0 : i32
    %dma_start3A_9 = arith.constant 0 : i32
    %dma_start3A_10 = tpu.memref_slice %arg2[%dma_start3A_8, %dma_start3A_9] : memref<500736x128xf32, #tpu.memory_space<hbm>> -> memref<500736x128xf32, #tpu.memory_space<hbm>>
    tpu.enqueue_indirect_dma source(%dma_start3A_10 : memref<500736x128xf32, #tpu.memory_space<hbm>>) target(%arg6 : memref<128x128xf32, #tpu.memory_space<vmem>>) offsets(%dma_start3A_7 : memref<128xi32, #tpu.memory_space<vmem>>) semaphore(%arg12 : memref<!tpu.dma_semaphore, #tpu.memory_space<semaphore_mem>>)
    %dma_start3A_11 = arith.constant 1 : i32
    %dma_start3A_12 = arith.constant 0 : i32
    %dma_start3A_13 = tpu.memref_slice %arg5[%dma_start3A_11, %dma_start3A_12] : memref<50x128xi32, #tpu.memory_space<vmem>> -> memref<1x128xi32, #tpu.memory_space<vmem>>
    %dma_start3A_14 = tpu.memref_squeeze %dma_start3A_13 : memref<1x128xi32, #tpu.memory_space<vmem>> -> memref<128xi32, #tpu.memory_space<vmem>>
    %dma_start3A_15 = arith.constant 0 : i32
    %dma_start3A_16 = arith.constant 0 : i32
    %dma_start3A_17 = tpu.memref_slice %arg2[%dma_start3A_15, %dma_start3A_16] : memref<500736x128xf32, #tpu.memory_space<hbm>> -> memref<500736x128xf32, #tpu.memory_space<hbm>>
    tpu.enqueue_indirect_dma source(%dma_start3A_17 : memref<500736x128xf32, #tpu.memory_space<hbm>>) target(%arg7 : memref<128x128xf32, #tpu.memory_space<vmem>>) offsets(%dma_start3A_14 : memref<128xi32, #tpu.memory_space<vmem>>) semaphore(%arg13 : memref<!tpu.dma_semaphore, #tpu.memory_space<semaphore_mem>>)
    %dma_start3A_18 = arith.constant 2 : i32
    %dma_start3A_19 = arith.constant 0 : i32
    %dma_start3A_20 = tpu.memref_slice %arg5[%dma_start3A_18, %dma_start3A_19] : memref<50x128xi32, #tpu.memory_space<vmem>> -> memref<1x128xi32, #tpu.memory_space<vmem>>
    %dma_start3A_21 = tpu.memref_squeeze %dma_start3A_20 : memref<1x128xi32, #tpu.memory_space<vmem>> -> memref<128xi32, #tpu.memory_space<vmem>>
    %dma_start3A_22 = arith.constant 0 : i32
    %dma_start3A_23 = arith.constant 0 : i32
    %dma_start3A_24 = tpu.memref_slice %arg2[%dma_start3A_22, %dma_start3A_23] : memref<500736x128xf32, #tpu.memory_space<hbm>> -> memref<500736x128xf32, #tpu.memory_space<hbm>>
    tpu.enqueue_indirect_dma source(%dma_start3A_24 : memref<500736x128xf32, #tpu.memory_space<hbm>>) target(%arg8 : memref<128x128xf32, #tpu.memory_space<vmem>>) offsets(%dma_start3A_21 : memref<128xi32, #tpu.memory_space<vmem>>) semaphore(%arg14 : memref<!tpu.dma_semaphore, #tpu.memory_space<semaphore_mem>>)
    %dma_wait3A = arith.constant 0 : i32
    %dma_wait3A_25 = arith.constant 0 : i32
    %dma_wait3A_26 = tpu.memref_slice %arg5[%dma_wait3A, %dma_wait3A_25] : memref<50x128xi32, #tpu.memory_space<vmem>> -> memref<1x128xi32, #tpu.memory_space<vmem>>
    %dma_wait3A_27 = tpu.memref_squeeze %dma_wait3A_26 : memref<1x128xi32, #tpu.memory_space<vmem>> -> memref<128xi32, #tpu.memory_space<vmem>>
    %dma_wait3A_28 = arith.constant 0 : i32
    %dma_wait3A_29 = arith.constant 0 : i32
    %dma_wait3A_30 = tpu.memref_slice %arg2[%dma_wait3A_28, %dma_wait3A_29] : memref<500736x128xf32, #tpu.memory_space<hbm>> -> memref<500736x128xf32, #tpu.memory_space<hbm>>
    tpu.wait_indirect_dma semaphore(%arg12 : memref<!tpu.dma_semaphore, #tpu.memory_space<semaphore_mem>>) src(%dma_wait3A_30 : memref<500736x128xf32, #tpu.memory_space<hbm>>) dst(%arg6 : memref<128x128xf32, #tpu.memory_space<vmem>>)
    %add3A_31 = arith.constant 0 : i32
    %add3A_32 = arith.addi %mul3A_4, %add3A_31 : i32
    %dma_start3A_33 = arith.constant 0 : i32
    %dma_start3A_34 = tpu.memref_slice %arg4[%add3A_32, %dma_start3A_33] : memref<204800x128xf32, #tpu.memory_space<hbm>> -> memref<128x128xf32, #tpu.memory_space<hbm>>
    %dma_start3A_35 = arith.constant 0 : i32
    %dma_start3A_36 = tpu.memref_slice %arg4[%add3A_32, %dma_start3A_35] : memref<204800x128xf32, #tpu.memory_space<hbm>> -> memref<128x128xf32, #tpu.memory_space<hbm>>
    tpu.enqueue_dma source(%arg6 : memref<128x128xf32, #tpu.memory_space<vmem>>) target(%dma_start3A_36 : memref<128x128xf32, #tpu.memory_space<hbm>>) target_semaphore(%arg18 : memref<!tpu.dma_semaphore, #tpu.memory_space<semaphore_mem>>)
    %dma_start3A_37 = arith.constant 3 : i32
    %dma_start3A_38 = arith.constant 0 : i32
    %dma_start3A_39 = tpu.memref_slice %arg5[%dma_start3A_37, %dma_start3A_38] : memref<50x128xi32, #tpu.memory_space<vmem>> -> memref<1x128xi32, #tpu.memory_space<vmem>>
    %dma_start3A_40 = tpu.memref_squeeze %dma_start3A_39 : memref<1x128xi32, #tpu.memory_space<vmem>> -> memref<128xi32, #tpu.memory_space<vmem>>
    %dma_start3A_41 = arith.constant 0 : i32
    %dma_start3A_42 = arith.constant 0 : i32
    %dma_start3A_43 = tpu.memref_slice %arg2[%dma_start3A_41, %dma_start3A_42] : memref<500736x128xf32, #tpu.memory_space<hbm>> -> memref<500736x128xf32, #tpu.memory_space<hbm>>
    tpu.enqueue_indirect_dma source(%dma_start3A_43 : memref<500736x128xf32, #tpu.memory_space<hbm>>) target(%arg9 : memref<128x128xf32, #tpu.memory_space<vmem>>) offsets(%dma_start3A_40 : memref<128xi32, #tpu.memory_space<vmem>>) semaphore(%arg15 : memref<!tpu.dma_semaphore, #tpu.memory_space<semaphore_mem>>)
    %dma_wait3A_44 = arith.constant 1 : i32
    %dma_wait3A_45 = arith.constant 0 : i32
    %dma_wait3A_46 = tpu.memref_slice %arg5[%dma_wait3A_44, %dma_wait3A_45] : memref<50x128xi32, #tpu.memory_space<vmem>> -> memref<1x128xi32, #tpu.memory_space<vmem>>
    %dma_wait3A_47 = tpu.memref_squeeze %dma_wait3A_46 : memref<1x128xi32, #tpu.memory_space<vmem>> -> memref<128xi32, #tpu.memory_space<vmem>>
    %dma_wait3A_48 = arith.constant 0 : i32
    %dma_wait3A_49 = arith.constant 0 : i32
    %dma_wait3A_50 = tpu.memref_slice %arg2[%dma_wait3A_48, %dma_wait3A_49] : memref<500736x128xf32, #tpu.memory_space<hbm>> -> memref<500736x128xf32, #tpu.memory_space<hbm>>
    tpu.wait_indirect_dma semaphore(%arg13 : memref<!tpu.dma_semaphore, #tpu.memory_space<semaphore_mem>>) src(%dma_wait3A_50 : memref<500736x128xf32, #tpu.memory_space<hbm>>) dst(%arg7 : memref<128x128xf32, #tpu.memory_space<vmem>>)
    %add3A_51 = arith.constant 128 : i32
    %add3A_52 = arith.addi %mul3A_4, %add3A_51 : i32
    %dma_start3A_53 = arith.constant 0 : i32
    %dma_start3A_54 = tpu.memref_slice %arg4[%add3A_52, %dma_start3A_53] : memref<204800x128xf32, #tpu.memory_space<hbm>> -> memref<128x128xf32, #tpu.memory_space<hbm>>
    %dma_start3A_55 = arith.constant 0 : i32
    %dma_start3A_56 = tpu.memref_slice %arg4[%add3A_52, %dma_start3A_55] : memref<204800x128xf32, #tpu.memory_space<hbm>> -> memref<128x128xf32, #tpu.memory_space<hbm>>
    tpu.enqueue_dma source(%arg7 : memref<128x128xf32, #tpu.memory_space<vmem>>) target(%dma_start3A_56 : memref<128x128xf32, #tpu.memory_space<hbm>>) target_semaphore(%arg19 : memref<!tpu.dma_semaphore, #tpu.memory_space<semaphore_mem>>)
    %dma_start3A_57 = arith.constant 4 : i32
    %dma_start3A_58 = arith.constant 0 : i32
    %dma_start3A_59 = tpu.memref_slice %arg5[%dma_start3A_57, %dma_start3A_58] : memref<50x128xi32, #tpu.memory_space<vmem>> -> memref<1x128xi32, #tpu.memory_space<vmem>>
    %dma_start3A_60 = tpu.memref_squeeze %dma_start3A_59 : memref<1x128xi32, #tpu.memory_space<vmem>> -> memref<128xi32, #tpu.memory_space<vmem>>
    %dma_start3A_61 = arith.constant 0 : i32
    %dma_start3A_62 = arith.constant 0 : i32
    %dma_start3A_63 = tpu.memref_slice %arg2[%dma_start3A_61, %dma_start3A_62] : memref<500736x128xf32, #tpu.memory_space<hbm>> -> memref<500736x128xf32, #tpu.memory_space<hbm>>
    tpu.enqueue_indirect_dma source(%dma_start3A_63 : memref<500736x128xf32, #tpu.memory_space<hbm>>) target(%arg10 : memref<128x128xf32, #tpu.memory_space<vmem>>) offsets(%dma_start3A_60 : memref<128xi32, #tpu.memory_space<vmem>>) semaphore(%arg16 : memref<!tpu.dma_semaphore, #tpu.memory_space<semaphore_mem>>)
    %dma_wait3A_64 = arith.constant 2 : i32
    %dma_wait3A_65 = arith.constant 0 : i32
    %dma_wait3A_66 = tpu.memref_slice %arg5[%dma_wait3A_64, %dma_wait3A_65] : memref<50x128xi32, #tpu.memory_space<vmem>> -> memref<1x128xi32, #tpu.memory_space<vmem>>
    %dma_wait3A_67 = tpu.memref_squeeze %dma_wait3A_66 : memref<1x128xi32, #tpu.memory_space<vmem>> -> memref<128xi32, #tpu.memory_space<vmem>>
    %dma_wait3A_68 = arith.constant 0 : i32
    %dma_wait3A_69 = arith.constant 0 : i32
    %dma_wait3A_70 = tpu.memref_slice %arg2[%dma_wait3A_68, %dma_wait3A_69] : memref<500736x128xf32, #tpu.memory_space<hbm>> -> memref<500736x128xf32, #tpu.memory_space<hbm>>
    tpu.wait_indirect_dma semaphore(%arg14 : memref<!tpu.dma_semaphore, #tpu.memory_space<semaphore_mem>>) src(%dma_wait3A_70 : memref<500736x128xf32, #tpu.memory_space<hbm>>) dst(%arg8 : memref<128x128xf32, #tpu.memory_space<vmem>>)
    %add3A_71 = arith.constant 256 : i32
    %add3A_72 = arith.addi %mul3A_4, %add3A_71 : i32
    %dma_start3A_73 = arith.constant 0 : i32
    %dma_start3A_74 = tpu.memref_slice %arg4[%add3A_72, %dma_start3A_73] : memref<204800x128xf32, #tpu.memory_space<hbm>> -> memref<128x128xf32, #tpu.memory_space<hbm>>
    %dma_start3A_75 = arith.constant 0 : i32
    %dma_start3A_76 = tpu.memref_slice %arg4[%add3A_72, %dma_start3A_75] : memref<204800x128xf32, #tpu.memory_space<hbm>> -> memref<128x128xf32, #tpu.memory_space<hbm>>
    tpu.enqueue_dma source(%arg8 : memref<128x128xf32, #tpu.memory_space<vmem>>) target(%dma_start3A_76 : memref<128x128xf32, #tpu.memory_space<hbm>>) target_semaphore(%arg20 : memref<!tpu.dma_semaphore, #tpu.memory_space<semaphore_mem>>)
    %dma_start3A_77 = arith.constant 5 : i32
    %dma_start3A_78 = arith.constant 0 : i32
    %dma_start3A_79 = tpu.memref_slice %arg5[%dma_start3A_77, %dma_start3A_78] : memref<50x128xi32, #tpu.memory_space<vmem>> -> memref<1x128xi32, #tpu.memory_space<vmem>>
    %dma_start3A_80 = tpu.memref_squeeze %dma_start3A_79 : memref<1x128xi32, #tpu.memory_space<vmem>> -> memref<128xi32, #tpu.memory_space<vmem>>
    %dma_start3A_81 = arith.constant 0 : i32
    %dma_start3A_82 = arith.constant 0 : i32
    %dma_start3A_83 = tpu.memref_slice %arg2[%dma_start3A_81, %dma_start3A_82] : memref<500736x128xf32, #tpu.memory_space<hbm>> -> memref<500736x128xf32, #tpu.memory_space<hbm>>
    tpu.enqueue_indirect_dma source(%dma_start3A_83 : memref<500736x128xf32, #tpu.memory_space<hbm>>) target(%arg11 : memref<128x128xf32, #tpu.memory_space<vmem>>) offsets(%dma_start3A_80 : memref<128xi32, #tpu.memory_space<vmem>>) semaphore(%arg17 : memref<!tpu.dma_semaphore, #tpu.memory_space<semaphore_mem>>)
    %dma_wait3A_84 = arith.constant 3 : i32
    %dma_wait3A_85 = arith.constant 0 : i32
    %dma_wait3A_86 = tpu.memref_slice %arg5[%dma_wait3A_84, %dma_wait3A_85] : memref<50x128xi32, #tpu.memory_space<vmem>> -> memref<1x128xi32, #tpu.memory_space<vmem>>
    %dma_wait3A_87 = tpu.memref_squeeze %dma_wait3A_86 : memref<1x128xi32, #tpu.memory_space<vmem>> -> memref<128xi32, #tpu.memory_space<vmem>>
    %dma_wait3A_88 = arith.constant 0 : i32
    %dma_wait3A_89 = arith.constant 0 : i32
    %dma_wait3A_90 = tpu.memref_slice %arg2[%dma_wait3A_88, %dma_wait3A_89] : memref<500736x128xf32, #tpu.memory_space<hbm>> -> memref<500736x128xf32, #tpu.memory_space<hbm>>
    tpu.wait_indirect_dma semaphore(%arg15 : memref<!tpu.dma_semaphore, #tpu.memory_space<semaphore_mem>>) src(%dma_wait3A_90 : memref<500736x128xf32, #tpu.memory_space<hbm>>) dst(%arg9 : memref<128x128xf32, #tpu.memory_space<vmem>>)
    %add3A_91 = arith.constant 384 : i32
    %add3A_92 = arith.addi %mul3A_4, %add3A_91 : i32
    %dma_start3A_93 = arith.constant 0 : i32
    %dma_start3A_94 = tpu.memref_slice %arg4[%add3A_92, %dma_start3A_93] : memref<204800x128xf32, #tpu.memory_space<hbm>> -> memref<128x128xf32, #tpu.memory_space<hbm>>
    %dma_start3A_95 = arith.constant 0 : i32
    %dma_start3A_96 = tpu.memref_slice %arg4[%add3A_92, %dma_start3A_95] : memref<204800x128xf32, #tpu.memory_space<hbm>> -> memref<128x128xf32, #tpu.memory_space<hbm>>
    tpu.enqueue_dma source(%arg9 : memref<128x128xf32, #tpu.memory_space<vmem>>) target(%dma_start3A_96 : memref<128x128xf32, #tpu.memory_space<hbm>>) target_semaphore(%arg21 : memref<!tpu.dma_semaphore, #tpu.memory_space<semaphore_mem>>)
    %dma_wait3A_97 = arith.constant 0 : i32
    %dma_wait3A_98 = tpu.memref_slice %arg4[%add3A_32, %dma_wait3A_97] : memref<204800x128xf32, #tpu.memory_space<hbm>> -> memref<128x128xf32, #tpu.memory_space<hbm>>
    %dma_wait3A_99 = arith.constant 0 : i32
    %dma_wait3A_100 = tpu.memref_slice %arg4[%add3A_32, %dma_wait3A_99] : memref<204800x128xf32, #tpu.memory_space<hbm>> -> memref<128x128xf32, #tpu.memory_space<hbm>>
    tpu.wait_dma2 semaphore(%arg18 : memref<!tpu.dma_semaphore, #tpu.memory_space<semaphore_mem>>) src(%arg6 : memref<128x128xf32, #tpu.memory_space<vmem>>) dst(%dma_wait3A_100 : memref<128x128xf32, #tpu.memory_space<hbm>>)
    %dma_start3A_101 = arith.constant 6 : i32
    %dma_start3A_102 = arith.constant 0 : i32
    %dma_start3A_103 = tpu.memref_slice %arg5[%dma_start3A_101, %dma_start3A_102] : memref<50x128xi32, #tpu.memory_space<vmem>> -> memref<1x128xi32, #tpu.memory_space<vmem>>
    %dma_start3A_104 = tpu.memref_squeeze %dma_start3A_103 : memref<1x128xi32, #tpu.memory_space<vmem>> -> memref<128xi32, #tpu.memory_space<vmem>>
    %dma_start3A_105 = arith.constant 0 : i32
    %dma_start3A_106 = arith.constant 0 : i32
    %dma_start3A_107 = tpu.memref_slice %arg2[%dma_start3A_105, %dma_start3A_106] : memref<500736x128xf32, #tpu.memory_space<hbm>> -> memref<500736x128xf32, #tpu.memory_space<hbm>>
    tpu.enqueue_indirect_dma source(%dma_start3A_107 : memref<500736x128xf32, #tpu.memory_space<hbm>>) target(%arg6 : memref<128x128xf32, #tpu.memory_space<vmem>>) offsets(%dma_start3A_104 : memref<128xi32, #tpu.memory_space<vmem>>) semaphore(%arg12 : memref<!tpu.dma_semaphore, #tpu.memory_space<semaphore_mem>>)
    %dma_wait3A_108 = arith.constant 4 : i32
    %dma_wait3A_109 = arith.constant 0 : i32
    %dma_wait3A_110 = tpu.memref_slice %arg5[%dma_wait3A_108, %dma_wait3A_109] : memref<50x128xi32, #tpu.memory_space<vmem>> -> memref<1x128xi32, #tpu.memory_space<vmem>>
    %dma_wait3A_111 = tpu.memref_squeeze %dma_wait3A_110 : memref<1x128xi32, #tpu.memory_space<vmem>> -> memref<128xi32, #tpu.memory_space<vmem>>
    %dma_wait3A_112 = arith.constant 0 : i32
    %dma_wait3A_113 = arith.constant 0 : i32
    %dma_wait3A_114 = tpu.memref_slice %arg2[%dma_wait3A_112, %dma_wait3A_113] : memref<500736x128xf32, #tpu.memory_space<hbm>> -> memref<500736x128xf32, #tpu.memory_space<hbm>>
    tpu.wait_indirect_dma semaphore(%arg16 : memref<!tpu.dma_semaphore, #tpu.memory_space<semaphore_mem>>) src(%dma_wait3A_114 : memref<500736x128xf32, #tpu.memory_space<hbm>>) dst(%arg10 : memref<128x128xf32, #tpu.memory_space<vmem>>)
    %add3A_115 = arith.constant 512 : i32
    %add3A_116 = arith.addi %mul3A_4, %add3A_115 : i32
    %dma_start3A_117 = arith.constant 0 : i32
    %dma_start3A_118 = tpu.memref_slice %arg4[%add3A_116, %dma_start3A_117] : memref<204800x128xf32, #tpu.memory_space<hbm>> -> memref<128x128xf32, #tpu.memory_space<hbm>>
    %dma_start3A_119 = arith.constant 0 : i32
    %dma_start3A_120 = tpu.memref_slice %arg4[%add3A_116, %dma_start3A_119] : memref<204800x128xf32, #tpu.memory_space<hbm>> -> memref<128x128xf32, #tpu.memory_space<hbm>>
    tpu.enqueue_dma source(%arg10 : memref<128x128xf32, #tpu.memory_space<vmem>>) target(%dma_start3A_120 : memref<128x128xf32, #tpu.memory_space<hbm>>) target_semaphore(%arg22 : memref<!tpu.dma_semaphore, #tpu.memory_space<semaphore_mem>>)
    %dma_wait3A_121 = arith.constant 0 : i32
    %dma_wait3A_122 = tpu.memref_slice %arg4[%add3A_52, %dma_wait3A_121] : memref<204800x128xf32, #tpu.memory_space<hbm>> -> memref<128x128xf32, #tpu.memory_space<hbm>>
    %dma_wait3A_123 = arith.constant 0 : i32
    %dma_wait3A_124 = tpu.memref_slice %arg4[%add3A_52, %dma_wait3A_123] : memref<204800x128xf32, #tpu.memory_space<hbm>> -> memref<128x128xf32, #tpu.memory_space<hbm>>
    tpu.wait_dma2 semaphore(%arg19 : memref<!tpu.dma_semaphore, #tpu.memory_space<semaphore_mem>>) src(%arg7 : memref<128x128xf32, #tpu.memory_space<vmem>>) dst(%dma_wait3A_124 : memref<128x128xf32, #tpu.memory_space<hbm>>)
    %dma_start3A_125 = arith.constant 7 : i32
    %dma_start3A_126 = arith.constant 0 : i32
    %dma_start3A_127 = tpu.memref_slice %arg5[%dma_start3A_125, %dma_start3A_126] : memref<50x128xi32, #tpu.memory_space<vmem>> -> memref<1x128xi32, #tpu.memory_space<vmem>>
    %dma_start3A_128 = tpu.memref_squeeze %dma_start3A_127 : memref<1x128xi32, #tpu.memory_space<vmem>> -> memref<128xi32, #tpu.memory_space<vmem>>
    %dma_start3A_129 = arith.constant 0 : i32
    %dma_start3A_130 = arith.constant 0 : i32
    %dma_start3A_131 = tpu.memref_slice %arg2[%dma_start3A_129, %dma_start3A_130] : memref<500736x128xf32, #tpu.memory_space<hbm>> -> memref<500736x128xf32, #tpu.memory_space<hbm>>
    tpu.enqueue_indirect_dma source(%dma_start3A_131 : memref<500736x128xf32, #tpu.memory_space<hbm>>) target(%arg7 : memref<128x128xf32, #tpu.memory_space<vmem>>) offsets(%dma_start3A_128 : memref<128xi32, #tpu.memory_space<vmem>>) semaphore(%arg13 : memref<!tpu.dma_semaphore, #tpu.memory_space<semaphore_mem>>)
    %dma_wait3A_132 = arith.constant 5 : i32
    %dma_wait3A_133 = arith.constant 0 : i32
    %dma_wait3A_134 = tpu.memref_slice %arg5[%dma_wait3A_132, %dma_wait3A_133] : memref<50x128xi32, #tpu.memory_space<vmem>> -> memref<1x128xi32, #tpu.memory_space<vmem>>
    %dma_wait3A_135 = tpu.memref_squeeze %dma_wait3A_134 : memref<1x128xi32, #tpu.memory_space<vmem>> -> memref<128xi32, #tpu.memory_space<vmem>>
    %dma_wait3A_136 = arith.constant 0 : i32
    %dma_wait3A_137 = arith.constant 0 : i32
    %dma_wait3A_138 = tpu.memref_slice %arg2[%dma_wait3A_136, %dma_wait3A_137] : memref<500736x128xf32, #tpu.memory_space<hbm>> -> memref<500736x128xf32, #tpu.memory_space<hbm>>
    tpu.wait_indirect_dma semaphore(%arg17 : memref<!tpu.dma_semaphore, #tpu.memory_space<semaphore_mem>>) src(%dma_wait3A_138 : memref<500736x128xf32, #tpu.memory_space<hbm>>) dst(%arg11 : memref<128x128xf32, #tpu.memory_space<vmem>>)
    %add3A_139 = arith.constant 640 : i32
    %add3A_140 = arith.addi %mul3A_4, %add3A_139 : i32
    %dma_start3A_141 = arith.constant 0 : i32
    %dma_start3A_142 = tpu.memref_slice %arg4[%add3A_140, %dma_start3A_141] : memref<204800x128xf32, #tpu.memory_space<hbm>> -> memref<128x128xf32, #tpu.memory_space<hbm>>
    %dma_start3A_143 = arith.constant 0 : i32
    %dma_start3A_144 = tpu.memref_slice %arg4[%add3A_140, %dma_start3A_143] : memref<204800x128xf32, #tpu.memory_space<hbm>> -> memref<128x128xf32, #tpu.memory_space<hbm>>
    tpu.enqueue_dma source(%arg11 : memref<128x128xf32, #tpu.memory_space<vmem>>) target(%dma_start3A_144 : memref<128x128xf32, #tpu.memory_space<hbm>>) target_semaphore(%arg23 : memref<!tpu.dma_semaphore, #tpu.memory_space<semaphore_mem>>)
    %dma_wait3A_145 = arith.constant 0 : i32
    %dma_wait3A_146 = tpu.memref_slice %arg4[%add3A_72, %dma_wait3A_145] : memref<204800x128xf32, #tpu.memory_space<hbm>> -> memref<128x128xf32, #tpu.memory_space<hbm>>
    %dma_wait3A_147 = arith.constant 0 : i32
    %dma_wait3A_148 = tpu.memref_slice %arg4[%add3A_72, %dma_wait3A_147] : memref<204800x128xf32, #tpu.memory_space<hbm>> -> memref<128x128xf32, #tpu.memory_space<hbm>>
    tpu.wait_dma2 semaphore(%arg20 : memref<!tpu.dma_semaphore, #tpu.memory_space<semaphore_mem>>) src(%arg8 : memref<128x128xf32, #tpu.memory_space<vmem>>) dst(%dma_wait3A_148 : memref<128x128xf32, #tpu.memory_space<hbm>>)
    %dma_start3A_149 = arith.constant 8 : i32
    %dma_start3A_150 = arith.constant 0 : i32
    %dma_start3A_151 = tpu.memref_slice %arg5[%dma_start3A_149, %dma_start3A_150] : memref<50x128xi32, #tpu.memory_space<vmem>> -> memref<1x128xi32, #tpu.memory_space<vmem>>
    %dma_start3A_152 = tpu.memref_squeeze %dma_start3A_151 : memref<1x128xi32, #tpu.memory_space<vmem>> -> memref<128xi32, #tpu.memory_space<vmem>>
    %dma_start3A_153 = arith.constant 0 : i32
    %dma_start3A_154 = arith.constant 0 : i32
    %dma_start3A_155 = tpu.memref_slice %arg2[%dma_start3A_153, %dma_start3A_154] : memref<500736x128xf32, #tpu.memory_space<hbm>> -> memref<500736x128xf32, #tpu.memory_space<hbm>>
    tpu.enqueue_indirect_dma source(%dma_start3A_155 : memref<500736x128xf32, #tpu.memory_space<hbm>>) target(%arg8 : memref<128x128xf32, #tpu.memory_space<vmem>>) offsets(%dma_start3A_152 : memref<128xi32, #tpu.memory_space<vmem>>) semaphore(%arg14 : memref<!tpu.dma_semaphore, #tpu.memory_space<semaphore_mem>>)
    %dma_wait3A_156 = arith.constant 6 : i32
    %dma_wait3A_157 = arith.constant 0 : i32
    %dma_wait3A_158 = tpu.memref_slice %arg5[%dma_wait3A_156, %dma_wait3A_157] : memref<50x128xi32, #tpu.memory_space<vmem>> -> memref<1x128xi32, #tpu.memory_space<vmem>>
    %dma_wait3A_159 = tpu.memref_squeeze %dma_wait3A_158 : memref<1x128xi32, #tpu.memory_space<vmem>> -> memref<128xi32, #tpu.memory_space<vmem>>
    %dma_wait3A_160 = arith.constant 0 : i32
    %dma_wait3A_161 = arith.constant 0 : i32
    %dma_wait3A_162 = tpu.memref_slice %arg2[%dma_wait3A_160, %dma_wait3A_161] : memref<500736x128xf32, #tpu.memory_space<hbm>> -> memref<500736x128xf32, #tpu.memory_space<hbm>>
    tpu.wait_indirect_dma semaphore(%arg12 : memref<!tpu.dma_semaphore, #tpu.memory_space<semaphore_mem>>) src(%dma_wait3A_162 : memref<500736x128xf32, #tpu.memory_space<hbm>>) dst(%arg6 : memref<128x128xf32, #tpu.memory_space<vmem>>)
    %add3A_163 = arith.constant 768 : i32
    %add3A_164 = arith.addi %mul3A_4, %add3A_163 : i32
    %dma_start3A_165 = arith.constant 0 : i32
    %dma_start3A_166 = tpu.memref_slice %arg4[%add3A_164, %dma_start3A_165] : memref<204800x128xf32, #tpu.memory_space<hbm>> -> memref<128x128xf32, #tpu.memory_space<hbm>>
    %dma_start3A_167 = arith.constant 0 : i32
    %dma_start3A_168 = tpu.memref_slice %arg4[%add3A_164, %dma_start3A_167] : memref<204800x128xf32, #tpu.memory_space<hbm>> -> memref<128x128xf32, #tpu.memory_space<hbm>>
    tpu.enqueue_dma source(%arg6 : memref<128x128xf32, #tpu.memory_space<vmem>>) target(%dma_start3A_168 : memref<128x128xf32, #tpu.memory_space<hbm>>) target_semaphore(%arg18 : memref<!tpu.dma_semaphore, #tpu.memory_space<semaphore_mem>>)
    %dma_wait3A_169 = arith.constant 0 : i32
    %dma_wait3A_170 = tpu.memref_slice %arg4[%add3A_92, %dma_wait3A_169] : memref<204800x128xf32, #tpu.memory_space<hbm>> -> memref<128x128xf32, #tpu.memory_space<hbm>>
    %dma_wait3A_171 = arith.constant 0 : i32
    %dma_wait3A_172 = tpu.memref_slice %arg4[%add3A_92, %dma_wait3A_171] : memref<204800x128xf32, #tpu.memory_space<hbm>> -> memref<128x128xf32, #tpu.memory_space<hbm>>
    tpu.wait_dma2 semaphore(%arg21 : memref<!tpu.dma_semaphore, #tpu.memory_space<semaphore_mem>>) src(%arg9 : memref<128x128xf32, #tpu.memory_space<vmem>>) dst(%dma_wait3A_172 : memref<128x128xf32, #tpu.memory_space<hbm>>)
    %dma_start3A_173 = arith.constant 9 : i32
    %dma_start3A_174 = arith.constant 0 : i32
    %dma_start3A_175 = tpu.memref_slice %arg5[%dma_start3A_173, %dma_start3A_174] : memref<50x128xi32, #tpu.memory_space<vmem>> -> memref<1x128xi32, #tpu.memory_space<vmem>>
    %dma_start3A_176 = tpu.memref_squeeze %dma_start3A_175 : memref<1x128xi32, #tpu.memory_space<vmem>> -> memref<128xi32, #tpu.memory_space<vmem>>
    %dma_start3A_177 = arith.constant 0 : i32
    %dma_start3A_178 = arith.constant 0 : i32
    %dma_start3A_179 = tpu.memref_slice %arg2[%dma_start3A_177, %dma_start3A_178] : memref<500736x128xf32, #tpu.memory_space<hbm>> -> memref<500736x128xf32, #tpu.memory_space<hbm>>
    tpu.enqueue_indirect_dma source(%dma_start3A_179 : memref<500736x128xf32, #tpu.memory_space<hbm>>) target(%arg9 : memref<128x128xf32, #tpu.memory_space<vmem>>) offsets(%dma_start3A_176 : memref<128xi32, #tpu.memory_space<vmem>>) semaphore(%arg15 : memref<!tpu.dma_semaphore, #tpu.memory_space<semaphore_mem>>)
    %dma_wait3A_180 = arith.constant 7 : i32
    %dma_wait3A_181 = arith.constant 0 : i32
    %dma_wait3A_182 = tpu.memref_slice %arg5[%dma_wait3A_180, %dma_wait3A_181] : memref<50x128xi32, #tpu.memory_space<vmem>> -> memref<1x128xi32, #tpu.memory_space<vmem>>
    %dma_wait3A_183 = tpu.memref_squeeze %dma_wait3A_182 : memref<1x128xi32, #tpu.memory_space<vmem>> -> memref<128xi32, #tpu.memory_space<vmem>>
    %dma_wait3A_184 = arith.constant 0 : i32
    %dma_wait3A_185 = arith.constant 0 : i32
    %dma_wait3A_186 = tpu.memref_slice %arg2[%dma_wait3A_184, %dma_wait3A_185] : memref<500736x128xf32, #tpu.memory_space<hbm>> -> memref<500736x128xf32, #tpu.memory_space<hbm>>
    tpu.wait_indirect_dma semaphore(%arg13 : memref<!tpu.dma_semaphore, #tpu.memory_space<semaphore_mem>>) src(%dma_wait3A_186 : memref<500736x128xf32, #tpu.memory_space<hbm>>) dst(%arg7 : memref<128x128xf32, #tpu.memory_space<vmem>>)
    %add3A_187 = arith.constant 896 : i32
    %add3A_188 = arith.addi %mul3A_4, %add3A_187 : i32
    %dma_start3A_189 = arith.constant 0 : i32
    %dma_start3A_190 = tpu.memref_slice %arg4[%add3A_188, %dma_start3A_189] : memref<204800x128xf32, #tpu.memory_space<hbm>> -> memref<128x128xf32, #tpu.memory_space<hbm>>
    %dma_start3A_191 = arith.constant 0 : i32
    %dma_start3A_192 = tpu.memref_slice %arg4[%add3A_188, %dma_start3A_191] : memref<204800x128xf32, #tpu.memory_space<hbm>> -> memref<128x128xf32, #tpu.memory_space<hbm>>
    tpu.enqueue_dma source(%arg7 : memref<128x128xf32, #tpu.memory_space<vmem>>) target(%dma_start3A_192 : memref<128x128xf32, #tpu.memory_space<hbm>>) target_semaphore(%arg19 : memref<!tpu.dma_semaphore, #tpu.memory_space<semaphore_mem>>)
    %dma_wait3A_193 = arith.constant 0 : i32
    %dma_wait3A_194 = tpu.memref_slice %arg4[%add3A_116, %dma_wait3A_193] : memref<204800x128xf32, #tpu.memory_space<hbm>> -> memref<128x128xf32, #tpu.memory_space<hbm>>
    %dma_wait3A_195 = arith.constant 0 : i32
    %dma_wait3A_196 = tpu.memref_slice %arg4[%add3A_116, %dma_wait3A_195] : memref<204800x128xf32, #tpu.memory_space<hbm>> -> memref<128x128xf32, #tpu.memory_space<hbm>>
    tpu.wait_dma2 semaphore(%arg22 : memref<!tpu.dma_semaphore, #tpu.memory_space<semaphore_mem>>) src(%arg10 : memref<128x128xf32, #tpu.memory_space<vmem>>) dst(%dma_wait3A_196 : memref<128x128xf32, #tpu.memory_space<hbm>>)
    %dma_start3A_197 = arith.constant 10 : i32
    %dma_start3A_198 = arith.constant 0 : i32
    %dma_start3A_199 = tpu.memref_slice %arg5[%dma_start3A_197, %dma_start3A_198] : memref<50x128xi32, #tpu.memory_space<vmem>> -> memref<1x128xi32, #tpu.memory_space<vmem>>
    %dma_start3A_200 = tpu.memref_squeeze %dma_start3A_199 : memref<1x128xi32, #tpu.memory_space<vmem>> -> memref<128xi32, #tpu.memory_space<vmem>>
    %dma_start3A_201 = arith.constant 0 : i32
    %dma_start3A_202 = arith.constant 0 : i32
    %dma_start3A_203 = tpu.memref_slice %arg2[%dma_start3A_201, %dma_start3A_202] : memref<500736x128xf32, #tpu.memory_space<hbm>> -> memref<500736x128xf32, #tpu.memory_space<hbm>>
    tpu.enqueue_indirect_dma source(%dma_start3A_203 : memref<500736x128xf32, #tpu.memory_space<hbm>>) target(%arg10 : memref<128x128xf32, #tpu.memory_space<vmem>>) offsets(%dma_start3A_200 : memref<128xi32, #tpu.memory_space<vmem>>) semaphore(%arg16 : memref<!tpu.dma_semaphore, #tpu.memory_space<semaphore_mem>>)
    %dma_wait3A_204 = arith.constant 8 : i32
    %dma_wait3A_205 = arith.constant 0 : i32
    %dma_wait3A_206 = tpu.memref_slice %arg5[%dma_wait3A_204, %dma_wait3A_205] : memref<50x128xi32, #tpu.memory_space<vmem>> -> memref<1x128xi32, #tpu.memory_space<vmem>>
    %dma_wait3A_207 = tpu.memref_squeeze %dma_wait3A_206 : memref<1x128xi32, #tpu.memory_space<vmem>> -> memref<128xi32, #tpu.memory_space<vmem>>
    %dma_wait3A_208 = arith.constant 0 : i32
    %dma_wait3A_209 = arith.constant 0 : i32
    %dma_wait3A_210 = tpu.memref_slice %arg2[%dma_wait3A_208, %dma_wait3A_209] : memref<500736x128xf32, #tpu.memory_space<hbm>> -> memref<500736x128xf32, #tpu.memory_space<hbm>>
    tpu.wait_indirect_dma semaphore(%arg14 : memref<!tpu.dma_semaphore, #tpu.memory_space<semaphore_mem>>) src(%dma_wait3A_210 : memref<500736x128xf32, #tpu.memory_space<hbm>>) dst(%arg8 : memref<128x128xf32, #tpu.memory_space<vmem>>)
    %add3A_211 = arith.constant 1024 : i32
    %add3A_212 = arith.addi %mul3A_4, %add3A_211 : i32
    %dma_start3A_213 = arith.constant 0 : i32
    %dma_start3A_214 = tpu.memref_slice %arg4[%add3A_212, %dma_start3A_213] : memref<204800x128xf32, #tpu.memory_space<hbm>> -> memref<128x128xf32, #tpu.memory_space<hbm>>
    %dma_start3A_215 = arith.constant 0 : i32
    %dma_start3A_216 = tpu.memref_slice %arg4[%add3A_212, %dma_start3A_215] : memref<204800x128xf32, #tpu.memory_space<hbm>> -> memref<128x128xf32, #tpu.memory_space<hbm>>
    tpu.enqueue_dma source(%arg8 : memref<128x128xf32, #tpu.memory_space<vmem>>) target(%dma_start3A_216 : memref<128x128xf32, #tpu.memory_space<hbm>>) target_semaphore(%arg20 : memref<!tpu.dma_semaphore, #tpu.memory_space<semaphore_mem>>)
    %dma_wait3A_217 = arith.constant 0 : i32
    %dma_wait3A_218 = tpu.memref_slice %arg4[%add3A_140, %dma_wait3A_217] : memref<204800x128xf32, #tpu.memory_space<hbm>> -> memref<128x128xf32, #tpu.memory_space<hbm>>
    %dma_wait3A_219 = arith.constant 0 : i32
    %dma_wait3A_220 = tpu.memref_slice %arg4[%add3A_140, %dma_wait3A_219] : memref<204800x128xf32, #tpu.memory_space<hbm>> -> memref<128x128xf32, #tpu.memory_space<hbm>>
    tpu.wait_dma2 semaphore(%arg23 : memref<!tpu.dma_semaphore, #tpu.memory_space<semaphore_mem>>) src(%arg11 : memref<128x128xf32, #tpu.memory_space<vmem>>) dst(%dma_wait3A_220 : memref<128x128xf32, #tpu.memory_space<hbm>>)
    %dma_start3A_221 = arith.constant 11 : i32
    %dma_start3A_222 = arith.constant 0 : i32
    %dma_start3A_223 = tpu.memref_slice %arg5[%dma_start3A_221, %dma_start3A_222] : memref<50x128xi32, #tpu.memory_space<vmem>> -> memref<1x128xi32, #tpu.memory_space<vmem>>
    %dma_start3A_224 = tpu.memref_squeeze %dma_start3A_223 : memref<1x128xi32, #tpu.memory_space<vmem>> -> memref<128xi32, #tpu.memory_space<vmem>>
    %dma_start3A_225 = arith.constant 0 : i32
    %dma_start3A_226 = arith.constant 0 : i32
    %dma_start3A_227 = tpu.memref_slice %arg2[%dma_start3A_225, %dma_start3A_226] : memref<500736x128xf32, #tpu.memory_space<hbm>> -> memref<500736x128xf32, #tpu.memory_space<hbm>>
    tpu.enqueue_indirect_dma source(%dma_start3A_227 : memref<500736x128xf32, #tpu.memory_space<hbm>>) target(%arg11 : memref<128x128xf32, #tpu.memory_space<vmem>>) offsets(%dma_start3A_224 : memref<128xi32, #tpu.memory_space<vmem>>) semaphore(%arg17 : memref<!tpu.dma_semaphore, #tpu.memory_space<semaphore_mem>>)
    %dma_wait3A_228 = arith.constant 9 : i32
    %dma_wait3A_229 = arith.constant 0 : i32
    %dma_wait3A_230 = tpu.memref_slice %arg5[%dma_wait3A_228, %dma_wait3A_229] : memref<50x128xi32, #tpu.memory_space<vmem>> -> memref<1x128xi32, #tpu.memory_space<vmem>>
    %dma_wait3A_231 = tpu.memref_squeeze %dma_wait3A_230 : memref<1x128xi32, #tpu.memory_space<vmem>> -> memref<128xi32, #tpu.memory_space<vmem>>
    %dma_wait3A_232 = arith.constant 0 : i32
    %dma_wait3A_233 = arith.constant 0 : i32
    %dma_wait3A_234 = tpu.memref_slice %arg2[%dma_wait3A_232, %dma_wait3A_233] : memref<500736x128xf32, #tpu.memory_space<hbm>> -> memref<500736x128xf32, #tpu.memory_space<hbm>>
    tpu.wait_indirect_dma semaphore(%arg15 : memref<!tpu.dma_semaphore, #tpu.memory_space<semaphore_mem>>) src(%dma_wait3A_234 : memref<500736x128xf32, #tpu.memory_space<hbm>>) dst(%arg9 : memref<128x128xf32, #tpu.memory_space<vmem>>)
    %add3A_235 = arith.constant 1152 : i32
    %add3A_236 = arith.addi %mul3A_4, %add3A_235 : i32
    %dma_start3A_237 = arith.constant 0 : i32
    %dma_start3A_238 = tpu.memref_slice %arg4[%add3A_236, %dma_start3A_237] : memref<204800x128xf32, #tpu.memory_space<hbm>> -> memref<128x128xf32, #tpu.memory_space<hbm>>
    %dma_start3A_239 = arith.constant 0 : i32
    %dma_start3A_240 = tpu.memref_slice %arg4[%add3A_236, %dma_start3A_239] : memref<204800x128xf32, #tpu.memory_space<hbm>> -> memref<128x128xf32, #tpu.memory_space<hbm>>
    tpu.enqueue_dma source(%arg9 : memref<128x128xf32, #tpu.memory_space<vmem>>) target(%dma_start3A_240 : memref<128x128xf32, #tpu.memory_space<hbm>>) target_semaphore(%arg21 : memref<!tpu.dma_semaphore, #tpu.memory_space<semaphore_mem>>)
    %dma_wait3A_241 = arith.constant 0 : i32
    %dma_wait3A_242 = tpu.memref_slice %arg4[%add3A_164, %dma_wait3A_241] : memref<204800x128xf32, #tpu.memory_space<hbm>> -> memref<128x128xf32, #tpu.memory_space<hbm>>
    %dma_wait3A_243 = arith.constant 0 : i32
    %dma_wait3A_244 = tpu.memref_slice %arg4[%add3A_164, %dma_wait3A_243] : memref<204800x128xf32, #tpu.memory_space<hbm>> -> memref<128x128xf32, #tpu.memory_space<hbm>>
    tpu.wait_dma2 semaphore(%arg18 : memref<!tpu.dma_semaphore, #tpu.memory_space<semaphore_mem>>) src(%arg6 : memref<128x128xf32, #tpu.memory_space<vmem>>) dst(%dma_wait3A_244 : memref<128x128xf32, #tpu.memory_space<hbm>>)
    %dma_start3A_245 = arith.constant 12 : i32
    %dma_start3A_246 = arith.constant 0 : i32
    %dma_start3A_247 = tpu.memref_slice %arg5[%dma_start3A_245, %dma_start3A_246] : memref<50x128xi32, #tpu.memory_space<vmem>> -> memref<1x128xi32, #tpu.memory_space<vmem>>
    %dma_start3A_248 = tpu.memref_squeeze %dma_start3A_247 : memref<1x128xi32, #tpu.memory_space<vmem>> -> memref<128xi32, #tpu.memory_space<vmem>>
    %dma_start3A_249 = arith.constant 0 : i32
    %dma_start3A_250 = arith.constant 0 : i32
    %dma_start3A_251 = tpu.memref_slice %arg2[%dma_start3A_249, %dma_start3A_250] : memref<500736x128xf32, #tpu.memory_space<hbm>> -> memref<500736x128xf32, #tpu.memory_space<hbm>>
    tpu.enqueue_indirect_dma source(%dma_start3A_251 : memref<500736x128xf32, #tpu.memory_space<hbm>>) target(%arg6 : memref<128x128xf32, #tpu.memory_space<vmem>>) offsets(%dma_start3A_248 : memref<128xi32, #tpu.memory_space<vmem>>) semaphore(%arg12 : memref<!tpu.dma_semaphore, #tpu.memory_space<semaphore_mem>>)
    %dma_wait3A_252 = arith.constant 10 : i32
    %dma_wait3A_253 = arith.constant 0 : i32
    %dma_wait3A_254 = tpu.memref_slice %arg5[%dma_wait3A_252, %dma_wait3A_253] : memref<50x128xi32, #tpu.memory_space<vmem>> -> memref<1x128xi32, #tpu.memory_space<vmem>>
    %dma_wait3A_255 = tpu.memref_squeeze %dma_wait3A_254 : memref<1x128xi32, #tpu.memory_space<vmem>> -> memref<128xi32, #tpu.memory_space<vmem>>
    %dma_wait3A_256 = arith.constant 0 : i32
    %dma_wait3A_257 = arith.constant 0 : i32
    %dma_wait3A_258 = tpu.memref_slice %arg2[%dma_wait3A_256, %dma_wait3A_257] : memref<500736x128xf32, #tpu.memory_space<hbm>> -> memref<500736x128xf32, #tpu.memory_space<hbm>>
    tpu.wait_indirect_dma semaphore(%arg16 : memref<!tpu.dma_semaphore, #tpu.memory_space<semaphore_mem>>) src(%dma_wait3A_258 : memref<500736x128xf32, #tpu.memory_space<hbm>>) dst(%arg10 : memref<128x128xf32, #tpu.memory_space<vmem>>)
    %add3A_259 = arith.constant 1280 : i32
    %add3A_260 = arith.addi %mul3A_4, %add3A_259 : i32
    %dma_start3A_261 = arith.constant 0 : i32
    %dma_start3A_262 = tpu.memref_slice %arg4[%add3A_260, %dma_start3A_261] : memref<204800x128xf32, #tpu.memory_space<hbm>> -> memref<128x128xf32, #tpu.memory_space<hbm>>
    %dma_start3A_263 = arith.constant 0 : i32
    %dma_start3A_264 = tpu.memref_slice %arg4[%add3A_260, %dma_start3A_263] : memref<204800x128xf32, #tpu.memory_space<hbm>> -> memref<128x128xf32, #tpu.memory_space<hbm>>
    tpu.enqueue_dma source(%arg10 : memref<128x128xf32, #tpu.memory_space<vmem>>) target(%dma_start3A_264 : memref<128x128xf32, #tpu.memory_space<hbm>>) target_semaphore(%arg22 : memref<!tpu.dma_semaphore, #tpu.memory_space<semaphore_mem>>)
    %dma_wait3A_265 = arith.constant 0 : i32
    %dma_wait3A_266 = tpu.memref_slice %arg4[%add3A_188, %dma_wait3A_265] : memref<204800x128xf32, #tpu.memory_space<hbm>> -> memref<128x128xf32, #tpu.memory_space<hbm>>
    %dma_wait3A_267 = arith.constant 0 : i32
    %dma_wait3A_268 = tpu.memref_slice %arg4[%add3A_188, %dma_wait3A_267] : memref<204800x128xf32, #tpu.memory_space<hbm>> -> memref<128x128xf32, #tpu.memory_space<hbm>>
    tpu.wait_dma2 semaphore(%arg19 : memref<!tpu.dma_semaphore, #tpu.memory_space<semaphore_mem>>) src(%arg7 : memref<128x128xf32, #tpu.memory_space<vmem>>) dst(%dma_wait3A_268 : memref<128x128xf32, #tpu.memory_space<hbm>>)
    %dma_start3A_269 = arith.constant 13 : i32
    %dma_start3A_270 = arith.constant 0 : i32
    %dma_start3A_271 = tpu.memref_slice %arg5[%dma_start3A_269, %dma_start3A_270] : memref<50x128xi32, #tpu.memory_space<vmem>> -> memref<1x128xi32, #tpu.memory_space<vmem>>
    %dma_start3A_272 = tpu.memref_squeeze %dma_start3A_271 : memref<1x128xi32, #tpu.memory_space<vmem>> -> memref<128xi32, #tpu.memory_space<vmem>>
    %dma_start3A_273 = arith.constant 0 : i32
    %dma_start3A_274 = arith.constant 0 : i32
    %dma_start3A_275 = tpu.memref_slice %arg2[%dma_start3A_273, %dma_start3A_274] : memref<500736x128xf32, #tpu.memory_space<hbm>> -> memref<500736x128xf32, #tpu.memory_space<hbm>>
    tpu.enqueue_indirect_dma source(%dma_start3A_275 : memref<500736x128xf32, #tpu.memory_space<hbm>>) target(%arg7 : memref<128x128xf32, #tpu.memory_space<vmem>>) offsets(%dma_start3A_272 : memref<128xi32, #tpu.memory_space<vmem>>) semaphore(%arg13 : memref<!tpu.dma_semaphore, #tpu.memory_space<semaphore_mem>>)
    %dma_wait3A_276 = arith.constant 11 : i32
    %dma_wait3A_277 = arith.constant 0 : i32
    %dma_wait3A_278 = tpu.memref_slice %arg5[%dma_wait3A_276, %dma_wait3A_277] : memref<50x128xi32, #tpu.memory_space<vmem>> -> memref<1x128xi32, #tpu.memory_space<vmem>>
    %dma_wait3A_279 = tpu.memref_squeeze %dma_wait3A_278 : memref<1x128xi32, #tpu.memory_space<vmem>> -> memref<128xi32, #tpu.memory_space<vmem>>
    %dma_wait3A_280 = arith.constant 0 : i32
    %dma_wait3A_281 = arith.constant 0 : i32
    %dma_wait3A_282 = tpu.memref_slice %arg2[%dma_wait3A_280, %dma_wait3A_281] : memref<500736x128xf32, #tpu.memory_space<hbm>> -> memref<500736x128xf32, #tpu.memory_space<hbm>>
    tpu.wait_indirect_dma semaphore(%arg17 : memref<!tpu.dma_semaphore, #tpu.memory_space<semaphore_mem>>) src(%dma_wait3A_282 : memref<500736x128xf32, #tpu.memory_space<hbm>>) dst(%arg11 : memref<128x128xf32, #tpu.memory_space<vmem>>)
    %add3A_283 = arith.constant 1408 : i32
    %add3A_284 = arith.addi %mul3A_4, %add3A_283 : i32
    %dma_start3A_285 = arith.constant 0 : i32
    %dma_start3A_286 = tpu.memref_slice %arg4[%add3A_284, %dma_start3A_285] : memref<204800x128xf32, #tpu.memory_space<hbm>> -> memref<128x128xf32, #tpu.memory_space<hbm>>
    %dma_start3A_287 = arith.constant 0 : i32
    %dma_start3A_288 = tpu.memref_slice %arg4[%add3A_284, %dma_start3A_287] : memref<204800x128xf32, #tpu.memory_space<hbm>> -> memref<128x128xf32, #tpu.memory_space<hbm>>
    tpu.enqueue_dma source(%arg11 : memref<128x128xf32, #tpu.memory_space<vmem>>) target(%dma_start3A_288 : memref<128x128xf32, #tpu.memory_space<hbm>>) target_semaphore(%arg23 : memref<!tpu.dma_semaphore, #tpu.memory_space<semaphore_mem>>)
    %dma_wait3A_289 = arith.constant 0 : i32
    %dma_wait3A_290 = tpu.memref_slice %arg4[%add3A_212, %dma_wait3A_289] : memref<204800x128xf32, #tpu.memory_space<hbm>> -> memref<128x128xf32, #tpu.memory_space<hbm>>
    %dma_wait3A_291 = arith.constant 0 : i32
    %dma_wait3A_292 = tpu.memref_slice %arg4[%add3A_212, %dma_wait3A_291] : memref<204800x128xf32, #tpu.memory_space<hbm>> -> memref<128x128xf32, #tpu.memory_space<hbm>>
    tpu.wait_dma2 semaphore(%arg20 : memref<!tpu.dma_semaphore, #tpu.memory_space<semaphore_mem>>) src(%arg8 : memref<128x128xf32, #tpu.memory_space<vmem>>) dst(%dma_wait3A_292 : memref<128x128xf32, #tpu.memory_space<hbm>>)
    %dma_start3A_293 = arith.constant 14 : i32
    %dma_start3A_294 = arith.constant 0 : i32
    %dma_start3A_295 = tpu.memref_slice %arg5[%dma_start3A_293, %dma_start3A_294] : memref<50x128xi32, #tpu.memory_space<vmem>> -> memref<1x128xi32, #tpu.memory_space<vmem>>
    %dma_start3A_296 = tpu.memref_squeeze %dma_start3A_295 : memref<1x128xi32, #tpu.memory_space<vmem>> -> memref<128xi32, #tpu.memory_space<vmem>>
    %dma_start3A_297 = arith.constant 0 : i32
    %dma_start3A_298 = arith.constant 0 : i32
    %dma_start3A_299 = tpu.memref_slice %arg2[%dma_start3A_297, %dma_start3A_298] : memref<500736x128xf32, #tpu.memory_space<hbm>> -> memref<500736x128xf32, #tpu.memory_space<hbm>>
    tpu.enqueue_indirect_dma source(%dma_start3A_299 : memref<500736x128xf32, #tpu.memory_space<hbm>>) target(%arg8 : memref<128x128xf32, #tpu.memory_space<vmem>>) offsets(%dma_start3A_296 : memref<128xi32, #tpu.memory_space<vmem>>) semaphore(%arg14 : memref<!tpu.dma_semaphore, #tpu.memory_space<semaphore_mem>>)
    %dma_wait3A_300 = arith.constant 12 : i32
    %dma_wait3A_301 = arith.constant 0 : i32
    %dma_wait3A_302 = tpu.memref_slice %arg5[%dma_wait3A_300, %dma_wait3A_301] : memref<50x128xi32, #tpu.memory_space<vmem>> -> memref<1x128xi32, #tpu.memory_space<vmem>>
    %dma_wait3A_303 = tpu.memref_squeeze %dma_wait3A_302 : memref<1x128xi32, #tpu.memory_space<vmem>> -> memref<128xi32, #tpu.memory_space<vmem>>
    %dma_wait3A_304 = arith.constant 0 : i32
    %dma_wait3A_305 = arith.constant 0 : i32
    %dma_wait3A_306 = tpu.memref_slice %arg2[%dma_wait3A_304, %dma_wait3A_305] : memref<500736x128xf32, #tpu.memory_space<hbm>> -> memref<500736x128xf32, #tpu.memory_space<hbm>>
    tpu.wait_indirect_dma semaphore(%arg12 : memref<!tpu.dma_semaphore, #tpu.memory_space<semaphore_mem>>) src(%dma_wait3A_306 : memref<500736x128xf32, #tpu.memory_space<hbm>>) dst(%arg6 : memref<128x128xf32, #tpu.memory_space<vmem>>)
    %add3A_307 = arith.constant 1536 : i32
    %add3A_308 = arith.addi %mul3A_4, %add3A_307 : i32
    %dma_start3A_309 = arith.constant 0 : i32
    %dma_start3A_310 = tpu.memref_slice %arg4[%add3A_308, %dma_start3A_309] : memref<204800x128xf32, #tpu.memory_space<hbm>> -> memref<128x128xf32, #tpu.memory_space<hbm>>
    %dma_start3A_311 = arith.constant 0 : i32
    %dma_start3A_312 = tpu.memref_slice %arg4[%add3A_308, %dma_start3A_311] : memref<204800x128xf32, #tpu.memory_space<hbm>> -> memref<128x128xf32, #tpu.memory_space<hbm>>
    tpu.enqueue_dma source(%arg6 : memref<128x128xf32, #tpu.memory_space<vmem>>) target(%dma_start3A_312 : memref<128x128xf32, #tpu.memory_space<hbm>>) target_semaphore(%arg18 : memref<!tpu.dma_semaphore, #tpu.memory_space<semaphore_mem>>)
    %dma_wait3A_313 = arith.constant 0 : i32
    %dma_wait3A_314 = tpu.memref_slice %arg4[%add3A_236, %dma_wait3A_313] : memref<204800x128xf32, #tpu.memory_space<hbm>> -> memref<128x128xf32, #tpu.memory_space<hbm>>
    %dma_wait3A_315 = arith.constant 0 : i32
    %dma_wait3A_316 = tpu.memref_slice %arg4[%add3A_236, %dma_wait3A_315] : memref<204800x128xf32, #tpu.memory_space<hbm>> -> memref<128x128xf32, #tpu.memory_space<hbm>>
    tpu.wait_dma2 semaphore(%arg21 : memref<!tpu.dma_semaphore, #tpu.memory_space<semaphore_mem>>) src(%arg9 : memref<128x128xf32, #tpu.memory_space<vmem>>) dst(%dma_wait3A_316 : memref<128x128xf32, #tpu.memory_space<hbm>>)
    %dma_start3A_317 = arith.constant 15 : i32
    %dma_start3A_318 = arith.constant 0 : i32
    %dma_start3A_319 = tpu.memref_slice %arg5[%dma_start3A_317, %dma_start3A_318] : memref<50x128xi32, #tpu.memory_space<vmem>> -> memref<1x128xi32, #tpu.memory_space<vmem>>
    %dma_start3A_320 = tpu.memref_squeeze %dma_start3A_319 : memref<1x128xi32, #tpu.memory_space<vmem>> -> memref<128xi32, #tpu.memory_space<vmem>>
    %dma_start3A_321 = arith.constant 0 : i32
    %dma_start3A_322 = arith.constant 0 : i32
    %dma_start3A_323 = tpu.memref_slice %arg2[%dma_start3A_321, %dma_start3A_322] : memref<500736x128xf32, #tpu.memory_space<hbm>> -> memref<500736x128xf32, #tpu.memory_space<hbm>>
    tpu.enqueue_indirect_dma source(%dma_start3A_323 : memref<500736x128xf32, #tpu.memory_space<hbm>>) target(%arg9 : memref<128x128xf32, #tpu.memory_space<vmem>>) offsets(%dma_start3A_320 : memref<128xi32, #tpu.memory_space<vmem>>) semaphore(%arg15 : memref<!tpu.dma_semaphore, #tpu.memory_space<semaphore_mem>>)
    %dma_wait3A_324 = arith.constant 13 : i32
    %dma_wait3A_325 = arith.constant 0 : i32
    %dma_wait3A_326 = tpu.memref_slice %arg5[%dma_wait3A_324, %dma_wait3A_325] : memref<50x128xi32, #tpu.memory_space<vmem>> -> memref<1x128xi32, #tpu.memory_space<vmem>>
    %dma_wait3A_327 = tpu.memref_squeeze %dma_wait3A_326 : memref<1x128xi32, #tpu.memory_space<vmem>> -> memref<128xi32, #tpu.memory_space<vmem>>
    %dma_wait3A_328 = arith.constant 0 : i32
    %dma_wait3A_329 = arith.constant 0 : i32
    %dma_wait3A_330 = tpu.memref_slice %arg2[%dma_wait3A_328, %dma_wait3A_329] : memref<500736x128xf32, #tpu.memory_space<hbm>> -> memref<500736x128xf32, #tpu.memory_space<hbm>>
    tpu.wait_indirect_dma semaphore(%arg13 : memref<!tpu.dma_semaphore, #tpu.memory_space<semaphore_mem>>) src(%dma_wait3A_330 : memref<500736x128xf32, #tpu.memory_space<hbm>>) dst(%arg7 : memref<128x128xf32, #tpu.memory_space<vmem>>)
    %add3A_331 = arith.constant 1664 : i32
    %add3A_332 = arith.addi %mul3A_4, %add3A_331 : i32
    %dma_start3A_333 = arith.constant 0 : i32
    %dma_start3A_334 = tpu.memref_slice %arg4[%add3A_332, %dma_start3A_333] : memref<204800x128xf32, #tpu.memory_space<hbm>> -> memref<128x128xf32, #tpu.memory_space<hbm>>
    %dma_start3A_335 = arith.constant 0 : i32
    %dma_start3A_336 = tpu.memref_slice %arg4[%add3A_332, %dma_start3A_335] : memref<204800x128xf32, #tpu.memory_space<hbm>> -> memref<128x128xf32, #tpu.memory_space<hbm>>
    tpu.enqueue_dma source(%arg7 : memref<128x128xf32, #tpu.memory_space<vmem>>) target(%dma_start3A_336 : memref<128x128xf32, #tpu.memory_space<hbm>>) target_semaphore(%arg19 : memref<!tpu.dma_semaphore, #tpu.memory_space<semaphore_mem>>)
    %dma_wait3A_337 = arith.constant 0 : i32
    %dma_wait3A_338 = tpu.memref_slice %arg4[%add3A_260, %dma_wait3A_337] : memref<204800x128xf32, #tpu.memory_space<hbm>> -> memref<128x128xf32, #tpu.memory_space<hbm>>
    %dma_wait3A_339 = arith.constant 0 : i32
    %dma_wait3A_340 = tpu.memref_slice %arg4[%add3A_260, %dma_wait3A_339] : memref<204800x128xf32, #tpu.memory_space<hbm>> -> memref<128x128xf32, #tpu.memory_space<hbm>>
    tpu.wait_dma2 semaphore(%arg22 : memref<!tpu.dma_semaphore, #tpu.memory_space<semaphore_mem>>) src(%arg10 : memref<128x128xf32, #tpu.memory_space<vmem>>) dst(%dma_wait3A_340 : memref<128x128xf32, #tpu.memory_space<hbm>>)
    %dma_start3A_341 = arith.constant 16 : i32
    %dma_start3A_342 = arith.constant 0 : i32
    %dma_start3A_343 = tpu.memref_slice %arg5[%dma_start3A_341, %dma_start3A_342] : memref<50x128xi32, #tpu.memory_space<vmem>> -> memref<1x128xi32, #tpu.memory_space<vmem>>
    %dma_start3A_344 = tpu.memref_squeeze %dma_start3A_343 : memref<1x128xi32, #tpu.memory_space<vmem>> -> memref<128xi32, #tpu.memory_space<vmem>>
    %dma_start3A_345 = arith.constant 0 : i32
    %dma_start3A_346 = arith.constant 0 : i32
    %dma_start3A_347 = tpu.memref_slice %arg2[%dma_start3A_345, %dma_start3A_346] : memref<500736x128xf32, #tpu.memory_space<hbm>> -> memref<500736x128xf32, #tpu.memory_space<hbm>>
    tpu.enqueue_indirect_dma source(%dma_start3A_347 : memref<500736x128xf32, #tpu.memory_space<hbm>>) target(%arg10 : memref<128x128xf32, #tpu.memory_space<vmem>>) offsets(%dma_start3A_344 : memref<128xi32, #tpu.memory_space<vmem>>) semaphore(%arg16 : memref<!tpu.dma_semaphore, #tpu.memory_space<semaphore_mem>>)
    %dma_wait3A_348 = arith.constant 14 : i32
    %dma_wait3A_349 = arith.constant 0 : i32
    %dma_wait3A_350 = tpu.memref_slice %arg5[%dma_wait3A_348, %dma_wait3A_349] : memref<50x128xi32, #tpu.memory_space<vmem>> -> memref<1x128xi32, #tpu.memory_space<vmem>>
    %dma_wait3A_351 = tpu.memref_squeeze %dma_wait3A_350 : memref<1x128xi32, #tpu.memory_space<vmem>> -> memref<128xi32, #tpu.memory_space<vmem>>
    %dma_wait3A_352 = arith.constant 0 : i32
    %dma_wait3A_353 = arith.constant 0 : i32
    %dma_wait3A_354 = tpu.memref_slice %arg2[%dma_wait3A_352, %dma_wait3A_353] : memref<500736x128xf32, #tpu.memory_space<hbm>> -> memref<500736x128xf32, #tpu.memory_space<hbm>>
    tpu.wait_indirect_dma semaphore(%arg14 : memref<!tpu.dma_semaphore, #tpu.memory_space<semaphore_mem>>) src(%dma_wait3A_354 : memref<500736x128xf32, #tpu.memory_space<hbm>>) dst(%arg8 : memref<128x128xf32, #tpu.memory_space<vmem>>)
    %add3A_355 = arith.constant 1792 : i32
    %add3A_356 = arith.addi %mul3A_4, %add3A_355 : i32
    %dma_start3A_357 = arith.constant 0 : i32
    %dma_start3A_358 = tpu.memref_slice %arg4[%add3A_356, %dma_start3A_357] : memref<204800x128xf32, #tpu.memory_space<hbm>> -> memref<128x128xf32, #tpu.memory_space<hbm>>
    %dma_start3A_359 = arith.constant 0 : i32
    %dma_start3A_360 = tpu.memref_slice %arg4[%add3A_356, %dma_start3A_359] : memref<204800x128xf32, #tpu.memory_space<hbm>> -> memref<128x128xf32, #tpu.memory_space<hbm>>
    tpu.enqueue_dma source(%arg8 : memref<128x128xf32, #tpu.memory_space<vmem>>) target(%dma_start3A_360 : memref<128x128xf32, #tpu.memory_space<hbm>>) target_semaphore(%arg20 : memref<!tpu.dma_semaphore, #tpu.memory_space<semaphore_mem>>)
    %dma_wait3A_361 = arith.constant 0 : i32
    %dma_wait3A_362 = tpu.memref_slice %arg4[%add3A_284, %dma_wait3A_361] : memref<204800x128xf32, #tpu.memory_space<hbm>> -> memref<128x128xf32, #tpu.memory_space<hbm>>
    %dma_wait3A_363 = arith.constant 0 : i32
    %dma_wait3A_364 = tpu.memref_slice %arg4[%add3A_284, %dma_wait3A_363] : memref<204800x128xf32, #tpu.memory_space<hbm>> -> memref<128x128xf32, #tpu.memory_space<hbm>>
    tpu.wait_dma2 semaphore(%arg23 : memref<!tpu.dma_semaphore, #tpu.memory_space<semaphore_mem>>) src(%arg11 : memref<128x128xf32, #tpu.memory_space<vmem>>) dst(%dma_wait3A_364 : memref<128x128xf32, #tpu.memory_space<hbm>>)
    %dma_start3A_365 = arith.constant 17 : i32
    %dma_start3A_366 = arith.constant 0 : i32
    %dma_start3A_367 = tpu.memref_slice %arg5[%dma_start3A_365, %dma_start3A_366] : memref<50x128xi32, #tpu.memory_space<vmem>> -> memref<1x128xi32, #tpu.memory_space<vmem>>
    %dma_start3A_368 = tpu.memref_squeeze %dma_start3A_367 : memref<1x128xi32, #tpu.memory_space<vmem>> -> memref<128xi32, #tpu.memory_space<vmem>>
    %dma_start3A_369 = arith.constant 0 : i32
    %dma_start3A_370 = arith.constant 0 : i32
    %dma_start3A_371 = tpu.memref_slice %arg2[%dma_start3A_369, %dma_start3A_370] : memref<500736x128xf32, #tpu.memory_space<hbm>> -> memref<500736x128xf32, #tpu.memory_space<hbm>>
    tpu.enqueue_indirect_dma source(%dma_start3A_371 : memref<500736x128xf32, #tpu.memory_space<hbm>>) target(%arg11 : memref<128x128xf32, #tpu.memory_space<vmem>>) offsets(%dma_start3A_368 : memref<128xi32, #tpu.memory_space<vmem>>) semaphore(%arg17 : memref<!tpu.dma_semaphore, #tpu.memory_space<semaphore_mem>>)
    %dma_wait3A_372 = arith.constant 15 : i32
    %dma_wait3A_373 = arith.constant 0 : i32
    %dma_wait3A_374 = tpu.memref_slice %arg5[%dma_wait3A_372, %dma_wait3A_373] : memref<50x128xi32, #tpu.memory_space<vmem>> -> memref<1x128xi32, #tpu.memory_space<vmem>>
    %dma_wait3A_375 = tpu.memref_squeeze %dma_wait3A_374 : memref<1x128xi32, #tpu.memory_space<vmem>> -> memref<128xi32, #tpu.memory_space<vmem>>
    %dma_wait3A_376 = arith.constant 0 : i32
    %dma_wait3A_377 = arith.constant 0 : i32
    %dma_wait3A_378 = tpu.memref_slice %arg2[%dma_wait3A_376, %dma_wait3A_377] : memref<500736x128xf32, #tpu.memory_space<hbm>> -> memref<500736x128xf32, #tpu.memory_space<hbm>>
    tpu.wait_indirect_dma semaphore(%arg15 : memref<!tpu.dma_semaphore, #tpu.memory_space<semaphore_mem>>) src(%dma_wait3A_378 : memref<500736x128xf32, #tpu.memory_space<hbm>>) dst(%arg9 : memref<128x128xf32, #tpu.memory_space<vmem>>)
    %add3A_379 = arith.constant 1920 : i32
    %add3A_380 = arith.addi %mul3A_4, %add3A_379 : i32
    %dma_start3A_381 = arith.constant 0 : i32
    %dma_start3A_382 = tpu.memref_slice %arg4[%add3A_380, %dma_start3A_381] : memref<204800x128xf32, #tpu.memory_space<hbm>> -> memref<128x128xf32, #tpu.memory_space<hbm>>
    %dma_start3A_383 = arith.constant 0 : i32
    %dma_start3A_384 = tpu.memref_slice %arg4[%add3A_380, %dma_start3A_383] : memref<204800x128xf32, #tpu.memory_space<hbm>> -> memref<128x128xf32, #tpu.memory_space<hbm>>
    tpu.enqueue_dma source(%arg9 : memref<128x128xf32, #tpu.memory_space<vmem>>) target(%dma_start3A_384 : memref<128x128xf32, #tpu.memory_space<hbm>>) target_semaphore(%arg21 : memref<!tpu.dma_semaphore, #tpu.memory_space<semaphore_mem>>)
    %dma_wait3A_385 = arith.constant 0 : i32
    %dma_wait3A_386 = tpu.memref_slice %arg4[%add3A_308, %dma_wait3A_385] : memref<204800x128xf32, #tpu.memory_space<hbm>> -> memref<128x128xf32, #tpu.memory_space<hbm>>
    %dma_wait3A_387 = arith.constant 0 : i32
    %dma_wait3A_388 = tpu.memref_slice %arg4[%add3A_308, %dma_wait3A_387] : memref<204800x128xf32, #tpu.memory_space<hbm>> -> memref<128x128xf32, #tpu.memory_space<hbm>>
    tpu.wait_dma2 semaphore(%arg18 : memref<!tpu.dma_semaphore, #tpu.memory_space<semaphore_mem>>) src(%arg6 : memref<128x128xf32, #tpu.memory_space<vmem>>) dst(%dma_wait3A_388 : memref<128x128xf32, #tpu.memory_space<hbm>>)
    %dma_start3A_389 = arith.constant 18 : i32
    %dma_start3A_390 = arith.constant 0 : i32
    %dma_start3A_391 = tpu.memref_slice %arg5[%dma_start3A_389, %dma_start3A_390] : memref<50x128xi32, #tpu.memory_space<vmem>> -> memref<1x128xi32, #tpu.memory_space<vmem>>
    %dma_start3A_392 = tpu.memref_squeeze %dma_start3A_391 : memref<1x128xi32, #tpu.memory_space<vmem>> -> memref<128xi32, #tpu.memory_space<vmem>>
    %dma_start3A_393 = arith.constant 0 : i32
    %dma_start3A_394 = arith.constant 0 : i32
    %dma_start3A_395 = tpu.memref_slice %arg2[%dma_start3A_393, %dma_start3A_394] : memref<500736x128xf32, #tpu.memory_space<hbm>> -> memref<500736x128xf32, #tpu.memory_space<hbm>>
    tpu.enqueue_indirect_dma source(%dma_start3A_395 : memref<500736x128xf32, #tpu.memory_space<hbm>>) target(%arg6 : memref<128x128xf32, #tpu.memory_space<vmem>>) offsets(%dma_start3A_392 : memref<128xi32, #tpu.memory_space<vmem>>) semaphore(%arg12 : memref<!tpu.dma_semaphore, #tpu.memory_space<semaphore_mem>>)
    %dma_wait3A_396 = arith.constant 16 : i32
    %dma_wait3A_397 = arith.constant 0 : i32
    %dma_wait3A_398 = tpu.memref_slice %arg5[%dma_wait3A_396, %dma_wait3A_397] : memref<50x128xi32, #tpu.memory_space<vmem>> -> memref<1x128xi32, #tpu.memory_space<vmem>>
    %dma_wait3A_399 = tpu.memref_squeeze %dma_wait3A_398 : memref<1x128xi32, #tpu.memory_space<vmem>> -> memref<128xi32, #tpu.memory_space<vmem>>
    %dma_wait3A_400 = arith.constant 0 : i32
    %dma_wait3A_401 = arith.constant 0 : i32
    %dma_wait3A_402 = tpu.memref_slice %arg2[%dma_wait3A_400, %dma_wait3A_401] : memref<500736x128xf32, #tpu.memory_space<hbm>> -> memref<500736x128xf32, #tpu.memory_space<hbm>>
    tpu.wait_indirect_dma semaphore(%arg16 : memref<!tpu.dma_semaphore, #tpu.memory_space<semaphore_mem>>) src(%dma_wait3A_402 : memref<500736x128xf32, #tpu.memory_space<hbm>>) dst(%arg10 : memref<128x128xf32, #tpu.memory_space<vmem>>)
    %add3A_403 = arith.constant 2048 : i32
    %add3A_404 = arith.addi %mul3A_4, %add3A_403 : i32
    %dma_start3A_405 = arith.constant 0 : i32
    %dma_start3A_406 = tpu.memref_slice %arg4[%add3A_404, %dma_start3A_405] : memref<204800x128xf32, #tpu.memory_space<hbm>> -> memref<128x128xf32, #tpu.memory_space<hbm>>
    %dma_start3A_407 = arith.constant 0 : i32
    %dma_start3A_408 = tpu.memref_slice %arg4[%add3A_404, %dma_start3A_407] : memref<204800x128xf32, #tpu.memory_space<hbm>> -> memref<128x128xf32, #tpu.memory_space<hbm>>
    tpu.enqueue_dma source(%arg10 : memref<128x128xf32, #tpu.memory_space<vmem>>) target(%dma_start3A_408 : memref<128x128xf32, #tpu.memory_space<hbm>>) target_semaphore(%arg22 : memref<!tpu.dma_semaphore, #tpu.memory_space<semaphore_mem>>)
    %dma_wait3A_409 = arith.constant 0 : i32
    %dma_wait3A_410 = tpu.memref_slice %arg4[%add3A_332, %dma_wait3A_409] : memref<204800x128xf32, #tpu.memory_space<hbm>> -> memref<128x128xf32, #tpu.memory_space<hbm>>
    %dma_wait3A_411 = arith.constant 0 : i32
    %dma_wait3A_412 = tpu.memref_slice %arg4[%add3A_332, %dma_wait3A_411] : memref<204800x128xf32, #tpu.memory_space<hbm>> -> memref<128x128xf32, #tpu.memory_space<hbm>>
    tpu.wait_dma2 semaphore(%arg19 : memref<!tpu.dma_semaphore, #tpu.memory_space<semaphore_mem>>) src(%arg7 : memref<128x128xf32, #tpu.memory_space<vmem>>) dst(%dma_wait3A_412 : memref<128x128xf32, #tpu.memory_space<hbm>>)
    %dma_start3A_413 = arith.constant 19 : i32
    %dma_start3A_414 = arith.constant 0 : i32
    %dma_start3A_415 = tpu.memref_slice %arg5[%dma_start3A_413, %dma_start3A_414] : memref<50x128xi32, #tpu.memory_space<vmem>> -> memref<1x128xi32, #tpu.memory_space<vmem>>
    %dma_start3A_416 = tpu.memref_squeeze %dma_start3A_415 : memref<1x128xi32, #tpu.memory_space<vmem>> -> memref<128xi32, #tpu.memory_space<vmem>>
    %dma_start3A_417 = arith.constant 0 : i32
    %dma_start3A_418 = arith.constant 0 : i32
    %dma_start3A_419 = tpu.memref_slice %arg2[%dma_start3A_417, %dma_start3A_418] : memref<500736x128xf32, #tpu.memory_space<hbm>> -> memref<500736x128xf32, #tpu.memory_space<hbm>>
    tpu.enqueue_indirect_dma source(%dma_start3A_419 : memref<500736x128xf32, #tpu.memory_space<hbm>>) target(%arg7 : memref<128x128xf32, #tpu.memory_space<vmem>>) offsets(%dma_start3A_416 : memref<128xi32, #tpu.memory_space<vmem>>) semaphore(%arg13 : memref<!tpu.dma_semaphore, #tpu.memory_space<semaphore_mem>>)
    %dma_wait3A_420 = arith.constant 17 : i32
    %dma_wait3A_421 = arith.constant 0 : i32
    %dma_wait3A_422 = tpu.memref_slice %arg5[%dma_wait3A_420, %dma_wait3A_421] : memref<50x128xi32, #tpu.memory_space<vmem>> -> memref<1x128xi32, #tpu.memory_space<vmem>>
    %dma_wait3A_423 = tpu.memref_squeeze %dma_wait3A_422 : memref<1x128xi32, #tpu.memory_space<vmem>> -> memref<128xi32, #tpu.memory_space<vmem>>
    %dma_wait3A_424 = arith.constant 0 : i32
    %dma_wait3A_425 = arith.constant 0 : i32
    %dma_wait3A_426 = tpu.memref_slice %arg2[%dma_wait3A_424, %dma_wait3A_425] : memref<500736x128xf32, #tpu.memory_space<hbm>> -> memref<500736x128xf32, #tpu.memory_space<hbm>>
    tpu.wait_indirect_dma semaphore(%arg17 : memref<!tpu.dma_semaphore, #tpu.memory_space<semaphore_mem>>) src(%dma_wait3A_426 : memref<500736x128xf32, #tpu.memory_space<hbm>>) dst(%arg11 : memref<128x128xf32, #tpu.memory_space<vmem>>)
    %add3A_427 = arith.constant 2176 : i32
    %add3A_428 = arith.addi %mul3A_4, %add3A_427 : i32
    %dma_start3A_429 = arith.constant 0 : i32
    %dma_start3A_430 = tpu.memref_slice %arg4[%add3A_428, %dma_start3A_429] : memref<204800x128xf32, #tpu.memory_space<hbm>> -> memref<128x128xf32, #tpu.memory_space<hbm>>
    %dma_start3A_431 = arith.constant 0 : i32
    %dma_start3A_432 = tpu.memref_slice %arg4[%add3A_428, %dma_start3A_431] : memref<204800x128xf32, #tpu.memory_space<hbm>> -> memref<128x128xf32, #tpu.memory_space<hbm>>
    tpu.enqueue_dma source(%arg11 : memref<128x128xf32, #tpu.memory_space<vmem>>) target(%dma_start3A_432 : memref<128x128xf32, #tpu.memory_space<hbm>>) target_semaphore(%arg23 : memref<!tpu.dma_semaphore, #tpu.memory_space<semaphore_mem>>)
    %dma_wait3A_433 = arith.constant 0 : i32
    %dma_wait3A_434 = tpu.memref_slice %arg4[%add3A_356, %dma_wait3A_433] : memref<204800x128xf32, #tpu.memory_space<hbm>> -> memref<128x128xf32, #tpu.memory_space<hbm>>
    %dma_wait3A_435 = arith.constant 0 : i32
    %dma_wait3A_436 = tpu.memref_slice %arg4[%add3A_356, %dma_wait3A_435] : memref<204800x128xf32, #tpu.memory_space<hbm>> -> memref<128x128xf32, #tpu.memory_space<hbm>>
    tpu.wait_dma2 semaphore(%arg20 : memref<!tpu.dma_semaphore, #tpu.memory_space<semaphore_mem>>) src(%arg8 : memref<128x128xf32, #tpu.memory_space<vmem>>) dst(%dma_wait3A_436 : memref<128x128xf32, #tpu.memory_space<hbm>>)
    %dma_start3A_437 = arith.constant 20 : i32
    %dma_start3A_438 = arith.constant 0 : i32
    %dma_start3A_439 = tpu.memref_slice %arg5[%dma_start3A_437, %dma_start3A_438] : memref<50x128xi32, #tpu.memory_space<vmem>> -> memref<1x128xi32, #tpu.memory_space<vmem>>
    %dma_start3A_440 = tpu.memref_squeeze %dma_start3A_439 : memref<1x128xi32, #tpu.memory_space<vmem>> -> memref<128xi32, #tpu.memory_space<vmem>>
    %dma_start3A_441 = arith.constant 0 : i32
    %dma_start3A_442 = arith.constant 0 : i32
    %dma_start3A_443 = tpu.memref_slice %arg2[%dma_start3A_441, %dma_start3A_442] : memref<500736x128xf32, #tpu.memory_space<hbm>> -> memref<500736x128xf32, #tpu.memory_space<hbm>>
    tpu.enqueue_indirect_dma source(%dma_start3A_443 : memref<500736x128xf32, #tpu.memory_space<hbm>>) target(%arg8 : memref<128x128xf32, #tpu.memory_space<vmem>>) offsets(%dma_start3A_440 : memref<128xi32, #tpu.memory_space<vmem>>) semaphore(%arg14 : memref<!tpu.dma_semaphore, #tpu.memory_space<semaphore_mem>>)
    %dma_wait3A_444 = arith.constant 18 : i32
    %dma_wait3A_445 = arith.constant 0 : i32
    %dma_wait3A_446 = tpu.memref_slice %arg5[%dma_wait3A_444, %dma_wait3A_445] : memref<50x128xi32, #tpu.memory_space<vmem>> -> memref<1x128xi32, #tpu.memory_space<vmem>>
    %dma_wait3A_447 = tpu.memref_squeeze %dma_wait3A_446 : memref<1x128xi32, #tpu.memory_space<vmem>> -> memref<128xi32, #tpu.memory_space<vmem>>
    %dma_wait3A_448 = arith.constant 0 : i32
    %dma_wait3A_449 = arith.constant 0 : i32
    %dma_wait3A_450 = tpu.memref_slice %arg2[%dma_wait3A_448, %dma_wait3A_449] : memref<500736x128xf32, #tpu.memory_space<hbm>> -> memref<500736x128xf32, #tpu.memory_space<hbm>>
    tpu.wait_indirect_dma semaphore(%arg12 : memref<!tpu.dma_semaphore, #tpu.memory_space<semaphore_mem>>) src(%dma_wait3A_450 : memref<500736x128xf32, #tpu.memory_space<hbm>>) dst(%arg6 : memref<128x128xf32, #tpu.memory_space<vmem>>)
    %add3A_451 = arith.constant 2304 : i32
    %add3A_452 = arith.addi %mul3A_4, %add3A_451 : i32
    %dma_start3A_453 = arith.constant 0 : i32
    %dma_start3A_454 = tpu.memref_slice %arg4[%add3A_452, %dma_start3A_453] : memref<204800x128xf32, #tpu.memory_space<hbm>> -> memref<128x128xf32, #tpu.memory_space<hbm>>
    %dma_start3A_455 = arith.constant 0 : i32
    %dma_start3A_456 = tpu.memref_slice %arg4[%add3A_452, %dma_start3A_455] : memref<204800x128xf32, #tpu.memory_space<hbm>> -> memref<128x128xf32, #tpu.memory_space<hbm>>
    tpu.enqueue_dma source(%arg6 : memref<128x128xf32, #tpu.memory_space<vmem>>) target(%dma_start3A_456 : memref<128x128xf32, #tpu.memory_space<hbm>>) target_semaphore(%arg18 : memref<!tpu.dma_semaphore, #tpu.memory_space<semaphore_mem>>)
    %dma_wait3A_457 = arith.constant 0 : i32
    %dma_wait3A_458 = tpu.memref_slice %arg4[%add3A_380, %dma_wait3A_457] : memref<204800x128xf32, #tpu.memory_space<hbm>> -> memref<128x128xf32, #tpu.memory_space<hbm>>
    %dma_wait3A_459 = arith.constant 0 : i32
    %dma_wait3A_460 = tpu.memref_slice %arg4[%add3A_380, %dma_wait3A_459] : memref<204800x128xf32, #tpu.memory_space<hbm>> -> memref<128x128xf32, #tpu.memory_space<hbm>>
    tpu.wait_dma2 semaphore(%arg21 : memref<!tpu.dma_semaphore, #tpu.memory_space<semaphore_mem>>) src(%arg9 : memref<128x128xf32, #tpu.memory_space<vmem>>) dst(%dma_wait3A_460 : memref<128x128xf32, #tpu.memory_space<hbm>>)
    %dma_start3A_461 = arith.constant 21 : i32
    %dma_start3A_462 = arith.constant 0 : i32
    %dma_start3A_463 = tpu.memref_slice %arg5[%dma_start3A_461, %dma_start3A_462] : memref<50x128xi32, #tpu.memory_space<vmem>> -> memref<1x128xi32, #tpu.memory_space<vmem>>
    %dma_start3A_464 = tpu.memref_squeeze %dma_start3A_463 : memref<1x128xi32, #tpu.memory_space<vmem>> -> memref<128xi32, #tpu.memory_space<vmem>>
    %dma_start3A_465 = arith.constant 0 : i32
    %dma_start3A_466 = arith.constant 0 : i32
    %dma_start3A_467 = tpu.memref_slice %arg2[%dma_start3A_465, %dma_start3A_466] : memref<500736x128xf32, #tpu.memory_space<hbm>> -> memref<500736x128xf32, #tpu.memory_space<hbm>>
    tpu.enqueue_indirect_dma source(%dma_start3A_467 : memref<500736x128xf32, #tpu.memory_space<hbm>>) target(%arg9 : memref<128x128xf32, #tpu.memory_space<vmem>>) offsets(%dma_start3A_464 : memref<128xi32, #tpu.memory_space<vmem>>) semaphore(%arg15 : memref<!tpu.dma_semaphore, #tpu.memory_space<semaphore_mem>>)
    %dma_wait3A_468 = arith.constant 19 : i32
    %dma_wait3A_469 = arith.constant 0 : i32
    %dma_wait3A_470 = tpu.memref_slice %arg5[%dma_wait3A_468, %dma_wait3A_469] : memref<50x128xi32, #tpu.memory_space<vmem>> -> memref<1x128xi32, #tpu.memory_space<vmem>>
    %dma_wait3A_471 = tpu.memref_squeeze %dma_wait3A_470 : memref<1x128xi32, #tpu.memory_space<vmem>> -> memref<128xi32, #tpu.memory_space<vmem>>
    %dma_wait3A_472 = arith.constant 0 : i32
    %dma_wait3A_473 = arith.constant 0 : i32
    %dma_wait3A_474 = tpu.memref_slice %arg2[%dma_wait3A_472, %dma_wait3A_473] : memref<500736x128xf32, #tpu.memory_space<hbm>> -> memref<500736x128xf32, #tpu.memory_space<hbm>>
    tpu.wait_indirect_dma semaphore(%arg13 : memref<!tpu.dma_semaphore, #tpu.memory_space<semaphore_mem>>) src(%dma_wait3A_474 : memref<500736x128xf32, #tpu.memory_space<hbm>>) dst(%arg7 : memref<128x128xf32, #tpu.memory_space<vmem>>)
    %add3A_475 = arith.constant 2432 : i32
    %add3A_476 = arith.addi %mul3A_4, %add3A_475 : i32
    %dma_start3A_477 = arith.constant 0 : i32
    %dma_start3A_478 = tpu.memref_slice %arg4[%add3A_476, %dma_start3A_477] : memref<204800x128xf32, #tpu.memory_space<hbm>> -> memref<128x128xf32, #tpu.memory_space<hbm>>
    %dma_start3A_479 = arith.constant 0 : i32
    %dma_start3A_480 = tpu.memref_slice %arg4[%add3A_476, %dma_start3A_479] : memref<204800x128xf32, #tpu.memory_space<hbm>> -> memref<128x128xf32, #tpu.memory_space<hbm>>
    tpu.enqueue_dma source(%arg7 : memref<128x128xf32, #tpu.memory_space<vmem>>) target(%dma_start3A_480 : memref<128x128xf32, #tpu.memory_space<hbm>>) target_semaphore(%arg19 : memref<!tpu.dma_semaphore, #tpu.memory_space<semaphore_mem>>)
    %dma_wait3A_481 = arith.constant 0 : i32
    %dma_wait3A_482 = tpu.memref_slice %arg4[%add3A_404, %dma_wait3A_481] : memref<204800x128xf32, #tpu.memory_space<hbm>> -> memref<128x128xf32, #tpu.memory_space<hbm>>
    %dma_wait3A_483 = arith.constant 0 : i32
    %dma_wait3A_484 = tpu.memref_slice %arg4[%add3A_404, %dma_wait3A_483] : memref<204800x128xf32, #tpu.memory_space<hbm>> -> memref<128x128xf32, #tpu.memory_space<hbm>>
    tpu.wait_dma2 semaphore(%arg22 : memref<!tpu.dma_semaphore, #tpu.memory_space<semaphore_mem>>) src(%arg10 : memref<128x128xf32, #tpu.memory_space<vmem>>) dst(%dma_wait3A_484 : memref<128x128xf32, #tpu.memory_space<hbm>>)
    %dma_start3A_485 = arith.constant 22 : i32
    %dma_start3A_486 = arith.constant 0 : i32
    %dma_start3A_487 = tpu.memref_slice %arg5[%dma_start3A_485, %dma_start3A_486] : memref<50x128xi32, #tpu.memory_space<vmem>> -> memref<1x128xi32, #tpu.memory_space<vmem>>
    %dma_start3A_488 = tpu.memref_squeeze %dma_start3A_487 : memref<1x128xi32, #tpu.memory_space<vmem>> -> memref<128xi32, #tpu.memory_space<vmem>>
    %dma_start3A_489 = arith.constant 0 : i32
    %dma_start3A_490 = arith.constant 0 : i32
    %dma_start3A_491 = tpu.memref_slice %arg2[%dma_start3A_489, %dma_start3A_490] : memref<500736x128xf32, #tpu.memory_space<hbm>> -> memref<500736x128xf32, #tpu.memory_space<hbm>>
    tpu.enqueue_indirect_dma source(%dma_start3A_491 : memref<500736x128xf32, #tpu.memory_space<hbm>>) target(%arg10 : memref<128x128xf32, #tpu.memory_space<vmem>>) offsets(%dma_start3A_488 : memref<128xi32, #tpu.memory_space<vmem>>) semaphore(%arg16 : memref<!tpu.dma_semaphore, #tpu.memory_space<semaphore_mem>>)
    %dma_wait3A_492 = arith.constant 20 : i32
    %dma_wait3A_493 = arith.constant 0 : i32
    %dma_wait3A_494 = tpu.memref_slice %arg5[%dma_wait3A_492, %dma_wait3A_493] : memref<50x128xi32, #tpu.memory_space<vmem>> -> memref<1x128xi32, #tpu.memory_space<vmem>>
    %dma_wait3A_495 = tpu.memref_squeeze %dma_wait3A_494 : memref<1x128xi32, #tpu.memory_space<vmem>> -> memref<128xi32, #tpu.memory_space<vmem>>
    %dma_wait3A_496 = arith.constant 0 : i32
    %dma_wait3A_497 = arith.constant 0 : i32
    %dma_wait3A_498 = tpu.memref_slice %arg2[%dma_wait3A_496, %dma_wait3A_497] : memref<500736x128xf32, #tpu.memory_space<hbm>> -> memref<500736x128xf32, #tpu.memory_space<hbm>>
    tpu.wait_indirect_dma semaphore(%arg14 : memref<!tpu.dma_semaphore, #tpu.memory_space<semaphore_mem>>) src(%dma_wait3A_498 : memref<500736x128xf32, #tpu.memory_space<hbm>>) dst(%arg8 : memref<128x128xf32, #tpu.memory_space<vmem>>)
    %add3A_499 = arith.constant 2560 : i32
    %add3A_500 = arith.addi %mul3A_4, %add3A_499 : i32
    %dma_start3A_501 = arith.constant 0 : i32
    %dma_start3A_502 = tpu.memref_slice %arg4[%add3A_500, %dma_start3A_501] : memref<204800x128xf32, #tpu.memory_space<hbm>> -> memref<128x128xf32, #tpu.memory_space<hbm>>
    %dma_start3A_503 = arith.constant 0 : i32
    %dma_start3A_504 = tpu.memref_slice %arg4[%add3A_500, %dma_start3A_503] : memref<204800x128xf32, #tpu.memory_space<hbm>> -> memref<128x128xf32, #tpu.memory_space<hbm>>
    tpu.enqueue_dma source(%arg8 : memref<128x128xf32, #tpu.memory_space<vmem>>) target(%dma_start3A_504 : memref<128x128xf32, #tpu.memory_space<hbm>>) target_semaphore(%arg20 : memref<!tpu.dma_semaphore, #tpu.memory_space<semaphore_mem>>)
    %dma_wait3A_505 = arith.constant 0 : i32
    %dma_wait3A_506 = tpu.memref_slice %arg4[%add3A_428, %dma_wait3A_505] : memref<204800x128xf32, #tpu.memory_space<hbm>> -> memref<128x128xf32, #tpu.memory_space<hbm>>
    %dma_wait3A_507 = arith.constant 0 : i32
    %dma_wait3A_508 = tpu.memref_slice %arg4[%add3A_428, %dma_wait3A_507] : memref<204800x128xf32, #tpu.memory_space<hbm>> -> memref<128x128xf32, #tpu.memory_space<hbm>>
    tpu.wait_dma2 semaphore(%arg23 : memref<!tpu.dma_semaphore, #tpu.memory_space<semaphore_mem>>) src(%arg11 : memref<128x128xf32, #tpu.memory_space<vmem>>) dst(%dma_wait3A_508 : memref<128x128xf32, #tpu.memory_space<hbm>>)
    %dma_start3A_509 = arith.constant 23 : i32
    %dma_start3A_510 = arith.constant 0 : i32
    %dma_start3A_511 = tpu.memref_slice %arg5[%dma_start3A_509, %dma_start3A_510] : memref<50x128xi32, #tpu.memory_space<vmem>> -> memref<1x128xi32, #tpu.memory_space<vmem>>
    %dma_start3A_512 = tpu.memref_squeeze %dma_start3A_511 : memref<1x128xi32, #tpu.memory_space<vmem>> -> memref<128xi32, #tpu.memory_space<vmem>>
    %dma_start3A_513 = arith.constant 0 : i32
    %dma_start3A_514 = arith.constant 0 : i32
    %dma_start3A_515 = tpu.memref_slice %arg2[%dma_start3A_513, %dma_start3A_514] : memref<500736x128xf32, #tpu.memory_space<hbm>> -> memref<500736x128xf32, #tpu.memory_space<hbm>>
    tpu.enqueue_indirect_dma source(%dma_start3A_515 : memref<500736x128xf32, #tpu.memory_space<hbm>>) target(%arg11 : memref<128x128xf32, #tpu.memory_space<vmem>>) offsets(%dma_start3A_512 : memref<128xi32, #tpu.memory_space<vmem>>) semaphore(%arg17 : memref<!tpu.dma_semaphore, #tpu.memory_space<semaphore_mem>>)
    %dma_wait3A_516 = arith.constant 21 : i32
    %dma_wait3A_517 = arith.constant 0 : i32
    %dma_wait3A_518 = tpu.memref_slice %arg5[%dma_wait3A_516, %dma_wait3A_517] : memref<50x128xi32, #tpu.memory_space<vmem>> -> memref<1x128xi32, #tpu.memory_space<vmem>>
    %dma_wait3A_519 = tpu.memref_squeeze %dma_wait3A_518 : memref<1x128xi32, #tpu.memory_space<vmem>> -> memref<128xi32, #tpu.memory_space<vmem>>
    %dma_wait3A_520 = arith.constant 0 : i32
    %dma_wait3A_521 = arith.constant 0 : i32
    %dma_wait3A_522 = tpu.memref_slice %arg2[%dma_wait3A_520, %dma_wait3A_521] : memref<500736x128xf32, #tpu.memory_space<hbm>> -> memref<500736x128xf32, #tpu.memory_space<hbm>>
    tpu.wait_indirect_dma semaphore(%arg15 : memref<!tpu.dma_semaphore, #tpu.memory_space<semaphore_mem>>) src(%dma_wait3A_522 : memref<500736x128xf32, #tpu.memory_space<hbm>>) dst(%arg9 : memref<128x128xf32, #tpu.memory_space<vmem>>)
    %add3A_523 = arith.constant 2688 : i32
    %add3A_524 = arith.addi %mul3A_4, %add3A_523 : i32
    %dma_start3A_525 = arith.constant 0 : i32
    %dma_start3A_526 = tpu.memref_slice %arg4[%add3A_524, %dma_start3A_525] : memref<204800x128xf32, #tpu.memory_space<hbm>> -> memref<128x128xf32, #tpu.memory_space<hbm>>
    %dma_start3A_527 = arith.constant 0 : i32
    %dma_start3A_528 = tpu.memref_slice %arg4[%add3A_524, %dma_start3A_527] : memref<204800x128xf32, #tpu.memory_space<hbm>> -> memref<128x128xf32, #tpu.memory_space<hbm>>
    tpu.enqueue_dma source(%arg9 : memref<128x128xf32, #tpu.memory_space<vmem>>) target(%dma_start3A_528 : memref<128x128xf32, #tpu.memory_space<hbm>>) target_semaphore(%arg21 : memref<!tpu.dma_semaphore, #tpu.memory_space<semaphore_mem>>)
    %dma_wait3A_529 = arith.constant 0 : i32
    %dma_wait3A_530 = tpu.memref_slice %arg4[%add3A_452, %dma_wait3A_529] : memref<204800x128xf32, #tpu.memory_space<hbm>> -> memref<128x128xf32, #tpu.memory_space<hbm>>
    %dma_wait3A_531 = arith.constant 0 : i32
    %dma_wait3A_532 = tpu.memref_slice %arg4[%add3A_452, %dma_wait3A_531] : memref<204800x128xf32, #tpu.memory_space<hbm>> -> memref<128x128xf32, #tpu.memory_space<hbm>>
    tpu.wait_dma2 semaphore(%arg18 : memref<!tpu.dma_semaphore, #tpu.memory_space<semaphore_mem>>) src(%arg6 : memref<128x128xf32, #tpu.memory_space<vmem>>) dst(%dma_wait3A_532 : memref<128x128xf32, #tpu.memory_space<hbm>>)
    %dma_start3A_533 = arith.constant 24 : i32
    %dma_start3A_534 = arith.constant 0 : i32
    %dma_start3A_535 = tpu.memref_slice %arg5[%dma_start3A_533, %dma_start3A_534] : memref<50x128xi32, #tpu.memory_space<vmem>> -> memref<1x128xi32, #tpu.memory_space<vmem>>
    %dma_start3A_536 = tpu.memref_squeeze %dma_start3A_535 : memref<1x128xi32, #tpu.memory_space<vmem>> -> memref<128xi32, #tpu.memory_space<vmem>>
    %dma_start3A_537 = arith.constant 0 : i32
    %dma_start3A_538 = arith.constant 0 : i32
    %dma_start3A_539 = tpu.memref_slice %arg2[%dma_start3A_537, %dma_start3A_538] : memref<500736x128xf32, #tpu.memory_space<hbm>> -> memref<500736x128xf32, #tpu.memory_space<hbm>>
    tpu.enqueue_indirect_dma source(%dma_start3A_539 : memref<500736x128xf32, #tpu.memory_space<hbm>>) target(%arg6 : memref<128x128xf32, #tpu.memory_space<vmem>>) offsets(%dma_start3A_536 : memref<128xi32, #tpu.memory_space<vmem>>) semaphore(%arg12 : memref<!tpu.dma_semaphore, #tpu.memory_space<semaphore_mem>>)
    %dma_wait3A_540 = arith.constant 22 : i32
    %dma_wait3A_541 = arith.constant 0 : i32
    %dma_wait3A_542 = tpu.memref_slice %arg5[%dma_wait3A_540, %dma_wait3A_541] : memref<50x128xi32, #tpu.memory_space<vmem>> -> memref<1x128xi32, #tpu.memory_space<vmem>>
    %dma_wait3A_543 = tpu.memref_squeeze %dma_wait3A_542 : memref<1x128xi32, #tpu.memory_space<vmem>> -> memref<128xi32, #tpu.memory_space<vmem>>
    %dma_wait3A_544 = arith.constant 0 : i32
    %dma_wait3A_545 = arith.constant 0 : i32
    %dma_wait3A_546 = tpu.memref_slice %arg2[%dma_wait3A_544, %dma_wait3A_545] : memref<500736x128xf32, #tpu.memory_space<hbm>> -> memref<500736x128xf32, #tpu.memory_space<hbm>>
    tpu.wait_indirect_dma semaphore(%arg16 : memref<!tpu.dma_semaphore, #tpu.memory_space<semaphore_mem>>) src(%dma_wait3A_546 : memref<500736x128xf32, #tpu.memory_space<hbm>>) dst(%arg10 : memref<128x128xf32, #tpu.memory_space<vmem>>)
    %add3A_547 = arith.constant 2816 : i32
    %add3A_548 = arith.addi %mul3A_4, %add3A_547 : i32
    %dma_start3A_549 = arith.constant 0 : i32
    %dma_start3A_550 = tpu.memref_slice %arg4[%add3A_548, %dma_start3A_549] : memref<204800x128xf32, #tpu.memory_space<hbm>> -> memref<128x128xf32, #tpu.memory_space<hbm>>
    %dma_start3A_551 = arith.constant 0 : i32
    %dma_start3A_552 = tpu.memref_slice %arg4[%add3A_548, %dma_start3A_551] : memref<204800x128xf32, #tpu.memory_space<hbm>> -> memref<128x128xf32, #tpu.memory_space<hbm>>
    tpu.enqueue_dma source(%arg10 : memref<128x128xf32, #tpu.memory_space<vmem>>) target(%dma_start3A_552 : memref<128x128xf32, #tpu.memory_space<hbm>>) target_semaphore(%arg22 : memref<!tpu.dma_semaphore, #tpu.memory_space<semaphore_mem>>)
    %dma_wait3A_553 = arith.constant 0 : i32
    %dma_wait3A_554 = tpu.memref_slice %arg4[%add3A_476, %dma_wait3A_553] : memref<204800x128xf32, #tpu.memory_space<hbm>> -> memref<128x128xf32, #tpu.memory_space<hbm>>
    %dma_wait3A_555 = arith.constant 0 : i32
    %dma_wait3A_556 = tpu.memref_slice %arg4[%add3A_476, %dma_wait3A_555] : memref<204800x128xf32, #tpu.memory_space<hbm>> -> memref<128x128xf32, #tpu.memory_space<hbm>>
    tpu.wait_dma2 semaphore(%arg19 : memref<!tpu.dma_semaphore, #tpu.memory_space<semaphore_mem>>) src(%arg7 : memref<128x128xf32, #tpu.memory_space<vmem>>) dst(%dma_wait3A_556 : memref<128x128xf32, #tpu.memory_space<hbm>>)
    %dma_start3A_557 = arith.constant 25 : i32
    %dma_start3A_558 = arith.constant 0 : i32
    %dma_start3A_559 = tpu.memref_slice %arg5[%dma_start3A_557, %dma_start3A_558] : memref<50x128xi32, #tpu.memory_space<vmem>> -> memref<1x128xi32, #tpu.memory_space<vmem>>
    %dma_start3A_560 = tpu.memref_squeeze %dma_start3A_559 : memref<1x128xi32, #tpu.memory_space<vmem>> -> memref<128xi32, #tpu.memory_space<vmem>>
    %dma_start3A_561 = arith.constant 0 : i32
    %dma_start3A_562 = arith.constant 0 : i32
    %dma_start3A_563 = tpu.memref_slice %arg2[%dma_start3A_561, %dma_start3A_562] : memref<500736x128xf32, #tpu.memory_space<hbm>> -> memref<500736x128xf32, #tpu.memory_space<hbm>>
    tpu.enqueue_indirect_dma source(%dma_start3A_563 : memref<500736x128xf32, #tpu.memory_space<hbm>>) target(%arg7 : memref<128x128xf32, #tpu.memory_space<vmem>>) offsets(%dma_start3A_560 : memref<128xi32, #tpu.memory_space<vmem>>) semaphore(%arg13 : memref<!tpu.dma_semaphore, #tpu.memory_space<semaphore_mem>>)
    %dma_wait3A_564 = arith.constant 23 : i32
    %dma_wait3A_565 = arith.constant 0 : i32
    %dma_wait3A_566 = tpu.memref_slice %arg5[%dma_wait3A_564, %dma_wait3A_565] : memref<50x128xi32, #tpu.memory_space<vmem>> -> memref<1x128xi32, #tpu.memory_space<vmem>>
    %dma_wait3A_567 = tpu.memref_squeeze %dma_wait3A_566 : memref<1x128xi32, #tpu.memory_space<vmem>> -> memref<128xi32, #tpu.memory_space<vmem>>
    %dma_wait3A_568 = arith.constant 0 : i32
    %dma_wait3A_569 = arith.constant 0 : i32
    %dma_wait3A_570 = tpu.memref_slice %arg2[%dma_wait3A_568, %dma_wait3A_569] : memref<500736x128xf32, #tpu.memory_space<hbm>> -> memref<500736x128xf32, #tpu.memory_space<hbm>>
    tpu.wait_indirect_dma semaphore(%arg17 : memref<!tpu.dma_semaphore, #tpu.memory_space<semaphore_mem>>) src(%dma_wait3A_570 : memref<500736x128xf32, #tpu.memory_space<hbm>>) dst(%arg11 : memref<128x128xf32, #tpu.memory_space<vmem>>)
    %add3A_571 = arith.constant 2944 : i32
    %add3A_572 = arith.addi %mul3A_4, %add3A_571 : i32
    %dma_start3A_573 = arith.constant 0 : i32
    %dma_start3A_574 = tpu.memref_slice %arg4[%add3A_572, %dma_start3A_573] : memref<204800x128xf32, #tpu.memory_space<hbm>> -> memref<128x128xf32, #tpu.memory_space<hbm>>
    %dma_start3A_575 = arith.constant 0 : i32
    %dma_start3A_576 = tpu.memref_slice %arg4[%add3A_572, %dma_start3A_575] : memref<204800x128xf32, #tpu.memory_space<hbm>> -> memref<128x128xf32, #tpu.memory_space<hbm>>
    tpu.enqueue_dma source(%arg11 : memref<128x128xf32, #tpu.memory_space<vmem>>) target(%dma_start3A_576 : memref<128x128xf32, #tpu.memory_space<hbm>>) target_semaphore(%arg23 : memref<!tpu.dma_semaphore, #tpu.memory_space<semaphore_mem>>)
    %dma_wait3A_577 = arith.constant 0 : i32
    %dma_wait3A_578 = tpu.memref_slice %arg4[%add3A_500, %dma_wait3A_577] : memref<204800x128xf32, #tpu.memory_space<hbm>> -> memref<128x128xf32, #tpu.memory_space<hbm>>
    %dma_wait3A_579 = arith.constant 0 : i32
    %dma_wait3A_580 = tpu.memref_slice %arg4[%add3A_500, %dma_wait3A_579] : memref<204800x128xf32, #tpu.memory_space<hbm>> -> memref<128x128xf32, #tpu.memory_space<hbm>>
    tpu.wait_dma2 semaphore(%arg20 : memref<!tpu.dma_semaphore, #tpu.memory_space<semaphore_mem>>) src(%arg8 : memref<128x128xf32, #tpu.memory_space<vmem>>) dst(%dma_wait3A_580 : memref<128x128xf32, #tpu.memory_space<hbm>>)
    %dma_start3A_581 = arith.constant 26 : i32
    %dma_start3A_582 = arith.constant 0 : i32
    %dma_start3A_583 = tpu.memref_slice %arg5[%dma_start3A_581, %dma_start3A_582] : memref<50x128xi32, #tpu.memory_space<vmem>> -> memref<1x128xi32, #tpu.memory_space<vmem>>
    %dma_start3A_584 = tpu.memref_squeeze %dma_start3A_583 : memref<1x128xi32, #tpu.memory_space<vmem>> -> memref<128xi32, #tpu.memory_space<vmem>>
    %dma_start3A_585 = arith.constant 0 : i32
    %dma_start3A_586 = arith.constant 0 : i32
    %dma_start3A_587 = tpu.memref_slice %arg2[%dma_start3A_585, %dma_start3A_586] : memref<500736x128xf32, #tpu.memory_space<hbm>> -> memref<500736x128xf32, #tpu.memory_space<hbm>>
    tpu.enqueue_indirect_dma source(%dma_start3A_587 : memref<500736x128xf32, #tpu.memory_space<hbm>>) target(%arg8 : memref<128x128xf32, #tpu.memory_space<vmem>>) offsets(%dma_start3A_584 : memref<128xi32, #tpu.memory_space<vmem>>) semaphore(%arg14 : memref<!tpu.dma_semaphore, #tpu.memory_space<semaphore_mem>>)
    %dma_wait3A_588 = arith.constant 24 : i32
    %dma_wait3A_589 = arith.constant 0 : i32
    %dma_wait3A_590 = tpu.memref_slice %arg5[%dma_wait3A_588, %dma_wait3A_589] : memref<50x128xi32, #tpu.memory_space<vmem>> -> memref<1x128xi32, #tpu.memory_space<vmem>>
    %dma_wait3A_591 = tpu.memref_squeeze %dma_wait3A_590 : memref<1x128xi32, #tpu.memory_space<vmem>> -> memref<128xi32, #tpu.memory_space<vmem>>
    %dma_wait3A_592 = arith.constant 0 : i32
    %dma_wait3A_593 = arith.constant 0 : i32
    %dma_wait3A_594 = tpu.memref_slice %arg2[%dma_wait3A_592, %dma_wait3A_593] : memref<500736x128xf32, #tpu.memory_space<hbm>> -> memref<500736x128xf32, #tpu.memory_space<hbm>>
    tpu.wait_indirect_dma semaphore(%arg12 : memref<!tpu.dma_semaphore, #tpu.memory_space<semaphore_mem>>) src(%dma_wait3A_594 : memref<500736x128xf32, #tpu.memory_space<hbm>>) dst(%arg6 : memref<128x128xf32, #tpu.memory_space<vmem>>)
    %add3A_595 = arith.constant 3072 : i32
    %add3A_596 = arith.addi %mul3A_4, %add3A_595 : i32
    %dma_start3A_597 = arith.constant 0 : i32
    %dma_start3A_598 = tpu.memref_slice %arg4[%add3A_596, %dma_start3A_597] : memref<204800x128xf32, #tpu.memory_space<hbm>> -> memref<128x128xf32, #tpu.memory_space<hbm>>
    %dma_start3A_599 = arith.constant 0 : i32
    %dma_start3A_600 = tpu.memref_slice %arg4[%add3A_596, %dma_start3A_599] : memref<204800x128xf32, #tpu.memory_space<hbm>> -> memref<128x128xf32, #tpu.memory_space<hbm>>
    tpu.enqueue_dma source(%arg6 : memref<128x128xf32, #tpu.memory_space<vmem>>) target(%dma_start3A_600 : memref<128x128xf32, #tpu.memory_space<hbm>>) target_semaphore(%arg18 : memref<!tpu.dma_semaphore, #tpu.memory_space<semaphore_mem>>)
    %dma_wait3A_601 = arith.constant 0 : i32
    %dma_wait3A_602 = tpu.memref_slice %arg4[%add3A_524, %dma_wait3A_601] : memref<204800x128xf32, #tpu.memory_space<hbm>> -> memref<128x128xf32, #tpu.memory_space<hbm>>
    %dma_wait3A_603 = arith.constant 0 : i32
    %dma_wait3A_604 = tpu.memref_slice %arg4[%add3A_524, %dma_wait3A_603] : memref<204800x128xf32, #tpu.memory_space<hbm>> -> memref<128x128xf32, #tpu.memory_space<hbm>>
    tpu.wait_dma2 semaphore(%arg21 : memref<!tpu.dma_semaphore, #tpu.memory_space<semaphore_mem>>) src(%arg9 : memref<128x128xf32, #tpu.memory_space<vmem>>) dst(%dma_wait3A_604 : memref<128x128xf32, #tpu.memory_space<hbm>>)
    %dma_start3A_605 = arith.constant 27 : i32
    %dma_start3A_606 = arith.constant 0 : i32
    %dma_start3A_607 = tpu.memref_slice %arg5[%dma_start3A_605, %dma_start3A_606] : memref<50x128xi32, #tpu.memory_space<vmem>> -> memref<1x128xi32, #tpu.memory_space<vmem>>
    %dma_start3A_608 = tpu.memref_squeeze %dma_start3A_607 : memref<1x128xi32, #tpu.memory_space<vmem>> -> memref<128xi32, #tpu.memory_space<vmem>>
    %dma_start3A_609 = arith.constant 0 : i32
    %dma_start3A_610 = arith.constant 0 : i32
    %dma_start3A_611 = tpu.memref_slice %arg2[%dma_start3A_609, %dma_start3A_610] : memref<500736x128xf32, #tpu.memory_space<hbm>> -> memref<500736x128xf32, #tpu.memory_space<hbm>>
    tpu.enqueue_indirect_dma source(%dma_start3A_611 : memref<500736x128xf32, #tpu.memory_space<hbm>>) target(%arg9 : memref<128x128xf32, #tpu.memory_space<vmem>>) offsets(%dma_start3A_608 : memref<128xi32, #tpu.memory_space<vmem>>) semaphore(%arg15 : memref<!tpu.dma_semaphore, #tpu.memory_space<semaphore_mem>>)
    %dma_wait3A_612 = arith.constant 25 : i32
    %dma_wait3A_613 = arith.constant 0 : i32
    %dma_wait3A_614 = tpu.memref_slice %arg5[%dma_wait3A_612, %dma_wait3A_613] : memref<50x128xi32, #tpu.memory_space<vmem>> -> memref<1x128xi32, #tpu.memory_space<vmem>>
    %dma_wait3A_615 = tpu.memref_squeeze %dma_wait3A_614 : memref<1x128xi32, #tpu.memory_space<vmem>> -> memref<128xi32, #tpu.memory_space<vmem>>
    %dma_wait3A_616 = arith.constant 0 : i32
    %dma_wait3A_617 = arith.constant 0 : i32
    %dma_wait3A_618 = tpu.memref_slice %arg2[%dma_wait3A_616, %dma_wait3A_617] : memref<500736x128xf32, #tpu.memory_space<hbm>> -> memref<500736x128xf32, #tpu.memory_space<hbm>>
    tpu.wait_indirect_dma semaphore(%arg13 : memref<!tpu.dma_semaphore, #tpu.memory_space<semaphore_mem>>) src(%dma_wait3A_618 : memref<500736x128xf32, #tpu.memory_space<hbm>>) dst(%arg7 : memref<128x128xf32, #tpu.memory_space<vmem>>)
    %add3A_619 = arith.constant 3200 : i32
    %add3A_620 = arith.addi %mul3A_4, %add3A_619 : i32
    %dma_start3A_621 = arith.constant 0 : i32
    %dma_start3A_622 = tpu.memref_slice %arg4[%add3A_620, %dma_start3A_621] : memref<204800x128xf32, #tpu.memory_space<hbm>> -> memref<128x128xf32, #tpu.memory_space<hbm>>
    %dma_start3A_623 = arith.constant 0 : i32
    %dma_start3A_624 = tpu.memref_slice %arg4[%add3A_620, %dma_start3A_623] : memref<204800x128xf32, #tpu.memory_space<hbm>> -> memref<128x128xf32, #tpu.memory_space<hbm>>
    tpu.enqueue_dma source(%arg7 : memref<128x128xf32, #tpu.memory_space<vmem>>) target(%dma_start3A_624 : memref<128x128xf32, #tpu.memory_space<hbm>>) target_semaphore(%arg19 : memref<!tpu.dma_semaphore, #tpu.memory_space<semaphore_mem>>)
    %dma_wait3A_625 = arith.constant 0 : i32
    %dma_wait3A_626 = tpu.memref_slice %arg4[%add3A_548, %dma_wait3A_625] : memref<204800x128xf32, #tpu.memory_space<hbm>> -> memref<128x128xf32, #tpu.memory_space<hbm>>
    %dma_wait3A_627 = arith.constant 0 : i32
    %dma_wait3A_628 = tpu.memref_slice %arg4[%add3A_548, %dma_wait3A_627] : memref<204800x128xf32, #tpu.memory_space<hbm>> -> memref<128x128xf32, #tpu.memory_space<hbm>>
    tpu.wait_dma2 semaphore(%arg22 : memref<!tpu.dma_semaphore, #tpu.memory_space<semaphore_mem>>) src(%arg10 : memref<128x128xf32, #tpu.memory_space<vmem>>) dst(%dma_wait3A_628 : memref<128x128xf32, #tpu.memory_space<hbm>>)
    %dma_start3A_629 = arith.constant 28 : i32
    %dma_start3A_630 = arith.constant 0 : i32
    %dma_start3A_631 = tpu.memref_slice %arg5[%dma_start3A_629, %dma_start3A_630] : memref<50x128xi32, #tpu.memory_space<vmem>> -> memref<1x128xi32, #tpu.memory_space<vmem>>
    %dma_start3A_632 = tpu.memref_squeeze %dma_start3A_631 : memref<1x128xi32, #tpu.memory_space<vmem>> -> memref<128xi32, #tpu.memory_space<vmem>>
    %dma_start3A_633 = arith.constant 0 : i32
    %dma_start3A_634 = arith.constant 0 : i32
    %dma_start3A_635 = tpu.memref_slice %arg2[%dma_start3A_633, %dma_start3A_634] : memref<500736x128xf32, #tpu.memory_space<hbm>> -> memref<500736x128xf32, #tpu.memory_space<hbm>>
    tpu.enqueue_indirect_dma source(%dma_start3A_635 : memref<500736x128xf32, #tpu.memory_space<hbm>>) target(%arg10 : memref<128x128xf32, #tpu.memory_space<vmem>>) offsets(%dma_start3A_632 : memref<128xi32, #tpu.memory_space<vmem>>) semaphore(%arg16 : memref<!tpu.dma_semaphore, #tpu.memory_space<semaphore_mem>>)
    %dma_wait3A_636 = arith.constant 26 : i32
    %dma_wait3A_637 = arith.constant 0 : i32
    %dma_wait3A_638 = tpu.memref_slice %arg5[%dma_wait3A_636, %dma_wait3A_637] : memref<50x128xi32, #tpu.memory_space<vmem>> -> memref<1x128xi32, #tpu.memory_space<vmem>>
    %dma_wait3A_639 = tpu.memref_squeeze %dma_wait3A_638 : memref<1x128xi32, #tpu.memory_space<vmem>> -> memref<128xi32, #tpu.memory_space<vmem>>
    %dma_wait3A_640 = arith.constant 0 : i32
    %dma_wait3A_641 = arith.constant 0 : i32
    %dma_wait3A_642 = tpu.memref_slice %arg2[%dma_wait3A_640, %dma_wait3A_641] : memref<500736x128xf32, #tpu.memory_space<hbm>> -> memref<500736x128xf32, #tpu.memory_space<hbm>>
    tpu.wait_indirect_dma semaphore(%arg14 : memref<!tpu.dma_semaphore, #tpu.memory_space<semaphore_mem>>) src(%dma_wait3A_642 : memref<500736x128xf32, #tpu.memory_space<hbm>>) dst(%arg8 : memref<128x128xf32, #tpu.memory_space<vmem>>)
    %add3A_643 = arith.constant 3328 : i32
    %add3A_644 = arith.addi %mul3A_4, %add3A_643 : i32
    %dma_start3A_645 = arith.constant 0 : i32
    %dma_start3A_646 = tpu.memref_slice %arg4[%add3A_644, %dma_start3A_645] : memref<204800x128xf32, #tpu.memory_space<hbm>> -> memref<128x128xf32, #tpu.memory_space<hbm>>
    %dma_start3A_647 = arith.constant 0 : i32
    %dma_start3A_648 = tpu.memref_slice %arg4[%add3A_644, %dma_start3A_647] : memref<204800x128xf32, #tpu.memory_space<hbm>> -> memref<128x128xf32, #tpu.memory_space<hbm>>
    tpu.enqueue_dma source(%arg8 : memref<128x128xf32, #tpu.memory_space<vmem>>) target(%dma_start3A_648 : memref<128x128xf32, #tpu.memory_space<hbm>>) target_semaphore(%arg20 : memref<!tpu.dma_semaphore, #tpu.memory_space<semaphore_mem>>)
    %dma_wait3A_649 = arith.constant 0 : i32
    %dma_wait3A_650 = tpu.memref_slice %arg4[%add3A_572, %dma_wait3A_649] : memref<204800x128xf32, #tpu.memory_space<hbm>> -> memref<128x128xf32, #tpu.memory_space<hbm>>
    %dma_wait3A_651 = arith.constant 0 : i32
    %dma_wait3A_652 = tpu.memref_slice %arg4[%add3A_572, %dma_wait3A_651] : memref<204800x128xf32, #tpu.memory_space<hbm>> -> memref<128x128xf32, #tpu.memory_space<hbm>>
    tpu.wait_dma2 semaphore(%arg23 : memref<!tpu.dma_semaphore, #tpu.memory_space<semaphore_mem>>) src(%arg11 : memref<128x128xf32, #tpu.memory_space<vmem>>) dst(%dma_wait3A_652 : memref<128x128xf32, #tpu.memory_space<hbm>>)
    %dma_start3A_653 = arith.constant 29 : i32
    %dma_start3A_654 = arith.constant 0 : i32
    %dma_start3A_655 = tpu.memref_slice %arg5[%dma_start3A_653, %dma_start3A_654] : memref<50x128xi32, #tpu.memory_space<vmem>> -> memref<1x128xi32, #tpu.memory_space<vmem>>
    %dma_start3A_656 = tpu.memref_squeeze %dma_start3A_655 : memref<1x128xi32, #tpu.memory_space<vmem>> -> memref<128xi32, #tpu.memory_space<vmem>>
    %dma_start3A_657 = arith.constant 0 : i32
    %dma_start3A_658 = arith.constant 0 : i32
    %dma_start3A_659 = tpu.memref_slice %arg2[%dma_start3A_657, %dma_start3A_658] : memref<500736x128xf32, #tpu.memory_space<hbm>> -> memref<500736x128xf32, #tpu.memory_space<hbm>>
    tpu.enqueue_indirect_dma source(%dma_start3A_659 : memref<500736x128xf32, #tpu.memory_space<hbm>>) target(%arg11 : memref<128x128xf32, #tpu.memory_space<vmem>>) offsets(%dma_start3A_656 : memref<128xi32, #tpu.memory_space<vmem>>) semaphore(%arg17 : memref<!tpu.dma_semaphore, #tpu.memory_space<semaphore_mem>>)
    %dma_wait3A_660 = arith.constant 27 : i32
    %dma_wait3A_661 = arith.constant 0 : i32
    %dma_wait3A_662 = tpu.memref_slice %arg5[%dma_wait3A_660, %dma_wait3A_661] : memref<50x128xi32, #tpu.memory_space<vmem>> -> memref<1x128xi32, #tpu.memory_space<vmem>>
    %dma_wait3A_663 = tpu.memref_squeeze %dma_wait3A_662 : memref<1x128xi32, #tpu.memory_space<vmem>> -> memref<128xi32, #tpu.memory_space<vmem>>
    %dma_wait3A_664 = arith.constant 0 : i32
    %dma_wait3A_665 = arith.constant 0 : i32
    %dma_wait3A_666 = tpu.memref_slice %arg2[%dma_wait3A_664, %dma_wait3A_665] : memref<500736x128xf32, #tpu.memory_space<hbm>> -> memref<500736x128xf32, #tpu.memory_space<hbm>>
    tpu.wait_indirect_dma semaphore(%arg15 : memref<!tpu.dma_semaphore, #tpu.memory_space<semaphore_mem>>) src(%dma_wait3A_666 : memref<500736x128xf32, #tpu.memory_space<hbm>>) dst(%arg9 : memref<128x128xf32, #tpu.memory_space<vmem>>)
    %add3A_667 = arith.constant 3456 : i32
    %add3A_668 = arith.addi %mul3A_4, %add3A_667 : i32
    %dma_start3A_669 = arith.constant 0 : i32
    %dma_start3A_670 = tpu.memref_slice %arg4[%add3A_668, %dma_start3A_669] : memref<204800x128xf32, #tpu.memory_space<hbm>> -> memref<128x128xf32, #tpu.memory_space<hbm>>
    %dma_start3A_671 = arith.constant 0 : i32
    %dma_start3A_672 = tpu.memref_slice %arg4[%add3A_668, %dma_start3A_671] : memref<204800x128xf32, #tpu.memory_space<hbm>> -> memref<128x128xf32, #tpu.memory_space<hbm>>
    tpu.enqueue_dma source(%arg9 : memref<128x128xf32, #tpu.memory_space<vmem>>) target(%dma_start3A_672 : memref<128x128xf32, #tpu.memory_space<hbm>>) target_semaphore(%arg21 : memref<!tpu.dma_semaphore, #tpu.memory_space<semaphore_mem>>)
    %dma_wait3A_673 = arith.constant 0 : i32
    %dma_wait3A_674 = tpu.memref_slice %arg4[%add3A_596, %dma_wait3A_673] : memref<204800x128xf32, #tpu.memory_space<hbm>> -> memref<128x128xf32, #tpu.memory_space<hbm>>
    %dma_wait3A_675 = arith.constant 0 : i32
    %dma_wait3A_676 = tpu.memref_slice %arg4[%add3A_596, %dma_wait3A_675] : memref<204800x128xf32, #tpu.memory_space<hbm>> -> memref<128x128xf32, #tpu.memory_space<hbm>>
    tpu.wait_dma2 semaphore(%arg18 : memref<!tpu.dma_semaphore, #tpu.memory_space<semaphore_mem>>) src(%arg6 : memref<128x128xf32, #tpu.memory_space<vmem>>) dst(%dma_wait3A_676 : memref<128x128xf32, #tpu.memory_space<hbm>>)
    %dma_start3A_677 = arith.constant 30 : i32
    %dma_start3A_678 = arith.constant 0 : i32
    %dma_start3A_679 = tpu.memref_slice %arg5[%dma_start3A_677, %dma_start3A_678] : memref<50x128xi32, #tpu.memory_space<vmem>> -> memref<1x128xi32, #tpu.memory_space<vmem>>
    %dma_start3A_680 = tpu.memref_squeeze %dma_start3A_679 : memref<1x128xi32, #tpu.memory_space<vmem>> -> memref<128xi32, #tpu.memory_space<vmem>>
    %dma_start3A_681 = arith.constant 0 : i32
    %dma_start3A_682 = arith.constant 0 : i32
    %dma_start3A_683 = tpu.memref_slice %arg2[%dma_start3A_681, %dma_start3A_682] : memref<500736x128xf32, #tpu.memory_space<hbm>> -> memref<500736x128xf32, #tpu.memory_space<hbm>>
    tpu.enqueue_indirect_dma source(%dma_start3A_683 : memref<500736x128xf32, #tpu.memory_space<hbm>>) target(%arg6 : memref<128x128xf32, #tpu.memory_space<vmem>>) offsets(%dma_start3A_680 : memref<128xi32, #tpu.memory_space<vmem>>) semaphore(%arg12 : memref<!tpu.dma_semaphore, #tpu.memory_space<semaphore_mem>>)
    %dma_wait3A_684 = arith.constant 28 : i32
    %dma_wait3A_685 = arith.constant 0 : i32
    %dma_wait3A_686 = tpu.memref_slice %arg5[%dma_wait3A_684, %dma_wait3A_685] : memref<50x128xi32, #tpu.memory_space<vmem>> -> memref<1x128xi32, #tpu.memory_space<vmem>>
    %dma_wait3A_687 = tpu.memref_squeeze %dma_wait3A_686 : memref<1x128xi32, #tpu.memory_space<vmem>> -> memref<128xi32, #tpu.memory_space<vmem>>
    %dma_wait3A_688 = arith.constant 0 : i32
    %dma_wait3A_689 = arith.constant 0 : i32
    %dma_wait3A_690 = tpu.memref_slice %arg2[%dma_wait3A_688, %dma_wait3A_689] : memref<500736x128xf32, #tpu.memory_space<hbm>> -> memref<500736x128xf32, #tpu.memory_space<hbm>>
    tpu.wait_indirect_dma semaphore(%arg16 : memref<!tpu.dma_semaphore, #tpu.memory_space<semaphore_mem>>) src(%dma_wait3A_690 : memref<500736x128xf32, #tpu.memory_space<hbm>>) dst(%arg10 : memref<128x128xf32, #tpu.memory_space<vmem>>)
    %add3A_691 = arith.constant 3584 : i32
    %add3A_692 = arith.addi %mul3A_4, %add3A_691 : i32
    %dma_start3A_693 = arith.constant 0 : i32
    %dma_start3A_694 = tpu.memref_slice %arg4[%add3A_692, %dma_start3A_693] : memref<204800x128xf32, #tpu.memory_space<hbm>> -> memref<128x128xf32, #tpu.memory_space<hbm>>
    %dma_start3A_695 = arith.constant 0 : i32
    %dma_start3A_696 = tpu.memref_slice %arg4[%add3A_692, %dma_start3A_695] : memref<204800x128xf32, #tpu.memory_space<hbm>> -> memref<128x128xf32, #tpu.memory_space<hbm>>
    tpu.enqueue_dma source(%arg10 : memref<128x128xf32, #tpu.memory_space<vmem>>) target(%dma_start3A_696 : memref<128x128xf32, #tpu.memory_space<hbm>>) target_semaphore(%arg22 : memref<!tpu.dma_semaphore, #tpu.memory_space<semaphore_mem>>)
    %dma_wait3A_697 = arith.constant 0 : i32
    %dma_wait3A_698 = tpu.memref_slice %arg4[%add3A_620, %dma_wait3A_697] : memref<204800x128xf32, #tpu.memory_space<hbm>> -> memref<128x128xf32, #tpu.memory_space<hbm>>
    %dma_wait3A_699 = arith.constant 0 : i32
    %dma_wait3A_700 = tpu.memref_slice %arg4[%add3A_620, %dma_wait3A_699] : memref<204800x128xf32, #tpu.memory_space<hbm>> -> memref<128x128xf32, #tpu.memory_space<hbm>>
    tpu.wait_dma2 semaphore(%arg19 : memref<!tpu.dma_semaphore, #tpu.memory_space<semaphore_mem>>) src(%arg7 : memref<128x128xf32, #tpu.memory_space<vmem>>) dst(%dma_wait3A_700 : memref<128x128xf32, #tpu.memory_space<hbm>>)
    %dma_start3A_701 = arith.constant 31 : i32
    %dma_start3A_702 = arith.constant 0 : i32
    %dma_start3A_703 = tpu.memref_slice %arg5[%dma_start3A_701, %dma_start3A_702] : memref<50x128xi32, #tpu.memory_space<vmem>> -> memref<1x128xi32, #tpu.memory_space<vmem>>
    %dma_start3A_704 = tpu.memref_squeeze %dma_start3A_703 : memref<1x128xi32, #tpu.memory_space<vmem>> -> memref<128xi32, #tpu.memory_space<vmem>>
    %dma_start3A_705 = arith.constant 0 : i32
    %dma_start3A_706 = arith.constant 0 : i32
    %dma_start3A_707 = tpu.memref_slice %arg2[%dma_start3A_705, %dma_start3A_706] : memref<500736x128xf32, #tpu.memory_space<hbm>> -> memref<500736x128xf32, #tpu.memory_space<hbm>>
    tpu.enqueue_indirect_dma source(%dma_start3A_707 : memref<500736x128xf32, #tpu.memory_space<hbm>>) target(%arg7 : memref<128x128xf32, #tpu.memory_space<vmem>>) offsets(%dma_start3A_704 : memref<128xi32, #tpu.memory_space<vmem>>) semaphore(%arg13 : memref<!tpu.dma_semaphore, #tpu.memory_space<semaphore_mem>>)
    %dma_wait3A_708 = arith.constant 29 : i32
    %dma_wait3A_709 = arith.constant 0 : i32
    %dma_wait3A_710 = tpu.memref_slice %arg5[%dma_wait3A_708, %dma_wait3A_709] : memref<50x128xi32, #tpu.memory_space<vmem>> -> memref<1x128xi32, #tpu.memory_space<vmem>>
    %dma_wait3A_711 = tpu.memref_squeeze %dma_wait3A_710 : memref<1x128xi32, #tpu.memory_space<vmem>> -> memref<128xi32, #tpu.memory_space<vmem>>
    %dma_wait3A_712 = arith.constant 0 : i32
    %dma_wait3A_713 = arith.constant 0 : i32
    %dma_wait3A_714 = tpu.memref_slice %arg2[%dma_wait3A_712, %dma_wait3A_713] : memref<500736x128xf32, #tpu.memory_space<hbm>> -> memref<500736x128xf32, #tpu.memory_space<hbm>>
    tpu.wait_indirect_dma semaphore(%arg17 : memref<!tpu.dma_semaphore, #tpu.memory_space<semaphore_mem>>) src(%dma_wait3A_714 : memref<500736x128xf32, #tpu.memory_space<hbm>>) dst(%arg11 : memref<128x128xf32, #tpu.memory_space<vmem>>)
    %add3A_715 = arith.constant 3712 : i32
    %add3A_716 = arith.addi %mul3A_4, %add3A_715 : i32
    %dma_start3A_717 = arith.constant 0 : i32
    %dma_start3A_718 = tpu.memref_slice %arg4[%add3A_716, %dma_start3A_717] : memref<204800x128xf32, #tpu.memory_space<hbm>> -> memref<128x128xf32, #tpu.memory_space<hbm>>
    %dma_start3A_719 = arith.constant 0 : i32
    %dma_start3A_720 = tpu.memref_slice %arg4[%add3A_716, %dma_start3A_719] : memref<204800x128xf32, #tpu.memory_space<hbm>> -> memref<128x128xf32, #tpu.memory_space<hbm>>
    tpu.enqueue_dma source(%arg11 : memref<128x128xf32, #tpu.memory_space<vmem>>) target(%dma_start3A_720 : memref<128x128xf32, #tpu.memory_space<hbm>>) target_semaphore(%arg23 : memref<!tpu.dma_semaphore, #tpu.memory_space<semaphore_mem>>)
    %dma_wait3A_721 = arith.constant 0 : i32
    %dma_wait3A_722 = tpu.memref_slice %arg4[%add3A_644, %dma_wait3A_721] : memref<204800x128xf32, #tpu.memory_space<hbm>> -> memref<128x128xf32, #tpu.memory_space<hbm>>
    %dma_wait3A_723 = arith.constant 0 : i32
    %dma_wait3A_724 = tpu.memref_slice %arg4[%add3A_644, %dma_wait3A_723] : memref<204800x128xf32, #tpu.memory_space<hbm>> -> memref<128x128xf32, #tpu.memory_space<hbm>>
    tpu.wait_dma2 semaphore(%arg20 : memref<!tpu.dma_semaphore, #tpu.memory_space<semaphore_mem>>) src(%arg8 : memref<128x128xf32, #tpu.memory_space<vmem>>) dst(%dma_wait3A_724 : memref<128x128xf32, #tpu.memory_space<hbm>>)
    %dma_start3A_725 = arith.constant 32 : i32
    %dma_start3A_726 = arith.constant 0 : i32
    %dma_start3A_727 = tpu.memref_slice %arg5[%dma_start3A_725, %dma_start3A_726] : memref<50x128xi32, #tpu.memory_space<vmem>> -> memref<1x128xi32, #tpu.memory_space<vmem>>
    %dma_start3A_728 = tpu.memref_squeeze %dma_start3A_727 : memref<1x128xi32, #tpu.memory_space<vmem>> -> memref<128xi32, #tpu.memory_space<vmem>>
    %dma_start3A_729 = arith.constant 0 : i32
    %dma_start3A_730 = arith.constant 0 : i32
    %dma_start3A_731 = tpu.memref_slice %arg2[%dma_start3A_729, %dma_start3A_730] : memref<500736x128xf32, #tpu.memory_space<hbm>> -> memref<500736x128xf32, #tpu.memory_space<hbm>>
    tpu.enqueue_indirect_dma source(%dma_start3A_731 : memref<500736x128xf32, #tpu.memory_space<hbm>>) target(%arg8 : memref<128x128xf32, #tpu.memory_space<vmem>>) offsets(%dma_start3A_728 : memref<128xi32, #tpu.memory_space<vmem>>) semaphore(%arg14 : memref<!tpu.dma_semaphore, #tpu.memory_space<semaphore_mem>>)
    %dma_wait3A_732 = arith.constant 30 : i32
    %dma_wait3A_733 = arith.constant 0 : i32
    %dma_wait3A_734 = tpu.memref_slice %arg5[%dma_wait3A_732, %dma_wait3A_733] : memref<50x128xi32, #tpu.memory_space<vmem>> -> memref<1x128xi32, #tpu.memory_space<vmem>>
    %dma_wait3A_735 = tpu.memref_squeeze %dma_wait3A_734 : memref<1x128xi32, #tpu.memory_space<vmem>> -> memref<128xi32, #tpu.memory_space<vmem>>
    %dma_wait3A_736 = arith.constant 0 : i32
    %dma_wait3A_737 = arith.constant 0 : i32
    %dma_wait3A_738 = tpu.memref_slice %arg2[%dma_wait3A_736, %dma_wait3A_737] : memref<500736x128xf32, #tpu.memory_space<hbm>> -> memref<500736x128xf32, #tpu.memory_space<hbm>>
    tpu.wait_indirect_dma semaphore(%arg12 : memref<!tpu.dma_semaphore, #tpu.memory_space<semaphore_mem>>) src(%dma_wait3A_738 : memref<500736x128xf32, #tpu.memory_space<hbm>>) dst(%arg6 : memref<128x128xf32, #tpu.memory_space<vmem>>)
    %add3A_739 = arith.constant 3840 : i32
    %add3A_740 = arith.addi %mul3A_4, %add3A_739 : i32
    %dma_start3A_741 = arith.constant 0 : i32
    %dma_start3A_742 = tpu.memref_slice %arg4[%add3A_740, %dma_start3A_741] : memref<204800x128xf32, #tpu.memory_space<hbm>> -> memref<128x128xf32, #tpu.memory_space<hbm>>
    %dma_start3A_743 = arith.constant 0 : i32
    %dma_start3A_744 = tpu.memref_slice %arg4[%add3A_740, %dma_start3A_743] : memref<204800x128xf32, #tpu.memory_space<hbm>> -> memref<128x128xf32, #tpu.memory_space<hbm>>
    tpu.enqueue_dma source(%arg6 : memref<128x128xf32, #tpu.memory_space<vmem>>) target(%dma_start3A_744 : memref<128x128xf32, #tpu.memory_space<hbm>>) target_semaphore(%arg18 : memref<!tpu.dma_semaphore, #tpu.memory_space<semaphore_mem>>)
    %dma_wait3A_745 = arith.constant 0 : i32
    %dma_wait3A_746 = tpu.memref_slice %arg4[%add3A_668, %dma_wait3A_745] : memref<204800x128xf32, #tpu.memory_space<hbm>> -> memref<128x128xf32, #tpu.memory_space<hbm>>
    %dma_wait3A_747 = arith.constant 0 : i32
    %dma_wait3A_748 = tpu.memref_slice %arg4[%add3A_668, %dma_wait3A_747] : memref<204800x128xf32, #tpu.memory_space<hbm>> -> memref<128x128xf32, #tpu.memory_space<hbm>>
    tpu.wait_dma2 semaphore(%arg21 : memref<!tpu.dma_semaphore, #tpu.memory_space<semaphore_mem>>) src(%arg9 : memref<128x128xf32, #tpu.memory_space<vmem>>) dst(%dma_wait3A_748 : memref<128x128xf32, #tpu.memory_space<hbm>>)
    %dma_start3A_749 = arith.constant 33 : i32
    %dma_start3A_750 = arith.constant 0 : i32
    %dma_start3A_751 = tpu.memref_slice %arg5[%dma_start3A_749, %dma_start3A_750] : memref<50x128xi32, #tpu.memory_space<vmem>> -> memref<1x128xi32, #tpu.memory_space<vmem>>
    %dma_start3A_752 = tpu.memref_squeeze %dma_start3A_751 : memref<1x128xi32, #tpu.memory_space<vmem>> -> memref<128xi32, #tpu.memory_space<vmem>>
    %dma_start3A_753 = arith.constant 0 : i32
    %dma_start3A_754 = arith.constant 0 : i32
    %dma_start3A_755 = tpu.memref_slice %arg2[%dma_start3A_753, %dma_start3A_754] : memref<500736x128xf32, #tpu.memory_space<hbm>> -> memref<500736x128xf32, #tpu.memory_space<hbm>>
    tpu.enqueue_indirect_dma source(%dma_start3A_755 : memref<500736x128xf32, #tpu.memory_space<hbm>>) target(%arg9 : memref<128x128xf32, #tpu.memory_space<vmem>>) offsets(%dma_start3A_752 : memref<128xi32, #tpu.memory_space<vmem>>) semaphore(%arg15 : memref<!tpu.dma_semaphore, #tpu.memory_space<semaphore_mem>>)
    %dma_wait3A_756 = arith.constant 31 : i32
    %dma_wait3A_757 = arith.constant 0 : i32
    %dma_wait3A_758 = tpu.memref_slice %arg5[%dma_wait3A_756, %dma_wait3A_757] : memref<50x128xi32, #tpu.memory_space<vmem>> -> memref<1x128xi32, #tpu.memory_space<vmem>>
    %dma_wait3A_759 = tpu.memref_squeeze %dma_wait3A_758 : memref<1x128xi32, #tpu.memory_space<vmem>> -> memref<128xi32, #tpu.memory_space<vmem>>
    %dma_wait3A_760 = arith.constant 0 : i32
    %dma_wait3A_761 = arith.constant 0 : i32
    %dma_wait3A_762 = tpu.memref_slice %arg2[%dma_wait3A_760, %dma_wait3A_761] : memref<500736x128xf32, #tpu.memory_space<hbm>> -> memref<500736x128xf32, #tpu.memory_space<hbm>>
    tpu.wait_indirect_dma semaphore(%arg13 : memref<!tpu.dma_semaphore, #tpu.memory_space<semaphore_mem>>) src(%dma_wait3A_762 : memref<500736x128xf32, #tpu.memory_space<hbm>>) dst(%arg7 : memref<128x128xf32, #tpu.memory_space<vmem>>)
    %add3A_763 = arith.constant 3968 : i32
    %add3A_764 = arith.addi %mul3A_4, %add3A_763 : i32
    %dma_start3A_765 = arith.constant 0 : i32
    %dma_start3A_766 = tpu.memref_slice %arg4[%add3A_764, %dma_start3A_765] : memref<204800x128xf32, #tpu.memory_space<hbm>> -> memref<128x128xf32, #tpu.memory_space<hbm>>
    %dma_start3A_767 = arith.constant 0 : i32
    %dma_start3A_768 = tpu.memref_slice %arg4[%add3A_764, %dma_start3A_767] : memref<204800x128xf32, #tpu.memory_space<hbm>> -> memref<128x128xf32, #tpu.memory_space<hbm>>
    tpu.enqueue_dma source(%arg7 : memref<128x128xf32, #tpu.memory_space<vmem>>) target(%dma_start3A_768 : memref<128x128xf32, #tpu.memory_space<hbm>>) target_semaphore(%arg19 : memref<!tpu.dma_semaphore, #tpu.memory_space<semaphore_mem>>)
    %dma_wait3A_769 = arith.constant 0 : i32
    %dma_wait3A_770 = tpu.memref_slice %arg4[%add3A_692, %dma_wait3A_769] : memref<204800x128xf32, #tpu.memory_space<hbm>> -> memref<128x128xf32, #tpu.memory_space<hbm>>
    %dma_wait3A_771 = arith.constant 0 : i32
    %dma_wait3A_772 = tpu.memref_slice %arg4[%add3A_692, %dma_wait3A_771] : memref<204800x128xf32, #tpu.memory_space<hbm>> -> memref<128x128xf32, #tpu.memory_space<hbm>>
    tpu.wait_dma2 semaphore(%arg22 : memref<!tpu.dma_semaphore, #tpu.memory_space<semaphore_mem>>) src(%arg10 : memref<128x128xf32, #tpu.memory_space<vmem>>) dst(%dma_wait3A_772 : memref<128x128xf32, #tpu.memory_space<hbm>>)
    %dma_start3A_773 = arith.constant 34 : i32
    %dma_start3A_774 = arith.constant 0 : i32
    %dma_start3A_775 = tpu.memref_slice %arg5[%dma_start3A_773, %dma_start3A_774] : memref<50x128xi32, #tpu.memory_space<vmem>> -> memref<1x128xi32, #tpu.memory_space<vmem>>
    %dma_start3A_776 = tpu.memref_squeeze %dma_start3A_775 : memref<1x128xi32, #tpu.memory_space<vmem>> -> memref<128xi32, #tpu.memory_space<vmem>>
    %dma_start3A_777 = arith.constant 0 : i32
    %dma_start3A_778 = arith.constant 0 : i32
    %dma_start3A_779 = tpu.memref_slice %arg2[%dma_start3A_777, %dma_start3A_778] : memref<500736x128xf32, #tpu.memory_space<hbm>> -> memref<500736x128xf32, #tpu.memory_space<hbm>>
    tpu.enqueue_indirect_dma source(%dma_start3A_779 : memref<500736x128xf32, #tpu.memory_space<hbm>>) target(%arg10 : memref<128x128xf32, #tpu.memory_space<vmem>>) offsets(%dma_start3A_776 : memref<128xi32, #tpu.memory_space<vmem>>) semaphore(%arg16 : memref<!tpu.dma_semaphore, #tpu.memory_space<semaphore_mem>>)
    %dma_wait3A_780 = arith.constant 32 : i32
    %dma_wait3A_781 = arith.constant 0 : i32
    %dma_wait3A_782 = tpu.memref_slice %arg5[%dma_wait3A_780, %dma_wait3A_781] : memref<50x128xi32, #tpu.memory_space<vmem>> -> memref<1x128xi32, #tpu.memory_space<vmem>>
    %dma_wait3A_783 = tpu.memref_squeeze %dma_wait3A_782 : memref<1x128xi32, #tpu.memory_space<vmem>> -> memref<128xi32, #tpu.memory_space<vmem>>
    %dma_wait3A_784 = arith.constant 0 : i32
    %dma_wait3A_785 = arith.constant 0 : i32
    %dma_wait3A_786 = tpu.memref_slice %arg2[%dma_wait3A_784, %dma_wait3A_785] : memref<500736x128xf32, #tpu.memory_space<hbm>> -> memref<500736x128xf32, #tpu.memory_space<hbm>>
    tpu.wait_indirect_dma semaphore(%arg14 : memref<!tpu.dma_semaphore, #tpu.memory_space<semaphore_mem>>) src(%dma_wait3A_786 : memref<500736x128xf32, #tpu.memory_space<hbm>>) dst(%arg8 : memref<128x128xf32, #tpu.memory_space<vmem>>)
    %add3A_787 = arith.constant 4096 : i32
    %add3A_788 = arith.addi %mul3A_4, %add3A_787 : i32
    %dma_start3A_789 = arith.constant 0 : i32
    %dma_start3A_790 = tpu.memref_slice %arg4[%add3A_788, %dma_start3A_789] : memref<204800x128xf32, #tpu.memory_space<hbm>> -> memref<128x128xf32, #tpu.memory_space<hbm>>
    %dma_start3A_791 = arith.constant 0 : i32
    %dma_start3A_792 = tpu.memref_slice %arg4[%add3A_788, %dma_start3A_791] : memref<204800x128xf32, #tpu.memory_space<hbm>> -> memref<128x128xf32, #tpu.memory_space<hbm>>
    tpu.enqueue_dma source(%arg8 : memref<128x128xf32, #tpu.memory_space<vmem>>) target(%dma_start3A_792 : memref<128x128xf32, #tpu.memory_space<hbm>>) target_semaphore(%arg20 : memref<!tpu.dma_semaphore, #tpu.memory_space<semaphore_mem>>)
    %dma_wait3A_793 = arith.constant 0 : i32
    %dma_wait3A_794 = tpu.memref_slice %arg4[%add3A_716, %dma_wait3A_793] : memref<204800x128xf32, #tpu.memory_space<hbm>> -> memref<128x128xf32, #tpu.memory_space<hbm>>
    %dma_wait3A_795 = arith.constant 0 : i32
    %dma_wait3A_796 = tpu.memref_slice %arg4[%add3A_716, %dma_wait3A_795] : memref<204800x128xf32, #tpu.memory_space<hbm>> -> memref<128x128xf32, #tpu.memory_space<hbm>>
    tpu.wait_dma2 semaphore(%arg23 : memref<!tpu.dma_semaphore, #tpu.memory_space<semaphore_mem>>) src(%arg11 : memref<128x128xf32, #tpu.memory_space<vmem>>) dst(%dma_wait3A_796 : memref<128x128xf32, #tpu.memory_space<hbm>>)
    %dma_start3A_797 = arith.constant 35 : i32
    %dma_start3A_798 = arith.constant 0 : i32
    %dma_start3A_799 = tpu.memref_slice %arg5[%dma_start3A_797, %dma_start3A_798] : memref<50x128xi32, #tpu.memory_space<vmem>> -> memref<1x128xi32, #tpu.memory_space<vmem>>
    %dma_start3A_800 = tpu.memref_squeeze %dma_start3A_799 : memref<1x128xi32, #tpu.memory_space<vmem>> -> memref<128xi32, #tpu.memory_space<vmem>>
    %dma_start3A_801 = arith.constant 0 : i32
    %dma_start3A_802 = arith.constant 0 : i32
    %dma_start3A_803 = tpu.memref_slice %arg2[%dma_start3A_801, %dma_start3A_802] : memref<500736x128xf32, #tpu.memory_space<hbm>> -> memref<500736x128xf32, #tpu.memory_space<hbm>>
    tpu.enqueue_indirect_dma source(%dma_start3A_803 : memref<500736x128xf32, #tpu.memory_space<hbm>>) target(%arg11 : memref<128x128xf32, #tpu.memory_space<vmem>>) offsets(%dma_start3A_800 : memref<128xi32, #tpu.memory_space<vmem>>) semaphore(%arg17 : memref<!tpu.dma_semaphore, #tpu.memory_space<semaphore_mem>>)
    %dma_wait3A_804 = arith.constant 33 : i32
    %dma_wait3A_805 = arith.constant 0 : i32
    %dma_wait3A_806 = tpu.memref_slice %arg5[%dma_wait3A_804, %dma_wait3A_805] : memref<50x128xi32, #tpu.memory_space<vmem>> -> memref<1x128xi32, #tpu.memory_space<vmem>>
    %dma_wait3A_807 = tpu.memref_squeeze %dma_wait3A_806 : memref<1x128xi32, #tpu.memory_space<vmem>> -> memref<128xi32, #tpu.memory_space<vmem>>
    %dma_wait3A_808 = arith.constant 0 : i32
    %dma_wait3A_809 = arith.constant 0 : i32
    %dma_wait3A_810 = tpu.memref_slice %arg2[%dma_wait3A_808, %dma_wait3A_809] : memref<500736x128xf32, #tpu.memory_space<hbm>> -> memref<500736x128xf32, #tpu.memory_space<hbm>>
    tpu.wait_indirect_dma semaphore(%arg15 : memref<!tpu.dma_semaphore, #tpu.memory_space<semaphore_mem>>) src(%dma_wait3A_810 : memref<500736x128xf32, #tpu.memory_space<hbm>>) dst(%arg9 : memref<128x128xf32, #tpu.memory_space<vmem>>)
    %add3A_811 = arith.constant 4224 : i32
    %add3A_812 = arith.addi %mul3A_4, %add3A_811 : i32
    %dma_start3A_813 = arith.constant 0 : i32
    %dma_start3A_814 = tpu.memref_slice %arg4[%add3A_812, %dma_start3A_813] : memref<204800x128xf32, #tpu.memory_space<hbm>> -> memref<128x128xf32, #tpu.memory_space<hbm>>
    %dma_start3A_815 = arith.constant 0 : i32
    %dma_start3A_816 = tpu.memref_slice %arg4[%add3A_812, %dma_start3A_815] : memref<204800x128xf32, #tpu.memory_space<hbm>> -> memref<128x128xf32, #tpu.memory_space<hbm>>
    tpu.enqueue_dma source(%arg9 : memref<128x128xf32, #tpu.memory_space<vmem>>) target(%dma_start3A_816 : memref<128x128xf32, #tpu.memory_space<hbm>>) target_semaphore(%arg21 : memref<!tpu.dma_semaphore, #tpu.memory_space<semaphore_mem>>)
    %dma_wait3A_817 = arith.constant 0 : i32
    %dma_wait3A_818 = tpu.memref_slice %arg4[%add3A_740, %dma_wait3A_817] : memref<204800x128xf32, #tpu.memory_space<hbm>> -> memref<128x128xf32, #tpu.memory_space<hbm>>
    %dma_wait3A_819 = arith.constant 0 : i32
    %dma_wait3A_820 = tpu.memref_slice %arg4[%add3A_740, %dma_wait3A_819] : memref<204800x128xf32, #tpu.memory_space<hbm>> -> memref<128x128xf32, #tpu.memory_space<hbm>>
    tpu.wait_dma2 semaphore(%arg18 : memref<!tpu.dma_semaphore, #tpu.memory_space<semaphore_mem>>) src(%arg6 : memref<128x128xf32, #tpu.memory_space<vmem>>) dst(%dma_wait3A_820 : memref<128x128xf32, #tpu.memory_space<hbm>>)
    %dma_start3A_821 = arith.constant 36 : i32
    %dma_start3A_822 = arith.constant 0 : i32
    %dma_start3A_823 = tpu.memref_slice %arg5[%dma_start3A_821, %dma_start3A_822] : memref<50x128xi32, #tpu.memory_space<vmem>> -> memref<1x128xi32, #tpu.memory_space<vmem>>
    %dma_start3A_824 = tpu.memref_squeeze %dma_start3A_823 : memref<1x128xi32, #tpu.memory_space<vmem>> -> memref<128xi32, #tpu.memory_space<vmem>>
    %dma_start3A_825 = arith.constant 0 : i32
    %dma_start3A_826 = arith.constant 0 : i32
    %dma_start3A_827 = tpu.memref_slice %arg2[%dma_start3A_825, %dma_start3A_826] : memref<500736x128xf32, #tpu.memory_space<hbm>> -> memref<500736x128xf32, #tpu.memory_space<hbm>>
    tpu.enqueue_indirect_dma source(%dma_start3A_827 : memref<500736x128xf32, #tpu.memory_space<hbm>>) target(%arg6 : memref<128x128xf32, #tpu.memory_space<vmem>>) offsets(%dma_start3A_824 : memref<128xi32, #tpu.memory_space<vmem>>) semaphore(%arg12 : memref<!tpu.dma_semaphore, #tpu.memory_space<semaphore_mem>>)
    %dma_wait3A_828 = arith.constant 34 : i32
    %dma_wait3A_829 = arith.constant 0 : i32
    %dma_wait3A_830 = tpu.memref_slice %arg5[%dma_wait3A_828, %dma_wait3A_829] : memref<50x128xi32, #tpu.memory_space<vmem>> -> memref<1x128xi32, #tpu.memory_space<vmem>>
    %dma_wait3A_831 = tpu.memref_squeeze %dma_wait3A_830 : memref<1x128xi32, #tpu.memory_space<vmem>> -> memref<128xi32, #tpu.memory_space<vmem>>
    %dma_wait3A_832 = arith.constant 0 : i32
    %dma_wait3A_833 = arith.constant 0 : i32
    %dma_wait3A_834 = tpu.memref_slice %arg2[%dma_wait3A_832, %dma_wait3A_833] : memref<500736x128xf32, #tpu.memory_space<hbm>> -> memref<500736x128xf32, #tpu.memory_space<hbm>>
    tpu.wait_indirect_dma semaphore(%arg16 : memref<!tpu.dma_semaphore, #tpu.memory_space<semaphore_mem>>) src(%dma_wait3A_834 : memref<500736x128xf32, #tpu.memory_space<hbm>>) dst(%arg10 : memref<128x128xf32, #tpu.memory_space<vmem>>)
    %add3A_835 = arith.constant 4352 : i32
    %add3A_836 = arith.addi %mul3A_4, %add3A_835 : i32
    %dma_start3A_837 = arith.constant 0 : i32
    %dma_start3A_838 = tpu.memref_slice %arg4[%add3A_836, %dma_start3A_837] : memref<204800x128xf32, #tpu.memory_space<hbm>> -> memref<128x128xf32, #tpu.memory_space<hbm>>
    %dma_start3A_839 = arith.constant 0 : i32
    %dma_start3A_840 = tpu.memref_slice %arg4[%add3A_836, %dma_start3A_839] : memref<204800x128xf32, #tpu.memory_space<hbm>> -> memref<128x128xf32, #tpu.memory_space<hbm>>
    tpu.enqueue_dma source(%arg10 : memref<128x128xf32, #tpu.memory_space<vmem>>) target(%dma_start3A_840 : memref<128x128xf32, #tpu.memory_space<hbm>>) target_semaphore(%arg22 : memref<!tpu.dma_semaphore, #tpu.memory_space<semaphore_mem>>)
    %dma_wait3A_841 = arith.constant 0 : i32
    %dma_wait3A_842 = tpu.memref_slice %arg4[%add3A_764, %dma_wait3A_841] : memref<204800x128xf32, #tpu.memory_space<hbm>> -> memref<128x128xf32, #tpu.memory_space<hbm>>
    %dma_wait3A_843 = arith.constant 0 : i32
    %dma_wait3A_844 = tpu.memref_slice %arg4[%add3A_764, %dma_wait3A_843] : memref<204800x128xf32, #tpu.memory_space<hbm>> -> memref<128x128xf32, #tpu.memory_space<hbm>>
    tpu.wait_dma2 semaphore(%arg19 : memref<!tpu.dma_semaphore, #tpu.memory_space<semaphore_mem>>) src(%arg7 : memref<128x128xf32, #tpu.memory_space<vmem>>) dst(%dma_wait3A_844 : memref<128x128xf32, #tpu.memory_space<hbm>>)
    %dma_start3A_845 = arith.constant 37 : i32
    %dma_start3A_846 = arith.constant 0 : i32
    %dma_start3A_847 = tpu.memref_slice %arg5[%dma_start3A_845, %dma_start3A_846] : memref<50x128xi32, #tpu.memory_space<vmem>> -> memref<1x128xi32, #tpu.memory_space<vmem>>
    %dma_start3A_848 = tpu.memref_squeeze %dma_start3A_847 : memref<1x128xi32, #tpu.memory_space<vmem>> -> memref<128xi32, #tpu.memory_space<vmem>>
    %dma_start3A_849 = arith.constant 0 : i32
    %dma_start3A_850 = arith.constant 0 : i32
    %dma_start3A_851 = tpu.memref_slice %arg2[%dma_start3A_849, %dma_start3A_850] : memref<500736x128xf32, #tpu.memory_space<hbm>> -> memref<500736x128xf32, #tpu.memory_space<hbm>>
    tpu.enqueue_indirect_dma source(%dma_start3A_851 : memref<500736x128xf32, #tpu.memory_space<hbm>>) target(%arg7 : memref<128x128xf32, #tpu.memory_space<vmem>>) offsets(%dma_start3A_848 : memref<128xi32, #tpu.memory_space<vmem>>) semaphore(%arg13 : memref<!tpu.dma_semaphore, #tpu.memory_space<semaphore_mem>>)
    %dma_wait3A_852 = arith.constant 35 : i32
    %dma_wait3A_853 = arith.constant 0 : i32
    %dma_wait3A_854 = tpu.memref_slice %arg5[%dma_wait3A_852, %dma_wait3A_853] : memref<50x128xi32, #tpu.memory_space<vmem>> -> memref<1x128xi32, #tpu.memory_space<vmem>>
    %dma_wait3A_855 = tpu.memref_squeeze %dma_wait3A_854 : memref<1x128xi32, #tpu.memory_space<vmem>> -> memref<128xi32, #tpu.memory_space<vmem>>
    %dma_wait3A_856 = arith.constant 0 : i32
    %dma_wait3A_857 = arith.constant 0 : i32
    %dma_wait3A_858 = tpu.memref_slice %arg2[%dma_wait3A_856, %dma_wait3A_857] : memref<500736x128xf32, #tpu.memory_space<hbm>> -> memref<500736x128xf32, #tpu.memory_space<hbm>>
    tpu.wait_indirect_dma semaphore(%arg17 : memref<!tpu.dma_semaphore, #tpu.memory_space<semaphore_mem>>) src(%dma_wait3A_858 : memref<500736x128xf32, #tpu.memory_space<hbm>>) dst(%arg11 : memref<128x128xf32, #tpu.memory_space<vmem>>)
    %add3A_859 = arith.constant 4480 : i32
    %add3A_860 = arith.addi %mul3A_4, %add3A_859 : i32
    %dma_start3A_861 = arith.constant 0 : i32
    %dma_start3A_862 = tpu.memref_slice %arg4[%add3A_860, %dma_start3A_861] : memref<204800x128xf32, #tpu.memory_space<hbm>> -> memref<128x128xf32, #tpu.memory_space<hbm>>
    %dma_start3A_863 = arith.constant 0 : i32
    %dma_start3A_864 = tpu.memref_slice %arg4[%add3A_860, %dma_start3A_863] : memref<204800x128xf32, #tpu.memory_space<hbm>> -> memref<128x128xf32, #tpu.memory_space<hbm>>
    tpu.enqueue_dma source(%arg11 : memref<128x128xf32, #tpu.memory_space<vmem>>) target(%dma_start3A_864 : memref<128x128xf32, #tpu.memory_space<hbm>>) target_semaphore(%arg23 : memref<!tpu.dma_semaphore, #tpu.memory_space<semaphore_mem>>)
    %dma_wait3A_865 = arith.constant 0 : i32
    %dma_wait3A_866 = tpu.memref_slice %arg4[%add3A_788, %dma_wait3A_865] : memref<204800x128xf32, #tpu.memory_space<hbm>> -> memref<128x128xf32, #tpu.memory_space<hbm>>
    %dma_wait3A_867 = arith.constant 0 : i32
    %dma_wait3A_868 = tpu.memref_slice %arg4[%add3A_788, %dma_wait3A_867] : memref<204800x128xf32, #tpu.memory_space<hbm>> -> memref<128x128xf32, #tpu.memory_space<hbm>>
    tpu.wait_dma2 semaphore(%arg20 : memref<!tpu.dma_semaphore, #tpu.memory_space<semaphore_mem>>) src(%arg8 : memref<128x128xf32, #tpu.memory_space<vmem>>) dst(%dma_wait3A_868 : memref<128x128xf32, #tpu.memory_space<hbm>>)
    %dma_start3A_869 = arith.constant 38 : i32
    %dma_start3A_870 = arith.constant 0 : i32
    %dma_start3A_871 = tpu.memref_slice %arg5[%dma_start3A_869, %dma_start3A_870] : memref<50x128xi32, #tpu.memory_space<vmem>> -> memref<1x128xi32, #tpu.memory_space<vmem>>
    %dma_start3A_872 = tpu.memref_squeeze %dma_start3A_871 : memref<1x128xi32, #tpu.memory_space<vmem>> -> memref<128xi32, #tpu.memory_space<vmem>>
    %dma_start3A_873 = arith.constant 0 : i32
    %dma_start3A_874 = arith.constant 0 : i32
    %dma_start3A_875 = tpu.memref_slice %arg2[%dma_start3A_873, %dma_start3A_874] : memref<500736x128xf32, #tpu.memory_space<hbm>> -> memref<500736x128xf32, #tpu.memory_space<hbm>>
    tpu.enqueue_indirect_dma source(%dma_start3A_875 : memref<500736x128xf32, #tpu.memory_space<hbm>>) target(%arg8 : memref<128x128xf32, #tpu.memory_space<vmem>>) offsets(%dma_start3A_872 : memref<128xi32, #tpu.memory_space<vmem>>) semaphore(%arg14 : memref<!tpu.dma_semaphore, #tpu.memory_space<semaphore_mem>>)
    %dma_wait3A_876 = arith.constant 36 : i32
    %dma_wait3A_877 = arith.constant 0 : i32
    %dma_wait3A_878 = tpu.memref_slice %arg5[%dma_wait3A_876, %dma_wait3A_877] : memref<50x128xi32, #tpu.memory_space<vmem>> -> memref<1x128xi32, #tpu.memory_space<vmem>>
    %dma_wait3A_879 = tpu.memref_squeeze %dma_wait3A_878 : memref<1x128xi32, #tpu.memory_space<vmem>> -> memref<128xi32, #tpu.memory_space<vmem>>
    %dma_wait3A_880 = arith.constant 0 : i32
    %dma_wait3A_881 = arith.constant 0 : i32
    %dma_wait3A_882 = tpu.memref_slice %arg2[%dma_wait3A_880, %dma_wait3A_881] : memref<500736x128xf32, #tpu.memory_space<hbm>> -> memref<500736x128xf32, #tpu.memory_space<hbm>>
    tpu.wait_indirect_dma semaphore(%arg12 : memref<!tpu.dma_semaphore, #tpu.memory_space<semaphore_mem>>) src(%dma_wait3A_882 : memref<500736x128xf32, #tpu.memory_space<hbm>>) dst(%arg6 : memref<128x128xf32, #tpu.memory_space<vmem>>)
    %add3A_883 = arith.constant 4608 : i32
    %add3A_884 = arith.addi %mul3A_4, %add3A_883 : i32
    %dma_start3A_885 = arith.constant 0 : i32
    %dma_start3A_886 = tpu.memref_slice %arg4[%add3A_884, %dma_start3A_885] : memref<204800x128xf32, #tpu.memory_space<hbm>> -> memref<128x128xf32, #tpu.memory_space<hbm>>
    %dma_start3A_887 = arith.constant 0 : i32
    %dma_start3A_888 = tpu.memref_slice %arg4[%add3A_884, %dma_start3A_887] : memref<204800x128xf32, #tpu.memory_space<hbm>> -> memref<128x128xf32, #tpu.memory_space<hbm>>
    tpu.enqueue_dma source(%arg6 : memref<128x128xf32, #tpu.memory_space<vmem>>) target(%dma_start3A_888 : memref<128x128xf32, #tpu.memory_space<hbm>>) target_semaphore(%arg18 : memref<!tpu.dma_semaphore, #tpu.memory_space<semaphore_mem>>)
    %dma_wait3A_889 = arith.constant 0 : i32
    %dma_wait3A_890 = tpu.memref_slice %arg4[%add3A_812, %dma_wait3A_889] : memref<204800x128xf32, #tpu.memory_space<hbm>> -> memref<128x128xf32, #tpu.memory_space<hbm>>
    %dma_wait3A_891 = arith.constant 0 : i32
    %dma_wait3A_892 = tpu.memref_slice %arg4[%add3A_812, %dma_wait3A_891] : memref<204800x128xf32, #tpu.memory_space<hbm>> -> memref<128x128xf32, #tpu.memory_space<hbm>>
    tpu.wait_dma2 semaphore(%arg21 : memref<!tpu.dma_semaphore, #tpu.memory_space<semaphore_mem>>) src(%arg9 : memref<128x128xf32, #tpu.memory_space<vmem>>) dst(%dma_wait3A_892 : memref<128x128xf32, #tpu.memory_space<hbm>>)
    %dma_start3A_893 = arith.constant 39 : i32
    %dma_start3A_894 = arith.constant 0 : i32
    %dma_start3A_895 = tpu.memref_slice %arg5[%dma_start3A_893, %dma_start3A_894] : memref<50x128xi32, #tpu.memory_space<vmem>> -> memref<1x128xi32, #tpu.memory_space<vmem>>
    %dma_start3A_896 = tpu.memref_squeeze %dma_start3A_895 : memref<1x128xi32, #tpu.memory_space<vmem>> -> memref<128xi32, #tpu.memory_space<vmem>>
    %dma_start3A_897 = arith.constant 0 : i32
    %dma_start3A_898 = arith.constant 0 : i32
    %dma_start3A_899 = tpu.memref_slice %arg2[%dma_start3A_897, %dma_start3A_898] : memref<500736x128xf32, #tpu.memory_space<hbm>> -> memref<500736x128xf32, #tpu.memory_space<hbm>>
    tpu.enqueue_indirect_dma source(%dma_start3A_899 : memref<500736x128xf32, #tpu.memory_space<hbm>>) target(%arg9 : memref<128x128xf32, #tpu.memory_space<vmem>>) offsets(%dma_start3A_896 : memref<128xi32, #tpu.memory_space<vmem>>) semaphore(%arg15 : memref<!tpu.dma_semaphore, #tpu.memory_space<semaphore_mem>>)
    %dma_wait3A_900 = arith.constant 37 : i32
    %dma_wait3A_901 = arith.constant 0 : i32
    %dma_wait3A_902 = tpu.memref_slice %arg5[%dma_wait3A_900, %dma_wait3A_901] : memref<50x128xi32, #tpu.memory_space<vmem>> -> memref<1x128xi32, #tpu.memory_space<vmem>>
    %dma_wait3A_903 = tpu.memref_squeeze %dma_wait3A_902 : memref<1x128xi32, #tpu.memory_space<vmem>> -> memref<128xi32, #tpu.memory_space<vmem>>
    %dma_wait3A_904 = arith.constant 0 : i32
    %dma_wait3A_905 = arith.constant 0 : i32
    %dma_wait3A_906 = tpu.memref_slice %arg2[%dma_wait3A_904, %dma_wait3A_905] : memref<500736x128xf32, #tpu.memory_space<hbm>> -> memref<500736x128xf32, #tpu.memory_space<hbm>>
    tpu.wait_indirect_dma semaphore(%arg13 : memref<!tpu.dma_semaphore, #tpu.memory_space<semaphore_mem>>) src(%dma_wait3A_906 : memref<500736x128xf32, #tpu.memory_space<hbm>>) dst(%arg7 : memref<128x128xf32, #tpu.memory_space<vmem>>)
    %add3A_907 = arith.constant 4736 : i32
    %add3A_908 = arith.addi %mul3A_4, %add3A_907 : i32
    %dma_start3A_909 = arith.constant 0 : i32
    %dma_start3A_910 = tpu.memref_slice %arg4[%add3A_908, %dma_start3A_909] : memref<204800x128xf32, #tpu.memory_space<hbm>> -> memref<128x128xf32, #tpu.memory_space<hbm>>
    %dma_start3A_911 = arith.constant 0 : i32
    %dma_start3A_912 = tpu.memref_slice %arg4[%add3A_908, %dma_start3A_911] : memref<204800x128xf32, #tpu.memory_space<hbm>> -> memref<128x128xf32, #tpu.memory_space<hbm>>
    tpu.enqueue_dma source(%arg7 : memref<128x128xf32, #tpu.memory_space<vmem>>) target(%dma_start3A_912 : memref<128x128xf32, #tpu.memory_space<hbm>>) target_semaphore(%arg19 : memref<!tpu.dma_semaphore, #tpu.memory_space<semaphore_mem>>)
    %dma_wait3A_913 = arith.constant 0 : i32
    %dma_wait3A_914 = tpu.memref_slice %arg4[%add3A_836, %dma_wait3A_913] : memref<204800x128xf32, #tpu.memory_space<hbm>> -> memref<128x128xf32, #tpu.memory_space<hbm>>
    %dma_wait3A_915 = arith.constant 0 : i32
    %dma_wait3A_916 = tpu.memref_slice %arg4[%add3A_836, %dma_wait3A_915] : memref<204800x128xf32, #tpu.memory_space<hbm>> -> memref<128x128xf32, #tpu.memory_space<hbm>>
    tpu.wait_dma2 semaphore(%arg22 : memref<!tpu.dma_semaphore, #tpu.memory_space<semaphore_mem>>) src(%arg10 : memref<128x128xf32, #tpu.memory_space<vmem>>) dst(%dma_wait3A_916 : memref<128x128xf32, #tpu.memory_space<hbm>>)
    %dma_start3A_917 = arith.constant 40 : i32
    %dma_start3A_918 = arith.constant 0 : i32
    %dma_start3A_919 = tpu.memref_slice %arg5[%dma_start3A_917, %dma_start3A_918] : memref<50x128xi32, #tpu.memory_space<vmem>> -> memref<1x128xi32, #tpu.memory_space<vmem>>
    %dma_start3A_920 = tpu.memref_squeeze %dma_start3A_919 : memref<1x128xi32, #tpu.memory_space<vmem>> -> memref<128xi32, #tpu.memory_space<vmem>>
    %dma_start3A_921 = arith.constant 0 : i32
    %dma_start3A_922 = arith.constant 0 : i32
    %dma_start3A_923 = tpu.memref_slice %arg2[%dma_start3A_921, %dma_start3A_922] : memref<500736x128xf32, #tpu.memory_space<hbm>> -> memref<500736x128xf32, #tpu.memory_space<hbm>>
    tpu.enqueue_indirect_dma source(%dma_start3A_923 : memref<500736x128xf32, #tpu.memory_space<hbm>>) target(%arg10 : memref<128x128xf32, #tpu.memory_space<vmem>>) offsets(%dma_start3A_920 : memref<128xi32, #tpu.memory_space<vmem>>) semaphore(%arg16 : memref<!tpu.dma_semaphore, #tpu.memory_space<semaphore_mem>>)
    %dma_wait3A_924 = arith.constant 38 : i32
    %dma_wait3A_925 = arith.constant 0 : i32
    %dma_wait3A_926 = tpu.memref_slice %arg5[%dma_wait3A_924, %dma_wait3A_925] : memref<50x128xi32, #tpu.memory_space<vmem>> -> memref<1x128xi32, #tpu.memory_space<vmem>>
    %dma_wait3A_927 = tpu.memref_squeeze %dma_wait3A_926 : memref<1x128xi32, #tpu.memory_space<vmem>> -> memref<128xi32, #tpu.memory_space<vmem>>
    %dma_wait3A_928 = arith.constant 0 : i32
    %dma_wait3A_929 = arith.constant 0 : i32
    %dma_wait3A_930 = tpu.memref_slice %arg2[%dma_wait3A_928, %dma_wait3A_929] : memref<500736x128xf32, #tpu.memory_space<hbm>> -> memref<500736x128xf32, #tpu.memory_space<hbm>>
    tpu.wait_indirect_dma semaphore(%arg14 : memref<!tpu.dma_semaphore, #tpu.memory_space<semaphore_mem>>) src(%dma_wait3A_930 : memref<500736x128xf32, #tpu.memory_space<hbm>>) dst(%arg8 : memref<128x128xf32, #tpu.memory_space<vmem>>)
    %add3A_931 = arith.constant 4864 : i32
    %add3A_932 = arith.addi %mul3A_4, %add3A_931 : i32
    %dma_start3A_933 = arith.constant 0 : i32
    %dma_start3A_934 = tpu.memref_slice %arg4[%add3A_932, %dma_start3A_933] : memref<204800x128xf32, #tpu.memory_space<hbm>> -> memref<128x128xf32, #tpu.memory_space<hbm>>
    %dma_start3A_935 = arith.constant 0 : i32
    %dma_start3A_936 = tpu.memref_slice %arg4[%add3A_932, %dma_start3A_935] : memref<204800x128xf32, #tpu.memory_space<hbm>> -> memref<128x128xf32, #tpu.memory_space<hbm>>
    tpu.enqueue_dma source(%arg8 : memref<128x128xf32, #tpu.memory_space<vmem>>) target(%dma_start3A_936 : memref<128x128xf32, #tpu.memory_space<hbm>>) target_semaphore(%arg20 : memref<!tpu.dma_semaphore, #tpu.memory_space<semaphore_mem>>)
    %dma_wait3A_937 = arith.constant 0 : i32
    %dma_wait3A_938 = tpu.memref_slice %arg4[%add3A_860, %dma_wait3A_937] : memref<204800x128xf32, #tpu.memory_space<hbm>> -> memref<128x128xf32, #tpu.memory_space<hbm>>
    %dma_wait3A_939 = arith.constant 0 : i32
    %dma_wait3A_940 = tpu.memref_slice %arg4[%add3A_860, %dma_wait3A_939] : memref<204800x128xf32, #tpu.memory_space<hbm>> -> memref<128x128xf32, #tpu.memory_space<hbm>>
    tpu.wait_dma2 semaphore(%arg23 : memref<!tpu.dma_semaphore, #tpu.memory_space<semaphore_mem>>) src(%arg11 : memref<128x128xf32, #tpu.memory_space<vmem>>) dst(%dma_wait3A_940 : memref<128x128xf32, #tpu.memory_space<hbm>>)
    %dma_start3A_941 = arith.constant 41 : i32
    %dma_start3A_942 = arith.constant 0 : i32
    %dma_start3A_943 = tpu.memref_slice %arg5[%dma_start3A_941, %dma_start3A_942] : memref<50x128xi32, #tpu.memory_space<vmem>> -> memref<1x128xi32, #tpu.memory_space<vmem>>
    %dma_start3A_944 = tpu.memref_squeeze %dma_start3A_943 : memref<1x128xi32, #tpu.memory_space<vmem>> -> memref<128xi32, #tpu.memory_space<vmem>>
    %dma_start3A_945 = arith.constant 0 : i32
    %dma_start3A_946 = arith.constant 0 : i32
    %dma_start3A_947 = tpu.memref_slice %arg2[%dma_start3A_945, %dma_start3A_946] : memref<500736x128xf32, #tpu.memory_space<hbm>> -> memref<500736x128xf32, #tpu.memory_space<hbm>>
    tpu.enqueue_indirect_dma source(%dma_start3A_947 : memref<500736x128xf32, #tpu.memory_space<hbm>>) target(%arg11 : memref<128x128xf32, #tpu.memory_space<vmem>>) offsets(%dma_start3A_944 : memref<128xi32, #tpu.memory_space<vmem>>) semaphore(%arg17 : memref<!tpu.dma_semaphore, #tpu.memory_space<semaphore_mem>>)
    %dma_wait3A_948 = arith.constant 39 : i32
    %dma_wait3A_949 = arith.constant 0 : i32
    %dma_wait3A_950 = tpu.memref_slice %arg5[%dma_wait3A_948, %dma_wait3A_949] : memref<50x128xi32, #tpu.memory_space<vmem>> -> memref<1x128xi32, #tpu.memory_space<vmem>>
    %dma_wait3A_951 = tpu.memref_squeeze %dma_wait3A_950 : memref<1x128xi32, #tpu.memory_space<vmem>> -> memref<128xi32, #tpu.memory_space<vmem>>
    %dma_wait3A_952 = arith.constant 0 : i32
    %dma_wait3A_953 = arith.constant 0 : i32
    %dma_wait3A_954 = tpu.memref_slice %arg2[%dma_wait3A_952, %dma_wait3A_953] : memref<500736x128xf32, #tpu.memory_space<hbm>> -> memref<500736x128xf32, #tpu.memory_space<hbm>>
    tpu.wait_indirect_dma semaphore(%arg15 : memref<!tpu.dma_semaphore, #tpu.memory_space<semaphore_mem>>) src(%dma_wait3A_954 : memref<500736x128xf32, #tpu.memory_space<hbm>>) dst(%arg9 : memref<128x128xf32, #tpu.memory_space<vmem>>)
    %add3A_955 = arith.constant 4992 : i32
    %add3A_956 = arith.addi %mul3A_4, %add3A_955 : i32
    %dma_start3A_957 = arith.constant 0 : i32
    %dma_start3A_958 = tpu.memref_slice %arg4[%add3A_956, %dma_start3A_957] : memref<204800x128xf32, #tpu.memory_space<hbm>> -> memref<128x128xf32, #tpu.memory_space<hbm>>
    %dma_start3A_959 = arith.constant 0 : i32
    %dma_start3A_960 = tpu.memref_slice %arg4[%add3A_956, %dma_start3A_959] : memref<204800x128xf32, #tpu.memory_space<hbm>> -> memref<128x128xf32, #tpu.memory_space<hbm>>
    tpu.enqueue_dma source(%arg9 : memref<128x128xf32, #tpu.memory_space<vmem>>) target(%dma_start3A_960 : memref<128x128xf32, #tpu.memory_space<hbm>>) target_semaphore(%arg21 : memref<!tpu.dma_semaphore, #tpu.memory_space<semaphore_mem>>)
    %dma_wait3A_961 = arith.constant 0 : i32
    %dma_wait3A_962 = tpu.memref_slice %arg4[%add3A_884, %dma_wait3A_961] : memref<204800x128xf32, #tpu.memory_space<hbm>> -> memref<128x128xf32, #tpu.memory_space<hbm>>
    %dma_wait3A_963 = arith.constant 0 : i32
    %dma_wait3A_964 = tpu.memref_slice %arg4[%add3A_884, %dma_wait3A_963] : memref<204800x128xf32, #tpu.memory_space<hbm>> -> memref<128x128xf32, #tpu.memory_space<hbm>>
    tpu.wait_dma2 semaphore(%arg18 : memref<!tpu.dma_semaphore, #tpu.memory_space<semaphore_mem>>) src(%arg6 : memref<128x128xf32, #tpu.memory_space<vmem>>) dst(%dma_wait3A_964 : memref<128x128xf32, #tpu.memory_space<hbm>>)
    %dma_start3A_965 = arith.constant 42 : i32
    %dma_start3A_966 = arith.constant 0 : i32
    %dma_start3A_967 = tpu.memref_slice %arg5[%dma_start3A_965, %dma_start3A_966] : memref<50x128xi32, #tpu.memory_space<vmem>> -> memref<1x128xi32, #tpu.memory_space<vmem>>
    %dma_start3A_968 = tpu.memref_squeeze %dma_start3A_967 : memref<1x128xi32, #tpu.memory_space<vmem>> -> memref<128xi32, #tpu.memory_space<vmem>>
    %dma_start3A_969 = arith.constant 0 : i32
    %dma_start3A_970 = arith.constant 0 : i32
    %dma_start3A_971 = tpu.memref_slice %arg2[%dma_start3A_969, %dma_start3A_970] : memref<500736x128xf32, #tpu.memory_space<hbm>> -> memref<500736x128xf32, #tpu.memory_space<hbm>>
    tpu.enqueue_indirect_dma source(%dma_start3A_971 : memref<500736x128xf32, #tpu.memory_space<hbm>>) target(%arg6 : memref<128x128xf32, #tpu.memory_space<vmem>>) offsets(%dma_start3A_968 : memref<128xi32, #tpu.memory_space<vmem>>) semaphore(%arg12 : memref<!tpu.dma_semaphore, #tpu.memory_space<semaphore_mem>>)
    %dma_wait3A_972 = arith.constant 40 : i32
    %dma_wait3A_973 = arith.constant 0 : i32
    %dma_wait3A_974 = tpu.memref_slice %arg5[%dma_wait3A_972, %dma_wait3A_973] : memref<50x128xi32, #tpu.memory_space<vmem>> -> memref<1x128xi32, #tpu.memory_space<vmem>>
    %dma_wait3A_975 = tpu.memref_squeeze %dma_wait3A_974 : memref<1x128xi32, #tpu.memory_space<vmem>> -> memref<128xi32, #tpu.memory_space<vmem>>
    %dma_wait3A_976 = arith.constant 0 : i32
    %dma_wait3A_977 = arith.constant 0 : i32
    %dma_wait3A_978 = tpu.memref_slice %arg2[%dma_wait3A_976, %dma_wait3A_977] : memref<500736x128xf32, #tpu.memory_space<hbm>> -> memref<500736x128xf32, #tpu.memory_space<hbm>>
    tpu.wait_indirect_dma semaphore(%arg16 : memref<!tpu.dma_semaphore, #tpu.memory_space<semaphore_mem>>) src(%dma_wait3A_978 : memref<500736x128xf32, #tpu.memory_space<hbm>>) dst(%arg10 : memref<128x128xf32, #tpu.memory_space<vmem>>)
    %add3A_979 = arith.constant 5120 : i32
    %add3A_980 = arith.addi %mul3A_4, %add3A_979 : i32
    %dma_start3A_981 = arith.constant 0 : i32
    %dma_start3A_982 = tpu.memref_slice %arg4[%add3A_980, %dma_start3A_981] : memref<204800x128xf32, #tpu.memory_space<hbm>> -> memref<128x128xf32, #tpu.memory_space<hbm>>
    %dma_start3A_983 = arith.constant 0 : i32
    %dma_start3A_984 = tpu.memref_slice %arg4[%add3A_980, %dma_start3A_983] : memref<204800x128xf32, #tpu.memory_space<hbm>> -> memref<128x128xf32, #tpu.memory_space<hbm>>
    tpu.enqueue_dma source(%arg10 : memref<128x128xf32, #tpu.memory_space<vmem>>) target(%dma_start3A_984 : memref<128x128xf32, #tpu.memory_space<hbm>>) target_semaphore(%arg22 : memref<!tpu.dma_semaphore, #tpu.memory_space<semaphore_mem>>)
    %dma_wait3A_985 = arith.constant 0 : i32
    %dma_wait3A_986 = tpu.memref_slice %arg4[%add3A_908, %dma_wait3A_985] : memref<204800x128xf32, #tpu.memory_space<hbm>> -> memref<128x128xf32, #tpu.memory_space<hbm>>
    %dma_wait3A_987 = arith.constant 0 : i32
    %dma_wait3A_988 = tpu.memref_slice %arg4[%add3A_908, %dma_wait3A_987] : memref<204800x128xf32, #tpu.memory_space<hbm>> -> memref<128x128xf32, #tpu.memory_space<hbm>>
    tpu.wait_dma2 semaphore(%arg19 : memref<!tpu.dma_semaphore, #tpu.memory_space<semaphore_mem>>) src(%arg7 : memref<128x128xf32, #tpu.memory_space<vmem>>) dst(%dma_wait3A_988 : memref<128x128xf32, #tpu.memory_space<hbm>>)
    %dma_start3A_989 = arith.constant 43 : i32
    %dma_start3A_990 = arith.constant 0 : i32
    %dma_start3A_991 = tpu.memref_slice %arg5[%dma_start3A_989, %dma_start3A_990] : memref<50x128xi32, #tpu.memory_space<vmem>> -> memref<1x128xi32, #tpu.memory_space<vmem>>
    %dma_start3A_992 = tpu.memref_squeeze %dma_start3A_991 : memref<1x128xi32, #tpu.memory_space<vmem>> -> memref<128xi32, #tpu.memory_space<vmem>>
    %dma_start3A_993 = arith.constant 0 : i32
    %dma_start3A_994 = arith.constant 0 : i32
    %dma_start3A_995 = tpu.memref_slice %arg2[%dma_start3A_993, %dma_start3A_994] : memref<500736x128xf32, #tpu.memory_space<hbm>> -> memref<500736x128xf32, #tpu.memory_space<hbm>>
    tpu.enqueue_indirect_dma source(%dma_start3A_995 : memref<500736x128xf32, #tpu.memory_space<hbm>>) target(%arg7 : memref<128x128xf32, #tpu.memory_space<vmem>>) offsets(%dma_start3A_992 : memref<128xi32, #tpu.memory_space<vmem>>) semaphore(%arg13 : memref<!tpu.dma_semaphore, #tpu.memory_space<semaphore_mem>>)
    %dma_wait3A_996 = arith.constant 41 : i32
    %dma_wait3A_997 = arith.constant 0 : i32
    %dma_wait3A_998 = tpu.memref_slice %arg5[%dma_wait3A_996, %dma_wait3A_997] : memref<50x128xi32, #tpu.memory_space<vmem>> -> memref<1x128xi32, #tpu.memory_space<vmem>>
    %dma_wait3A_999 = tpu.memref_squeeze %dma_wait3A_998 : memref<1x128xi32, #tpu.memory_space<vmem>> -> memref<128xi32, #tpu.memory_space<vmem>>
    %dma_wait3A_1000 = arith.constant 0 : i32
    %dma_wait3A_1001 = arith.constant 0 : i32
    %dma_wait3A_1002 = tpu.memref_slice %arg2[%dma_wait3A_1000, %dma_wait3A_1001] : memref<500736x128xf32, #tpu.memory_space<hbm>> -> memref<500736x128xf32, #tpu.memory_space<hbm>>
    tpu.wait_indirect_dma semaphore(%arg17 : memref<!tpu.dma_semaphore, #tpu.memory_space<semaphore_mem>>) src(%dma_wait3A_1002 : memref<500736x128xf32, #tpu.memory_space<hbm>>) dst(%arg11 : memref<128x128xf32, #tpu.memory_space<vmem>>)
    %add3A_1003 = arith.constant 5248 : i32
    %add3A_1004 = arith.addi %mul3A_4, %add3A_1003 : i32
    %dma_start3A_1005 = arith.constant 0 : i32
    %dma_start3A_1006 = tpu.memref_slice %arg4[%add3A_1004, %dma_start3A_1005] : memref<204800x128xf32, #tpu.memory_space<hbm>> -> memref<128x128xf32, #tpu.memory_space<hbm>>
    %dma_start3A_1007 = arith.constant 0 : i32
    %dma_start3A_1008 = tpu.memref_slice %arg4[%add3A_1004, %dma_start3A_1007] : memref<204800x128xf32, #tpu.memory_space<hbm>> -> memref<128x128xf32, #tpu.memory_space<hbm>>
    tpu.enqueue_dma source(%arg11 : memref<128x128xf32, #tpu.memory_space<vmem>>) target(%dma_start3A_1008 : memref<128x128xf32, #tpu.memory_space<hbm>>) target_semaphore(%arg23 : memref<!tpu.dma_semaphore, #tpu.memory_space<semaphore_mem>>)
    %dma_wait3A_1009 = arith.constant 0 : i32
    %dma_wait3A_1010 = tpu.memref_slice %arg4[%add3A_932, %dma_wait3A_1009] : memref<204800x128xf32, #tpu.memory_space<hbm>> -> memref<128x128xf32, #tpu.memory_space<hbm>>
    %dma_wait3A_1011 = arith.constant 0 : i32
    %dma_wait3A_1012 = tpu.memref_slice %arg4[%add3A_932, %dma_wait3A_1011] : memref<204800x128xf32, #tpu.memory_space<hbm>> -> memref<128x128xf32, #tpu.memory_space<hbm>>
    tpu.wait_dma2 semaphore(%arg20 : memref<!tpu.dma_semaphore, #tpu.memory_space<semaphore_mem>>) src(%arg8 : memref<128x128xf32, #tpu.memory_space<vmem>>) dst(%dma_wait3A_1012 : memref<128x128xf32, #tpu.memory_space<hbm>>)
    %dma_start3A_1013 = arith.constant 44 : i32
    %dma_start3A_1014 = arith.constant 0 : i32
    %dma_start3A_1015 = tpu.memref_slice %arg5[%dma_start3A_1013, %dma_start3A_1014] : memref<50x128xi32, #tpu.memory_space<vmem>> -> memref<1x128xi32, #tpu.memory_space<vmem>>
    %dma_start3A_1016 = tpu.memref_squeeze %dma_start3A_1015 : memref<1x128xi32, #tpu.memory_space<vmem>> -> memref<128xi32, #tpu.memory_space<vmem>>
    %dma_start3A_1017 = arith.constant 0 : i32
    %dma_start3A_1018 = arith.constant 0 : i32
    %dma_start3A_1019 = tpu.memref_slice %arg2[%dma_start3A_1017, %dma_start3A_1018] : memref<500736x128xf32, #tpu.memory_space<hbm>> -> memref<500736x128xf32, #tpu.memory_space<hbm>>
    tpu.enqueue_indirect_dma source(%dma_start3A_1019 : memref<500736x128xf32, #tpu.memory_space<hbm>>) target(%arg8 : memref<128x128xf32, #tpu.memory_space<vmem>>) offsets(%dma_start3A_1016 : memref<128xi32, #tpu.memory_space<vmem>>) semaphore(%arg14 : memref<!tpu.dma_semaphore, #tpu.memory_space<semaphore_mem>>)
    %dma_wait3A_1020 = arith.constant 42 : i32
    %dma_wait3A_1021 = arith.constant 0 : i32
    %dma_wait3A_1022 = tpu.memref_slice %arg5[%dma_wait3A_1020, %dma_wait3A_1021] : memref<50x128xi32, #tpu.memory_space<vmem>> -> memref<1x128xi32, #tpu.memory_space<vmem>>
    %dma_wait3A_1023 = tpu.memref_squeeze %dma_wait3A_1022 : memref<1x128xi32, #tpu.memory_space<vmem>> -> memref<128xi32, #tpu.memory_space<vmem>>
    %dma_wait3A_1024 = arith.constant 0 : i32
    %dma_wait3A_1025 = arith.constant 0 : i32
    %dma_wait3A_1026 = tpu.memref_slice %arg2[%dma_wait3A_1024, %dma_wait3A_1025] : memref<500736x128xf32, #tpu.memory_space<hbm>> -> memref<500736x128xf32, #tpu.memory_space<hbm>>
    tpu.wait_indirect_dma semaphore(%arg12 : memref<!tpu.dma_semaphore, #tpu.memory_space<semaphore_mem>>) src(%dma_wait3A_1026 : memref<500736x128xf32, #tpu.memory_space<hbm>>) dst(%arg6 : memref<128x128xf32, #tpu.memory_space<vmem>>)
    %add3A_1027 = arith.constant 5376 : i32
    %add3A_1028 = arith.addi %mul3A_4, %add3A_1027 : i32
    %dma_start3A_1029 = arith.constant 0 : i32
    %dma_start3A_1030 = tpu.memref_slice %arg4[%add3A_1028, %dma_start3A_1029] : memref<204800x128xf32, #tpu.memory_space<hbm>> -> memref<128x128xf32, #tpu.memory_space<hbm>>
    %dma_start3A_1031 = arith.constant 0 : i32
    %dma_start3A_1032 = tpu.memref_slice %arg4[%add3A_1028, %dma_start3A_1031] : memref<204800x128xf32, #tpu.memory_space<hbm>> -> memref<128x128xf32, #tpu.memory_space<hbm>>
    tpu.enqueue_dma source(%arg6 : memref<128x128xf32, #tpu.memory_space<vmem>>) target(%dma_start3A_1032 : memref<128x128xf32, #tpu.memory_space<hbm>>) target_semaphore(%arg18 : memref<!tpu.dma_semaphore, #tpu.memory_space<semaphore_mem>>)
    %dma_wait3A_1033 = arith.constant 0 : i32
    %dma_wait3A_1034 = tpu.memref_slice %arg4[%add3A_956, %dma_wait3A_1033] : memref<204800x128xf32, #tpu.memory_space<hbm>> -> memref<128x128xf32, #tpu.memory_space<hbm>>
    %dma_wait3A_1035 = arith.constant 0 : i32
    %dma_wait3A_1036 = tpu.memref_slice %arg4[%add3A_956, %dma_wait3A_1035] : memref<204800x128xf32, #tpu.memory_space<hbm>> -> memref<128x128xf32, #tpu.memory_space<hbm>>
    tpu.wait_dma2 semaphore(%arg21 : memref<!tpu.dma_semaphore, #tpu.memory_space<semaphore_mem>>) src(%arg9 : memref<128x128xf32, #tpu.memory_space<vmem>>) dst(%dma_wait3A_1036 : memref<128x128xf32, #tpu.memory_space<hbm>>)
    %dma_start3A_1037 = arith.constant 45 : i32
    %dma_start3A_1038 = arith.constant 0 : i32
    %dma_start3A_1039 = tpu.memref_slice %arg5[%dma_start3A_1037, %dma_start3A_1038] : memref<50x128xi32, #tpu.memory_space<vmem>> -> memref<1x128xi32, #tpu.memory_space<vmem>>
    %dma_start3A_1040 = tpu.memref_squeeze %dma_start3A_1039 : memref<1x128xi32, #tpu.memory_space<vmem>> -> memref<128xi32, #tpu.memory_space<vmem>>
    %dma_start3A_1041 = arith.constant 0 : i32
    %dma_start3A_1042 = arith.constant 0 : i32
    %dma_start3A_1043 = tpu.memref_slice %arg2[%dma_start3A_1041, %dma_start3A_1042] : memref<500736x128xf32, #tpu.memory_space<hbm>> -> memref<500736x128xf32, #tpu.memory_space<hbm>>
    tpu.enqueue_indirect_dma source(%dma_start3A_1043 : memref<500736x128xf32, #tpu.memory_space<hbm>>) target(%arg9 : memref<128x128xf32, #tpu.memory_space<vmem>>) offsets(%dma_start3A_1040 : memref<128xi32, #tpu.memory_space<vmem>>) semaphore(%arg15 : memref<!tpu.dma_semaphore, #tpu.memory_space<semaphore_mem>>)
    %dma_wait3A_1044 = arith.constant 43 : i32
    %dma_wait3A_1045 = arith.constant 0 : i32
    %dma_wait3A_1046 = tpu.memref_slice %arg5[%dma_wait3A_1044, %dma_wait3A_1045] : memref<50x128xi32, #tpu.memory_space<vmem>> -> memref<1x128xi32, #tpu.memory_space<vmem>>
    %dma_wait3A_1047 = tpu.memref_squeeze %dma_wait3A_1046 : memref<1x128xi32, #tpu.memory_space<vmem>> -> memref<128xi32, #tpu.memory_space<vmem>>
    %dma_wait3A_1048 = arith.constant 0 : i32
    %dma_wait3A_1049 = arith.constant 0 : i32
    %dma_wait3A_1050 = tpu.memref_slice %arg2[%dma_wait3A_1048, %dma_wait3A_1049] : memref<500736x128xf32, #tpu.memory_space<hbm>> -> memref<500736x128xf32, #tpu.memory_space<hbm>>
    tpu.wait_indirect_dma semaphore(%arg13 : memref<!tpu.dma_semaphore, #tpu.memory_space<semaphore_mem>>) src(%dma_wait3A_1050 : memref<500736x128xf32, #tpu.memory_space<hbm>>) dst(%arg7 : memref<128x128xf32, #tpu.memory_space<vmem>>)
    %add3A_1051 = arith.constant 5504 : i32
    %add3A_1052 = arith.addi %mul3A_4, %add3A_1051 : i32
    %dma_start3A_1053 = arith.constant 0 : i32
    %dma_start3A_1054 = tpu.memref_slice %arg4[%add3A_1052, %dma_start3A_1053] : memref<204800x128xf32, #tpu.memory_space<hbm>> -> memref<128x128xf32, #tpu.memory_space<hbm>>
    %dma_start3A_1055 = arith.constant 0 : i32
    %dma_start3A_1056 = tpu.memref_slice %arg4[%add3A_1052, %dma_start3A_1055] : memref<204800x128xf32, #tpu.memory_space<hbm>> -> memref<128x128xf32, #tpu.memory_space<hbm>>
    tpu.enqueue_dma source(%arg7 : memref<128x128xf32, #tpu.memory_space<vmem>>) target(%dma_start3A_1056 : memref<128x128xf32, #tpu.memory_space<hbm>>) target_semaphore(%arg19 : memref<!tpu.dma_semaphore, #tpu.memory_space<semaphore_mem>>)
    %dma_wait3A_1057 = arith.constant 0 : i32
    %dma_wait3A_1058 = tpu.memref_slice %arg4[%add3A_980, %dma_wait3A_1057] : memref<204800x128xf32, #tpu.memory_space<hbm>> -> memref<128x128xf32, #tpu.memory_space<hbm>>
    %dma_wait3A_1059 = arith.constant 0 : i32
    %dma_wait3A_1060 = tpu.memref_slice %arg4[%add3A_980, %dma_wait3A_1059] : memref<204800x128xf32, #tpu.memory_space<hbm>> -> memref<128x128xf32, #tpu.memory_space<hbm>>
    tpu.wait_dma2 semaphore(%arg22 : memref<!tpu.dma_semaphore, #tpu.memory_space<semaphore_mem>>) src(%arg10 : memref<128x128xf32, #tpu.memory_space<vmem>>) dst(%dma_wait3A_1060 : memref<128x128xf32, #tpu.memory_space<hbm>>)
    %dma_start3A_1061 = arith.constant 46 : i32
    %dma_start3A_1062 = arith.constant 0 : i32
    %dma_start3A_1063 = tpu.memref_slice %arg5[%dma_start3A_1061, %dma_start3A_1062] : memref<50x128xi32, #tpu.memory_space<vmem>> -> memref<1x128xi32, #tpu.memory_space<vmem>>
    %dma_start3A_1064 = tpu.memref_squeeze %dma_start3A_1063 : memref<1x128xi32, #tpu.memory_space<vmem>> -> memref<128xi32, #tpu.memory_space<vmem>>
    %dma_start3A_1065 = arith.constant 0 : i32
    %dma_start3A_1066 = arith.constant 0 : i32
    %dma_start3A_1067 = tpu.memref_slice %arg2[%dma_start3A_1065, %dma_start3A_1066] : memref<500736x128xf32, #tpu.memory_space<hbm>> -> memref<500736x128xf32, #tpu.memory_space<hbm>>
    tpu.enqueue_indirect_dma source(%dma_start3A_1067 : memref<500736x128xf32, #tpu.memory_space<hbm>>) target(%arg10 : memref<128x128xf32, #tpu.memory_space<vmem>>) offsets(%dma_start3A_1064 : memref<128xi32, #tpu.memory_space<vmem>>) semaphore(%arg16 : memref<!tpu.dma_semaphore, #tpu.memory_space<semaphore_mem>>)
    %dma_wait3A_1068 = arith.constant 44 : i32
    %dma_wait3A_1069 = arith.constant 0 : i32
    %dma_wait3A_1070 = tpu.memref_slice %arg5[%dma_wait3A_1068, %dma_wait3A_1069] : memref<50x128xi32, #tpu.memory_space<vmem>> -> memref<1x128xi32, #tpu.memory_space<vmem>>
    %dma_wait3A_1071 = tpu.memref_squeeze %dma_wait3A_1070 : memref<1x128xi32, #tpu.memory_space<vmem>> -> memref<128xi32, #tpu.memory_space<vmem>>
    %dma_wait3A_1072 = arith.constant 0 : i32
    %dma_wait3A_1073 = arith.constant 0 : i32
    %dma_wait3A_1074 = tpu.memref_slice %arg2[%dma_wait3A_1072, %dma_wait3A_1073] : memref<500736x128xf32, #tpu.memory_space<hbm>> -> memref<500736x128xf32, #tpu.memory_space<hbm>>
    tpu.wait_indirect_dma semaphore(%arg14 : memref<!tpu.dma_semaphore, #tpu.memory_space<semaphore_mem>>) src(%dma_wait3A_1074 : memref<500736x128xf32, #tpu.memory_space<hbm>>) dst(%arg8 : memref<128x128xf32, #tpu.memory_space<vmem>>)
    %add3A_1075 = arith.constant 5632 : i32
    %add3A_1076 = arith.addi %mul3A_4, %add3A_1075 : i32
    %dma_start3A_1077 = arith.constant 0 : i32
    %dma_start3A_1078 = tpu.memref_slice %arg4[%add3A_1076, %dma_start3A_1077] : memref<204800x128xf32, #tpu.memory_space<hbm>> -> memref<128x128xf32, #tpu.memory_space<hbm>>
    %dma_start3A_1079 = arith.constant 0 : i32
    %dma_start3A_1080 = tpu.memref_slice %arg4[%add3A_1076, %dma_start3A_1079] : memref<204800x128xf32, #tpu.memory_space<hbm>> -> memref<128x128xf32, #tpu.memory_space<hbm>>
    tpu.enqueue_dma source(%arg8 : memref<128x128xf32, #tpu.memory_space<vmem>>) target(%dma_start3A_1080 : memref<128x128xf32, #tpu.memory_space<hbm>>) target_semaphore(%arg20 : memref<!tpu.dma_semaphore, #tpu.memory_space<semaphore_mem>>)
    %dma_wait3A_1081 = arith.constant 0 : i32
    %dma_wait3A_1082 = tpu.memref_slice %arg4[%add3A_1004, %dma_wait3A_1081] : memref<204800x128xf32, #tpu.memory_space<hbm>> -> memref<128x128xf32, #tpu.memory_space<hbm>>
    %dma_wait3A_1083 = arith.constant 0 : i32
    %dma_wait3A_1084 = tpu.memref_slice %arg4[%add3A_1004, %dma_wait3A_1083] : memref<204800x128xf32, #tpu.memory_space<hbm>> -> memref<128x128xf32, #tpu.memory_space<hbm>>
    tpu.wait_dma2 semaphore(%arg23 : memref<!tpu.dma_semaphore, #tpu.memory_space<semaphore_mem>>) src(%arg11 : memref<128x128xf32, #tpu.memory_space<vmem>>) dst(%dma_wait3A_1084 : memref<128x128xf32, #tpu.memory_space<hbm>>)
    %dma_start3A_1085 = arith.constant 47 : i32
    %dma_start3A_1086 = arith.constant 0 : i32
    %dma_start3A_1087 = tpu.memref_slice %arg5[%dma_start3A_1085, %dma_start3A_1086] : memref<50x128xi32, #tpu.memory_space<vmem>> -> memref<1x128xi32, #tpu.memory_space<vmem>>
    %dma_start3A_1088 = tpu.memref_squeeze %dma_start3A_1087 : memref<1x128xi32, #tpu.memory_space<vmem>> -> memref<128xi32, #tpu.memory_space<vmem>>
    %dma_start3A_1089 = arith.constant 0 : i32
    %dma_start3A_1090 = arith.constant 0 : i32
    %dma_start3A_1091 = tpu.memref_slice %arg2[%dma_start3A_1089, %dma_start3A_1090] : memref<500736x128xf32, #tpu.memory_space<hbm>> -> memref<500736x128xf32, #tpu.memory_space<hbm>>
    tpu.enqueue_indirect_dma source(%dma_start3A_1091 : memref<500736x128xf32, #tpu.memory_space<hbm>>) target(%arg11 : memref<128x128xf32, #tpu.memory_space<vmem>>) offsets(%dma_start3A_1088 : memref<128xi32, #tpu.memory_space<vmem>>) semaphore(%arg17 : memref<!tpu.dma_semaphore, #tpu.memory_space<semaphore_mem>>)
    %dma_wait3A_1092 = arith.constant 45 : i32
    %dma_wait3A_1093 = arith.constant 0 : i32
    %dma_wait3A_1094 = tpu.memref_slice %arg5[%dma_wait3A_1092, %dma_wait3A_1093] : memref<50x128xi32, #tpu.memory_space<vmem>> -> memref<1x128xi32, #tpu.memory_space<vmem>>
    %dma_wait3A_1095 = tpu.memref_squeeze %dma_wait3A_1094 : memref<1x128xi32, #tpu.memory_space<vmem>> -> memref<128xi32, #tpu.memory_space<vmem>>
    %dma_wait3A_1096 = arith.constant 0 : i32
    %dma_wait3A_1097 = arith.constant 0 : i32
    %dma_wait3A_1098 = tpu.memref_slice %arg2[%dma_wait3A_1096, %dma_wait3A_1097] : memref<500736x128xf32, #tpu.memory_space<hbm>> -> memref<500736x128xf32, #tpu.memory_space<hbm>>
    tpu.wait_indirect_dma semaphore(%arg15 : memref<!tpu.dma_semaphore, #tpu.memory_space<semaphore_mem>>) src(%dma_wait3A_1098 : memref<500736x128xf32, #tpu.memory_space<hbm>>) dst(%arg9 : memref<128x128xf32, #tpu.memory_space<vmem>>)
    %add3A_1099 = arith.constant 5760 : i32
    %add3A_1100 = arith.addi %mul3A_4, %add3A_1099 : i32
    %dma_start3A_1101 = arith.constant 0 : i32
    %dma_start3A_1102 = tpu.memref_slice %arg4[%add3A_1100, %dma_start3A_1101] : memref<204800x128xf32, #tpu.memory_space<hbm>> -> memref<128x128xf32, #tpu.memory_space<hbm>>
    %dma_start3A_1103 = arith.constant 0 : i32
    %dma_start3A_1104 = tpu.memref_slice %arg4[%add3A_1100, %dma_start3A_1103] : memref<204800x128xf32, #tpu.memory_space<hbm>> -> memref<128x128xf32, #tpu.memory_space<hbm>>
    tpu.enqueue_dma source(%arg9 : memref<128x128xf32, #tpu.memory_space<vmem>>) target(%dma_start3A_1104 : memref<128x128xf32, #tpu.memory_space<hbm>>) target_semaphore(%arg21 : memref<!tpu.dma_semaphore, #tpu.memory_space<semaphore_mem>>)
    %dma_wait3A_1105 = arith.constant 0 : i32
    %dma_wait3A_1106 = tpu.memref_slice %arg4[%add3A_1028, %dma_wait3A_1105] : memref<204800x128xf32, #tpu.memory_space<hbm>> -> memref<128x128xf32, #tpu.memory_space<hbm>>
    %dma_wait3A_1107 = arith.constant 0 : i32
    %dma_wait3A_1108 = tpu.memref_slice %arg4[%add3A_1028, %dma_wait3A_1107] : memref<204800x128xf32, #tpu.memory_space<hbm>> -> memref<128x128xf32, #tpu.memory_space<hbm>>
    tpu.wait_dma2 semaphore(%arg18 : memref<!tpu.dma_semaphore, #tpu.memory_space<semaphore_mem>>) src(%arg6 : memref<128x128xf32, #tpu.memory_space<vmem>>) dst(%dma_wait3A_1108 : memref<128x128xf32, #tpu.memory_space<hbm>>)
    %dma_start3A_1109 = arith.constant 48 : i32
    %dma_start3A_1110 = arith.constant 0 : i32
    %dma_start3A_1111 = tpu.memref_slice %arg5[%dma_start3A_1109, %dma_start3A_1110] : memref<50x128xi32, #tpu.memory_space<vmem>> -> memref<1x128xi32, #tpu.memory_space<vmem>>
    %dma_start3A_1112 = tpu.memref_squeeze %dma_start3A_1111 : memref<1x128xi32, #tpu.memory_space<vmem>> -> memref<128xi32, #tpu.memory_space<vmem>>
    %dma_start3A_1113 = arith.constant 0 : i32
    %dma_start3A_1114 = arith.constant 0 : i32
    %dma_start3A_1115 = tpu.memref_slice %arg2[%dma_start3A_1113, %dma_start3A_1114] : memref<500736x128xf32, #tpu.memory_space<hbm>> -> memref<500736x128xf32, #tpu.memory_space<hbm>>
    tpu.enqueue_indirect_dma source(%dma_start3A_1115 : memref<500736x128xf32, #tpu.memory_space<hbm>>) target(%arg6 : memref<128x128xf32, #tpu.memory_space<vmem>>) offsets(%dma_start3A_1112 : memref<128xi32, #tpu.memory_space<vmem>>) semaphore(%arg12 : memref<!tpu.dma_semaphore, #tpu.memory_space<semaphore_mem>>)
    %dma_wait3A_1116 = arith.constant 46 : i32
    %dma_wait3A_1117 = arith.constant 0 : i32
    %dma_wait3A_1118 = tpu.memref_slice %arg5[%dma_wait3A_1116, %dma_wait3A_1117] : memref<50x128xi32, #tpu.memory_space<vmem>> -> memref<1x128xi32, #tpu.memory_space<vmem>>
    %dma_wait3A_1119 = tpu.memref_squeeze %dma_wait3A_1118 : memref<1x128xi32, #tpu.memory_space<vmem>> -> memref<128xi32, #tpu.memory_space<vmem>>
    %dma_wait3A_1120 = arith.constant 0 : i32
    %dma_wait3A_1121 = arith.constant 0 : i32
    %dma_wait3A_1122 = tpu.memref_slice %arg2[%dma_wait3A_1120, %dma_wait3A_1121] : memref<500736x128xf32, #tpu.memory_space<hbm>> -> memref<500736x128xf32, #tpu.memory_space<hbm>>
    tpu.wait_indirect_dma semaphore(%arg16 : memref<!tpu.dma_semaphore, #tpu.memory_space<semaphore_mem>>) src(%dma_wait3A_1122 : memref<500736x128xf32, #tpu.memory_space<hbm>>) dst(%arg10 : memref<128x128xf32, #tpu.memory_space<vmem>>)
    %add3A_1123 = arith.constant 5888 : i32
    %add3A_1124 = arith.addi %mul3A_4, %add3A_1123 : i32
    %dma_start3A_1125 = arith.constant 0 : i32
    %dma_start3A_1126 = tpu.memref_slice %arg4[%add3A_1124, %dma_start3A_1125] : memref<204800x128xf32, #tpu.memory_space<hbm>> -> memref<128x128xf32, #tpu.memory_space<hbm>>
    %dma_start3A_1127 = arith.constant 0 : i32
    %dma_start3A_1128 = tpu.memref_slice %arg4[%add3A_1124, %dma_start3A_1127] : memref<204800x128xf32, #tpu.memory_space<hbm>> -> memref<128x128xf32, #tpu.memory_space<hbm>>
    tpu.enqueue_dma source(%arg10 : memref<128x128xf32, #tpu.memory_space<vmem>>) target(%dma_start3A_1128 : memref<128x128xf32, #tpu.memory_space<hbm>>) target_semaphore(%arg22 : memref<!tpu.dma_semaphore, #tpu.memory_space<semaphore_mem>>)
    %dma_wait3A_1129 = arith.constant 0 : i32
    %dma_wait3A_1130 = tpu.memref_slice %arg4[%add3A_1052, %dma_wait3A_1129] : memref<204800x128xf32, #tpu.memory_space<hbm>> -> memref<128x128xf32, #tpu.memory_space<hbm>>
    %dma_wait3A_1131 = arith.constant 0 : i32
    %dma_wait3A_1132 = tpu.memref_slice %arg4[%add3A_1052, %dma_wait3A_1131] : memref<204800x128xf32, #tpu.memory_space<hbm>> -> memref<128x128xf32, #tpu.memory_space<hbm>>
    tpu.wait_dma2 semaphore(%arg19 : memref<!tpu.dma_semaphore, #tpu.memory_space<semaphore_mem>>) src(%arg7 : memref<128x128xf32, #tpu.memory_space<vmem>>) dst(%dma_wait3A_1132 : memref<128x128xf32, #tpu.memory_space<hbm>>)
    %dma_start3A_1133 = arith.constant 49 : i32
    %dma_start3A_1134 = arith.constant 0 : i32
    %dma_start3A_1135 = tpu.memref_slice %arg5[%dma_start3A_1133, %dma_start3A_1134] : memref<50x128xi32, #tpu.memory_space<vmem>> -> memref<1x128xi32, #tpu.memory_space<vmem>>
    %dma_start3A_1136 = tpu.memref_squeeze %dma_start3A_1135 : memref<1x128xi32, #tpu.memory_space<vmem>> -> memref<128xi32, #tpu.memory_space<vmem>>
    %dma_start3A_1137 = arith.constant 0 : i32
    %dma_start3A_1138 = arith.constant 0 : i32
    %dma_start3A_1139 = tpu.memref_slice %arg2[%dma_start3A_1137, %dma_start3A_1138] : memref<500736x128xf32, #tpu.memory_space<hbm>> -> memref<500736x128xf32, #tpu.memory_space<hbm>>
    tpu.enqueue_indirect_dma source(%dma_start3A_1139 : memref<500736x128xf32, #tpu.memory_space<hbm>>) target(%arg7 : memref<128x128xf32, #tpu.memory_space<vmem>>) offsets(%dma_start3A_1136 : memref<128xi32, #tpu.memory_space<vmem>>) semaphore(%arg13 : memref<!tpu.dma_semaphore, #tpu.memory_space<semaphore_mem>>)
    %dma_wait3A_1140 = arith.constant 47 : i32
    %dma_wait3A_1141 = arith.constant 0 : i32
    %dma_wait3A_1142 = tpu.memref_slice %arg5[%dma_wait3A_1140, %dma_wait3A_1141] : memref<50x128xi32, #tpu.memory_space<vmem>> -> memref<1x128xi32, #tpu.memory_space<vmem>>
    %dma_wait3A_1143 = tpu.memref_squeeze %dma_wait3A_1142 : memref<1x128xi32, #tpu.memory_space<vmem>> -> memref<128xi32, #tpu.memory_space<vmem>>
    %dma_wait3A_1144 = arith.constant 0 : i32
    %dma_wait3A_1145 = arith.constant 0 : i32
    %dma_wait3A_1146 = tpu.memref_slice %arg2[%dma_wait3A_1144, %dma_wait3A_1145] : memref<500736x128xf32, #tpu.memory_space<hbm>> -> memref<500736x128xf32, #tpu.memory_space<hbm>>
    tpu.wait_indirect_dma semaphore(%arg17 : memref<!tpu.dma_semaphore, #tpu.memory_space<semaphore_mem>>) src(%dma_wait3A_1146 : memref<500736x128xf32, #tpu.memory_space<hbm>>) dst(%arg11 : memref<128x128xf32, #tpu.memory_space<vmem>>)
    %add3A_1147 = arith.constant 6016 : i32
    %add3A_1148 = arith.addi %mul3A_4, %add3A_1147 : i32
    %dma_start3A_1149 = arith.constant 0 : i32
    %dma_start3A_1150 = tpu.memref_slice %arg4[%add3A_1148, %dma_start3A_1149] : memref<204800x128xf32, #tpu.memory_space<hbm>> -> memref<128x128xf32, #tpu.memory_space<hbm>>
    %dma_start3A_1151 = arith.constant 0 : i32
    %dma_start3A_1152 = tpu.memref_slice %arg4[%add3A_1148, %dma_start3A_1151] : memref<204800x128xf32, #tpu.memory_space<hbm>> -> memref<128x128xf32, #tpu.memory_space<hbm>>
    tpu.enqueue_dma source(%arg11 : memref<128x128xf32, #tpu.memory_space<vmem>>) target(%dma_start3A_1152 : memref<128x128xf32, #tpu.memory_space<hbm>>) target_semaphore(%arg23 : memref<!tpu.dma_semaphore, #tpu.memory_space<semaphore_mem>>)
    %dma_wait3A_1153 = arith.constant 48 : i32
    %dma_wait3A_1154 = arith.constant 0 : i32
    %dma_wait3A_1155 = tpu.memref_slice %arg5[%dma_wait3A_1153, %dma_wait3A_1154] : memref<50x128xi32, #tpu.memory_space<vmem>> -> memref<1x128xi32, #tpu.memory_space<vmem>>
    %dma_wait3A_1156 = tpu.memref_squeeze %dma_wait3A_1155 : memref<1x128xi32, #tpu.memory_space<vmem>> -> memref<128xi32, #tpu.memory_space<vmem>>
    %dma_wait3A_1157 = arith.constant 0 : i32
    %dma_wait3A_1158 = arith.constant 0 : i32
    %dma_wait3A_1159 = tpu.memref_slice %arg2[%dma_wait3A_1157, %dma_wait3A_1158] : memref<500736x128xf32, #tpu.memory_space<hbm>> -> memref<500736x128xf32, #tpu.memory_space<hbm>>
    tpu.wait_indirect_dma semaphore(%arg12 : memref<!tpu.dma_semaphore, #tpu.memory_space<semaphore_mem>>) src(%dma_wait3A_1159 : memref<500736x128xf32, #tpu.memory_space<hbm>>) dst(%arg6 : memref<128x128xf32, #tpu.memory_space<vmem>>)
    %add3A_1160 = arith.constant 6144 : i32
    %add3A_1161 = arith.addi %mul3A_4, %add3A_1160 : i32
    %dma_start3A_1162 = arith.constant 0 : i32
    %dma_start3A_1163 = tpu.memref_slice %arg4[%add3A_1161, %dma_start3A_1162] : memref<204800x128xf32, #tpu.memory_space<hbm>> -> memref<128x128xf32, #tpu.memory_space<hbm>>
    %dma_start3A_1164 = arith.constant 0 : i32
    %dma_start3A_1165 = tpu.memref_slice %arg4[%add3A_1161, %dma_start3A_1164] : memref<204800x128xf32, #tpu.memory_space<hbm>> -> memref<128x128xf32, #tpu.memory_space<hbm>>
    tpu.enqueue_dma source(%arg6 : memref<128x128xf32, #tpu.memory_space<vmem>>) target(%dma_start3A_1165 : memref<128x128xf32, #tpu.memory_space<hbm>>) target_semaphore(%arg18 : memref<!tpu.dma_semaphore, #tpu.memory_space<semaphore_mem>>)
    %dma_wait3A_1166 = arith.constant 49 : i32
    %dma_wait3A_1167 = arith.constant 0 : i32
    %dma_wait3A_1168 = tpu.memref_slice %arg5[%dma_wait3A_1166, %dma_wait3A_1167] : memref<50x128xi32, #tpu.memory_space<vmem>> -> memref<1x128xi32, #tpu.memory_space<vmem>>
    %dma_wait3A_1169 = tpu.memref_squeeze %dma_wait3A_1168 : memref<1x128xi32, #tpu.memory_space<vmem>> -> memref<128xi32, #tpu.memory_space<vmem>>
    %dma_wait3A_1170 = arith.constant 0 : i32
    %dma_wait3A_1171 = arith.constant 0 : i32
    %dma_wait3A_1172 = tpu.memref_slice %arg2[%dma_wait3A_1170, %dma_wait3A_1171] : memref<500736x128xf32, #tpu.memory_space<hbm>> -> memref<500736x128xf32, #tpu.memory_space<hbm>>
    tpu.wait_indirect_dma semaphore(%arg13 : memref<!tpu.dma_semaphore, #tpu.memory_space<semaphore_mem>>) src(%dma_wait3A_1172 : memref<500736x128xf32, #tpu.memory_space<hbm>>) dst(%arg7 : memref<128x128xf32, #tpu.memory_space<vmem>>)
    %add3A_1173 = arith.constant 6272 : i32
    %add3A_1174 = arith.addi %mul3A_4, %add3A_1173 : i32
    %dma_start3A_1175 = arith.constant 0 : i32
    %dma_start3A_1176 = tpu.memref_slice %arg4[%add3A_1174, %dma_start3A_1175] : memref<204800x128xf32, #tpu.memory_space<hbm>> -> memref<128x128xf32, #tpu.memory_space<hbm>>
    %dma_start3A_1177 = arith.constant 0 : i32
    %dma_start3A_1178 = tpu.memref_slice %arg4[%add3A_1174, %dma_start3A_1177] : memref<204800x128xf32, #tpu.memory_space<hbm>> -> memref<128x128xf32, #tpu.memory_space<hbm>>
    tpu.enqueue_dma source(%arg7 : memref<128x128xf32, #tpu.memory_space<vmem>>) target(%dma_start3A_1178 : memref<128x128xf32, #tpu.memory_space<hbm>>) target_semaphore(%arg19 : memref<!tpu.dma_semaphore, #tpu.memory_space<semaphore_mem>>)
    %dma_wait3A_1179 = arith.constant 0 : i32
    %dma_wait3A_1180 = tpu.memref_slice %arg4[%add3A_1076, %dma_wait3A_1179] : memref<204800x128xf32, #tpu.memory_space<hbm>> -> memref<128x128xf32, #tpu.memory_space<hbm>>
    %dma_wait3A_1181 = arith.constant 0 : i32
    %dma_wait3A_1182 = tpu.memref_slice %arg4[%add3A_1076, %dma_wait3A_1181] : memref<204800x128xf32, #tpu.memory_space<hbm>> -> memref<128x128xf32, #tpu.memory_space<hbm>>
    tpu.wait_dma2 semaphore(%arg20 : memref<!tpu.dma_semaphore, #tpu.memory_space<semaphore_mem>>) src(%arg8 : memref<128x128xf32, #tpu.memory_space<vmem>>) dst(%dma_wait3A_1182 : memref<128x128xf32, #tpu.memory_space<hbm>>)
    %dma_wait3A_1183 = arith.constant 0 : i32
    %dma_wait3A_1184 = tpu.memref_slice %arg4[%add3A_1100, %dma_wait3A_1183] : memref<204800x128xf32, #tpu.memory_space<hbm>> -> memref<128x128xf32, #tpu.memory_space<hbm>>
    %dma_wait3A_1185 = arith.constant 0 : i32
    %dma_wait3A_1186 = tpu.memref_slice %arg4[%add3A_1100, %dma_wait3A_1185] : memref<204800x128xf32, #tpu.memory_space<hbm>> -> memref<128x128xf32, #tpu.memory_space<hbm>>
    tpu.wait_dma2 semaphore(%arg21 : memref<!tpu.dma_semaphore, #tpu.memory_space<semaphore_mem>>) src(%arg9 : memref<128x128xf32, #tpu.memory_space<vmem>>) dst(%dma_wait3A_1186 : memref<128x128xf32, #tpu.memory_space<hbm>>)
    %dma_wait3A_1187 = arith.constant 0 : i32
    %dma_wait3A_1188 = tpu.memref_slice %arg4[%add3A_1124, %dma_wait3A_1187] : memref<204800x128xf32, #tpu.memory_space<hbm>> -> memref<128x128xf32, #tpu.memory_space<hbm>>
    %dma_wait3A_1189 = arith.constant 0 : i32
    %dma_wait3A_1190 = tpu.memref_slice %arg4[%add3A_1124, %dma_wait3A_1189] : memref<204800x128xf32, #tpu.memory_space<hbm>> -> memref<128x128xf32, #tpu.memory_space<hbm>>
    tpu.wait_dma2 semaphore(%arg22 : memref<!tpu.dma_semaphore, #tpu.memory_space<semaphore_mem>>) src(%arg10 : memref<128x128xf32, #tpu.memory_space<vmem>>) dst(%dma_wait3A_1190 : memref<128x128xf32, #tpu.memory_space<hbm>>)
    %dma_wait3A_1191 = arith.constant 0 : i32
    %dma_wait3A_1192 = tpu.memref_slice %arg4[%add3A_1148, %dma_wait3A_1191] : memref<204800x128xf32, #tpu.memory_space<hbm>> -> memref<128x128xf32, #tpu.memory_space<hbm>>
    %dma_wait3A_1193 = arith.constant 0 : i32
    %dma_wait3A_1194 = tpu.memref_slice %arg4[%add3A_1148, %dma_wait3A_1193] : memref<204800x128xf32, #tpu.memory_space<hbm>> -> memref<128x128xf32, #tpu.memory_space<hbm>>
    tpu.wait_dma2 semaphore(%arg23 : memref<!tpu.dma_semaphore, #tpu.memory_space<semaphore_mem>>) src(%arg11 : memref<128x128xf32, #tpu.memory_space<vmem>>) dst(%dma_wait3A_1194 : memref<128x128xf32, #tpu.memory_space<hbm>>)
    %dma_wait3A_1195 = arith.constant 0 : i32
    %dma_wait3A_1196 = tpu.memref_slice %arg4[%add3A_1161, %dma_wait3A_1195] : memref<204800x128xf32, #tpu.memory_space<hbm>> -> memref<128x128xf32, #tpu.memory_space<hbm>>
    %dma_wait3A_1197 = arith.constant 0 : i32
    %dma_wait3A_1198 = tpu.memref_slice %arg4[%add3A_1161, %dma_wait3A_1197] : memref<204800x128xf32, #tpu.memory_space<hbm>> -> memref<128x128xf32, #tpu.memory_space<hbm>>
    tpu.wait_dma2 semaphore(%arg18 : memref<!tpu.dma_semaphore, #tpu.memory_space<semaphore_mem>>) src(%arg6 : memref<128x128xf32, #tpu.memory_space<vmem>>) dst(%dma_wait3A_1198 : memref<128x128xf32, #tpu.memory_space<hbm>>)
    %dma_wait3A_1199 = arith.constant 0 : i32
    %dma_wait3A_1200 = tpu.memref_slice %arg4[%add3A_1174, %dma_wait3A_1199] : memref<204800x128xf32, #tpu.memory_space<hbm>> -> memref<128x128xf32, #tpu.memory_space<hbm>>
    %dma_wait3A_1201 = arith.constant 0 : i32
    %dma_wait3A_1202 = tpu.memref_slice %arg4[%add3A_1174, %dma_wait3A_1201] : memref<204800x128xf32, #tpu.memory_space<hbm>> -> memref<128x128xf32, #tpu.memory_space<hbm>>
    tpu.wait_dma2 semaphore(%arg19 : memref<!tpu.dma_semaphore, #tpu.memory_space<semaphore_mem>>) src(%arg7 : memref<128x128xf32, #tpu.memory_space<vmem>>) dst(%dma_wait3A_1202 : memref<128x128xf32, #tpu.memory_space<hbm>>)
    return
  }
}

module attributes {stable_mosaic.version = 14 : i64} {
  func.func @body(%arg0: i32, %arg1: memref<64x2048xf32, #tpu.memory_space<vmem>>, %arg2: memref<64x64xf32, #tpu.memory_space<vmem>>, %arg3: memref<1024x128xf32, #tpu.memory_space<vmem>>) attributes {dimension_semantics = [#tpu.dimension_semantics<arbitrary>], iteration_bounds = array<i64: 489>, scalar_prefetch = 0 : i64, scratch_operands = 0 : i64, tpu.core_type = #tpu.core_type<tc>, window_params = [{transform_indices = @transform_0, window_bounds = array<i64: 64, 2048>}, {pipeline_mode = #tpu.pipeline_mode<synchronous>, transform_indices = @transform_1, window_bounds = array<i64: 64, 64>}, {transform_indices = @transform_2, window_bounds = array<i64: 1024, 128>}]} {
    %get3A = arith.constant 0 : index
    %get3A_0 = arith.constant 0 : index
    %get3A_1 = vector.load %arg2[%get3A, %get3A_0] : memref<64x64xf32, #tpu.memory_space<vmem>>, vector<64x64xf32>
    %get3A_2 = arith.constant 0 : index
    %get3A_3 = arith.constant 0 : index
    %get3A_4 = vector.load %arg1[%get3A_2, %get3A_3] : memref<64x2048xf32, #tpu.memory_space<vmem>>, vector<64x2048xf32>
    %slice3A = vector.extract_strided_slice %get3A_4 {offsets = [0, 0], sizes = [64, 1024], strides = [1, 1]} : vector<64x2048xf32> to vector<64x1024xf32>
    %convert_element_type3A = arith.truncf %slice3A : vector<64x1024xf32> to vector<64x1024xbf16>
    %convert_element_type3A_5 = arith.extf %convert_element_type3A : vector<64x1024xbf16> to vector<64x1024xf32>
    %slice3A_6 = vector.extract_strided_slice %get3A_4 {offsets = [0, 1024], sizes = [64, 1024], strides = [1, 1]} : vector<64x2048xf32> to vector<64x1024xf32>
    %convert_element_type3A_7 = arith.truncf %slice3A_6 : vector<64x1024xf32> to vector<64x1024xbf16>
    %convert_element_type3A_8 = arith.extf %convert_element_type3A_7 : vector<64x1024xbf16> to vector<64x1024xf32>
    %dot_general3A = arith.constant dense<0.000000e+00> : vector<1024x64xf32>
    %dot_general3A_9 = tpu.matmul %convert_element_type3A_5, %get3A_1, %dot_general3A {dimension_numbers = #tpu.dot_dimension_numbers<[0], [0], [1], [1], [0, 1, 1, 1], [], []>, transpose_lhs_hint = false} : vector<64x1024xf32>, vector<64x64xf32>, vector<1024x64xf32> -> vector<1024x64xf32>
    %dot_general3A_10 = arith.constant dense<0.000000e+00> : vector<1024x64xf32>
    %dot_general3A_11 = tpu.matmul %convert_element_type3A_8, %get3A_1, %dot_general3A_10 {dimension_numbers = #tpu.dot_dimension_numbers<[0], [0], [1], [1], [0, 1, 1, 1], [], []>, transpose_lhs_hint = false} : vector<64x1024xf32>, vector<64x64xf32>, vector<1024x64xf32> -> vector<1024x64xf32>
    %concatenate3A = tpu.concatenate %dot_general3A_9, %dot_general3A_11 in 1 : vector<1024x64xf32>, vector<1024x64xf32> -> vector<1024x128xf32>
    %swap3A = arith.constant 0 : index
    %swap3A_12 = arith.constant 0 : index
    %swap3A_13 = vector.load %arg3[%swap3A, %swap3A_12] : memref<1024x128xf32, #tpu.memory_space<vmem>>, vector<1024x128xf32>
    tpu.vector_store %arg3[%swap3A, %swap3A_12], %concatenate3A {strides = array<i32>} : memref<1024x128xf32, #tpu.memory_space<vmem>>, vector<1024x128xf32>,
    return
  }
  func.func @transform_0(%arg0: i32) -> (i32, i32) {
    %c0_i32 = arith.constant 0 : i32
    %c0_i32_0 = arith.constant 0 : i32
    return %c0_i32, %arg0 : i32, i32
  }
  func.func @transform_1(%arg0: i32) -> (i32, i32) {
    %c0_i32 = arith.constant 0 : i32
    %c0_i32_0 = arith.constant 0 : i32
    %c0_i32_1 = arith.constant 0 : i32
    return %c0_i32, %c0_i32_0 : i32, i32
  }
  func.func @transform_2(%arg0: i32) -> (i32, i32) {
    %c0_i32 = arith.constant 0 : i32
    %c0_i32_0 = arith.constant 0 : i32
    return %arg0, %c0_i32 : i32, i32
  }
}

module attributes {stable_mosaic.version = 14 : i64} {
  func.func @body(%arg0: i32, %arg1: memref<6400x128xf32, #tpu.memory_space<vmem>>, %arg2: memref<128x50xi32, #tpu.memory_space<vmem>>, %arg3: memref<128x128xf32, #tpu.memory_space<vmem>>, %arg4: memref<128x128xf32, #tpu.memory_space<vmem>>, %arg5: memref<1x1x128xf32, #tpu.memory_space<vmem>>, %arg6: memref<1x1x128xf32, #tpu.memory_space<vmem>>, %arg7: memref<1x1x128xf32, #tpu.memory_space<vmem>>, %arg8: memref<1x1xf32, #tpu.memory_space<vmem>>, %arg9: memref<128x50xf32, #tpu.memory_space<vmem>>, %arg10: memref<128x1xi32, #tpu.memory_space<vmem>>) attributes {dimension_semantics = [#tpu.dimension_semantics<arbitrary>], iteration_bounds = array<i64: 32>, scalar_prefetch = 0 : i64, scratch_operands = 0 : i64, tpu.core_type = #tpu.core_type<tc>, window_params = [{transform_indices = @transform_0, window_bounds = array<i64: 6400, 128>}, {transform_indices = @transform_1, window_bounds = array<i64: 128, 50>}, {transform_indices = @transform_2, window_bounds = array<i64: 128, 128>}, {pipeline_mode = #tpu.pipeline_mode<synchronous>, transform_indices = @transform_3, window_bounds = array<i64: 128, 128>}, {pipeline_mode = #tpu.pipeline_mode<synchronous>, transform_indices = @transform_4, window_bounds = array<i64: 1, 1, 128>}, {pipeline_mode = #tpu.pipeline_mode<synchronous>, transform_indices = @transform_5, window_bounds = array<i64: 1, 1, 128>}, {pipeline_mode = #tpu.pipeline_mode<synchronous>, transform_indices = @transform_6, window_bounds = array<i64: 1, 1, 128>}, {pipeline_mode = #tpu.pipeline_mode<synchronous>, transform_indices = @transform_7, window_bounds = array<i64: 1, 1>}, {transform_indices = @transform_8, window_bounds = array<i64: 128, 50>}, {transform_indices = @transform_9, window_bounds = array<i64: 128, 1>}]} {
    %get3A = arith.constant 0 : index
    %get3A_0 = arith.constant 0 : index
    %get3A_1 = vector.load %arg1[%get3A, %get3A_0] : memref<6400x128xf32, #tpu.memory_space<vmem>>, vector<6400x128xf32>
    %convert_element_type3A = arith.truncf %get3A_1 : vector<6400x128xf32> to vector<6400x128xbf16>
    %get3A_2 = arith.constant 0 : index
    %get3A_3 = arith.constant 0 : index
    %get3A_4 = vector.load %arg4[%get3A_2, %get3A_3] : memref<128x128xf32, #tpu.memory_space<vmem>>, vector<128x128xf32>
    %convert_element_type3A_5 = arith.truncf %get3A_4 : vector<128x128xf32> to vector<128x128xbf16>
    %dot_general3A = arith.constant dense<0.000000e+00> : vector<6400x128xf32>
    %dot_general3A_6 = tpu.matmul %convert_element_type3A, %convert_element_type3A_5, %dot_general3A {dimension_numbers = #tpu.dot_dimension_numbers<[1], [0], [0], [1], [0, 0, 1, 1], [], []>, transpose_lhs_hint = false} : vector<6400x128xbf16>, vector<128x128xbf16>, vector<6400x128xf32> -> vector<6400x128xf32>
    %reshape3A = vector.shape_cast %dot_general3A_6 : vector<6400x128xf32> to vector<128x50x128xf32>
    %get3A_7 = arith.constant 0 : index
    %get3A_8 = arith.constant 0 : index
    %get3A_9 = arith.constant 0 : index
    %get3A_10 = vector.load %arg5[%get3A_7, %get3A_8, %get3A_9] : memref<1x1x128xf32, #tpu.memory_space<vmem>>, vector<1x1x128xf32>
    %add3A = vector.broadcast %get3A_10 : vector<1x1x128xf32> to vector<128x50x128xf32>
    %add3A_11 = arith.addf %reshape3A, %add3A : vector<128x50x128xf32>
    %get3A_12 = arith.constant 0 : index
    %get3A_13 = arith.constant 0 : index
    %get3A_14 = vector.load %arg3[%get3A_12, %get3A_13] : memref<128x128xf32, #tpu.memory_space<vmem>>, vector<128x128xf32>
    %reshape3A_15 = vector.shape_cast %get3A_14 : vector<128x128xf32> to vector<128x1x128xf32>
    %mul3A = vector.broadcast %reshape3A_15 : vector<128x1x128xf32> to vector<128x50x128xf32>
    %mul3A_16 = arith.mulf %add3A_11, %mul3A : vector<128x50x128xf32>
    %convert_element_type3A_17 = arith.truncf %mul3A_16 : vector<128x50x128xf32> to vector<128x50x128xbf16>
    %convert_element_type3A_18 = arith.extf %convert_element_type3A_17 : vector<128x50x128xbf16> to vector<128x50x128xf32>
    %get3A_19 = arith.constant 0 : index
    %get3A_20 = arith.constant 0 : index
    %get3A_21 = arith.constant 0 : index
    %get3A_22 = vector.load %arg6[%get3A_19, %get3A_20, %get3A_21] : memref<1x1x128xf32, #tpu.memory_space<vmem>>, vector<1x1x128xf32>
    %convert_element_type3A_23 = arith.truncf %get3A_22 : vector<1x1x128xf32> to vector<1x1x128xbf16>
    %convert_element_type3A_24 = arith.extf %convert_element_type3A_23 : vector<1x1x128xbf16> to vector<1x1x128xf32>
    %get3A_25 = arith.constant 0 : index
    %get3A_26 = arith.constant 0 : index
    %get3A_27 = arith.constant 0 : index
    %get3A_28 = vector.load %arg7[%get3A_25, %get3A_26, %get3A_27] : memref<1x1x128xf32, #tpu.memory_space<vmem>>, vector<1x1x128xf32>
    %convert_element_type3A_29 = arith.truncf %get3A_28 : vector<1x1x128xf32> to vector<1x1x128xbf16>
    %convert_element_type3A_30 = arith.extf %convert_element_type3A_29 : vector<1x1x128xbf16> to vector<1x1x128xf32>
    %get3A_31 = arith.constant 0 : index
    %get3A_32 = arith.constant 0 : index
    %get3A_33 = vector.load %arg2[%get3A_31, %get3A_32] : memref<128x50xi32, #tpu.memory_space<vmem>>, vector<128x50xi32>
    %reshape3A_34 = vector.shape_cast %get3A_33 : vector<128x50xi32> to vector<128x50x1xi32>
    %eq3A = arith.constant 1 : i32
    %eq3A_35 = vector.broadcast %eq3A : i32 to vector<128x50x1xi32>
    %eq3A_36 = arith.cmpi eq, %reshape3A_34, %eq3A_35 : vector<128x50x1xi32>
    %broadcast_in_dim3A = vector.shape_cast %eq3A_36 : vector<128x50x1xi1> to vector<128x50x1xi1>
    %broadcast_in_dim3A_37 = vector.broadcast %broadcast_in_dim3A : vector<128x50x1xi1> to vector<128x50x128xi1>
    %broadcast_in_dim3A_38 = vector.shape_cast %convert_element_type3A_30 : vector<1x1x128xf32> to vector<1x1x128xf32>
    %broadcast_in_dim3A_39 = vector.broadcast %broadcast_in_dim3A_38 : vector<1x1x128xf32> to vector<128x50x128xf32>
    %broadcast_in_dim3A_40 = vector.shape_cast %convert_element_type3A_24 : vector<1x1x128xf32> to vector<1x1x128xf32>
    %broadcast_in_dim3A_41 = vector.broadcast %broadcast_in_dim3A_40 : vector<1x1x128xf32> to vector<128x50x128xf32>
    %select_n3A = arith.select %broadcast_in_dim3A_37, %broadcast_in_dim3A_39, %broadcast_in_dim3A_41 : vector<128x50x128xi1>, vector<128x50x128xf32>
    %mul3A_42 = arith.mulf %convert_element_type3A_18, %select_n3A : vector<128x50x128xf32>
    %reduce_sum3A = arith.constant dense<0.000000e+00> : vector<128x50xf32>
    %reduce_sum3A_43 = vector.multi_reduction <add>, %mul3A_42, %reduce_sum3A [2] : vector<128x50x128xf32> to vector<128x50xf32>
    %get3A_44 = arith.constant 0 : index
    %get3A_45 = arith.constant 0 : index
    %get3A_46 = vector.load %arg8[%get3A_44, %get3A_45] : memref<1x1xf32, #tpu.memory_space<vmem>>, vector<1x1xf32>
    %add3A_47 = vector.broadcast %get3A_46 : vector<1x1xf32> to vector<128x50xf32>
    %add3A_48 = arith.addf %reduce_sum3A_43, %add3A_47 : vector<128x50xf32>
    %swap3A = arith.constant 0 : index
    %swap3A_49 = arith.constant 0 : index
    %swap3A_50 = vector.load %arg9[%swap3A, %swap3A_49] : memref<128x50xf32, #tpu.memory_space<vmem>>, vector<128x50xf32>
    tpu.vector_store %arg9[%swap3A, %swap3A_49], %add3A_48 {strides = array<i32>} : memref<128x50xf32, #tpu.memory_space<vmem>>, vector<128x50xf32>,
    %reduce_max3A = arith.constant dense<0xFF800000> : vector<128xf32>
    %reduce_max3A_51 = vector.multi_reduction <maximumf>, %add3A_48, %reduce_max3A [1] : vector<128x50xf32> to vector<128xf32>
    %broadcast_in_dim3A_52 = vector.shape_cast %reduce_max3A_51 : vector<128xf32> to vector<128x1xf32>
    %iota3A = tpu.iota {dimensions = array<i32: 1>} : vector<128x50xi32>
    %eq3A_53 = vector.broadcast %broadcast_in_dim3A_52 : vector<128x1xf32> to vector<128x50xf32>
    %eq3A_54 = arith.cmpf oeq, %add3A_48, %eq3A_53 : vector<128x50xf32>
    %jit3A = arith.constant 50 : i32
    %broadcast_in_dim3A_55 = vector.broadcast %jit3A : i32 to vector<128x50xi32>
    %select_n3A_56 = arith.select %eq3A_54, %iota3A, %broadcast_in_dim3A_55 : vector<128x50xi1>, vector<128x50xi32>
    %reduce_min3A = arith.constant dense<2147483647> : vector<128xi32>
    %reduce_min3A_57 = vector.multi_reduction <minsi>, %select_n3A_56, %reduce_min3A [1] : vector<128x50xi32> to vector<128xi32>
    %broadcast_in_dim3A_58 = vector.shape_cast %reduce_min3A_57 : vector<128xi32> to vector<128x1xi32>
    %swap3A_59 = arith.constant 0 : index
    %swap3A_60 = arith.constant 0 : index
    %swap3A_61 = vector.load %arg10[%swap3A_59, %swap3A_60] : memref<128x1xi32, #tpu.memory_space<vmem>>, vector<128x1xi32>
    tpu.vector_store %arg10[%swap3A_59, %swap3A_60], %broadcast_in_dim3A_58 {strides = array<i32>} : memref<128x1xi32, #tpu.memory_space<vmem>>, vector<128x1xi32>,
    return
  }
  func.func @transform_0(%arg0: i32) -> (i32, i32) {
    %c0_i32 = arith.constant 0 : i32
    %c0_i32_0 = arith.constant 0 : i32
    return %arg0, %c0_i32 : i32, i32
  }
  func.func @transform_1(%arg0: i32) -> (i32, i32) {
    %c0_i32 = arith.constant 0 : i32
    %c0_i32_0 = arith.constant 0 : i32
    return %arg0, %c0_i32 : i32, i32
  }
  func.func @transform_2(%arg0: i32) -> (i32, i32) {
    %c0_i32 = arith.constant 0 : i32
    %c0_i32_0 = arith.constant 0 : i32
    return %arg0, %c0_i32 : i32, i32
  }
  func.func @transform_3(%arg0: i32) -> (i32, i32) {
    %c0_i32 = arith.constant 0 : i32
    %c0_i32_0 = arith.constant 0 : i32
    %c0_i32_1 = arith.constant 0 : i32
    return %c0_i32, %c0_i32_0 : i32, i32
  }
  func.func @transform_4(%arg0: i32) -> (i32, i32, i32) {
    %c0_i32 = arith.constant 0 : i32
    %c0_i32_0 = arith.constant 0 : i32
    %c0_i32_1 = arith.constant 0 : i32
    %c0_i32_2 = arith.constant 0 : i32
    return %c0_i32, %c0_i32_0, %c0_i32_1 : i32, i32, i32
  }
  func.func @transform_5(%arg0: i32) -> (i32, i32, i32) {
    %c0_i32 = arith.constant 0 : i32
    %c0_i32_0 = arith.constant 0 : i32
    %c0_i32_1 = arith.constant 0 : i32
    %c0_i32_2 = arith.constant 0 : i32
    return %c0_i32, %c0_i32_0, %c0_i32_1 : i32, i32, i32
  }
  func.func @transform_6(%arg0: i32) -> (i32, i32, i32) {
    %c0_i32 = arith.constant 0 : i32
    %c0_i32_0 = arith.constant 0 : i32
    %c0_i32_1 = arith.constant 0 : i32
    %c0_i32_2 = arith.constant 0 : i32
    return %c0_i32, %c0_i32_0, %c0_i32_1 : i32, i32, i32
  }
  func.func @transform_7(%arg0: i32) -> (i32, i32) {
    %c0_i32 = arith.constant 0 : i32
    %c0_i32_0 = arith.constant 0 : i32
    %c0_i32_1 = arith.constant 0 : i32
    return %c0_i32, %c0_i32_0 : i32, i32
  }
  func.func @transform_8(%arg0: i32) -> (i32, i32) {
    %c0_i32 = arith.constant 0 : i32
    %c0_i32_0 = arith.constant 0 : i32
    return %arg0, %c0_i32 : i32, i32
  }
  func.func @transform_9(%arg0: i32) -> (i32, i32) {
    %c0_i32 = arith.constant 0 : i32
    %c0_i32_0 = arith.constant 0 : i32
    return %arg0, %c0_i32 : i32, i32
  }
}

</mosaic_0001>

<sc_bundles>
// kernel: kernel.5.cloned.1.call-start
scs
__scs_entry_jumppad:
0x0: {  	(pc) =	sbr.rel $0x88, $3  }
0x1: {  	(tag) =	ssettag $0x0;
	lr =	simm.s32 $0x1  }
0x2: {  	[smem:$0x3F9A] =	sst lr;
	_ =	strace $0xD0000000  }
0x3: {  	_ = 	snop  }
0x4: {  	_ = 	snop  }
0x5: {  	_ = 	snop  }
0x6: {  	_ = 	snop  }
0x7: {  	_ = 	snop  }
__scs_overlays_trampoline_lowered:
0x8: {  	[smem:$0x3FA9] =	sst s0  }
0x9: {  	[smem:$0x3FAA] =	sst s1  }
0xa: {  	[smem:$0x3FAB] =	sst s2  }
0xb: {  	[smem:$0x3FAC] =	sst s3  }
0xc: {  	[smem:$0x3FAD] =	sst s4  }
0xd: {  	[smem:$0x3FAE] =	sst s5  }
0xe: {  	[smem:$0x3FAF] =	sst s6  }
0xf: {  	[smem:$0x3FB0] =	sst s7  }
0x10: {  	[smem:$0x3FB1] =	sst s8  }
0x11: {  	[smem:$0x3FB2] =	sst s9;
	s0 =	simm.s32 @!p0 $0x0  }
0x12: {  	s1 =	sld [smem:$0x3F98];
	s0 =	simm.s32 @p0 $0x1  }
0x13: {  	[smem:$0x3FB3] =	sst s0;
	s0 =	simm.s32 @!p1 $0x0  }
0x14: {  	s2 =	sld [smem:$0x3F97];
	s0 =	simm.s32 @p1 $0x1  }
0x15: {  	[smem:$0x3FB4] =	sst s0;
	s0 =	simm.s32 @!p2 $0x0  }
0x16: {  	s3 =	sld [smem:$0x3FDB];
	s0 =	simm.s32 @p2 $0x1  }
0x17: {  	s4 =	simm.s32 $0x1BF5;
	[smem:$0x3FB6] =	sst s0  }
0x18: {  	s0 =	sld [smem:$0x3F99];
	_ =	swait.ge [sflag:s4], $0x0  }
0x19: {  	s7 =	sld [smem:$0x3F9A]  }
0x1a: {  	s8 =	sadd.s32 $0xFFFFE003, lr  }
0x1b: {  	s9 =	sadd.s32 $0xFFFFFEF7, lr;
	s5 =	simm.s32 $0xFFFFFFFF;
	p2 =	slt.u32 s8, $0xFFFFF086  }
0x1c: {  	p1 =	slt.u32 s9, $0xF7A;
	s5 =	simm.s32 @!p2 $0x0  }
0x1d: {  	s5 =	simm.s32 @p1 $0x1;
	p0 =	seq.s32 s7, s2  }
0x1e: {  	s7 =	smul.u32 @!p0 $0xF7A, s2;
	p2 =	seq.s32 @!p0 s5, $0x0  }
0x1f: {  	s9 =	smul.u32 $0xF7A, s1;
	s8 =	simm.s32 @!p0 $0x1BF5;
	p2 =	por !p2, p0  }
0x20: {  	[sflag:s8] =	ssyncset.s32 @!p0 $0xFFFFF086;
	s6 =	sadd.s32 @!p0 s3, s7;
	s7 =	simm.s32 @!p0 $0x108  }
0x21: {  	s3 =	sadd.s32 s3, s9;
	s6 =	sadd.s32 @!p0 $0x88, s6;
	s7 =	simm.s32 @p2 $0x1082  }
0x22: {  	[simem:s7], [sflag:s8] =	dma.local @!p0 [hbm:s6], $0xF7A  }
0x23: {  	s9 =	sor.u32 $0xD0000000, s2;
	s6 =	simm.s32 $0x108;
	_ =	swait.ge @!p0 [sflag:s8], $0x0  }
0x24: {  	s3 =	sadd.s32 $0x88, s3;
	s6 =	simm.s32 @!p1 $0x1082;
	[sflag:s4] =	ssyncset.s32 $0xFFFFF086  }
0x25: {  	[simem:s6], [sflag:s4] =	dma.local [hbm:s3], $0xF7A  }
0x26: {  	[smem:$0x3F9A] =	sst s1;
	(tag) =	ssettag s2;
	_ =	strace s9  }
0x27: {  	s1 =	sld [smem:$0x3FAA]  }
0x28: {  	s2 =	sld [smem:$0x3FAB]  }
0x29: {  	s4 =	sld [smem:$0x3FAD]  }
0x2a: {  	p0 =	seq.s32 s5, $0x0;
	s5 =	sld [smem:$0x3FAE]  }
0x2b: {  	s6 =	sld [smem:$0x3FAF]  }
0x2c: {  	s7 =	sld [smem:$0x3FB0]  }
0x2d: {  	s3 =	simm.s32 $0x108;
	s8 =	sld [smem:$0x3FB1]  }
0x2e: {  	s3 =	simm.s32 @!p0 $0x1082;
	s9 =	sld [smem:$0x3FB2]  }
0x2f: {  	lr =	sadd.s32 s0, s3;
	s0 =	sld [smem:$0x3FA9]  }
0x30: {  	s3 =	sld [smem:$0x3FAC]  }
0x31: {  	[smem:$0x3FB5] =	sst s10  }
0x32: {  	s10 =	sld [smem:$0x3FB3];
	_ =	sdelay $0x3  }
0x33: {  	p0 =	seq.s32 s10, $0x1;
	s10 =	sld [smem:$0x3FB5];
	_ =	sdelay $0x3  }
0x34: {  	[smem:$0x3FB5] =	sst s10  }
0x35: {  	s10 =	sld [smem:$0x3FB4];
	_ =	sdelay $0x3  }
0x36: {  	p1 =	seq.s32 s10, $0x1;
	s10 =	sld [smem:$0x3FB5];
	_ =	sdelay $0x3  }
0x37: {  	[smem:$0x3FB5] =	sst s10  }
0x38: {  	s10 =	sld [smem:$0x3FB6]  }
0x39: {  	_ = 	snop;
	(pc) =	sbr.ind lr, $3  }
0x3a: {  	_ = 	snop  }
0x3b: {  	_ = 	snop  }
0x3c: {  	p2 =	seq.s32 s10, $0x1;
	s10 =	sld [smem:$0x3FB5]  }
0x3d: {  	_ =	shalt  }
0x3e: {  	_ =	shalt  }
0x3f: {  	_ =	shalt  }
0x40: {  	_ =	shalt  }
0x41: {  	_ =	shalt  }
0x42: {  	_ =	shalt  }
0x43: {  	_ =	shalt  }
0x44: {  	_ =	shalt  }
0x45: {  	_ =	shalt  }
0x46: {  	_ =	shalt  }
0x47: {  	_ =	shalt  }
0x48: {  	_ =	shalt  }
0x49: {  	_ =	shalt  }
0x4a: {  	_ =	shalt  }
0x4b: {  	_ =	shalt  }
0x4c: {  	_ =	shalt  }
0x4d: {  	_ =	shalt  }
0x4e: {  	_ =	shalt  }
0x4f: {  	_ =	shalt  }
0x50: {  	_ =	shalt  }
0x51: {  	_ =	shalt  }
0x52: {  	_ =	shalt  }
0x53: {  	_ =	shalt  }
0x54: {  	_ =	shalt  }
0x55: {  	_ =	shalt  }
0x56: {  	_ =	shalt  }
0x57: {  	_ =	shalt  }
0x58: {  	_ =	shalt  }
0x59: {  	_ =	shalt  }
0x5a: {  	_ =	shalt  }
0x5b: {  	_ =	shalt  }
0x5c: {  	_ =	shalt  }
0x5d: {  	_ =	shalt  }
0x5e: {  	_ =	shalt  }
0x5f: {  	_ =	shalt  }
0x60: {  	_ =	shalt  }
0x61: {  	_ =	shalt  }
0x62: {  	_ =	shalt  }
0x63: {  	_ =	shalt  }
0x64: {  	_ =	shalt  }
0x65: {  	_ =	shalt  }
0x66: {  	_ =	shalt  }
0x67: {  	_ =	shalt  }
0x68: {  	_ =	shalt  }
0x69: {  	_ =	shalt  }
0x6a: {  	_ =	shalt  }
0x6b: {  	_ =	shalt  }
0x6c: {  	_ =	shalt  }
0x6d: {  	_ =	shalt  }
0x6e: {  	_ =	shalt  }
0x6f: {  	_ =	shalt  }
0x70: {  	_ =	shalt  }
0x71: {  	_ =	shalt  }
0x72: {  	_ =	shalt  }
0x73: {  	_ =	shalt  }
0x74: {  	_ =	shalt  }
0x75: {  	_ =	shalt  }
0x76: {  	_ =	shalt  }
0x77: {  	_ =	shalt  }
0x78: {  	_ =	shalt  }
0x79: {  	_ =	shalt  }
0x7a: {  	_ =	shalt  }
0x7b: {  	_ =	shalt  }
0x7c: {  	_ =	shalt  }
0x7d: {  	_ =	shalt  }
0x7e: {  	_ =	shalt  }
0x7f: {  	_ =	shalt  }
0x80: {  	_ =	shalt  }
0x81: {  	_ =	shalt  }
0x82: {  	_ =	shalt  }
0x83: {  	_ =	shalt  }
0x84: {  	_ =	shalt  }
0x85: {  	_ =	shalt  }
0x86: {  	_ =	shalt  }
0x87: {  	_ =	shalt  }
.Lfunc_end0:
.L_simem_size_0:
called_computation_lowered:
.L_overlay_start_0:
0x88: {  	s2 =	sld [smem:$0x3FD9]  }
0x89: {  	s3 =	sld [smem:$0x3FFE];
	_ =	sdelay $0x1  }
0x8a: {  	s1 =	srdreg.scid  }
0x8b: {  	s0 =	sand.u32 $0x1, s1  }
0x8c: {  	s14 =	sshll.u32 s0, $0xA;
	s2 =	sadd.s32 s3, s2  }
0x8d: {  	s2 =	sadd.s32 s2, s14  }
0x8e: {  	[smem:$0x3FC1] =	sst s2  }
0x8f: {  	_ = 	snop  }
0x90: {  	s2 =	sld [smem:$0x3FD0];
	_ =	sdelay $0x2  }
0x91: {  	s15 =	simm.s32 $0xA;
	s4 =	simm.s32 $0x10  }
0x92: {  	[smem:s4], [sflag:s15] =	dma.local [hbm:s2], $0x1  }
0x93: {  	_ =	swait.eq [sflag:s15], $0x1  }
0x94: {  	[sflag:s15] =	ssyncset.done $0x0  }
0x95: {  	[sflag:s15] =	ssyncadd.s32 $0xFFFFFFFF  }
0x96: {  	s16 =	sld [smem:$0x10];
	(tm) =	ssettm $0x1  }
0x97: {  	s17 =	sld [smem:$0x3FFB];
	_ =	sdelay $0x3  }
0x98: {  	_ =	strace s17  }
0x99: {  	s3 =	sld [smem:$0x3FFC];
	_ =	sdelay $0x3  }
0x9a: {  	_ =	strace s3  }
0x9b: {  	s3 =	sld [smem:$0x3FFD];
	_ =	sdelay $0x3  }
0x9c: {  	_ =	strace s3  }
0x9d: {  	_ =	strace $0x8FFFFFFF  }
0x9e: {  	s18 =	sld [smem:$0x3FDB];
	_ =	sdelay $0x1  }
0x9f: {  	s19 =	simm.s32 $_scs_section_size  }
0xa0: {  	s5 =	simm.s32 $_size__tile_overlayer_lowered;
	s6 =	simm.s32 $_tile_overlayer_lowered  }
0xa1: {  	s22 =	simm.s32 $0x1BFF;
	s21 =	sshll.u32 s6, $0x1;
	s3 =	sadd.s32 s19, s18  }
0xa2: {  	s7 =	simm.s32 $0x0;
	s20 =	sshll.u32 s5, $0x1;
	s5 =	sadd.s32 s21, s3  }
0xa3: {  	[timem:s7], [sflag:s22] =	dma.local [hbm:s5], s20  }
0xa4: {  	_ =	swait.ge [sflag:s22], s20  }
0xa5: {  	s4 =	ssub.s32 $0x0, s20;
	[sflag:s22] =	ssyncset.done $0x0  }
0xa6: {  	[sflag:s22] =	ssyncadd.s32 s4;
	_ =	sdelay $0x1  }
0xa7: {  	s23 =	simm.s32 $0x1B8B  }
0xa8: {  	_ =	swait.ge [sflag:s23], $0x1  }
0xa9: {  	[sflag:s23] =	ssyncset.done $0x0  }
0xaa: {  	s25 =	simm.s32 $0x1B8E;
	s24 =	sld [smem:$0x3FFE];
	[sflag:s23] =	ssyncadd.s32 $0xFFFFFFFF  }
0xab: {  	s26 =	simm.s32 $execute0_lowered;
	[smem:$0x3FD2] =	sst s25  }
0xac: {  	s5 =	sshll.u32 s26, $0x1;
	_ =	strace $0x80000046;
	[dreg:$0x1] =	wrdreg $0xFFFFFFFF  }
0xad: {  	s28 =	simm.s32 $_size_execute0_lowered;
	s3 =	sadd.s32 s3, s5;
	[dreg:$0x0] =	wrdreg $0x0  }
0xae: {  	s5 =	sshll.u32 s28, $0x1;
	[dreg:$0x2] =	wrdreg s3  }
0xaf: {  	[dreg:$0x3] =	wrdreg s5  }
0xb0: {  	[dreg:$0x4] =	wrdreg $0xC0  }
0xb1: {  	_ =	task [dreg:s7], $0x5FFFF  }
0xb2: {  	[dreg:$0x1] =	wrdreg $0xFFFFFFFF  }
0xb3: {  	[dreg:$0x0] =	wrdreg $0x60  }
0xb4: {  	[dreg:$0x2] =	wrdreg s24  }
0xb5: {  	[dreg:$0x3] =	wrdreg s16  }
0xb6: {  	[dreg:$0x4] =	wrdreg $0x9  }
0xb7: {  	_ =	task.clear_ibuf [dreg:s7], $0x5FFFF;
	_ =	strace $0x90000046  }
0xb8: {  	s29 =	simm.s32 $0x9;
	_ =	strace $0x80000048  }
0xb9: {  	_ =	swait.ge [sflag:s29], $0x1  }
0xba: {  	[sflag:s29] =	ssyncadd.s32 $0xFFFFFFFF  }
0xbb: {  	_ =	strace $0x90000048  }
0xbc: {  	_ =	sfence  }
0xbd: {  	s30 =	sld [smem:$0x0];
	_ =	sdelay $0x2  }
0xbe: {  	s31 =	sshll.u32 s1, $0xD;
	s1 =	sshrl.u32 s1, $0x2  }
0xbf: {  	s3 =	sand.u32 $0x4000, s31;
	s1 =	sadd.s32 s1, s30  }
0xc0: {  	s0 =	sor.u32 s3, s0;
	s1 =	sshll.u32 s1, $0x11  }
0xc1: {  	s0 =	sor.u32 s1, s0  }
0xc2: {  	s0 =	sadd.s32 $0x8F2B, s0  }
0xc3: {  	[sflag:s0] =	ssyncadd.remote.s32 $0x1  }
0xc4: {  	_ =	sfence.sel $0xFFFF  }
0xc5: {  	[dreg:$0x0] =	wrdreg $0xFFFFFFFF;
	(pc) =	sbr.abs _section_cstart, $3  }
0xc6: {  	[dreg:$0x1] =	wrdreg $0xFFFFFFFF  }
0xc7: {  	_ =	task.clear_ibuf [dreg:s7], $0x2FFFF;
	_ =	strace $0x9FFFFFFF  }
0xc8: {  	(tm) =	ssettm $0x7FFFFFFF  }
0xc9: {  	_ =	shalt  }
tec
execute0_lowered:
.L_overlay_start_1:
0x0: {  	(tag) =	ssettag $0x1  }
0x1: {  	s0 =	srdreg.scid;
	s23 =	stileid.u32  }
0x2: {  	s1 =	sand.u32 $0x1, s0;
	s7 =	sshll.u32 s23, $0x1  }
0x3: {  	s0 =	sor.u32 s1, s7  }
0x4: {  	s5 =	smul.u32 $0x320, s0  }
0x5: {  	s3 =	rddreg [dreg:$0x0];
	s2 =	simm.s32 $0x0;
	s6 =	smul.u32 $0x19000, s0  }
0x6: {  	[smem:$0x7FF] =	sst s2;
	s0 =	smul.u32 $0xC8000, s0  }
0x7: {  	s4 =	rddreg [dreg:$0x1];
	_ =	strace $0x80000047;
	s7 =	sadd.s32 $0x7B5000, s3  }
0x8: {  	s4 =	sadd.s32 s4, s5;
	s30 =	sadd.s32 s7, s6;
	s0 =	sshrl.u32 s0, $0x3  }
0x9: {  	[dreg:$0x3] =	wrdreg s4;
	s8 =	sadd.s32 $0x800, s30;
	s4 =	sadd.s32 s7, s0  }
0xa: {  	[dreg:$0x4] =	wrdreg s8;
	s0 =	sadd.s32 $0x1000, s4  }
0xb: {  	s9 =	sadd.s32 $0x1800, s4;
	[dreg:$0x5] =	wrdreg s0  }
0xc: {  	s10 =	sadd.s32 $0x2000, s4;
	[dreg:$0x6] =	wrdreg s9  }
0xd: {  	s11 =	sadd.s32 $0x2800, s4;
	[dreg:$0x7] =	wrdreg s10  }
0xe: {  	s12 =	sadd.s32 $0x3000, s4;
	[dreg:$0x8] =	wrdreg s11  }
0xf: {  	s13 =	sadd.s32 $0x3800, s4;
	[dreg:$0x9] =	wrdreg s12  }
0x10: {  	s14 =	sadd.s32 $0x4000, s4;
	[dreg:$0xa] =	wrdreg s13  }
0x11: {  	s15 =	sadd.s32 $0x4800, s4;
	[dreg:$0xb] =	wrdreg s14  }
0x12: {  	s16 =	sadd.s32 $0x5000, s4;
	[dreg:$0xc] =	wrdreg s15  }
0x13: {  	s17 =	sadd.s32 $0x5800, s4;
	[dreg:$0xd] =	wrdreg s16  }
0x14: {  	s18 =	sadd.s32 $0x6000, s4;
	[dreg:$0xe] =	wrdreg s17  }
0x15: {  	s19 =	sadd.s32 $0x6800, s4;
	[dreg:$0xf] =	wrdreg s18  }
0x16: {  	s20 =	sadd.s32 $0x7000, s4;
	[dreg:$0x10] =	wrdreg s19  }
0x17: {  	s21 =	sadd.s32 $0x7800, s4;
	[dreg:$0x11] =	wrdreg s20  }
0x18: {  	s22 =	sadd.s32 $0x8000, s4;
	[dreg:$0x12] =	wrdreg s21  }
0x19: {  	s24 =	sadd.s32 $0x8800, s4;
	[dreg:$0x13] =	wrdreg s22  }
0x1a: {  	s25 =	sadd.s32 $0x9000, s4;
	[dreg:$0x14] =	wrdreg s24  }
0x1b: {  	s26 =	sadd.s32 $0x9800, s4;
	[dreg:$0x15] =	wrdreg s25  }
0x1c: {  	s5 =	sadd.s32 $0xA000, s4;
	[dreg:$0x16] =	wrdreg s26  }
0x1d: {  	s6 =	sadd.s32 $0xA800, s4;
	[dreg:$0x17] =	wrdreg s5  }
0x1e: {  	s7 =	sadd.s32 $0xB000, s4;
	[dreg:$0x18] =	wrdreg s6  }
0x1f: {  	s8 =	sadd.s32 $0xB800, s4;
	[dreg:$0x19] =	wrdreg s7  }
0x20: {  	[dreg:$0x1a] =	wrdreg s8  }
0x21: {  	s9 =	sadd.s32 $0xC000, s4;
	s0 =	rddreg [dreg:$0x3]  }
0x22: {  	s10 =	sadd.s32 $0xC800, s4;
	[dreg:$0x1b] =	wrdreg s9  }
0x23: {  	s11 =	sadd.s32 $0xD000, s4;
	[dreg:$0x1c] =	wrdreg s10  }
0x24: {  	s12 =	sadd.s32 $0xD800, s4;
	[dreg:$0x1d] =	wrdreg s11  }
0x25: {  	s13 =	sadd.s32 $0xE000, s4;
	[dreg:$0x1e] =	wrdreg s12  }
0x26: {  	s14 =	sadd.s32 $0xE800, s4;
	[dreg:$0x1f] =	wrdreg s13  }
0x27: {  	s15 =	sadd.s32 $0xF000, s4;
	[smem:$0x7BF] =	sst s14  }
0x28: {  	s16 =	sadd.s32 $0xF800, s4;
	[smem:$0x7C0] =	sst s15  }
0x29: {  	s17 =	sadd.s32 $0x10000, s4;
	[smem:$0x7C1] =	sst s16  }
0x2a: {  	s18 =	sadd.s32 $0x10800, s4;
	[smem:$0x7C2] =	sst s17  }
0x2b: {  	s19 =	sadd.s32 $0x11000, s4;
	[smem:$0x7C3] =	sst s18  }
0x2c: {  	s20 =	sadd.s32 $0x11800, s4;
	[smem:$0x7C4] =	sst s19  }
0x2d: {  	s21 =	sadd.s32 $0x12000, s4;
	[smem:$0x7C5] =	sst s20  }
0x2e: {  	s22 =	sadd.s32 $0x12800, s4;
	[smem:$0x7C6] =	sst s21  }
0x2f: {  	s24 =	sadd.s32 $0x13000, s4;
	[smem:$0x7C7] =	sst s22  }
0x30: {  	s25 =	sadd.s32 $0x13800, s4;
	[smem:$0x7C8] =	sst s24  }
0x31: {  	s26 =	sadd.s32 $0x14000, s4;
	[smem:$0x7C9] =	sst s25  }
0x32: {  	s5 =	sadd.s32 $0x14800, s4;
	[smem:$0x7CA] =	sst s26  }
0x33: {  	s6 =	sadd.s32 $0x15000, s4;
	[smem:$0x7CB] =	sst s5  }
0x34: {  	s7 =	sadd.s32 $0x15800, s4;
	[smem:$0x7CC] =	sst s6  }
0x35: {  	s8 =	sadd.s32 $0x16000, s4;
	[smem:$0x7CD] =	sst s7  }
0x36: {  	[smem:$0x7CE] =	sst s8;
	s9 =	sadd.s32 $0x16800, s4  }
0x37: {  	s10 =	sadd.s32 $0x17000, s4;
	[smem:$0x7CF] =	sst s9  }
0x38: {  	s11 =	sadd.s32 $0x17800, s4;
	[smem:$0x7D0] =	sst s10  }
0x39: {  	s12 =	sadd.s32 $0x18000, s4;
	[smem:$0x7D1] =	sst s11  }
0x3a: {  	s13 =	sadd.s32 $0x18800, s4;
	[smem:$0x7D2] =	sst s12  }
0x3b: {  	s14 =	simm.s32 $0x100;
	[smem:$0x7D3] =	sst s13  }
0x3c: {  	s15 =	simm.s32 $0x180;
	[smem:$0x7D4] =	sst s14  }
0x3d: {  	s16 =	simm.s32 $0x200;
	[smem:$0x7D5] =	sst s15  }
0x3e: {  	s17 =	simm.s32 $0x280;
	[smem:$0x7D6] =	sst s16  }
0x3f: {  	s18 =	simm.s32 $0x300;
	[smem:$0x7D7] =	sst s17  }
0x40: {  	s19 =	simm.s32 $0x380;
	[smem:$0x7D8] =	sst s18  }
0x41: {  	s20 =	simm.s32 $0x400;
	[smem:$0x7D9] =	sst s19  }
0x42: {  	s21 =	simm.s32 $0x480;
	[smem:$0x7DA] =	sst s20  }
0x43: {  	s22 =	simm.s32 $0x500;
	[smem:$0x7DB] =	sst s21  }
0x44: {  	s24 =	simm.s32 $0x580;
	[smem:$0x7DC] =	sst s22  }
0x45: {  	s25 =	simm.s32 $0x600;
	[smem:$0x7DD] =	sst s24  }
0x46: {  	s26 =	simm.s32 $0x680;
	[smem:$0x7DE] =	sst s25  }
0x47: {  	s4 =	simm.s32 $0x700;
	[smem:$0x7DF] =	sst s26  }
0x48: {  	s5 =	simm.s32 $0x780;
	[smem:$0x7E0] =	sst s4  }
0x49: {  	s6 =	simm.s32 $0x800;
	[smem:$0x7E1] =	sst s5  }
0x4a: {  	s7 =	simm.s32 $0x880;
	[smem:$0x7E2] =	sst s6  }
0x4b: {  	s31 =	simm.s32 $0xD;
	s8 =	simm.s32 $0x900;
	[smem:$0x7E3] =	sst s7  }
0x4c: {  	p0 =	por $0x0, $0x0;
	[smem:$0x7E4] =	sst s8;
	s9 =	simm.s32 $0x980  }
0x4d: {  	s29 =	simm.s32 $0x1680;
	s10 =	simm.s32 $0xA00;
	[smem:$0x7E5] =	sst s9  }
0x4e: {  	s28 =	simm.s32 $0x1700;
	s11 =	simm.s32 $0xA80;
	[smem:$0x7E6] =	sst s10  }
0x4f: {  	s3 =	sadd.s32 $0x11000, s3;
	s13 =	simm.s32 $0xB00;
	[smem:$0x7E7] =	sst s11  }
0x50: {  	s1 =	ssub.s32 $0x2, s1;
	s14 =	simm.s32 $0xB80;
	[smem:$0x7E8] =	sst s13  }
0x51: {  	s12 =	sshrl.u32 s1, $0x1;
	s15 =	simm.s32 $0xC00;
	[smem:$0x7E9] =	sst s14  }
0x52: {  	s16 =	simm.s32 $0xC80;
	s6 =	simm.s32 $0x80;
	[smem:$0x7EA] =	sst s15  }
0x53: {  	s17 =	simm.s32 $0xD00;
	s5 =	simm.s32 $0x1900;
	[smem:$0x7EB] =	sst s16  }
0x54: {  	s18 =	simm.s32 $0xD80;
	s4 =	simm.s32 $0x5900;
	[smem:$0x7EC] =	sst s17  }
0x55: {  	s19 =	simm.s32 $0xE00;
	s20 =	simm.s32 $0xE80;
	[smem:$0x7ED] =	sst s18  }
0x56: {  	s7 =	simm.s32 $0x1;
	s21 =	simm.s32 $0xF00;
	[smem:$0x7EE] =	sst s19  }
0x57: {  	s22 =	simm.s32 $0xF80;
	s24 =	simm.s32 $0x1000;
	[smem:$0x7EF] =	sst s20  }
0x58: {  	s25 =	simm.s32 $0x1080;
	s26 =	simm.s32 $0x1100;
	[smem:$0x7F0] =	sst s21  }
0x59: {  	s8 =	simm.s32 $0x1180;
	s1 =	ssub.s32 s1, s12;
	[smem:$0x7F1] =	sst s22  }
0x5a: {  	s18 =	simm.s32 $0x9900;
	s16 =	simm.s32 $0xD900;
	[smem:$0x7F2] =	sst s24  }
0x5b: {  	s9 =	simm.s32 $0x2;
	s12 =	simm.s32 $0x11900;
	[smem:$0x7F3] =	sst s25  }
0x5c: {  	s22 =	simm.s32 $0x3;
	s11 =	simm.s32 $0x15900;
	[smem:$0x7F4] =	sst s26  }
0x5d: {  	s21 =	simm.s32 $0x4;
	[smem:$0x7F5] =	sst s8;
	s10 =	simm.s32 $0x1200  }
0x5e: {  	s8 =	simm.s32 $0x7;
	s13 =	simm.s32 $0x1280;
	s20 =	simm.s32 $0x5  }
0x5f: {  	s14 =	simm.s32 $0x1300;
	s15 =	simm.s32 $0x1380;
	[smem:$0x7F6] =	sst s10  }
0x60: {  	s19 =	simm.s32 $0x6;
	s17 =	simm.s32 $0x1400;
	[smem:$0x7F7] =	sst s13  }
0x61: {  	s24 =	simm.s32 $0x1480;
	s1 =	smax.u32 s1, $0x1;
	[smem:$0x7F8] =	sst s14  }
0x62: {  	s25 =	simm.s32 $0x1500;
	[smem:$0x7F9] =	sst s15;
	p1 =	sne.s32 s1, $0x1  }
.Ltmp0:
0x63: {  	s26 =	simm.s32 $0x1580;
	[smem:$0x7FA] =	sst s17;
	(pc) =	sbr.rel @!p1 .LBB2_1-.Ltmp0, $4  }
0x64: {  	s10 =	simm.s32 $0x8;
	s13 =	simm.s32 $0x9;
	[smem:$0x7FB] =	sst s24  }
0x65: {  	s14 =	simm.s32 $0xA;
	s15 =	simm.s32 $0xB;
	[smem:$0x7FC] =	sst s25  }
0x66: {  	[smem:$0x7FD] =	sst s26;
	s17 =	simm.s32 $0xC;
	s26 =	simm.s32 $0x1780  }
0x67: {  	s25 =	simm.s32 $0x1800;
	s24 =	simm.s32 $0x1880;
	s1 =	sadd.s32 $0xFFFFFFFF, s1  }
0x68: {  	[tilespmem:s2], [sflag:$0xD] =	stream.linear.gather [hbm4b:s0+s2], $0x1900, $0x38;
	[tilespmem:$0x19900] =	vst v63  }
0x69: {  	_ =	swait.ge [sflag:s31], $0x1900  }
0x6a: {  	[sflag:s31] =	ssyncset.done $0x0  }
0x6b: {  	[sflag:s31] =	ssyncadd.s32 $0xFFFFE700  }
0x6c: {  	[tilespmem:s5], [sflag:$0x1] =	stream.indirect.gather [hbm4b:s3+s6], $0x80, s2, s6, $0xb8;
	[tilespmem:$0x19900] =	vst v63  }
0x6d: {  	s23 =	sld [smem:$0x7D4]  }
0x6e: {  	[tilespmem:s4], [sflag:$0x2] =	stream.indirect.gather [hbm4b:s3+s6], $0x80, s6, s6, $0xb8;
	[tilespmem:$0x19900] =	vst v63  }
0x6f: {  	_ = 	snop  }
0x70: {  	[tilespmem:s18], [sflag:$0x3] =	stream.indirect.gather [hbm4b:s3+s6], $0x80, s23, s6, $0xb8;
	[tilespmem:$0x19900] =	vst v63  }
0x71: {  	_ =	swait.ge [sflag:s7], $0x4000  }
0x72: {  	[sflag:s7] =	ssyncset.done $0x0  }
0x73: {  	s23 =	sld [smem:$0x7D5];
	[sflag:s7] =	ssyncadd.s32 $0xFFFFC000  }
0x74: {  	[hbm4b:s30+s2] =	stream.linear.scatter [tilespmem:s5], [sflag:$0x7], $0x4000, $0x38;
	[tilespmem:$0x19900] =	vst v63  }
0x75: {  	_ = 	snop  }
0x76: {  	[tilespmem:s16], [sflag:$0x4] =	stream.indirect.gather [hbm4b:s3+s6], $0x80, s23, s6, $0xb8;
	[tilespmem:$0x19900] =	vst v63  }
0x77: {  	_ =	swait.ge [sflag:s9], $0x4000  }
0x78: {  	s0 =	rddreg [dreg:$0x4];
	[sflag:s9] =	ssyncset.done $0x0  }
0x79: {  	s23 =	smov.u32 s1;
	s1 =	sld [smem:$0x7D6];
	[sflag:s9] =	ssyncadd.s32 $0xFFFFC000  }
0x7a: {  	[hbm4b:s0+s2] =	stream.linear.scatter [tilespmem:s4], [sflag:$0x8], $0x4000, $0x38;
	[tilespmem:$0x19900] =	vst v63  }
0x7b: {  	_ = 	snop  }
0x7c: {  	[tilespmem:s12], [sflag:$0x5] =	stream.indirect.gather [hbm4b:s3+s6], $0x80, s1, s6, $0xb8;
	[tilespmem:$0x19900] =	vst v63  }
0x7d: {  	_ =	swait.ge [sflag:s22], $0x4000  }
0x7e: {  	s0 =	rddreg [dreg:$0x5];
	[sflag:s22] =	ssyncset.done $0x0  }
0x7f: {  	s1 =	sld [smem:$0x7D7];
	[sflag:s22] =	ssyncadd.s32 $0xFFFFC000  }
0x80: {  	[hbm4b:s0+s2] =	stream.linear.scatter [tilespmem:s18], [sflag:$0x9], $0x4000, $0x38;
	[tilespmem:$0x19900] =	vst v63  }
0x81: {  	_ = 	snop  }
0x82: {  	[tilespmem:s11], [sflag:$0x6] =	stream.indirect.gather [hbm4b:s3+s6], $0x80, s1, s6, $0xb8;
	[tilespmem:$0x19900] =	vst v63  }
0x83: {  	_ =	swait.ge [sflag:s21], $0x4000  }
0x84: {  	[sflag:s21] =	ssyncset.done $0x0  }
0x85: {  	s1 =	rddreg [dreg:$0x6];
	[sflag:s21] =	ssyncadd.s32 $0xFFFFC000  }
0x86: {  	[hbm4b:s1+s2] =	stream.linear.scatter [tilespmem:s16], [sflag:$0xA], $0x4000, $0x38;
	[tilespmem:$0x19900] =	vst v63  }
0x87: {  	_ =	swait.ge [sflag:s8], $0x4000  }
0x88: {  	s1 =	sld [smem:$0x7D8]  }
0x89: {  	[sflag:s8] =	ssyncset.done $0x0  }
0x8a: {  	[sflag:s8] =	ssyncadd.s32 $0xFFFFC000  }
0x8b: {  	[tilespmem:s5], [sflag:$0x1] =	stream.indirect.gather [hbm4b:s3+s6], $0x80, s1, s6, $0xb8;
	[tilespmem:$0x19900] =	vst v63  }
0x8c: {  	_ =	swait.ge [sflag:s20], $0x4000  }
0x8d: {  	[sflag:s20] =	ssyncset.done $0x0  }
0x8e: {  	s1 =	rddreg [dreg:$0x7];
	[sflag:s20] =	ssyncadd.s32 $0xFFFFC000  }
0x8f: {  	[hbm4b:s1+s2] =	stream.linear.scatter [tilespmem:s12], [sflag:$0xB], $0x4000, $0x38;
	[tilespmem:$0x19900] =	vst v63  }
0x90: {  	_ =	swait.ge [sflag:s10], $0x4000  }
0x91: {  	s1 =	sld [smem:$0x7D9]  }
0x92: {  	[sflag:s10] =	ssyncset.done $0x0  }
0x93: {  	[sflag:s10] =	ssyncadd.s32 $0xFFFFC000  }
0x94: {  	[tilespmem:s4], [sflag:$0x2] =	stream.indirect.gather [hbm4b:s3+s6], $0x80, s1, s6, $0xb8;
	[tilespmem:$0x19900] =	vst v63  }
0x95: {  	_ =	swait.ge [sflag:s19], $0x4000  }
0x96: {  	[sflag:s19] =	ssyncset.done $0x0  }
0x97: {  	s1 =	rddreg [dreg:$0x8];
	[sflag:s19] =	ssyncadd.s32 $0xFFFFC000  }
0x98: {  	[hbm4b:s1+s2] =	stream.linear.scatter [tilespmem:s11], [sflag:$0xC], $0x4000, $0x38;
	[tilespmem:$0x19900] =	vst v63  }
0x99: {  	_ =	swait.ge [sflag:s13], $0x4000  }
0x9a: {  	s1 =	sld [smem:$0x7DA]  }
0x9b: {  	[sflag:s13] =	ssyncset.done $0x0  }
0x9c: {  	[sflag:s13] =	ssyncadd.s32 $0xFFFFC000  }
0x9d: {  	[tilespmem:s18], [sflag:$0x3] =	stream.indirect.gather [hbm4b:s3+s6], $0x80, s1, s6, $0xb8;
	[tilespmem:$0x19900] =	vst v63  }
0x9e: {  	_ =	swait.ge [sflag:s7], $0x4000  }
0x9f: {  	[sflag:s7] =	ssyncset.done $0x0  }
0xa0: {  	s1 =	rddreg [dreg:$0x9];
	[sflag:s7] =	ssyncadd.s32 $0xFFFFC000  }
0xa1: {  	[hbm4b:s1+s2] =	stream.linear.scatter [tilespmem:s5], [sflag:$0x7], $0x4000, $0x38;
	[tilespmem:$0x19900] =	vst v63  }
0xa2: {  	_ =	swait.ge [sflag:s14], $0x4000  }
0xa3: {  	s1 =	sld [smem:$0x7DB]  }
0xa4: {  	[sflag:s14] =	ssyncset.done $0x0  }
0xa5: {  	[sflag:s14] =	ssyncadd.s32 $0xFFFFC000  }
0xa6: {  	[tilespmem:s16], [sflag:$0x4] =	stream.indirect.gather [hbm4b:s3+s6], $0x80, s1, s6, $0xb8;
	[tilespmem:$0x19900] =	vst v63  }
0xa7: {  	_ =	swait.ge [sflag:s9], $0x4000  }
0xa8: {  	[sflag:s9] =	ssyncset.done $0x0  }
0xa9: {  	s1 =	rddreg [dreg:$0xa];
	[sflag:s9] =	ssyncadd.s32 $0xFFFFC000  }
0xaa: {  	[hbm4b:s1+s2] =	stream.linear.scatter [tilespmem:s4], [sflag:$0x8], $0x4000, $0x38;
	[tilespmem:$0x19900] =	vst v63  }
0xab: {  	_ =	swait.ge [sflag:s15], $0x4000  }
0xac: {  	s1 =	sld [smem:$0x7DC]  }
0xad: {  	[sflag:s15] =	ssyncset.done $0x0  }
0xae: {  	[sflag:s15] =	ssyncadd.s32 $0xFFFFC000  }
0xaf: {  	[tilespmem:s12], [sflag:$0x5] =	stream.indirect.gather [hbm4b:s3+s6], $0x80, s1, s6, $0xb8;
	[tilespmem:$0x19900] =	vst v63  }
0xb0: {  	_ =	swait.ge [sflag:s22], $0x4000  }
0xb1: {  	[sflag:s22] =	ssyncset.done $0x0  }
0xb2: {  	s1 =	rddreg [dreg:$0xb];
	[sflag:s22] =	ssyncadd.s32 $0xFFFFC000  }
0xb3: {  	[hbm4b:s1+s2] =	stream.linear.scatter [tilespmem:s18], [sflag:$0x9], $0x4000, $0x38;
	[tilespmem:$0x19900] =	vst v63  }
0xb4: {  	_ =	swait.ge [sflag:s17], $0x4000  }
0xb5: {  	s1 =	sld [smem:$0x7DD]  }
0xb6: {  	[sflag:s17] =	ssyncset.done $0x0  }
0xb7: {  	[sflag:s17] =	ssyncadd.s32 $0xFFFFC000  }
0xb8: {  	[tilespmem:s11], [sflag:$0x6] =	stream.indirect.gather [hbm4b:s3+s6], $0x80, s1, s6, $0xb8;
	[tilespmem:$0x19900] =	vst v63  }
0xb9: {  	_ =	swait.ge [sflag:s21], $0x4000  }
0xba: {  	[sflag:s21] =	ssyncset.done $0x0  }
0xbb: {  	s1 =	rddreg [dreg:$0xc];
	[sflag:s21] =	ssyncadd.s32 $0xFFFFC000  }
0xbc: {  	[hbm4b:s1+s2] =	stream.linear.scatter [tilespmem:s16], [sflag:$0xA], $0x4000, $0x38;
	[tilespmem:$0x19900] =	vst v63  }
0xbd: {  	_ =	swait.ge [sflag:s8], $0x4000  }
0xbe: {  	s1 =	sld [smem:$0x7DE]  }
0xbf: {  	[sflag:s8] =	ssyncset.done $0x0  }
0xc0: {  	[sflag:s8] =	ssyncadd.s32 $0xFFFFC000  }
0xc1: {  	[tilespmem:s5], [sflag:$0x1] =	stream.indirect.gather [hbm4b:s3+s6], $0x80, s1, s6, $0xb8;
	[tilespmem:$0x19900] =	vst v63  }
0xc2: {  	_ =	swait.ge [sflag:s20], $0x4000  }
0xc3: {  	[sflag:s20] =	ssyncset.done $0x0  }
0xc4: {  	s1 =	rddreg [dreg:$0xd];
	[sflag:s20] =	ssyncadd.s32 $0xFFFFC000  }
0xc5: {  	[hbm4b:s1+s2] =	stream.linear.scatter [tilespmem:s12], [sflag:$0xB], $0x4000, $0x38;
	[tilespmem:$0x19900] =	vst v63  }
0xc6: {  	_ =	swait.ge [sflag:s10], $0x4000  }
0xc7: {  	s1 =	sld [smem:$0x7DF]  }
0xc8: {  	[sflag:s10] =	ssyncset.done $0x0  }
0xc9: {  	[sflag:s10] =	ssyncadd.s32 $0xFFFFC000  }
0xca: {  	[tilespmem:s4], [sflag:$0x2] =	stream.indirect.gather [hbm4b:s3+s6], $0x80, s1, s6, $0xb8;
	[tilespmem:$0x19900] =	vst v63  }
0xcb: {  	_ =	swait.ge [sflag:s19], $0x4000  }
0xcc: {  	[sflag:s19] =	ssyncset.done $0x0  }
0xcd: {  	s1 =	rddreg [dreg:$0xe];
	[sflag:s19] =	ssyncadd.s32 $0xFFFFC000  }
0xce: {  	[hbm4b:s1+s2] =	stream.linear.scatter [tilespmem:s11], [sflag:$0xC], $0x4000, $0x38;
	[tilespmem:$0x19900] =	vst v63  }
0xcf: {  	_ =	swait.ge [sflag:s13], $0x4000  }
0xd0: {  	s1 =	sld [smem:$0x7E0]  }
0xd1: {  	[sflag:s13] =	ssyncset.done $0x0  }
0xd2: {  	[sflag:s13] =	ssyncadd.s32 $0xFFFFC000  }
0xd3: {  	[tilespmem:s18], [sflag:$0x3] =	stream.indirect.gather [hbm4b:s3+s6], $0x80, s1, s6, $0xb8;
	[tilespmem:$0x19900] =	vst v63  }
0xd4: {  	_ =	swait.ge [sflag:s7], $0x4000  }
0xd5: {  	[sflag:s7] =	ssyncset.done $0x0  }
0xd6: {  	s1 =	rddreg [dreg:$0xf];
	[sflag:s7] =	ssyncadd.s32 $0xFFFFC000  }
0xd7: {  	[hbm4b:s1+s2] =	stream.linear.scatter [tilespmem:s5], [sflag:$0x7], $0x4000, $0x38;
	[tilespmem:$0x19900] =	vst v63  }
0xd8: {  	_ =	swait.ge [sflag:s14], $0x4000  }
0xd9: {  	s1 =	sld [smem:$0x7E1]  }
0xda: {  	[sflag:s14] =	ssyncset.done $0x0  }
0xdb: {  	[sflag:s14] =	ssyncadd.s32 $0xFFFFC000  }
0xdc: {  	[tilespmem:s16], [sflag:$0x4] =	stream.indirect.gather [hbm4b:s3+s6], $0x80, s1, s6, $0xb8;
	[tilespmem:$0x19900] =	vst v63  }
0xdd: {  	_ =	swait.ge [sflag:s9], $0x4000  }
0xde: {  	[sflag:s9] =	ssyncset.done $0x0  }
0xdf: {  	s1 =	rddreg [dreg:$0x10];
	[sflag:s9] =	ssyncadd.s32 $0xFFFFC000  }
0xe0: {  	[hbm4b:s1+s2] =	stream.linear.scatter [tilespmem:s4], [sflag:$0x8], $0x4000, $0x38;
	[tilespmem:$0x19900] =	vst v63  }
0xe1: {  	_ =	swait.ge [sflag:s15], $0x4000  }
0xe2: {  	s1 =	sld [smem:$0x7E2]  }
0xe3: {  	[sflag:s15] =	ssyncset.done $0x0  }
0xe4: {  	[sflag:s15] =	ssyncadd.s32 $0xFFFFC000  }
0xe5: {  	[tilespmem:s12], [sflag:$0x5] =	stream.indirect.gather [hbm4b:s3+s6], $0x80, s1, s6, $0xb8;
	[tilespmem:$0x19900] =	vst v63  }
0xe6: {  	_ =	swait.ge [sflag:s22], $0x4000  }
0xe7: {  	[sflag:s22] =	ssyncset.done $0x0  }
0xe8: {  	s1 =	rddreg [dreg:$0x11];
	[sflag:s22] =	ssyncadd.s32 $0xFFFFC000  }
0xe9: {  	[hbm4b:s1+s2] =	stream.linear.scatter [tilespmem:s18], [sflag:$0x9], $0x4000, $0x38;
	[tilespmem:$0x19900] =	vst v63  }
0xea: {  	_ =	swait.ge [sflag:s17], $0x4000  }
0xeb: {  	s1 =	sld [smem:$0x7E3]  }
0xec: {  	[sflag:s17] =	ssyncset.done $0x0  }
0xed: {  	[sflag:s17] =	ssyncadd.s32 $0xFFFFC000  }
0xee: {  	[tilespmem:s11], [sflag:$0x6] =	stream.indirect.gather [hbm4b:s3+s6], $0x80, s1, s6, $0xb8;
	[tilespmem:$0x19900] =	vst v63  }
0xef: {  	_ =	swait.ge [sflag:s21], $0x4000  }
0xf0: {  	[sflag:s21] =	ssyncset.done $0x0  }
0xf1: {  	s1 =	rddreg [dreg:$0x12];
	[sflag:s21] =	ssyncadd.s32 $0xFFFFC000  }
0xf2: {  	[hbm4b:s1+s2] =	stream.linear.scatter [tilespmem:s16], [sflag:$0xA], $0x4000, $0x38;
	[tilespmem:$0x19900] =	vst v63  }
0xf3: {  	_ =	swait.ge [sflag:s8], $0x4000  }
0xf4: {  	s1 =	sld [smem:$0x7E4]  }
0xf5: {  	[sflag:s8] =	ssyncset.done $0x0  }
0xf6: {  	[sflag:s8] =	ssyncadd.s32 $0xFFFFC000  }
0xf7: {  	[tilespmem:s5], [sflag:$0x1] =	stream.indirect.gather [hbm4b:s3+s6], $0x80, s1, s6, $0xb8;
	[tilespmem:$0x19900] =	vst v63  }
0xf8: {  	_ =	swait.ge [sflag:s20], $0x4000  }
0xf9: {  	[sflag:s20] =	ssyncset.done $0x0  }
0xfa: {  	s1 =	rddreg [dreg:$0x13];
	[sflag:s20] =	ssyncadd.s32 $0xFFFFC000  }
0xfb: {  	[hbm4b:s1+s2] =	stream.linear.scatter [tilespmem:s12], [sflag:$0xB], $0x4000, $0x38;
	[tilespmem:$0x19900] =	vst v63  }
0xfc: {  	_ =	swait.ge [sflag:s10], $0x4000  }
0xfd: {  	s1 =	sld [smem:$0x7E5]  }
0xfe: {  	[sflag:s10] =	ssyncset.done $0x0  }
0xff: {  	[sflag:s10] =	ssyncadd.s32 $0xFFFFC000  }
0x100: {  	[tilespmem:s4], [sflag:$0x2] =	stream.indirect.gather [hbm4b:s3+s6], $0x80, s1, s6, $0xb8;
	[tilespmem:$0x19900] =	vst v63  }
0x101: {  	_ =	swait.ge [sflag:s19], $0x4000  }
0x102: {  	[sflag:s19] =	ssyncset.done $0x0  }
0x103: {  	s1 =	rddreg [dreg:$0x14];
	[sflag:s19] =	ssyncadd.s32 $0xFFFFC000  }
0x104: {  	[hbm4b:s1+s2] =	stream.linear.scatter [tilespmem:s11], [sflag:$0xC], $0x4000, $0x38;
	[tilespmem:$0x19900] =	vst v63  }
0x105: {  	_ =	swait.ge [sflag:s13], $0x4000  }
0x106: {  	s1 =	sld [smem:$0x7E6]  }
0x107: {  	[sflag:s13] =	ssyncset.done $0x0  }
0x108: {  	[sflag:s13] =	ssyncadd.s32 $0xFFFFC000  }
0x109: {  	[tilespmem:s18], [sflag:$0x3] =	stream.indirect.gather [hbm4b:s3+s6], $0x80, s1, s6, $0xb8;
	[tilespmem:$0x19900] =	vst v63  }
0x10a: {  	_ =	swait.ge [sflag:s7], $0x4000  }
0x10b: {  	[sflag:s7] =	ssyncset.done $0x0  }
0x10c: {  	s1 =	rddreg [dreg:$0x15];
	[sflag:s7] =	ssyncadd.s32 $0xFFFFC000  }
0x10d: {  	[hbm4b:s1+s2] =	stream.linear.scatter [tilespmem:s5], [sflag:$0x7], $0x4000, $0x38;
	[tilespmem:$0x19900] =	vst v63  }
0x10e: {  	_ =	swait.ge [sflag:s14], $0x4000  }
0x10f: {  	s1 =	sld [smem:$0x7E7]  }
0x110: {  	[sflag:s14] =	ssyncset.done $0x0  }
0x111: {  	[sflag:s14] =	ssyncadd.s32 $0xFFFFC000  }
0x112: {  	[tilespmem:s16], [sflag:$0x4] =	stream.indirect.gather [hbm4b:s3+s6], $0x80, s1, s6, $0xb8;
	[tilespmem:$0x19900] =	vst v63  }
0x113: {  	_ =	swait.ge [sflag:s9], $0x4000  }
0x114: {  	[sflag:s9] =	ssyncset.done $0x0  }
0x115: {  	s1 =	rddreg [dreg:$0x16];
	[sflag:s9] =	ssyncadd.s32 $0xFFFFC000  }
0x116: {  	[hbm4b:s1+s2] =	stream.linear.scatter [tilespmem:s4], [sflag:$0x8], $0x4000, $0x38;
	[tilespmem:$0x19900] =	vst v63  }
0x117: {  	_ =	swait.ge [sflag:s15], $0x4000  }
0x118: {  	s1 =	sld [smem:$0x7E8]  }
0x119: {  	[sflag:s15] =	ssyncset.done $0x0  }
0x11a: {  	[sflag:s15] =	ssyncadd.s32 $0xFFFFC000  }
0x11b: {  	[tilespmem:s12], [sflag:$0x5] =	stream.indirect.gather [hbm4b:s3+s6], $0x80, s1, s6, $0xb8;
	[tilespmem:$0x19900] =	vst v63  }
0x11c: {  	_ =	swait.ge [sflag:s22], $0x4000  }
0x11d: {  	[sflag:s22] =	ssyncset.done $0x0  }
0x11e: {  	s1 =	rddreg [dreg:$0x17];
	[sflag:s22] =	ssyncadd.s32 $0xFFFFC000  }
0x11f: {  	[hbm4b:s1+s2] =	stream.linear.scatter [tilespmem:s18], [sflag:$0x9], $0x4000, $0x38;
	[tilespmem:$0x19900] =	vst v63  }
0x120: {  	_ =	swait.ge [sflag:s17], $0x4000  }
0x121: {  	s1 =	sld [smem:$0x7E9]  }
0x122: {  	[sflag:s17] =	ssyncset.done $0x0  }
0x123: {  	[sflag:s17] =	ssyncadd.s32 $0xFFFFC000  }
0x124: {  	[tilespmem:s11], [sflag:$0x6] =	stream.indirect.gather [hbm4b:s3+s6], $0x80, s1, s6, $0xb8;
	[tilespmem:$0x19900] =	vst v63  }
0x125: {  	_ =	swait.ge [sflag:s21], $0x4000  }
0x126: {  	[sflag:s21] =	ssyncset.done $0x0  }
0x127: {  	s1 =	rddreg [dreg:$0x18];
	[sflag:s21] =	ssyncadd.s32 $0xFFFFC000  }
0x128: {  	[hbm4b:s1+s2] =	stream.linear.scatter [tilespmem:s16], [sflag:$0xA], $0x4000, $0x38;
	[tilespmem:$0x19900] =	vst v63  }
0x129: {  	_ =	swait.ge [sflag:s8], $0x4000  }
0x12a: {  	s1 =	sld [smem:$0x7EA]  }
0x12b: {  	[sflag:s8] =	ssyncset.done $0x0  }
0x12c: {  	[sflag:s8] =	ssyncadd.s32 $0xFFFFC000  }
0x12d: {  	[tilespmem:s5], [sflag:$0x1] =	stream.indirect.gather [hbm4b:s3+s6], $0x80, s1, s6, $0xb8;
	[tilespmem:$0x19900] =	vst v63  }
0x12e: {  	_ =	swait.ge [sflag:s20], $0x4000  }
0x12f: {  	[sflag:s20] =	ssyncset.done $0x0  }
0x130: {  	s1 =	rddreg [dreg:$0x19];
	[sflag:s20] =	ssyncadd.s32 $0xFFFFC000  }
0x131: {  	[hbm4b:s1+s2] =	stream.linear.scatter [tilespmem:s12], [sflag:$0xB], $0x4000, $0x38;
	[tilespmem:$0x19900] =	vst v63  }
0x132: {  	_ =	swait.ge [sflag:s10], $0x4000  }
0x133: {  	s1 =	sld [smem:$0x7EB]  }
0x134: {  	[sflag:s10] =	ssyncset.done $0x0  }
0x135: {  	[sflag:s10] =	ssyncadd.s32 $0xFFFFC000  }
0x136: {  	[tilespmem:s4], [sflag:$0x2] =	stream.indirect.gather [hbm4b:s3+s6], $0x80, s1, s6, $0xb8;
	[tilespmem:$0x19900] =	vst v63  }
0x137: {  	_ =	swait.ge [sflag:s19], $0x4000  }
0x138: {  	[sflag:s19] =	ssyncset.done $0x0  }
0x139: {  	s1 =	rddreg [dreg:$0x1a];
	[sflag:s19] =	ssyncadd.s32 $0xFFFFC000  }
0x13a: {  	[hbm4b:s1+s2] =	stream.linear.scatter [tilespmem:s11], [sflag:$0xC], $0x4000, $0x38;
	[tilespmem:$0x19900] =	vst v63  }
0x13b: {  	_ =	swait.ge [sflag:s13], $0x4000  }
0x13c: {  	s1 =	sld [smem:$0x7EC]  }
0x13d: {  	[sflag:s13] =	ssyncset.done $0x0  }
0x13e: {  	[sflag:s13] =	ssyncadd.s32 $0xFFFFC000  }
0x13f: {  	[tilespmem:s18], [sflag:$0x3] =	stream.indirect.gather [hbm4b:s3+s6], $0x80, s1, s6, $0xb8;
	[tilespmem:$0x19900] =	vst v63  }
0x140: {  	_ =	swait.ge [sflag:s7], $0x4000  }
0x141: {  	[sflag:s7] =	ssyncset.done $0x0  }
0x142: {  	s1 =	rddreg [dreg:$0x1b];
	[sflag:s7] =	ssyncadd.s32 $0xFFFFC000  }
0x143: {  	[hbm4b:s1+s2] =	stream.linear.scatter [tilespmem:s5], [sflag:$0x7], $0x4000, $0x38;
	[tilespmem:$0x19900] =	vst v63  }
0x144: {  	_ =	swait.ge [sflag:s14], $0x4000  }
0x145: {  	s1 =	sld [smem:$0x7ED]  }
0x146: {  	[sflag:s14] =	ssyncset.done $0x0  }
0x147: {  	[sflag:s14] =	ssyncadd.s32 $0xFFFFC000  }
0x148: {  	[tilespmem:s16], [sflag:$0x4] =	stream.indirect.gather [hbm4b:s3+s6], $0x80, s1, s6, $0xb8;
	[tilespmem:$0x19900] =	vst v63  }
0x149: {  	_ =	swait.ge [sflag:s9], $0x4000  }
0x14a: {  	[sflag:s9] =	ssyncset.done $0x0  }
0x14b: {  	s1 =	rddreg [dreg:$0x1c];
	[sflag:s9] =	ssyncadd.s32 $0xFFFFC000  }
0x14c: {  	[hbm4b:s1+s2] =	stream.linear.scatter [tilespmem:s4], [sflag:$0x8], $0x4000, $0x38;
	[tilespmem:$0x19900] =	vst v63  }
0x14d: {  	_ =	swait.ge [sflag:s15], $0x4000  }
0x14e: {  	s1 =	sld [smem:$0x7EE]  }
0x14f: {  	[sflag:s15] =	ssyncset.done $0x0  }
0x150: {  	[sflag:s15] =	ssyncadd.s32 $0xFFFFC000  }
0x151: {  	[tilespmem:s12], [sflag:$0x5] =	stream.indirect.gather [hbm4b:s3+s6], $0x80, s1, s6, $0xb8;
	[tilespmem:$0x19900] =	vst v63  }
0x152: {  	_ =	swait.ge [sflag:s22], $0x4000  }
0x153: {  	[sflag:s22] =	ssyncset.done $0x0  }
0x154: {  	s1 =	rddreg [dreg:$0x1d];
	[sflag:s22] =	ssyncadd.s32 $0xFFFFC000  }
0x155: {  	[hbm4b:s1+s2] =	stream.linear.scatter [tilespmem:s18], [sflag:$0x9], $0x4000, $0x38;
	[tilespmem:$0x19900] =	vst v63  }
0x156: {  	_ =	swait.ge [sflag:s17], $0x4000  }
0x157: {  	s1 =	sld [smem:$0x7EF]  }
0x158: {  	[sflag:s17] =	ssyncset.done $0x0  }
0x159: {  	[sflag:s17] =	ssyncadd.s32 $0xFFFFC000  }
0x15a: {  	[tilespmem:s11], [sflag:$0x6] =	stream.indirect.gather [hbm4b:s3+s6], $0x80, s1, s6, $0xb8;
	[tilespmem:$0x19900] =	vst v63  }
0x15b: {  	_ =	swait.ge [sflag:s21], $0x4000  }
0x15c: {  	[sflag:s21] =	ssyncset.done $0x0  }
0x15d: {  	s1 =	rddreg [dreg:$0x1e];
	[sflag:s21] =	ssyncadd.s32 $0xFFFFC000  }
0x15e: {  	[hbm4b:s1+s2] =	stream.linear.scatter [tilespmem:s16], [sflag:$0xA], $0x4000, $0x38;
	[tilespmem:$0x19900] =	vst v63  }
0x15f: {  	_ =	swait.ge [sflag:s8], $0x4000  }
0x160: {  	s1 =	sld [smem:$0x7F0]  }
0x161: {  	[sflag:s8] =	ssyncset.done $0x0  }
0x162: {  	[sflag:s8] =	ssyncadd.s32 $0xFFFFC000  }
0x163: {  	[tilespmem:s5], [sflag:$0x1] =	stream.indirect.gather [hbm4b:s3+s6], $0x80, s1, s6, $0xb8;
	[tilespmem:$0x19900] =	vst v63  }
0x164: {  	_ =	swait.ge [sflag:s20], $0x4000  }
0x165: {  	[sflag:s20] =	ssyncset.done $0x0  }
0x166: {  	s1 =	rddreg [dreg:$0x1f];
	[sflag:s20] =	ssyncadd.s32 $0xFFFFC000  }
0x167: {  	[hbm4b:s1+s2] =	stream.linear.scatter [tilespmem:s12], [sflag:$0xB], $0x4000, $0x38;
	[tilespmem:$0x19900] =	vst v63  }
0x168: {  	_ =	swait.ge [sflag:s10], $0x4000  }
0x169: {  	s1 =	sld [smem:$0x7F1]  }
0x16a: {  	[sflag:s10] =	ssyncset.done $0x0  }
0x16b: {  	[sflag:s10] =	ssyncadd.s32 $0xFFFFC000  }
0x16c: {  	[tilespmem:s4], [sflag:$0x2] =	stream.indirect.gather [hbm4b:s3+s6], $0x80, s1, s6, $0xb8;
	[tilespmem:$0x19900] =	vst v63  }
0x16d: {  	_ =	swait.ge [sflag:s19], $0x4000  }
0x16e: {  	s1 =	sld [smem:$0x7BF]  }
0x16f: {  	[sflag:s19] =	ssyncset.done $0x0  }
0x170: {  	[sflag:s19] =	ssyncadd.s32 $0xFFFFC000  }
0x171: {  	[hbm4b:s1+s2] =	stream.linear.scatter [tilespmem:s11], [sflag:$0xC], $0x4000, $0x38;
	[tilespmem:$0x19900] =	vst v63  }
0x172: {  	_ =	swait.ge [sflag:s13], $0x4000  }
0x173: {  	s1 =	sld [smem:$0x7F2]  }
0x174: {  	[sflag:s13] =	ssyncset.done $0x0  }
0x175: {  	[sflag:s13] =	ssyncadd.s32 $0xFFFFC000  }
0x176: {  	[tilespmem:s18], [sflag:$0x3] =	stream.indirect.gather [hbm4b:s3+s6], $0x80, s1, s6, $0xb8;
	[tilespmem:$0x19900] =	vst v63  }
0x177: {  	_ =	swait.ge [sflag:s7], $0x4000  }
0x178: {  	s1 =	sld [smem:$0x7C0]  }
0x179: {  	[sflag:s7] =	ssyncset.done $0x0  }
0x17a: {  	[sflag:s7] =	ssyncadd.s32 $0xFFFFC000  }
0x17b: {  	[hbm4b:s1+s2] =	stream.linear.scatter [tilespmem:s5], [sflag:$0x7], $0x4000, $0x38;
	[tilespmem:$0x19900] =	vst v63  }
0x17c: {  	_ =	swait.ge [sflag:s14], $0x4000  }
0x17d: {  	s1 =	sld [smem:$0x7F3]  }
0x17e: {  	[sflag:s14] =	ssyncset.done $0x0  }
0x17f: {  	[sflag:s14] =	ssyncadd.s32 $0xFFFFC000  }
0x180: {  	[tilespmem:s16], [sflag:$0x4] =	stream.indirect.gather [hbm4b:s3+s6], $0x80, s1, s6, $0xb8;
	[tilespmem:$0x19900] =	vst v63  }
0x181: {  	_ =	swait.ge [sflag:s9], $0x4000  }
0x182: {  	s1 =	sld [smem:$0x7C1]  }
0x183: {  	[sflag:s9] =	ssyncset.done $0x0  }
0x184: {  	[sflag:s9] =	ssyncadd.s32 $0xFFFFC000  }
0x185: {  	[hbm4b:s1+s2] =	stream.linear.scatter [tilespmem:s4], [sflag:$0x8], $0x4000, $0x38;
	[tilespmem:$0x19900] =	vst v63  }
0x186: {  	_ =	swait.ge [sflag:s15], $0x4000  }
0x187: {  	s1 =	sld [smem:$0x7F4]  }
0x188: {  	[sflag:s15] =	ssyncset.done $0x0  }
0x189: {  	[sflag:s15] =	ssyncadd.s32 $0xFFFFC000  }
0x18a: {  	[tilespmem:s12], [sflag:$0x5] =	stream.indirect.gather [hbm4b:s3+s6], $0x80, s1, s6, $0xb8;
	[tilespmem:$0x19900] =	vst v63  }
0x18b: {  	_ =	swait.ge [sflag:s22], $0x4000  }
0x18c: {  	s1 =	sld [smem:$0x7C2]  }
0x18d: {  	[sflag:s22] =	ssyncset.done $0x0  }
0x18e: {  	[sflag:s22] =	ssyncadd.s32 $0xFFFFC000  }
0x18f: {  	[hbm4b:s1+s2] =	stream.linear.scatter [tilespmem:s18], [sflag:$0x9], $0x4000, $0x38;
	[tilespmem:$0x19900] =	vst v63  }
0x190: {  	_ =	swait.ge [sflag:s17], $0x4000  }
0x191: {  	s1 =	sld [smem:$0x7F5]  }
0x192: {  	[sflag:s17] =	ssyncset.done $0x0  }
0x193: {  	[sflag:s17] =	ssyncadd.s32 $0xFFFFC000  }
0x194: {  	[tilespmem:s11], [sflag:$0x6] =	stream.indirect.gather [hbm4b:s3+s6], $0x80, s1, s6, $0xb8;
	[tilespmem:$0x19900] =	vst v63  }
0x195: {  	_ =	swait.ge [sflag:s21], $0x4000  }
0x196: {  	s1 =	sld [smem:$0x7C3]  }
0x197: {  	[sflag:s21] =	ssyncset.done $0x0  }
0x198: {  	[sflag:s21] =	ssyncadd.s32 $0xFFFFC000  }
0x199: {  	[hbm4b:s1+s2] =	stream.linear.scatter [tilespmem:s16], [sflag:$0xA], $0x4000, $0x38;
	[tilespmem:$0x19900] =	vst v63  }
0x19a: {  	_ =	swait.ge [sflag:s8], $0x4000  }
0x19b: {  	s1 =	sld [smem:$0x7F6]  }
0x19c: {  	[sflag:s8] =	ssyncset.done $0x0  }
0x19d: {  	[sflag:s8] =	ssyncadd.s32 $0xFFFFC000  }
0x19e: {  	[tilespmem:s5], [sflag:$0x1] =	stream.indirect.gather [hbm4b:s3+s6], $0x80, s1, s6, $0xb8;
	[tilespmem:$0x19900] =	vst v63  }
0x19f: {  	_ =	swait.ge [sflag:s20], $0x4000  }
0x1a0: {  	s1 =	sld [smem:$0x7C4]  }
0x1a1: {  	[sflag:s20] =	ssyncset.done $0x0  }
0x1a2: {  	[sflag:s20] =	ssyncadd.s32 $0xFFFFC000  }
0x1a3: {  	[hbm4b:s1+s2] =	stream.linear.scatter [tilespmem:s12], [sflag:$0xB], $0x4000, $0x38;
	[tilespmem:$0x19900] =	vst v63  }
0x1a4: {  	_ =	swait.ge [sflag:s10], $0x4000  }
0x1a5: {  	s1 =	sld [smem:$0x7F7]  }
0x1a6: {  	[sflag:s10] =	ssyncset.done $0x0  }
0x1a7: {  	[sflag:s10] =	ssyncadd.s32 $0xFFFFC000  }
0x1a8: {  	[tilespmem:s4], [sflag:$0x2] =	stream.indirect.gather [hbm4b:s3+s6], $0x80, s1, s6, $0xb8;
	[tilespmem:$0x19900] =	vst v63  }
0x1a9: {  	_ =	swait.ge [sflag:s19], $0x4000  }
0x1aa: {  	s1 =	sld [smem:$0x7C5]  }
0x1ab: {  	[sflag:s19] =	ssyncset.done $0x0  }
0x1ac: {  	[sflag:s19] =	ssyncadd.s32 $0xFFFFC000  }
0x1ad: {  	[hbm4b:s1+s2] =	stream.linear.scatter [tilespmem:s11], [sflag:$0xC], $0x4000, $0x38;
	[tilespmem:$0x19900] =	vst v63  }
0x1ae: {  	_ =	swait.ge [sflag:s13], $0x4000  }
0x1af: {  	s1 =	sld [smem:$0x7F8]  }
0x1b0: {  	[sflag:s13] =	ssyncset.done $0x0  }
0x1b1: {  	[sflag:s13] =	ssyncadd.s32 $0xFFFFC000  }
0x1b2: {  	[tilespmem:s18], [sflag:$0x3] =	stream.indirect.gather [hbm4b:s3+s6], $0x80, s1, s6, $0xb8;
	[tilespmem:$0x19900] =	vst v63  }
0x1b3: {  	_ =	swait.ge [sflag:s7], $0x4000  }
0x1b4: {  	s1 =	sld [smem:$0x7C6]  }
0x1b5: {  	[sflag:s7] =	ssyncset.done $0x0  }
0x1b6: {  	[sflag:s7] =	ssyncadd.s32 $0xFFFFC000  }
0x1b7: {  	[hbm4b:s1+s2] =	stream.linear.scatter [tilespmem:s5], [sflag:$0x7], $0x4000, $0x38;
	[tilespmem:$0x19900] =	vst v63  }
0x1b8: {  	_ =	swait.ge [sflag:s14], $0x4000  }
0x1b9: {  	s1 =	sld [smem:$0x7F9]  }
0x1ba: {  	[sflag:s14] =	ssyncset.done $0x0  }
0x1bb: {  	[sflag:s14] =	ssyncadd.s32 $0xFFFFC000  }
0x1bc: {  	[tilespmem:s16], [sflag:$0x4] =	stream.indirect.gather [hbm4b:s3+s6], $0x80, s1, s6, $0xb8;
	[tilespmem:$0x19900] =	vst v63  }
0x1bd: {  	_ =	swait.ge [sflag:s9], $0x4000  }
0x1be: {  	s1 =	sld [smem:$0x7C7]  }
0x1bf: {  	[sflag:s9] =	ssyncset.done $0x0  }
0x1c0: {  	[sflag:s9] =	ssyncadd.s32 $0xFFFFC000  }
0x1c1: {  	[hbm4b:s1+s2] =	stream.linear.scatter [tilespmem:s4], [sflag:$0x8], $0x4000, $0x38;
	[tilespmem:$0x19900] =	vst v63  }
0x1c2: {  	_ =	swait.ge [sflag:s15], $0x4000  }
0x1c3: {  	s1 =	sld [smem:$0x7FA]  }
0x1c4: {  	[sflag:s15] =	ssyncset.done $0x0  }
0x1c5: {  	[sflag:s15] =	ssyncadd.s32 $0xFFFFC000  }
0x1c6: {  	[tilespmem:s12], [sflag:$0x5] =	stream.indirect.gather [hbm4b:s3+s6], $0x80, s1, s6, $0xb8;
	[tilespmem:$0x19900] =	vst v63  }
0x1c7: {  	_ =	swait.ge [sflag:s22], $0x4000  }
0x1c8: {  	s1 =	sld [smem:$0x7C8]  }
0x1c9: {  	[sflag:s22] =	ssyncset.done $0x0  }
0x1ca: {  	[sflag:s22] =	ssyncadd.s32 $0xFFFFC000  }
0x1cb: {  	[hbm4b:s1+s2] =	stream.linear.scatter [tilespmem:s18], [sflag:$0x9], $0x4000, $0x38;
	[tilespmem:$0x19900] =	vst v63  }
0x1cc: {  	_ =	swait.ge [sflag:s17], $0x4000  }
0x1cd: {  	s1 =	sld [smem:$0x7FB]  }
0x1ce: {  	[sflag:s17] =	ssyncset.done $0x0  }
0x1cf: {  	[sflag:s17] =	ssyncadd.s32 $0xFFFFC000  }
0x1d0: {  	[tilespmem:s11], [sflag:$0x6] =	stream.indirect.gather [hbm4b:s3+s6], $0x80, s1, s6, $0xb8;
	[tilespmem:$0x19900] =	vst v63  }
0x1d1: {  	_ =	swait.ge [sflag:s21], $0x4000  }
0x1d2: {  	s1 =	sld [smem:$0x7C9]  }
0x1d3: {  	[sflag:s21] =	ssyncset.done $0x0  }
0x1d4: {  	[sflag:s21] =	ssyncadd.s32 $0xFFFFC000  }
0x1d5: {  	[hbm4b:s1+s2] =	stream.linear.scatter [tilespmem:s16], [sflag:$0xA], $0x4000, $0x38;
	[tilespmem:$0x19900] =	vst v63  }
0x1d6: {  	_ =	swait.ge [sflag:s8], $0x4000  }
0x1d7: {  	s1 =	sld [smem:$0x7FC]  }
0x1d8: {  	[sflag:s8] =	ssyncset.done $0x0  }
0x1d9: {  	[sflag:s8] =	ssyncadd.s32 $0xFFFFC000  }
0x1da: {  	[tilespmem:s5], [sflag:$0x1] =	stream.indirect.gather [hbm4b:s3+s6], $0x80, s1, s6, $0xb8;
	[tilespmem:$0x19900] =	vst v63  }
0x1db: {  	_ =	swait.ge [sflag:s20], $0x4000  }
0x1dc: {  	s1 =	sld [smem:$0x7CA]  }
0x1dd: {  	[sflag:s20] =	ssyncset.done $0x0  }
0x1de: {  	[sflag:s20] =	ssyncadd.s32 $0xFFFFC000  }
0x1df: {  	[hbm4b:s1+s2] =	stream.linear.scatter [tilespmem:s12], [sflag:$0xB], $0x4000, $0x38;
	[tilespmem:$0x19900] =	vst v63  }
0x1e0: {  	_ =	swait.ge [sflag:s10], $0x4000  }
0x1e1: {  	s1 =	sld [smem:$0x7FD]  }
0x1e2: {  	[sflag:s10] =	ssyncset.done $0x0  }
0x1e3: {  	[sflag:s10] =	ssyncadd.s32 $0xFFFFC000  }
0x1e4: {  	[tilespmem:s4], [sflag:$0x2] =	stream.indirect.gather [hbm4b:s3+s6], $0x80, s1, s6, $0xb8;
	[tilespmem:$0x19900] =	vst v63  }
0x1e5: {  	_ =	swait.ge [sflag:s19], $0x4000  }
0x1e6: {  	s1 =	sld [smem:$0x7CB]  }
0x1e7: {  	[sflag:s19] =	ssyncset.done $0x0  }
0x1e8: {  	[sflag:s19] =	ssyncadd.s32 $0xFFFFC000  }
0x1e9: {  	[hbm4b:s1+s2] =	stream.linear.scatter [tilespmem:s11], [sflag:$0xC], $0x4000, $0x38;
	[tilespmem:$0x19900] =	vst v63  }
0x1ea: {  	_ =	swait.ge [sflag:s13], $0x4000  }
0x1eb: {  	[sflag:s13] =	ssyncset.done $0x0  }
0x1ec: {  	s1 =	simm.s32 $0x1600;
	[sflag:s13] =	ssyncadd.s32 $0xFFFFC000  }
0x1ed: {  	[tilespmem:s18], [sflag:$0x3] =	stream.indirect.gather [hbm4b:s3+s6], $0x80, s1, s6, $0xb8;
	[tilespmem:$0x19900] =	vst v63  }
0x1ee: {  	_ =	swait.ge [sflag:s7], $0x4000  }
0x1ef: {  	s1 =	sld [smem:$0x7CC]  }
0x1f0: {  	[sflag:s7] =	ssyncset.done $0x0  }
0x1f1: {  	[sflag:s7] =	ssyncadd.s32 $0xFFFFC000  }
0x1f2: {  	[hbm4b:s1+s2] =	stream.linear.scatter [tilespmem:s5], [sflag:$0x7], $0x4000, $0x38;
	[tilespmem:$0x19900] =	vst v63  }
0x1f3: {  	_ =	swait.ge [sflag:s14], $0x4000  }
0x1f4: {  	[sflag:s14] =	ssyncset.done $0x0  }
0x1f5: {  	[sflag:s14] =	ssyncadd.s32 $0xFFFFC000  }
0x1f6: {  	[tilespmem:s16], [sflag:$0x4] =	stream.indirect.gather [hbm4b:s3+s6], $0x80, s29, s6, $0xb8;
	[tilespmem:$0x19900] =	vst v63  }
0x1f7: {  	_ =	swait.ge [sflag:s9], $0x4000  }
0x1f8: {  	s1 =	sld [smem:$0x7CD]  }
0x1f9: {  	[sflag:s9] =	ssyncset.done $0x0  }
0x1fa: {  	[sflag:s9] =	ssyncadd.s32 $0xFFFFC000  }
0x1fb: {  	[hbm4b:s1+s2] =	stream.linear.scatter [tilespmem:s4], [sflag:$0x8], $0x4000, $0x38;
	[tilespmem:$0x19900] =	vst v63  }
0x1fc: {  	_ =	swait.ge [sflag:s15], $0x4000  }
0x1fd: {  	[sflag:s15] =	ssyncset.done $0x0  }
0x1fe: {  	[sflag:s15] =	ssyncadd.s32 $0xFFFFC000  }
0x1ff: {  	[tilespmem:s12], [sflag:$0x5] =	stream.indirect.gather [hbm4b:s3+s6], $0x80, s28, s6, $0xb8;
	[tilespmem:$0x19900] =	vst v63  }
0x200: {  	_ =	swait.ge [sflag:s22], $0x4000  }
0x201: {  	s1 =	sld [smem:$0x7CE]  }
0x202: {  	[sflag:s22] =	ssyncset.done $0x0  }
0x203: {  	[sflag:s22] =	ssyncadd.s32 $0xFFFFC000  }
0x204: {  	[hbm4b:s1+s2] =	stream.linear.scatter [tilespmem:s18], [sflag:$0x9], $0x4000, $0x38;
	[tilespmem:$0x19900] =	vst v63  }
0x205: {  	_ =	swait.ge [sflag:s17], $0x4000  }
0x206: {  	[sflag:s17] =	ssyncset.done $0x0  }
0x207: {  	[sflag:s17] =	ssyncadd.s32 $0xFFFFC000  }
0x208: {  	[tilespmem:s11], [sflag:$0x6] =	stream.indirect.gather [hbm4b:s3+s6], $0x80, s26, s6, $0xb8;
	[tilespmem:$0x19900] =	vst v63  }
0x209: {  	_ =	swait.ge [sflag:s21], $0x4000  }
0x20a: {  	s1 =	sld [smem:$0x7CF]  }
0x20b: {  	[sflag:s21] =	ssyncset.done $0x0  }
0x20c: {  	[sflag:s21] =	ssyncadd.s32 $0xFFFFC000  }
0x20d: {  	[hbm4b:s1+s2] =	stream.linear.scatter [tilespmem:s16], [sflag:$0xA], $0x4000, $0x38;
	[tilespmem:$0x19900] =	vst v63  }
0x20e: {  	_ =	swait.ge [sflag:s8], $0x4000  }
0x20f: {  	[sflag:s8] =	ssyncset.done $0x0  }
0x210: {  	[sflag:s8] =	ssyncadd.s32 $0xFFFFC000  }
0x211: {  	[tilespmem:s5], [sflag:$0x1] =	stream.indirect.gather [hbm4b:s3+s6], $0x80, s25, s6, $0xb8;
	[tilespmem:$0x19900] =	vst v63  }
0x212: {  	_ =	swait.ge [sflag:s20], $0x4000  }
0x213: {  	s1 =	sld [smem:$0x7D0]  }
0x214: {  	[sflag:s20] =	ssyncset.done $0x0  }
0x215: {  	[sflag:s20] =	ssyncadd.s32 $0xFFFFC000  }
0x216: {  	[hbm4b:s1+s2] =	stream.linear.scatter [tilespmem:s12], [sflag:$0xB], $0x4000, $0x38;
	[tilespmem:$0x19900] =	vst v63  }
0x217: {  	_ =	swait.ge [sflag:s10], $0x4000  }
0x218: {  	[sflag:s10] =	ssyncset.done $0x0  }
0x219: {  	[sflag:s10] =	ssyncadd.s32 $0xFFFFC000  }
0x21a: {  	[tilespmem:s4], [sflag:$0x2] =	stream.indirect.gather [hbm4b:s3+s6], $0x80, s24, s6, $0xb8;
	[tilespmem:$0x19900] =	vst v63  }
0x21b: {  	_ =	swait.ge [sflag:s19], $0x4000  }
0x21c: {  	s1 =	sld [smem:$0x7D1]  }
0x21d: {  	[sflag:s19] =	ssyncset.done $0x0  }
0x21e: {  	[sflag:s19] =	ssyncadd.s32 $0xFFFFC000  }
0x21f: {  	[hbm4b:s1+s2] =	stream.linear.scatter [tilespmem:s11], [sflag:$0xC], $0x4000, $0x38;
	[tilespmem:$0x19900] =	vst v63  }
0x220: {  	_ =	swait.ge [sflag:s7], $0x4000  }
0x221: {  	s1 =	sld [smem:$0x7D2]  }
0x222: {  	[sflag:s7] =	ssyncset.done $0x0  }
0x223: {  	[sflag:s7] =	ssyncadd.s32 $0xFFFFC000  }
0x224: {  	[hbm4b:s1+s2] =	stream.linear.scatter [tilespmem:s5], [sflag:$0x7], $0x4000, $0x38;
	[tilespmem:$0x19900] =	vst v63  }
0x225: {  	_ =	swait.ge [sflag:s9], $0x4000  }
0x226: {  	s1 =	sld [smem:$0x7D3]  }
0x227: {  	[sflag:s9] =	ssyncset.done $0x0  }
0x228: {  	[sflag:s9] =	ssyncadd.s32 $0xFFFFC000  }
0x229: {  	[hbm4b:s1+s2] =	stream.linear.scatter [tilespmem:s4], [sflag:$0x8], $0x4000, $0x38;
	[tilespmem:$0x19900] =	vst v63  }
0x22a: {  	_ =	swait.ge [sflag:s13], $0x4000  }
0x22b: {  	[sflag:s13] =	ssyncset.done $0x0  }
0x22c: {  	[sflag:s13] =	ssyncadd.s32 $0xFFFFC000  }
0x22d: {  	_ =	swait.ge [sflag:s14], $0x4000  }
0x22e: {  	[sflag:s14] =	ssyncset.done $0x0  }
0x22f: {  	[sflag:s14] =	ssyncadd.s32 $0xFFFFC000  }
0x230: {  	_ =	swait.ge [sflag:s15], $0x4000  }
0x231: {  	[sflag:s15] =	ssyncset.done $0x0  }
0x232: {  	[sflag:s15] =	ssyncadd.s32 $0xFFFFC000  }
0x233: {  	_ =	swait.ge [sflag:s17], $0x4000  }
0x234: {  	[sflag:s17] =	ssyncset.done $0x0  }
0x235: {  	p1 =	sne.s32 s23, $0x1;
	[sflag:s17] =	ssyncadd.s32 $0xFFFFC000  }
.Ltmp1:
0x236: {  	_ =	swait.ge [sflag:s8], $0x4000;
	(pc) =	sbr.rel @!p1 .LBB2_3-.Ltmp1, $4  }
0x237: {  	[sflag:s8] =	ssyncset.done $0x0  }
0x238: {  	[sflag:s8] =	ssyncadd.s32 $0xFFFFC000  }
0x239: {  	p0 =	por $0x1, $0x1;
	_ =	swait.ge [sflag:s10], $0x4000  }
0x23a: {  	s1 =	sadd.s32 $0xFFFFFFFF, s23;
	s0 =	rddreg [dreg:$0x3];
	[sflag:s10] =	ssyncset.done $0x0  }
.LBB2_4:
0x23b: {  	[sflag:s10] =	ssyncadd.s32 $0xFFFFC000  }
0x23c: {  	[tilespmem:s2], [sflag:$0xD] =	stream.linear.gather [hbm4b:s0+s2], $0x1900, $0x38;
	[tilespmem:$0x19900] =	vst v63  }
0x23d: {  	_ =	swait.ge [sflag:s31], $0x1900  }
0x23e: {  	[sflag:s31] =	ssyncset.done $0x0  }
0x23f: {  	[sflag:s31] =	ssyncadd.s32 $0xFFFFE700  }
0x240: {  	[tilespmem:s5], [sflag:$0x1] =	stream.indirect.gather [hbm4b:s3+s6], $0x80, s2, s6, $0xb8;
	[tilespmem:$0x19900] =	vst v63  }
0x241: {  	s23 =	sld [smem:$0x7D4]  }
0x242: {  	[tilespmem:s4], [sflag:$0x2] =	stream.indirect.gather [hbm4b:s3+s6], $0x80, s6, s6, $0xb8;
	[tilespmem:$0x19900] =	vst v63  }
0x243: {  	_ = 	snop  }
0x244: {  	[tilespmem:s18], [sflag:$0x3] =	stream.indirect.gather [hbm4b:s3+s6], $0x80, s23, s6, $0xb8;
	[tilespmem:$0x19900] =	vst v63  }
0x245: {  	_ =	swait.ge [sflag:s7], $0x4000  }
0x246: {  	[sflag:s7] =	ssyncset.done $0x0  }
0x247: {  	s23 =	sld [smem:$0x7D5];
	[sflag:s7] =	ssyncadd.s32 $0xFFFFC000  }
0x248: {  	[hbm4b:s30+s2] =	stream.linear.scatter [tilespmem:s5], [sflag:$0x7], $0x4000, $0x38;
	[tilespmem:$0x19900] =	vst v63  }
0x249: {  	_ = 	snop  }
0x24a: {  	[tilespmem:s16], [sflag:$0x4] =	stream.indirect.gather [hbm4b:s3+s6], $0x80, s23, s6, $0xb8;
	[tilespmem:$0x19900] =	vst v63  }
0x24b: {  	_ =	swait.ge [sflag:s9], $0x4000  }
0x24c: {  	s0 =	rddreg [dreg:$0x4];
	[sflag:s9] =	ssyncset.done $0x0  }
0x24d: {  	s23 =	sld [smem:$0x7D6];
	[sflag:s9] =	ssyncadd.s32 $0xFFFFC000  }
0x24e: {  	[hbm4b:s0+s2] =	stream.linear.scatter [tilespmem:s4], [sflag:$0x8], $0x4000, $0x38;
	[tilespmem:$0x19900] =	vst v63  }
0x24f: {  	_ = 	snop  }
0x250: {  	[tilespmem:s12], [sflag:$0x5] =	stream.indirect.gather [hbm4b:s3+s6], $0x80, s23, s6, $0xb8;
	[tilespmem:$0x19900] =	vst v63  }
0x251: {  	_ =	swait.ge [sflag:s22], $0x4000  }
0x252: {  	s0 =	rddreg [dreg:$0x5];
	[sflag:s22] =	ssyncset.done $0x0  }
0x253: {  	s23 =	sld [smem:$0x7D7];
	[sflag:s22] =	ssyncadd.s32 $0xFFFFC000  }
0x254: {  	[hbm4b:s0+s2] =	stream.linear.scatter [tilespmem:s18], [sflag:$0x9], $0x4000, $0x38;
	[tilespmem:$0x19900] =	vst v63  }
0x255: {  	_ = 	snop  }
0x256: {  	[tilespmem:s11], [sflag:$0x6] =	stream.indirect.gather [hbm4b:s3+s6], $0x80, s23, s6, $0xb8;
	[tilespmem:$0x19900] =	vst v63  }
0x257: {  	_ =	swait.ge [sflag:s21], $0x4000  }
0x258: {  	[sflag:s21] =	ssyncset.done $0x0  }
0x259: {  	s23 =	rddreg [dreg:$0x6];
	[sflag:s21] =	ssyncadd.s32 $0xFFFFC000  }
0x25a: {  	[hbm4b:s23+s2] =	stream.linear.scatter [tilespmem:s16], [sflag:$0xA], $0x4000, $0x38;
	[tilespmem:$0x19900] =	vst v63  }
0x25b: {  	_ =	swait.ge [sflag:s8], $0x4000  }
0x25c: {  	s23 =	sld [smem:$0x7D8]  }
0x25d: {  	[sflag:s8] =	ssyncset.done $0x0  }
0x25e: {  	[sflag:s8] =	ssyncadd.s32 $0xFFFFC000  }
0x25f: {  	[tilespmem:s5], [sflag:$0x1] =	stream.indirect.gather [hbm4b:s3+s6], $0x80, s23, s6, $0xb8;
	[tilespmem:$0x19900] =	vst v63  }
0x260: {  	_ =	swait.ge [sflag:s20], $0x4000  }
0x261: {  	[sflag:s20] =	ssyncset.done $0x0  }
0x262: {  	s23 =	rddreg [dreg:$0x7];
	[sflag:s20] =	ssyncadd.s32 $0xFFFFC000  }
0x263: {  	[hbm4b:s23+s2] =	stream.linear.scatter [tilespmem:s12], [sflag:$0xB], $0x4000, $0x38;
	[tilespmem:$0x19900] =	vst v63  }
0x264: {  	_ =	swait.ge [sflag:s10], $0x4000  }
0x265: {  	s23 =	sld [smem:$0x7D9]  }
0x266: {  	[sflag:s10] =	ssyncset.done $0x0  }
0x267: {  	[sflag:s10] =	ssyncadd.s32 $0xFFFFC000  }
0x268: {  	[tilespmem:s4], [sflag:$0x2] =	stream.indirect.gather [hbm4b:s3+s6], $0x80, s23, s6, $0xb8;
	[tilespmem:$0x19900] =	vst v63  }
0x269: {  	_ =	swait.ge [sflag:s19], $0x4000  }
0x26a: {  	[sflag:s19] =	ssyncset.done $0x0  }
0x26b: {  	s23 =	rddreg [dreg:$0x8];
	[sflag:s19] =	ssyncadd.s32 $0xFFFFC000  }
0x26c: {  	[hbm4b:s23+s2] =	stream.linear.scatter [tilespmem:s11], [sflag:$0xC], $0x4000, $0x38;
	[tilespmem:$0x19900] =	vst v63  }
0x26d: {  	_ =	swait.ge [sflag:s13], $0x4000  }
0x26e: {  	s23 =	sld [smem:$0x7DA]  }
0x26f: {  	[sflag:s13] =	ssyncset.done $0x0  }
0x270: {  	[sflag:s13] =	ssyncadd.s32 $0xFFFFC000  }
0x271: {  	[tilespmem:s18], [sflag:$0x3] =	stream.indirect.gather [hbm4b:s3+s6], $0x80, s23, s6, $0xb8;
	[tilespmem:$0x19900] =	vst v63  }
0x272: {  	_ =	swait.ge [sflag:s7], $0x4000  }
0x273: {  	[sflag:s7] =	ssyncset.done $0x0  }
0x274: {  	s23 =	rddreg [dreg:$0x9];
	[sflag:s7] =	ssyncadd.s32 $0xFFFFC000  }
0x275: {  	[hbm4b:s23+s2] =	stream.linear.scatter [tilespmem:s5], [sflag:$0x7], $0x4000, $0x38;
	[tilespmem:$0x19900] =	vst v63  }
0x276: {  	_ =	swait.ge [sflag:s14], $0x4000  }
0x277: {  	s23 =	sld [smem:$0x7DB]  }
0x278: {  	[sflag:s14] =	ssyncset.done $0x0  }
0x279: {  	[sflag:s14] =	ssyncadd.s32 $0xFFFFC000  }
0x27a: {  	[tilespmem:s16], [sflag:$0x4] =	stream.indirect.gather [hbm4b:s3+s6], $0x80, s23, s6, $0xb8;
	[tilespmem:$0x19900] =	vst v63  }
0x27b: {  	_ =	swait.ge [sflag:s9], $0x4000  }
0x27c: {  	[sflag:s9] =	ssyncset.done $0x0  }
0x27d: {  	s23 =	rddreg [dreg:$0xa];
	[sflag:s9] =	ssyncadd.s32 $0xFFFFC000  }
0x27e: {  	[hbm4b:s23+s2] =	stream.linear.scatter [tilespmem:s4], [sflag:$0x8], $0x4000, $0x38;
	[tilespmem:$0x19900] =	vst v63  }
0x27f: {  	_ =	swait.ge [sflag:s15], $0x4000  }
0x280: {  	s23 =	sld [smem:$0x7DC]  }
0x281: {  	[sflag:s15] =	ssyncset.done $0x0  }
0x282: {  	[sflag:s15] =	ssyncadd.s32 $0xFFFFC000  }
0x283: {  	[tilespmem:s12], [sflag:$0x5] =	stream.indirect.gather [hbm4b:s3+s6], $0x80, s23, s6, $0xb8;
	[tilespmem:$0x19900] =	vst v63  }
0x284: {  	_ =	swait.ge [sflag:s22], $0x4000  }
0x285: {  	[sflag:s22] =	ssyncset.done $0x0  }
0x286: {  	s23 =	rddreg [dreg:$0xb];
	[sflag:s22] =	ssyncadd.s32 $0xFFFFC000  }
0x287: {  	[hbm4b:s23+s2] =	stream.linear.scatter [tilespmem:s18], [sflag:$0x9], $0x4000, $0x38;
	[tilespmem:$0x19900] =	vst v63  }
0x288: {  	_ =	swait.ge [sflag:s17], $0x4000  }
0x289: {  	s23 =	sld [smem:$0x7DD]  }
0x28a: {  	[sflag:s17] =	ssyncset.done $0x0  }
0x28b: {  	[sflag:s17] =	ssyncadd.s32 $0xFFFFC000  }
0x28c: {  	[tilespmem:s11], [sflag:$0x6] =	stream.indirect.gather [hbm4b:s3+s6], $0x80, s23, s6, $0xb8;
	[tilespmem:$0x19900] =	vst v63  }
0x28d: {  	_ =	swait.ge [sflag:s21], $0x4000  }
0x28e: {  	[sflag:s21] =	ssyncset.done $0x0  }
0x28f: {  	s23 =	rddreg [dreg:$0xc];
	[sflag:s21] =	ssyncadd.s32 $0xFFFFC000  }
0x290: {  	[hbm4b:s23+s2] =	stream.linear.scatter [tilespmem:s16], [sflag:$0xA], $0x4000, $0x38;
	[tilespmem:$0x19900] =	vst v63  }
0x291: {  	_ =	swait.ge [sflag:s8], $0x4000  }
0x292: {  	s23 =	sld [smem:$0x7DE]  }
0x293: {  	[sflag:s8] =	ssyncset.done $0x0  }
0x294: {  	[sflag:s8] =	ssyncadd.s32 $0xFFFFC000  }
0x295: {  	[tilespmem:s5], [sflag:$0x1] =	stream.indirect.gather [hbm4b:s3+s6], $0x80, s23, s6, $0xb8;
	[tilespmem:$0x19900] =	vst v63  }
0x296: {  	_ =	swait.ge [sflag:s20], $0x4000  }
0x297: {  	[sflag:s20] =	ssyncset.done $0x0  }
0x298: {  	s23 =	rddreg [dreg:$0xd];
	[sflag:s20] =	ssyncadd.s32 $0xFFFFC000  }
0x299: {  	[hbm4b:s23+s2] =	stream.linear.scatter [tilespmem:s12], [sflag:$0xB], $0x4000, $0x38;
	[tilespmem:$0x19900] =	vst v63  }
0x29a: {  	_ =	swait.ge [sflag:s10], $0x4000  }
0x29b: {  	s23 =	sld [smem:$0x7DF]  }
0x29c: {  	[sflag:s10] =	ssyncset.done $0x0  }
0x29d: {  	[sflag:s10] =	ssyncadd.s32 $0xFFFFC000  }
0x29e: {  	[tilespmem:s4], [sflag:$0x2] =	stream.indirect.gather [hbm4b:s3+s6], $0x80, s23, s6, $0xb8;
	[tilespmem:$0x19900] =	vst v63  }
0x29f: {  	_ =	swait.ge [sflag:s19], $0x4000  }
0x2a0: {  	[sflag:s19] =	ssyncset.done $0x0  }
0x2a1: {  	s23 =	rddreg [dreg:$0xe];
	[sflag:s19] =	ssyncadd.s32 $0xFFFFC000  }
0x2a2: {  	[hbm4b:s23+s2] =	stream.linear.scatter [tilespmem:s11], [sflag:$0xC], $0x4000, $0x38;
	[tilespmem:$0x19900] =	vst v63  }
0x2a3: {  	_ =	swait.ge [sflag:s13], $0x4000  }
0x2a4: {  	s23 =	sld [smem:$0x7E0]  }
0x2a5: {  	[sflag:s13] =	ssyncset.done $0x0  }
0x2a6: {  	[sflag:s13] =	ssyncadd.s32 $0xFFFFC000  }
0x2a7: {  	[tilespmem:s18], [sflag:$0x3] =	stream.indirect.gather [hbm4b:s3+s6], $0x80, s23, s6, $0xb8;
	[tilespmem:$0x19900] =	vst v63  }
0x2a8: {  	_ =	swait.ge [sflag:s7], $0x4000  }
0x2a9: {  	[sflag:s7] =	ssyncset.done $0x0  }
0x2aa: {  	s23 =	rddreg [dreg:$0xf];
	[sflag:s7] =	ssyncadd.s32 $0xFFFFC000  }
0x2ab: {  	[hbm4b:s23+s2] =	stream.linear.scatter [tilespmem:s5], [sflag:$0x7], $0x4000, $0x38;
	[tilespmem:$0x19900] =	vst v63  }
0x2ac: {  	_ =	swait.ge [sflag:s14], $0x4000  }
0x2ad: {  	s23 =	sld [smem:$0x7E1]  }
0x2ae: {  	[sflag:s14] =	ssyncset.done $0x0  }
0x2af: {  	[sflag:s14] =	ssyncadd.s32 $0xFFFFC000  }
0x2b0: {  	[tilespmem:s16], [sflag:$0x4] =	stream.indirect.gather [hbm4b:s3+s6], $0x80, s23, s6, $0xb8;
	[tilespmem:$0x19900] =	vst v63  }
0x2b1: {  	_ =	swait.ge [sflag:s9], $0x4000  }
0x2b2: {  	[sflag:s9] =	ssyncset.done $0x0  }
0x2b3: {  	s23 =	rddreg [dreg:$0x10];
	[sflag:s9] =	ssyncadd.s32 $0xFFFFC000  }
0x2b4: {  	[hbm4b:s23+s2] =	stream.linear.scatter [tilespmem:s4], [sflag:$0x8], $0x4000, $0x38;
	[tilespmem:$0x19900] =	vst v63  }
0x2b5: {  	_ =	swait.ge [sflag:s15], $0x4000  }
0x2b6: {  	s23 =	sld [smem:$0x7E2]  }
0x2b7: {  	[sflag:s15] =	ssyncset.done $0x0  }
0x2b8: {  	[sflag:s15] =	ssyncadd.s32 $0xFFFFC000  }
0x2b9: {  	[tilespmem:s12], [sflag:$0x5] =	stream.indirect.gather [hbm4b:s3+s6], $0x80, s23, s6, $0xb8;
	[tilespmem:$0x19900] =	vst v63  }
0x2ba: {  	_ =	swait.ge [sflag:s22], $0x4000  }
0x2bb: {  	[sflag:s22] =	ssyncset.done $0x0  }
0x2bc: {  	s23 =	rddreg [dreg:$0x11];
	[sflag:s22] =	ssyncadd.s32 $0xFFFFC000  }
0x2bd: {  	[hbm4b:s23+s2] =	stream.linear.scatter [tilespmem:s18], [sflag:$0x9], $0x4000, $0x38;
	[tilespmem:$0x19900] =	vst v63  }
0x2be: {  	_ =	swait.ge [sflag:s17], $0x4000  }
0x2bf: {  	s23 =	sld [smem:$0x7E3]  }
0x2c0: {  	[sflag:s17] =	ssyncset.done $0x0  }
0x2c1: {  	[sflag:s17] =	ssyncadd.s32 $0xFFFFC000  }
0x2c2: {  	[tilespmem:s11], [sflag:$0x6] =	stream.indirect.gather [hbm4b:s3+s6], $0x80, s23, s6, $0xb8;
	[tilespmem:$0x19900] =	vst v63  }
0x2c3: {  	_ =	swait.ge [sflag:s21], $0x4000  }
0x2c4: {  	[sflag:s21] =	ssyncset.done $0x0  }
0x2c5: {  	s23 =	rddreg [dreg:$0x12];
	[sflag:s21] =	ssyncadd.s32 $0xFFFFC000  }
0x2c6: {  	[hbm4b:s23+s2] =	stream.linear.scatter [tilespmem:s16], [sflag:$0xA], $0x4000, $0x38;
	[tilespmem:$0x19900] =	vst v63  }
0x2c7: {  	_ =	swait.ge [sflag:s8], $0x4000  }
0x2c8: {  	s23 =	sld [smem:$0x7E4]  }
0x2c9: {  	[sflag:s8] =	ssyncset.done $0x0  }
0x2ca: {  	[sflag:s8] =	ssyncadd.s32 $0xFFFFC000  }
0x2cb: {  	[tilespmem:s5], [sflag:$0x1] =	stream.indirect.gather [hbm4b:s3+s6], $0x80, s23, s6, $0xb8;
	[tilespmem:$0x19900] =	vst v63  }
0x2cc: {  	_ =	swait.ge [sflag:s20], $0x4000  }
0x2cd: {  	[sflag:s20] =	ssyncset.done $0x0  }
0x2ce: {  	s23 =	rddreg [dreg:$0x13];
	[sflag:s20] =	ssyncadd.s32 $0xFFFFC000  }
0x2cf: {  	[hbm4b:s23+s2] =	stream.linear.scatter [tilespmem:s12], [sflag:$0xB], $0x4000, $0x38;
	[tilespmem:$0x19900] =	vst v63  }
0x2d0: {  	_ =	swait.ge [sflag:s10], $0x4000  }
0x2d1: {  	s23 =	sld [smem:$0x7E5]  }
0x2d2: {  	[sflag:s10] =	ssyncset.done $0x0  }
0x2d3: {  	[sflag:s10] =	ssyncadd.s32 $0xFFFFC000  }
0x2d4: {  	[tilespmem:s4], [sflag:$0x2] =	stream.indirect.gather [hbm4b:s3+s6], $0x80, s23, s6, $0xb8;
	[tilespmem:$0x19900] =	vst v63  }
0x2d5: {  	_ =	swait.ge [sflag:s19], $0x4000  }
0x2d6: {  	[sflag:s19] =	ssyncset.done $0x0  }
0x2d7: {  	s23 =	rddreg [dreg:$0x14];
	[sflag:s19] =	ssyncadd.s32 $0xFFFFC000  }
0x2d8: {  	[hbm4b:s23+s2] =	stream.linear.scatter [tilespmem:s11], [sflag:$0xC], $0x4000, $0x38;
	[tilespmem:$0x19900] =	vst v63  }
0x2d9: {  	_ =	swait.ge [sflag:s13], $0x4000  }
0x2da: {  	s23 =	sld [smem:$0x7E6]  }
0x2db: {  	[sflag:s13] =	ssyncset.done $0x0  }
0x2dc: {  	[sflag:s13] =	ssyncadd.s32 $0xFFFFC000  }
0x2dd: {  	[tilespmem:s18], [sflag:$0x3] =	stream.indirect.gather [hbm4b:s3+s6], $0x80, s23, s6, $0xb8;
	[tilespmem:$0x19900] =	vst v63  }
0x2de: {  	_ =	swait.ge [sflag:s7], $0x4000  }
0x2df: {  	[sflag:s7] =	ssyncset.done $0x0  }
0x2e0: {  	s23 =	rddreg [dreg:$0x15];
	[sflag:s7] =	ssyncadd.s32 $0xFFFFC000  }
0x2e1: {  	[hbm4b:s23+s2] =	stream.linear.scatter [tilespmem:s5], [sflag:$0x7], $0x4000, $0x38;
	[tilespmem:$0x19900] =	vst v63  }
0x2e2: {  	_ =	swait.ge [sflag:s14], $0x4000  }
0x2e3: {  	s23 =	sld [smem:$0x7E7]  }
0x2e4: {  	[sflag:s14] =	ssyncset.done $0x0  }
0x2e5: {  	[sflag:s14] =	ssyncadd.s32 $0xFFFFC000  }
0x2e6: {  	[tilespmem:s16], [sflag:$0x4] =	stream.indirect.gather [hbm4b:s3+s6], $0x80, s23, s6, $0xb8;
	[tilespmem:$0x19900] =	vst v63  }
0x2e7: {  	_ =	swait.ge [sflag:s9], $0x4000  }
0x2e8: {  	[sflag:s9] =	ssyncset.done $0x0  }
0x2e9: {  	s23 =	rddreg [dreg:$0x16];
	[sflag:s9] =	ssyncadd.s32 $0xFFFFC000  }
0x2ea: {  	[hbm4b:s23+s2] =	stream.linear.scatter [tilespmem:s4], [sflag:$0x8], $0x4000, $0x38;
	[tilespmem:$0x19900] =	vst v63  }
0x2eb: {  	_ =	swait.ge [sflag:s15], $0x4000  }
0x2ec: {  	s23 =	sld [smem:$0x7E8]  }
0x2ed: {  	[sflag:s15] =	ssyncset.done $0x0  }
0x2ee: {  	[sflag:s15] =	ssyncadd.s32 $0xFFFFC000  }
0x2ef: {  	[tilespmem:s12], [sflag:$0x5] =	stream.indirect.gather [hbm4b:s3+s6], $0x80, s23, s6, $0xb8;
	[tilespmem:$0x19900] =	vst v63  }
0x2f0: {  	_ =	swait.ge [sflag:s22], $0x4000  }
0x2f1: {  	[sflag:s22] =	ssyncset.done $0x0  }
0x2f2: {  	s23 =	rddreg [dreg:$0x17];
	[sflag:s22] =	ssyncadd.s32 $0xFFFFC000  }
0x2f3: {  	[hbm4b:s23+s2] =	stream.linear.scatter [tilespmem:s18], [sflag:$0x9], $0x4000, $0x38;
	[tilespmem:$0x19900] =	vst v63  }
0x2f4: {  	_ =	swait.ge [sflag:s17], $0x4000  }
0x2f5: {  	s23 =	sld [smem:$0x7E9]  }
0x2f6: {  	[sflag:s17] =	ssyncset.done $0x0  }
0x2f7: {  	[sflag:s17] =	ssyncadd.s32 $0xFFFFC000  }
0x2f8: {  	[tilespmem:s11], [sflag:$0x6] =	stream.indirect.gather [hbm4b:s3+s6], $0x80, s23, s6, $0xb8;
	[tilespmem:$0x19900] =	vst v63  }
0x2f9: {  	_ =	swait.ge [sflag:s21], $0x4000  }
0x2fa: {  	[sflag:s21] =	ssyncset.done $0x0  }
0x2fb: {  	s23 =	rddreg [dreg:$0x18];
	[sflag:s21] =	ssyncadd.s32 $0xFFFFC000  }
0x2fc: {  	[hbm4b:s23+s2] =	stream.linear.scatter [tilespmem:s16], [sflag:$0xA], $0x4000, $0x38;
	[tilespmem:$0x19900] =	vst v63  }
0x2fd: {  	_ =	swait.ge [sflag:s8], $0x4000  }
0x2fe: {  	s23 =	sld [smem:$0x7EA]  }
0x2ff: {  	[sflag:s8] =	ssyncset.done $0x0  }
0x300: {  	[sflag:s8] =	ssyncadd.s32 $0xFFFFC000  }
0x301: {  	[tilespmem:s5], [sflag:$0x1] =	stream.indirect.gather [hbm4b:s3+s6], $0x80, s23, s6, $0xb8;
	[tilespmem:$0x19900] =	vst v63  }
0x302: {  	_ =	swait.ge [sflag:s20], $0x4000  }
0x303: {  	[sflag:s20] =	ssyncset.done $0x0  }
0x304: {  	s23 =	rddreg [dreg:$0x19];
	[sflag:s20] =	ssyncadd.s32 $0xFFFFC000  }
0x305: {  	[hbm4b:s23+s2] =	stream.linear.scatter [tilespmem:s12], [sflag:$0xB], $0x4000, $0x38;
	[tilespmem:$0x19900] =	vst v63  }
0x306: {  	_ =	swait.ge [sflag:s10], $0x4000  }
0x307: {  	s23 =	sld [smem:$0x7EB]  }
0x308: {  	[sflag:s10] =	ssyncset.done $0x0  }
0x309: {  	[sflag:s10] =	ssyncadd.s32 $0xFFFFC000  }
0x30a: {  	[tilespmem:s4], [sflag:$0x2] =	stream.indirect.gather [hbm4b:s3+s6], $0x80, s23, s6, $0xb8;
	[tilespmem:$0x19900] =	vst v63  }
0x30b: {  	_ =	swait.ge [sflag:s19], $0x4000  }
0x30c: {  	[sflag:s19] =	ssyncset.done $0x0  }
0x30d: {  	s23 =	rddreg [dreg:$0x1a];
	[sflag:s19] =	ssyncadd.s32 $0xFFFFC000  }
0x30e: {  	[hbm4b:s23+s2] =	stream.linear.scatter [tilespmem:s11], [sflag:$0xC], $0x4000, $0x38;
	[tilespmem:$0x19900] =	vst v63  }
0x30f: {  	_ =	swait.ge [sflag:s13], $0x4000  }
0x310: {  	s23 =	sld [smem:$0x7EC]  }
0x311: {  	[sflag:s13] =	ssyncset.done $0x0  }
0x312: {  	[sflag:s13] =	ssyncadd.s32 $0xFFFFC000  }
0x313: {  	[tilespmem:s18], [sflag:$0x3] =	stream.indirect.gather [hbm4b:s3+s6], $0x80, s23, s6, $0xb8;
	[tilespmem:$0x19900] =	vst v63  }
0x314: {  	_ =	swait.ge [sflag:s7], $0x4000  }
0x315: {  	[sflag:s7] =	ssyncset.done $0x0  }
0x316: {  	s23 =	rddreg [dreg:$0x1b];
	[sflag:s7] =	ssyncadd.s32 $0xFFFFC000  }
0x317: {  	[hbm4b:s23+s2] =	stream.linear.scatter [tilespmem:s5], [sflag:$0x7], $0x4000, $0x38;
	[tilespmem:$0x19900] =	vst v63  }
0x318: {  	_ =	swait.ge [sflag:s14], $0x4000  }
0x319: {  	s23 =	sld [smem:$0x7ED]  }
0x31a: {  	[sflag:s14] =	ssyncset.done $0x0  }
0x31b: {  	[sflag:s14] =	ssyncadd.s32 $0xFFFFC000  }
0x31c: {  	[tilespmem:s16], [sflag:$0x4] =	stream.indirect.gather [hbm4b:s3+s6], $0x80, s23, s6, $0xb8;
	[tilespmem:$0x19900] =	vst v63  }
0x31d: {  	_ =	swait.ge [sflag:s9], $0x4000  }
0x31e: {  	[sflag:s9] =	ssyncset.done $0x0  }
0x31f: {  	s23 =	rddreg [dreg:$0x1c];
	[sflag:s9] =	ssyncadd.s32 $0xFFFFC000  }
0x320: {  	[hbm4b:s23+s2] =	stream.linear.scatter [tilespmem:s4], [sflag:$0x8], $0x4000, $0x38;
	[tilespmem:$0x19900] =	vst v63  }
0x321: {  	_ =	swait.ge [sflag:s15], $0x4000  }
0x322: {  	s23 =	sld [smem:$0x7EE]  }
0x323: {  	[sflag:s15] =	ssyncset.done $0x0  }
0x324: {  	[sflag:s15] =	ssyncadd.s32 $0xFFFFC000  }
0x325: {  	[tilespmem:s12], [sflag:$0x5] =	stream.indirect.gather [hbm4b:s3+s6], $0x80, s23, s6, $0xb8;
	[tilespmem:$0x19900] =	vst v63  }
0x326: {  	_ =	swait.ge [sflag:s22], $0x4000  }
0x327: {  	[sflag:s22] =	ssyncset.done $0x0  }
0x328: {  	s23 =	rddreg [dreg:$0x1d];
	[sflag:s22] =	ssyncadd.s32 $0xFFFFC000  }
0x329: {  	[hbm4b:s23+s2] =	stream.linear.scatter [tilespmem:s18], [sflag:$0x9], $0x4000, $0x38;
	[tilespmem:$0x19900] =	vst v63  }
0x32a: {  	_ =	swait.ge [sflag:s17], $0x4000  }
0x32b: {  	s23 =	sld [smem:$0x7EF]  }
0x32c: {  	[sflag:s17] =	ssyncset.done $0x0  }
0x32d: {  	[sflag:s17] =	ssyncadd.s32 $0xFFFFC000  }
0x32e: {  	[tilespmem:s11], [sflag:$0x6] =	stream.indirect.gather [hbm4b:s3+s6], $0x80, s23, s6, $0xb8;
	[tilespmem:$0x19900] =	vst v63  }
0x32f: {  	_ =	swait.ge [sflag:s21], $0x4000  }
0x330: {  	[sflag:s21] =	ssyncset.done $0x0  }
0x331: {  	s23 =	rddreg [dreg:$0x1e];
	[sflag:s21] =	ssyncadd.s32 $0xFFFFC000  }
0x332: {  	[hbm4b:s23+s2] =	stream.linear.scatter [tilespmem:s16], [sflag:$0xA], $0x4000, $0x38;
	[tilespmem:$0x19900] =	vst v63  }
0x333: {  	_ =	swait.ge [sflag:s8], $0x4000  }
0x334: {  	s23 =	sld [smem:$0x7F0]  }
0x335: {  	[sflag:s8] =	ssyncset.done $0x0  }
0x336: {  	[sflag:s8] =	ssyncadd.s32 $0xFFFFC000  }
0x337: {  	[tilespmem:s5], [sflag:$0x1] =	stream.indirect.gather [hbm4b:s3+s6], $0x80, s23, s6, $0xb8;
	[tilespmem:$0x19900] =	vst v63  }
0x338: {  	_ =	swait.ge [sflag:s20], $0x4000  }
0x339: {  	[sflag:s20] =	ssyncset.done $0x0  }
0x33a: {  	s23 =	rddreg [dreg:$0x1f];
	[sflag:s20] =	ssyncadd.s32 $0xFFFFC000  }
0x33b: {  	[hbm4b:s23+s2] =	stream.linear.scatter [tilespmem:s12], [sflag:$0xB], $0x4000, $0x38;
	[tilespmem:$0x19900] =	vst v63  }
0x33c: {  	_ =	swait.ge [sflag:s10], $0x4000  }
0x33d: {  	s23 =	sld [smem:$0x7F1]  }
0x33e: {  	[sflag:s10] =	ssyncset.done $0x0  }
0x33f: {  	[sflag:s10] =	ssyncadd.s32 $0xFFFFC000  }
0x340: {  	[tilespmem:s4], [sflag:$0x2] =	stream.indirect.gather [hbm4b:s3+s6], $0x80, s23, s6, $0xb8;
	[tilespmem:$0x19900] =	vst v63  }
0x341: {  	_ =	swait.ge [sflag:s19], $0x4000  }
0x342: {  	s23 =	sld [smem:$0x7BF]  }
0x343: {  	[sflag:s19] =	ssyncset.done $0x0  }
0x344: {  	[sflag:s19] =	ssyncadd.s32 $0xFFFFC000  }
0x345: {  	[hbm4b:s23+s2] =	stream.linear.scatter [tilespmem:s11], [sflag:$0xC], $0x4000, $0x38;
	[tilespmem:$0x19900] =	vst v63  }
0x346: {  	_ =	swait.ge [sflag:s13], $0x4000  }
0x347: {  	s23 =	sld [smem:$0x7F2]  }
0x348: {  	[sflag:s13] =	ssyncset.done $0x0  }
0x349: {  	[sflag:s13] =	ssyncadd.s32 $0xFFFFC000  }
0x34a: {  	[tilespmem:s18], [sflag:$0x3] =	stream.indirect.gather [hbm4b:s3+s6], $0x80, s23, s6, $0xb8;
	[tilespmem:$0x19900] =	vst v63  }
0x34b: {  	_ =	swait.ge [sflag:s7], $0x4000  }
0x34c: {  	s23 =	sld [smem:$0x7C0]  }
0x34d: {  	[sflag:s7] =	ssyncset.done $0x0  }
0x34e: {  	[sflag:s7] =	ssyncadd.s32 $0xFFFFC000  }
0x34f: {  	[hbm4b:s23+s2] =	stream.linear.scatter [tilespmem:s5], [sflag:$0x7], $0x4000, $0x38;
	[tilespmem:$0x19900] =	vst v63  }
0x350: {  	_ =	swait.ge [sflag:s14], $0x4000  }
0x351: {  	s23 =	sld [smem:$0x7F3]  }
0x352: {  	[sflag:s14] =	ssyncset.done $0x0  }
0x353: {  	[sflag:s14] =	ssyncadd.s32 $0xFFFFC000  }
0x354: {  	[tilespmem:s16], [sflag:$0x4] =	stream.indirect.gather [hbm4b:s3+s6], $0x80, s23, s6, $0xb8;
	[tilespmem:$0x19900] =	vst v63  }
0x355: {  	_ =	swait.ge [sflag:s9], $0x4000  }
0x356: {  	s23 =	sld [smem:$0x7C1]  }
0x357: {  	[sflag:s9] =	ssyncset.done $0x0  }
0x358: {  	[sflag:s9] =	ssyncadd.s32 $0xFFFFC000  }
0x359: {  	[hbm4b:s23+s2] =	stream.linear.scatter [tilespmem:s4], [sflag:$0x8], $0x4000, $0x38;
	[tilespmem:$0x19900] =	vst v63  }
0x35a: {  	_ =	swait.ge [sflag:s15], $0x4000  }
0x35b: {  	s23 =	sld [smem:$0x7F4]  }
0x35c: {  	[sflag:s15] =	ssyncset.done $0x0  }
0x35d: {  	[sflag:s15] =	ssyncadd.s32 $0xFFFFC000  }
0x35e: {  	[tilespmem:s12], [sflag:$0x5] =	stream.indirect.gather [hbm4b:s3+s6], $0x80, s23, s6, $0xb8;
	[tilespmem:$0x19900] =	vst v63  }
0x35f: {  	_ =	swait.ge [sflag:s22], $0x4000  }
0x360: {  	s23 =	sld [smem:$0x7C2]  }
0x361: {  	[sflag:s22] =	ssyncset.done $0x0  }
0x362: {  	[sflag:s22] =	ssyncadd.s32 $0xFFFFC000  }
0x363: {  	[hbm4b:s23+s2] =	stream.linear.scatter [tilespmem:s18], [sflag:$0x9], $0x4000, $0x38;
	[tilespmem:$0x19900] =	vst v63  }
0x364: {  	_ =	swait.ge [sflag:s17], $0x4000  }
0x365: {  	s23 =	sld [smem:$0x7F5]  }
0x366: {  	[sflag:s17] =	ssyncset.done $0x0  }
0x367: {  	[sflag:s17] =	ssyncadd.s32 $0xFFFFC000  }
0x368: {  	[tilespmem:s11], [sflag:$0x6] =	stream.indirect.gather [hbm4b:s3+s6], $0x80, s23, s6, $0xb8;
	[tilespmem:$0x19900] =	vst v63  }
0x369: {  	_ =	swait.ge [sflag:s21], $0x4000  }
0x36a: {  	s23 =	sld [smem:$0x7C3]  }
0x36b: {  	[sflag:s21] =	ssyncset.done $0x0  }
0x36c: {  	[sflag:s21] =	ssyncadd.s32 $0xFFFFC000  }
0x36d: {  	[hbm4b:s23+s2] =	stream.linear.scatter [tilespmem:s16], [sflag:$0xA], $0x4000, $0x38;
	[tilespmem:$0x19900] =	vst v63  }
0x36e: {  	_ =	swait.ge [sflag:s8], $0x4000  }
0x36f: {  	s23 =	sld [smem:$0x7F6]  }
0x370: {  	[sflag:s8] =	ssyncset.done $0x0  }
0x371: {  	[sflag:s8] =	ssyncadd.s32 $0xFFFFC000  }
0x372: {  	[tilespmem:s5], [sflag:$0x1] =	stream.indirect.gather [hbm4b:s3+s6], $0x80, s23, s6, $0xb8;
	[tilespmem:$0x19900] =	vst v63  }
0x373: {  	_ =	swait.ge [sflag:s20], $0x4000  }
0x374: {  	s23 =	sld [smem:$0x7C4]  }
0x375: {  	[sflag:s20] =	ssyncset.done $0x0  }
0x376: {  	[sflag:s20] =	ssyncadd.s32 $0xFFFFC000  }
0x377: {  	[hbm4b:s23+s2] =	stream.linear.scatter [tilespmem:s12], [sflag:$0xB], $0x4000, $0x38;
	[tilespmem:$0x19900] =	vst v63  }
0x378: {  	_ =	swait.ge [sflag:s10], $0x4000  }
0x379: {  	s23 =	sld [smem:$0x7F7]  }
0x37a: {  	[sflag:s10] =	ssyncset.done $0x0  }
0x37b: {  	[sflag:s10] =	ssyncadd.s32 $0xFFFFC000  }
0x37c: {  	[tilespmem:s4], [sflag:$0x2] =	stream.indirect.gather [hbm4b:s3+s6], $0x80, s23, s6, $0xb8;
	[tilespmem:$0x19900] =	vst v63  }
0x37d: {  	_ =	swait.ge [sflag:s19], $0x4000  }
0x37e: {  	s23 =	sld [smem:$0x7C5]  }
0x37f: {  	[sflag:s19] =	ssyncset.done $0x0  }
0x380: {  	[sflag:s19] =	ssyncadd.s32 $0xFFFFC000  }
0x381: {  	[hbm4b:s23+s2] =	stream.linear.scatter [tilespmem:s11], [sflag:$0xC], $0x4000, $0x38;
	[tilespmem:$0x19900] =	vst v63  }
0x382: {  	_ =	swait.ge [sflag:s13], $0x4000  }
0x383: {  	s23 =	sld [smem:$0x7F8]  }
0x384: {  	[sflag:s13] =	ssyncset.done $0x0  }
0x385: {  	[sflag:s13] =	ssyncadd.s32 $0xFFFFC000  }
0x386: {  	[tilespmem:s18], [sflag:$0x3] =	stream.indirect.gather [hbm4b:s3+s6], $0x80, s23, s6, $0xb8;
	[tilespmem:$0x19900] =	vst v63  }
0x387: {  	_ =	swait.ge [sflag:s7], $0x4000  }
0x388: {  	s23 =	sld [smem:$0x7C6]  }
0x389: {  	[sflag:s7] =	ssyncset.done $0x0  }
0x38a: {  	[sflag:s7] =	ssyncadd.s32 $0xFFFFC000  }
0x38b: {  	[hbm4b:s23+s2] =	stream.linear.scatter [tilespmem:s5], [sflag:$0x7], $0x4000, $0x38;
	[tilespmem:$0x19900] =	vst v63  }
0x38c: {  	_ =	swait.ge [sflag:s14], $0x4000  }
0x38d: {  	s23 =	sld [smem:$0x7F9]  }
0x38e: {  	[sflag:s14] =	ssyncset.done $0x0  }
0x38f: {  	[sflag:s14] =	ssyncadd.s32 $0xFFFFC000  }
0x390: {  	[tilespmem:s16], [sflag:$0x4] =	stream.indirect.gather [hbm4b:s3+s6], $0x80, s23, s6, $0xb8;
	[tilespmem:$0x19900] =	vst v63  }
0x391: {  	_ =	swait.ge [sflag:s9], $0x4000  }
0x392: {  	s23 =	sld [smem:$0x7C7]  }
0x393: {  	[sflag:s9] =	ssyncset.done $0x0  }
0x394: {  	[sflag:s9] =	ssyncadd.s32 $0xFFFFC000  }
0x395: {  	[hbm4b:s23+s2] =	stream.linear.scatter [tilespmem:s4], [sflag:$0x8], $0x4000, $0x38;
	[tilespmem:$0x19900] =	vst v63  }
0x396: {  	_ =	swait.ge [sflag:s15], $0x4000  }
0x397: {  	s23 =	sld [smem:$0x7FA]  }
0x398: {  	[sflag:s15] =	ssyncset.done $0x0  }
0x399: {  	[sflag:s15] =	ssyncadd.s32 $0xFFFFC000  }
0x39a: {  	[tilespmem:s12], [sflag:$0x5] =	stream.indirect.gather [hbm4b:s3+s6], $0x80, s23, s6, $0xb8;
	[tilespmem:$0x19900] =	vst v63  }
0x39b: {  	_ =	swait.ge [sflag:s22], $0x4000  }
0x39c: {  	s23 =	sld [smem:$0x7C8]  }
0x39d: {  	[sflag:s22] =	ssyncset.done $0x0  }
0x39e: {  	[sflag:s22] =	ssyncadd.s32 $0xFFFFC000  }
0x39f: {  	[hbm4b:s23+s2] =	stream.linear.scatter [tilespmem:s18], [sflag:$0x9], $0x4000, $0x38;
	[tilespmem:$0x19900] =	vst v63  }
0x3a0: {  	_ =	swait.ge [sflag:s17], $0x4000  }
0x3a1: {  	s23 =	sld [smem:$0x7FB]  }
0x3a2: {  	[sflag:s17] =	ssyncset.done $0x0  }
0x3a3: {  	[sflag:s17] =	ssyncadd.s32 $0xFFFFC000  }
0x3a4: {  	[tilespmem:s11], [sflag:$0x6] =	stream.indirect.gather [hbm4b:s3+s6], $0x80, s23, s6, $0xb8;
	[tilespmem:$0x19900] =	vst v63  }
0x3a5: {  	_ =	swait.ge [sflag:s21], $0x4000  }
0x3a6: {  	s23 =	sld [smem:$0x7C9]  }
0x3a7: {  	[sflag:s21] =	ssyncset.done $0x0  }
0x3a8: {  	[sflag:s21] =	ssyncadd.s32 $0xFFFFC000  }
0x3a9: {  	[hbm4b:s23+s2] =	stream.linear.scatter [tilespmem:s16], [sflag:$0xA], $0x4000, $0x38;
	[tilespmem:$0x19900] =	vst v63  }
0x3aa: {  	_ =	swait.ge [sflag:s8], $0x4000  }
0x3ab: {  	s23 =	sld [smem:$0x7FC]  }
0x3ac: {  	[sflag:s8] =	ssyncset.done $0x0  }
0x3ad: {  	[sflag:s8] =	ssyncadd.s32 $0xFFFFC000  }
0x3ae: {  	[tilespmem:s5], [sflag:$0x1] =	stream.indirect.gather [hbm4b:s3+s6], $0x80, s23, s6, $0xb8;
	[tilespmem:$0x19900] =	vst v63  }
0x3af: {  	_ =	swait.ge [sflag:s20], $0x4000  }
0x3b0: {  	s23 =	sld [smem:$0x7CA]  }
0x3b1: {  	[sflag:s20] =	ssyncset.done $0x0  }
0x3b2: {  	[sflag:s20] =	ssyncadd.s32 $0xFFFFC000  }
0x3b3: {  	[hbm4b:s23+s2] =	stream.linear.scatter [tilespmem:s12], [sflag:$0xB], $0x4000, $0x38;
	[tilespmem:$0x19900] =	vst v63  }
0x3b4: {  	_ =	swait.ge [sflag:s10], $0x4000  }
0x3b5: {  	s23 =	sld [smem:$0x7FD]  }
0x3b6: {  	[sflag:s10] =	ssyncset.done $0x0  }
0x3b7: {  	[sflag:s10] =	ssyncadd.s32 $0xFFFFC000  }
0x3b8: {  	[tilespmem:s4], [sflag:$0x2] =	stream.indirect.gather [hbm4b:s3+s6], $0x80, s23, s6, $0xb8;
	[tilespmem:$0x19900] =	vst v63  }
0x3b9: {  	_ =	swait.ge [sflag:s19], $0x4000  }
0x3ba: {  	s23 =	sld [smem:$0x7CB]  }
0x3bb: {  	[sflag:s19] =	ssyncset.done $0x0  }
0x3bc: {  	[sflag:s19] =	ssyncadd.s32 $0xFFFFC000  }
0x3bd: {  	[hbm4b:s23+s2] =	stream.linear.scatter [tilespmem:s11], [sflag:$0xC], $0x4000, $0x38;
	[tilespmem:$0x19900] =	vst v63  }
0x3be: {  	_ =	swait.ge [sflag:s13], $0x4000  }
0x3bf: {  	[sflag:s13] =	ssyncset.done $0x0  }
0x3c0: {  	s23 =	simm.s32 $0x1600;
	[sflag:s13] =	ssyncadd.s32 $0xFFFFC000  }
0x3c1: {  	[tilespmem:s18], [sflag:$0x3] =	stream.indirect.gather [hbm4b:s3+s6], $0x80, s23, s6, $0xb8;
	[tilespmem:$0x19900] =	vst v63  }
0x3c2: {  	_ =	swait.ge [sflag:s7], $0x4000  }
0x3c3: {  	s23 =	sld [smem:$0x7CC]  }
0x3c4: {  	[sflag:s7] =	ssyncset.done $0x0  }
0x3c5: {  	[sflag:s7] =	ssyncadd.s32 $0xFFFFC000  }
0x3c6: {  	[hbm4b:s23+s2] =	stream.linear.scatter [tilespmem:s5], [sflag:$0x7], $0x4000, $0x38;
	[tilespmem:$0x19900] =	vst v63  }
0x3c7: {  	_ =	swait.ge [sflag:s14], $0x4000  }
0x3c8: {  	[sflag:s14] =	ssyncset.done $0x0  }
0x3c9: {  	[sflag:s14] =	ssyncadd.s32 $0xFFFFC000  }
0x3ca: {  	[tilespmem:s16], [sflag:$0x4] =	stream.indirect.gather [hbm4b:s3+s6], $0x80, s29, s6, $0xb8;
	[tilespmem:$0x19900] =	vst v63  }
0x3cb: {  	_ =	swait.ge [sflag:s9], $0x4000  }
0x3cc: {  	s23 =	sld [smem:$0x7CD]  }
0x3cd: {  	[sflag:s9] =	ssyncset.done $0x0  }
0x3ce: {  	[sflag:s9] =	ssyncadd.s32 $0xFFFFC000  }
0x3cf: {  	[hbm4b:s23+s2] =	stream.linear.scatter [tilespmem:s4], [sflag:$0x8], $0x4000, $0x38;
	[tilespmem:$0x19900] =	vst v63  }
0x3d0: {  	_ =	swait.ge [sflag:s15], $0x4000  }
0x3d1: {  	[sflag:s15] =	ssyncset.done $0x0  }
0x3d2: {  	[sflag:s15] =	ssyncadd.s32 $0xFFFFC000  }
0x3d3: {  	[tilespmem:s12], [sflag:$0x5] =	stream.indirect.gather [hbm4b:s3+s6], $0x80, s28, s6, $0xb8;
	[tilespmem:$0x19900] =	vst v63  }
0x3d4: {  	_ =	swait.ge [sflag:s22], $0x4000  }
0x3d5: {  	s23 =	sld [smem:$0x7CE]  }
0x3d6: {  	[sflag:s22] =	ssyncset.done $0x0  }
0x3d7: {  	[sflag:s22] =	ssyncadd.s32 $0xFFFFC000  }
0x3d8: {  	[hbm4b:s23+s2] =	stream.linear.scatter [tilespmem:s18], [sflag:$0x9], $0x4000, $0x38;
	[tilespmem:$0x19900] =	vst v63  }
0x3d9: {  	_ =	swait.ge [sflag:s17], $0x4000  }
0x3da: {  	[sflag:s17] =	ssyncset.done $0x0  }
0x3db: {  	[sflag:s17] =	ssyncadd.s32 $0xFFFFC000  }
0x3dc: {  	[tilespmem:s11], [sflag:$0x6] =	stream.indirect.gather [hbm4b:s3+s6], $0x80, s26, s6, $0xb8;
	[tilespmem:$0x19900] =	vst v63  }
0x3dd: {  	_ =	swait.ge [sflag:s21], $0x4000  }
0x3de: {  	s23 =	sld [smem:$0x7CF]  }
0x3df: {  	[sflag:s21] =	ssyncset.done $0x0  }
0x3e0: {  	[sflag:s21] =	ssyncadd.s32 $0xFFFFC000  }
0x3e1: {  	[hbm4b:s23+s2] =	stream.linear.scatter [tilespmem:s16], [sflag:$0xA], $0x4000, $0x38;
	[tilespmem:$0x19900] =	vst v63  }
0x3e2: {  	_ =	swait.ge [sflag:s8], $0x4000  }
0x3e3: {  	[sflag:s8] =	ssyncset.done $0x0  }
0x3e4: {  	[sflag:s8] =	ssyncadd.s32 $0xFFFFC000  }
0x3e5: {  	[tilespmem:s5], [sflag:$0x1] =	stream.indirect.gather [hbm4b:s3+s6], $0x80, s25, s6, $0xb8;
	[tilespmem:$0x19900] =	vst v63  }
0x3e6: {  	_ =	swait.ge [sflag:s20], $0x4000  }
0x3e7: {  	s23 =	sld [smem:$0x7D0]  }
0x3e8: {  	[sflag:s20] =	ssyncset.done $0x0  }
0x3e9: {  	[sflag:s20] =	ssyncadd.s32 $0xFFFFC000  }
0x3ea: {  	[hbm4b:s23+s2] =	stream.linear.scatter [tilespmem:s12], [sflag:$0xB], $0x4000, $0x38;
	[tilespmem:$0x19900] =	vst v63  }
0x3eb: {  	_ =	swait.ge [sflag:s10], $0x4000  }
0x3ec: {  	[sflag:s10] =	ssyncset.done $0x0  }
0x3ed: {  	[sflag:s10] =	ssyncadd.s32 $0xFFFFC000  }
0x3ee: {  	[tilespmem:s4], [sflag:$0x2] =	stream.indirect.gather [hbm4b:s3+s6], $0x80, s24, s6, $0xb8;
	[tilespmem:$0x19900] =	vst v63  }
0x3ef: {  	_ =	swait.ge [sflag:s19], $0x4000  }
0x3f0: {  	s23 =	sld [smem:$0x7D1]  }
0x3f1: {  	[sflag:s19] =	ssyncset.done $0x0  }
0x3f2: {  	[sflag:s19] =	ssyncadd.s32 $0xFFFFC000  }
0x3f3: {  	[hbm4b:s23+s2] =	stream.linear.scatter [tilespmem:s11], [sflag:$0xC], $0x4000, $0x38;
	[tilespmem:$0x19900] =	vst v63  }
0x3f4: {  	_ =	swait.ge [sflag:s7], $0x4000  }
0x3f5: {  	s23 =	sld [smem:$0x7D2]  }
0x3f6: {  	[sflag:s7] =	ssyncset.done $0x0  }
0x3f7: {  	[sflag:s7] =	ssyncadd.s32 $0xFFFFC000  }
0x3f8: {  	[hbm4b:s23+s2] =	stream.linear.scatter [tilespmem:s5], [sflag:$0x7], $0x4000, $0x38;
	[tilespmem:$0x19900] =	vst v63  }
0x3f9: {  	_ =	swait.ge [sflag:s9], $0x4000  }
0x3fa: {  	s23 =	sld [smem:$0x7D3]  }
0x3fb: {  	[sflag:s9] =	ssyncset.done $0x0  }
0x3fc: {  	[sflag:s9] =	ssyncadd.s32 $0xFFFFC000  }
0x3fd: {  	[hbm4b:s23+s2] =	stream.linear.scatter [tilespmem:s4], [sflag:$0x8], $0x4000, $0x38;
	[tilespmem:$0x19900] =	vst v63  }
0x3fe: {  	_ =	swait.ge [sflag:s13], $0x4000  }
0x3ff: {  	[sflag:s13] =	ssyncset.done $0x0  }
0x400: {  	[sflag:s13] =	ssyncadd.s32 $0xFFFFC000  }
0x401: {  	_ =	swait.ge [sflag:s14], $0x4000  }
0x402: {  	[sflag:s14] =	ssyncset.done $0x0  }
0x403: {  	[sflag:s14] =	ssyncadd.s32 $0xFFFFC000  }
0x404: {  	_ =	swait.ge [sflag:s15], $0x4000  }
0x405: {  	[sflag:s15] =	ssyncset.done $0x0  }
0x406: {  	[sflag:s15] =	ssyncadd.s32 $0xFFFFC000  }
0x407: {  	_ =	swait.ge [sflag:s17], $0x4000  }
0x408: {  	[sflag:s17] =	ssyncset.done $0x0  }
0x409: {  	p1 =	sne.s32 s1, $0x1;
	[sflag:s17] =	ssyncadd.s32 $0xFFFFC000  }
.Ltmp2:
0x40a: {  	_ =	swait.ge [sflag:s8], $0x4000;
	(pc) =	sbr.rel @p1 .LBB2_4-.Ltmp2, $4  }
0x40b: {  	[sflag:s8] =	ssyncset.done $0x0  }
0x40c: {  	[sflag:s8] =	ssyncadd.s32 $0xFFFFC000  }
0x40d: {  	_ =	swait.ge [sflag:s10], $0x4000  }
0x40e: {  	s1 =	sadd.s32 $0xFFFFFFFF, s1;
	s0 =	rddreg [dreg:$0x3];
	[sflag:s10] =	ssyncset.done $0x0  }
0x40f: {  	s24 =	simm.s32 $0x1600;
	s29 =	simm.s32 $0x1680;
	s28 =	simm.s32 $0x1700  }
0x410: {  	s26 =	simm.s32 $0x1780;
	s25 =	simm.s32 $0x1800;
	s23 =	stileid.u32  }
.LBB2_6:
0x411: {  	[sflag:s10] =	ssyncadd.s32 @p0 $0xFFFFC000  }
0x412: {  	[tilespmem:s2], [sflag:$0xD] =	stream.linear.gather [hbm4b:s0+s2], $0x1900, $0x38;
	[tilespmem:$0x19900] =	vst v63  }
0x413: {  	_ =	swait.ge [sflag:s31], $0x1900  }
0x414: {  	[sflag:s31] =	ssyncset.done $0x0  }
0x415: {  	[sflag:s31] =	ssyncadd.s32 $0xFFFFE700  }
0x416: {  	[tilespmem:s5], [sflag:$0x1] =	stream.indirect.gather [hbm4b:s3+s6], $0x80, s2, s6, $0xb8;
	[tilespmem:$0x19900] =	vst v63  }
0x417: {  	s31 =	sld [smem:$0x7D4]  }
0x418: {  	[tilespmem:s4], [sflag:$0x2] =	stream.indirect.gather [hbm4b:s3+s6], $0x80, s6, s6, $0xb8;
	[tilespmem:$0x19900] =	vst v63  }
0x419: {  	_ = 	snop  }
0x41a: {  	[tilespmem:s18], [sflag:$0x3] =	stream.indirect.gather [hbm4b:s3+s6], $0x80, s31, s6, $0xb8;
	[tilespmem:$0x19900] =	vst v63  }
0x41b: {  	_ =	swait.ge [sflag:s7], $0x4000  }
0x41c: {  	[sflag:s7] =	ssyncset.done $0x0  }
0x41d: {  	s1 =	sld [smem:$0x7D5];
	[sflag:s7] =	ssyncadd.s32 $0xFFFFC000  }
0x41e: {  	[hbm4b:s30+s2] =	stream.linear.scatter [tilespmem:s5], [sflag:$0x7], $0x4000, $0x38;
	[tilespmem:$0x19900] =	vst v63  }
0x41f: {  	_ = 	snop  }
0x420: {  	[tilespmem:s16], [sflag:$0x4] =	stream.indirect.gather [hbm4b:s3+s6], $0x80, s1, s6, $0xb8;
	[tilespmem:$0x19900] =	vst v63  }
0x421: {  	_ =	swait.ge [sflag:s9], $0x4000  }
0x422: {  	s31 =	rddreg [dreg:$0x4];
	[sflag:s9] =	ssyncset.done $0x0  }
0x423: {  	s1 =	sld [smem:$0x7D6];
	[sflag:s9] =	ssyncadd.s32 $0xFFFFC000  }
0x424: {  	[hbm4b:s31+s2] =	stream.linear.scatter [tilespmem:s4], [sflag:$0x8], $0x4000, $0x38;
	[tilespmem:$0x19900] =	vst v63  }
0x425: {  	_ = 	snop  }
0x426: {  	[tilespmem:s12], [sflag:$0x5] =	stream.indirect.gather [hbm4b:s3+s6], $0x80, s1, s6, $0xb8;
	[tilespmem:$0x19900] =	vst v63  }
0x427: {  	_ =	swait.ge [sflag:s22], $0x4000  }
0x428: {  	s1 =	rddreg [dreg:$0x5];
	[sflag:s22] =	ssyncset.done $0x0  }
0x429: {  	s30 =	sld [smem:$0x7D7];
	[sflag:s22] =	ssyncadd.s32 $0xFFFFC000  }
0x42a: {  	[hbm4b:s1+s2] =	stream.linear.scatter [tilespmem:s18], [sflag:$0x9], $0x4000, $0x38;
	[tilespmem:$0x19900] =	vst v63  }
0x42b: {  	_ = 	snop  }
0x42c: {  	[tilespmem:s11], [sflag:$0x6] =	stream.indirect.gather [hbm4b:s3+s6], $0x80, s30, s6, $0xb8;
	[tilespmem:$0x19900] =	vst v63  }
0x42d: {  	_ =	swait.ge [sflag:s21], $0x4000  }
0x42e: {  	[sflag:s21] =	ssyncset.done $0x0  }
0x42f: {  	s31 =	rddreg [dreg:$0x6];
	[sflag:s21] =	ssyncadd.s32 $0xFFFFC000  }
0x430: {  	[hbm4b:s31+s2] =	stream.linear.scatter [tilespmem:s16], [sflag:$0xA], $0x4000, $0x38;
	[tilespmem:$0x19900] =	vst v63  }
0x431: {  	_ =	swait.ge [sflag:s8], $0x4000  }
0x432: {  	s1 =	sld [smem:$0x7D8]  }
0x433: {  	[sflag:s8] =	ssyncset.done $0x0  }
0x434: {  	[sflag:s8] =	ssyncadd.s32 $0xFFFFC000  }
0x435: {  	[tilespmem:s5], [sflag:$0x1] =	stream.indirect.gather [hbm4b:s3+s6], $0x80, s1, s6, $0xb8;
	[tilespmem:$0x19900] =	vst v63  }
0x436: {  	_ =	swait.ge [sflag:s20], $0x4000  }
0x437: {  	[sflag:s20] =	ssyncset.done $0x0  }
0x438: {  	s30 =	rddreg [dreg:$0x7];
	[sflag:s20] =	ssyncadd.s32 $0xFFFFC000  }
0x439: {  	[hbm4b:s30+s2] =	stream.linear.scatter [tilespmem:s12], [sflag:$0xB], $0x4000, $0x38;
	[tilespmem:$0x19900] =	vst v63  }
0x43a: {  	_ =	swait.ge [sflag:s10], $0x4000  }
0x43b: {  	s31 =	sld [smem:$0x7D9]  }
0x43c: {  	[sflag:s10] =	ssyncset.done $0x0  }
0x43d: {  	[sflag:s10] =	ssyncadd.s32 $0xFFFFC000  }
0x43e: {  	[tilespmem:s4], [sflag:$0x2] =	stream.indirect.gather [hbm4b:s3+s6], $0x80, s31, s6, $0xb8;
	[tilespmem:$0x19900] =	vst v63  }
0x43f: {  	_ =	swait.ge [sflag:s19], $0x4000  }
0x440: {  	[sflag:s19] =	ssyncset.done $0x0  }
0x441: {  	s1 =	rddreg [dreg:$0x8];
	[sflag:s19] =	ssyncadd.s32 $0xFFFFC000  }
0x442: {  	[hbm4b:s1+s2] =	stream.linear.scatter [tilespmem:s11], [sflag:$0xC], $0x4000, $0x38;
	[tilespmem:$0x19900] =	vst v63  }
0x443: {  	_ =	swait.ge [sflag:s13], $0x4000  }
0x444: {  	s30 =	sld [smem:$0x7DA]  }
0x445: {  	[sflag:s13] =	ssyncset.done $0x0  }
0x446: {  	[sflag:s13] =	ssyncadd.s32 $0xFFFFC000  }
0x447: {  	[tilespmem:s18], [sflag:$0x3] =	stream.indirect.gather [hbm4b:s3+s6], $0x80, s30, s6, $0xb8;
	[tilespmem:$0x19900] =	vst v63  }
0x448: {  	_ =	swait.ge [sflag:s7], $0x4000  }
0x449: {  	[sflag:s7] =	ssyncset.done $0x0  }
0x44a: {  	s31 =	rddreg [dreg:$0x9];
	[sflag:s7] =	ssyncadd.s32 $0xFFFFC000  }
0x44b: {  	[hbm4b:s31+s2] =	stream.linear.scatter [tilespmem:s5], [sflag:$0x7], $0x4000, $0x38;
	[tilespmem:$0x19900] =	vst v63  }
0x44c: {  	_ =	swait.ge [sflag:s14], $0x4000  }
0x44d: {  	s1 =	sld [smem:$0x7DB]  }
0x44e: {  	[sflag:s14] =	ssyncset.done $0x0  }
0x44f: {  	[sflag:s14] =	ssyncadd.s32 $0xFFFFC000  }
0x450: {  	[tilespmem:s16], [sflag:$0x4] =	stream.indirect.gather [hbm4b:s3+s6], $0x80, s1, s6, $0xb8;
	[tilespmem:$0x19900] =	vst v63  }
0x451: {  	_ =	swait.ge [sflag:s9], $0x4000  }
0x452: {  	[sflag:s9] =	ssyncset.done $0x0  }
0x453: {  	s30 =	rddreg [dreg:$0xa];
	[sflag:s9] =	ssyncadd.s32 $0xFFFFC000  }
0x454: {  	[hbm4b:s30+s2] =	stream.linear.scatter [tilespmem:s4], [sflag:$0x8], $0x4000, $0x38;
	[tilespmem:$0x19900] =	vst v63  }
0x455: {  	_ =	swait.ge [sflag:s15], $0x4000  }
0x456: {  	s31 =	sld [smem:$0x7DC]  }
0x457: {  	[sflag:s15] =	ssyncset.done $0x0  }
0x458: {  	[sflag:s15] =	ssyncadd.s32 $0xFFFFC000  }
0x459: {  	[tilespmem:s12], [sflag:$0x5] =	stream.indirect.gather [hbm4b:s3+s6], $0x80, s31, s6, $0xb8;
	[tilespmem:$0x19900] =	vst v63  }
0x45a: {  	_ =	swait.ge [sflag:s22], $0x4000  }
0x45b: {  	[sflag:s22] =	ssyncset.done $0x0  }
0x45c: {  	s1 =	rddreg [dreg:$0xb];
	[sflag:s22] =	ssyncadd.s32 $0xFFFFC000  }
0x45d: {  	[hbm4b:s1+s2] =	stream.linear.scatter [tilespmem:s18], [sflag:$0x9], $0x4000, $0x38;
	[tilespmem:$0x19900] =	vst v63  }
0x45e: {  	_ =	swait.ge [sflag:s17], $0x4000  }
0x45f: {  	s30 =	sld [smem:$0x7DD]  }
0x460: {  	[sflag:s17] =	ssyncset.done $0x0  }
0x461: {  	[sflag:s17] =	ssyncadd.s32 $0xFFFFC000  }
0x462: {  	[tilespmem:s11], [sflag:$0x6] =	stream.indirect.gather [hbm4b:s3+s6], $0x80, s30, s6, $0xb8;
	[tilespmem:$0x19900] =	vst v63  }
0x463: {  	_ =	swait.ge [sflag:s21], $0x4000  }
0x464: {  	[sflag:s21] =	ssyncset.done $0x0  }
0x465: {  	s31 =	rddreg [dreg:$0xc];
	[sflag:s21] =	ssyncadd.s32 $0xFFFFC000  }
0x466: {  	[hbm4b:s31+s2] =	stream.linear.scatter [tilespmem:s16], [sflag:$0xA], $0x4000, $0x38;
	[tilespmem:$0x19900] =	vst v63  }
0x467: {  	_ =	swait.ge [sflag:s8], $0x4000  }
0x468: {  	s1 =	sld [smem:$0x7DE]  }
0x469: {  	[sflag:s8] =	ssyncset.done $0x0  }
0x46a: {  	[sflag:s8] =	ssyncadd.s32 $0xFFFFC000  }
0x46b: {  	[tilespmem:s5], [sflag:$0x1] =	stream.indirect.gather [hbm4b:s3+s6], $0x80, s1, s6, $0xb8;
	[tilespmem:$0x19900] =	vst v63  }
0x46c: {  	_ =	swait.ge [sflag:s20], $0x4000  }
0x46d: {  	[sflag:s20] =	ssyncset.done $0x0  }
0x46e: {  	s30 =	rddreg [dreg:$0xd];
	[sflag:s20] =	ssyncadd.s32 $0xFFFFC000  }
0x46f: {  	[hbm4b:s30+s2] =	stream.linear.scatter [tilespmem:s12], [sflag:$0xB], $0x4000, $0x38;
	[tilespmem:$0x19900] =	vst v63  }
0x470: {  	_ =	swait.ge [sflag:s10], $0x4000  }
0x471: {  	s31 =	sld [smem:$0x7DF]  }
0x472: {  	[sflag:s10] =	ssyncset.done $0x0  }
0x473: {  	[sflag:s10] =	ssyncadd.s32 $0xFFFFC000  }
0x474: {  	[tilespmem:s4], [sflag:$0x2] =	stream.indirect.gather [hbm4b:s3+s6], $0x80, s31, s6, $0xb8;
	[tilespmem:$0x19900] =	vst v63  }
0x475: {  	_ =	swait.ge [sflag:s19], $0x4000  }
0x476: {  	[sflag:s19] =	ssyncset.done $0x0  }
0x477: {  	s1 =	rddreg [dreg:$0xe];
	[sflag:s19] =	ssyncadd.s32 $0xFFFFC000  }
0x478: {  	[hbm4b:s1+s2] =	stream.linear.scatter [tilespmem:s11], [sflag:$0xC], $0x4000, $0x38;
	[tilespmem:$0x19900] =	vst v63  }
0x479: {  	_ =	swait.ge [sflag:s13], $0x4000  }
0x47a: {  	s30 =	sld [smem:$0x7E0]  }
0x47b: {  	[sflag:s13] =	ssyncset.done $0x0  }
0x47c: {  	[sflag:s13] =	ssyncadd.s32 $0xFFFFC000  }
0x47d: {  	[tilespmem:s18], [sflag:$0x3] =	stream.indirect.gather [hbm4b:s3+s6], $0x80, s30, s6, $0xb8;
	[tilespmem:$0x19900] =	vst v63  }
0x47e: {  	_ =	swait.ge [sflag:s7], $0x4000  }
0x47f: {  	[sflag:s7] =	ssyncset.done $0x0  }
0x480: {  	s31 =	rddreg [dreg:$0xf];
	[sflag:s7] =	ssyncadd.s32 $0xFFFFC000  }
0x481: {  	[hbm4b:s31+s2] =	stream.linear.scatter [tilespmem:s5], [sflag:$0x7], $0x4000, $0x38;
	[tilespmem:$0x19900] =	vst v63  }
0x482: {  	_ =	swait.ge [sflag:s14], $0x4000  }
0x483: {  	s1 =	sld [smem:$0x7E1]  }
0x484: {  	[sflag:s14] =	ssyncset.done $0x0  }
0x485: {  	[sflag:s14] =	ssyncadd.s32 $0xFFFFC000  }
0x486: {  	[tilespmem:s16], [sflag:$0x4] =	stream.indirect.gather [hbm4b:s3+s6], $0x80, s1, s6, $0xb8;
	[tilespmem:$0x19900] =	vst v63  }
0x487: {  	_ =	swait.ge [sflag:s9], $0x4000  }
0x488: {  	[sflag:s9] =	ssyncset.done $0x0  }
0x489: {  	s30 =	rddreg [dreg:$0x10];
	[sflag:s9] =	ssyncadd.s32 $0xFFFFC000  }
0x48a: {  	[hbm4b:s30+s2] =	stream.linear.scatter [tilespmem:s4], [sflag:$0x8], $0x4000, $0x38;
	[tilespmem:$0x19900] =	vst v63  }
0x48b: {  	_ =	swait.ge [sflag:s15], $0x4000  }
0x48c: {  	s31 =	sld [smem:$0x7E2]  }
0x48d: {  	[sflag:s15] =	ssyncset.done $0x0  }
0x48e: {  	[sflag:s15] =	ssyncadd.s32 $0xFFFFC000  }
0x48f: {  	[tilespmem:s12], [sflag:$0x5] =	stream.indirect.gather [hbm4b:s3+s6], $0x80, s31, s6, $0xb8;
	[tilespmem:$0x19900] =	vst v63  }
0x490: {  	_ =	swait.ge [sflag:s22], $0x4000  }
0x491: {  	[sflag:s22] =	ssyncset.done $0x0  }
0x492: {  	s1 =	rddreg [dreg:$0x11];
	[sflag:s22] =	ssyncadd.s32 $0xFFFFC000  }
0x493: {  	[hbm4b:s1+s2] =	stream.linear.scatter [tilespmem:s18], [sflag:$0x9], $0x4000, $0x38;
	[tilespmem:$0x19900] =	vst v63  }
0x494: {  	_ =	swait.ge [sflag:s17], $0x4000  }
0x495: {  	s30 =	sld [smem:$0x7E3]  }
0x496: {  	[sflag:s17] =	ssyncset.done $0x0  }
0x497: {  	[sflag:s17] =	ssyncadd.s32 $0xFFFFC000  }
0x498: {  	[tilespmem:s11], [sflag:$0x6] =	stream.indirect.gather [hbm4b:s3+s6], $0x80, s30, s6, $0xb8;
	[tilespmem:$0x19900] =	vst v63  }
0x499: {  	_ =	swait.ge [sflag:s21], $0x4000  }
0x49a: {  	[sflag:s21] =	ssyncset.done $0x0  }
0x49b: {  	s31 =	rddreg [dreg:$0x12];
	[sflag:s21] =	ssyncadd.s32 $0xFFFFC000  }
0x49c: {  	[hbm4b:s31+s2] =	stream.linear.scatter [tilespmem:s16], [sflag:$0xA], $0x4000, $0x38;
	[tilespmem:$0x19900] =	vst v63  }
0x49d: {  	_ =	swait.ge [sflag:s8], $0x4000  }
0x49e: {  	s1 =	sld [smem:$0x7E4]  }
0x49f: {  	[sflag:s8] =	ssyncset.done $0x0  }
0x4a0: {  	[sflag:s8] =	ssyncadd.s32 $0xFFFFC000  }
0x4a1: {  	[tilespmem:s5], [sflag:$0x1] =	stream.indirect.gather [hbm4b:s3+s6], $0x80, s1, s6, $0xb8;
	[tilespmem:$0x19900] =	vst v63  }
0x4a2: {  	_ =	swait.ge [sflag:s20], $0x4000  }
0x4a3: {  	[sflag:s20] =	ssyncset.done $0x0  }
0x4a4: {  	s30 =	rddreg [dreg:$0x13];
	[sflag:s20] =	ssyncadd.s32 $0xFFFFC000  }
0x4a5: {  	[hbm4b:s30+s2] =	stream.linear.scatter [tilespmem:s12], [sflag:$0xB], $0x4000, $0x38;
	[tilespmem:$0x19900] =	vst v63  }
0x4a6: {  	_ =	swait.ge [sflag:s10], $0x4000  }
0x4a7: {  	s31 =	sld [smem:$0x7E5]  }
0x4a8: {  	[sflag:s10] =	ssyncset.done $0x0  }
0x4a9: {  	[sflag:s10] =	ssyncadd.s32 $0xFFFFC000  }
0x4aa: {  	[tilespmem:s4], [sflag:$0x2] =	stream.indirect.gather [hbm4b:s3+s6], $0x80, s31, s6, $0xb8;
	[tilespmem:$0x19900] =	vst v63  }
0x4ab: {  	_ =	swait.ge [sflag:s19], $0x4000  }
0x4ac: {  	[sflag:s19] =	ssyncset.done $0x0  }
0x4ad: {  	s1 =	rddreg [dreg:$0x14];
	[sflag:s19] =	ssyncadd.s32 $0xFFFFC000  }
0x4ae: {  	[hbm4b:s1+s2] =	stream.linear.scatter [tilespmem:s11], [sflag:$0xC], $0x4000, $0x38;
	[tilespmem:$0x19900] =	vst v63  }
0x4af: {  	_ =	swait.ge [sflag:s13], $0x4000  }
0x4b0: {  	s30 =	sld [smem:$0x7E6]  }
0x4b1: {  	[sflag:s13] =	ssyncset.done $0x0  }
0x4b2: {  	[sflag:s13] =	ssyncadd.s32 $0xFFFFC000  }
0x4b3: {  	[tilespmem:s18], [sflag:$0x3] =	stream.indirect.gather [hbm4b:s3+s6], $0x80, s30, s6, $0xb8;
	[tilespmem:$0x19900] =	vst v63  }
0x4b4: {  	_ =	swait.ge [sflag:s7], $0x4000  }
0x4b5: {  	[sflag:s7] =	ssyncset.done $0x0  }
0x4b6: {  	s31 =	rddreg [dreg:$0x15];
	[sflag:s7] =	ssyncadd.s32 $0xFFFFC000  }
0x4b7: {  	[hbm4b:s31+s2] =	stream.linear.scatter [tilespmem:s5], [sflag:$0x7], $0x4000, $0x38;
	[tilespmem:$0x19900] =	vst v63  }
0x4b8: {  	_ =	swait.ge [sflag:s14], $0x4000  }
0x4b9: {  	s1 =	sld [smem:$0x7E7]  }
0x4ba: {  	[sflag:s14] =	ssyncset.done $0x0  }
0x4bb: {  	[sflag:s14] =	ssyncadd.s32 $0xFFFFC000  }
0x4bc: {  	[tilespmem:s16], [sflag:$0x4] =	stream.indirect.gather [hbm4b:s3+s6], $0x80, s1, s6, $0xb8;
	[tilespmem:$0x19900] =	vst v63  }
0x4bd: {  	_ =	swait.ge [sflag:s9], $0x4000  }
0x4be: {  	[sflag:s9] =	ssyncset.done $0x0  }
0x4bf: {  	s30 =	rddreg [dreg:$0x16];
	[sflag:s9] =	ssyncadd.s32 $0xFFFFC000  }
0x4c0: {  	[hbm4b:s30+s2] =	stream.linear.scatter [tilespmem:s4], [sflag:$0x8], $0x4000, $0x38;
	[tilespmem:$0x19900] =	vst v63  }
0x4c1: {  	_ =	swait.ge [sflag:s15], $0x4000  }
0x4c2: {  	s31 =	sld [smem:$0x7E8]  }
0x4c3: {  	[sflag:s15] =	ssyncset.done $0x0  }
0x4c4: {  	[sflag:s15] =	ssyncadd.s32 $0xFFFFC000  }
0x4c5: {  	[tilespmem:s12], [sflag:$0x5] =	stream.indirect.gather [hbm4b:s3+s6], $0x80, s31, s6, $0xb8;
	[tilespmem:$0x19900] =	vst v63  }
0x4c6: {  	_ =	swait.ge [sflag:s22], $0x4000  }
0x4c7: {  	[sflag:s22] =	ssyncset.done $0x0  }
0x4c8: {  	s1 =	rddreg [dreg:$0x17];
	[sflag:s22] =	ssyncadd.s32 $0xFFFFC000  }
0x4c9: {  	[hbm4b:s1+s2] =	stream.linear.scatter [tilespmem:s18], [sflag:$0x9], $0x4000, $0x38;
	[tilespmem:$0x19900] =	vst v63  }
0x4ca: {  	_ =	swait.ge [sflag:s17], $0x4000  }
0x4cb: {  	s30 =	sld [smem:$0x7E9]  }
0x4cc: {  	[sflag:s17] =	ssyncset.done $0x0  }
0x4cd: {  	[sflag:s17] =	ssyncadd.s32 $0xFFFFC000  }
0x4ce: {  	[tilespmem:s11], [sflag:$0x6] =	stream.indirect.gather [hbm4b:s3+s6], $0x80, s30, s6, $0xb8;
	[tilespmem:$0x19900] =	vst v63  }
0x4cf: {  	_ =	swait.ge [sflag:s21], $0x4000  }
0x4d0: {  	[sflag:s21] =	ssyncset.done $0x0  }
0x4d1: {  	s31 =	rddreg [dreg:$0x18];
	[sflag:s21] =	ssyncadd.s32 $0xFFFFC000  }
0x4d2: {  	[hbm4b:s31+s2] =	stream.linear.scatter [tilespmem:s16], [sflag:$0xA], $0x4000, $0x38;
	[tilespmem:$0x19900] =	vst v63  }
0x4d3: {  	_ =	swait.ge [sflag:s8], $0x4000  }
0x4d4: {  	s1 =	sld [smem:$0x7EA]  }
0x4d5: {  	[sflag:s8] =	ssyncset.done $0x0  }
0x4d6: {  	[sflag:s8] =	ssyncadd.s32 $0xFFFFC000  }
0x4d7: {  	[tilespmem:s5], [sflag:$0x1] =	stream.indirect.gather [hbm4b:s3+s6], $0x80, s1, s6, $0xb8;
	[tilespmem:$0x19900] =	vst v63  }
0x4d8: {  	_ =	swait.ge [sflag:s20], $0x4000  }
0x4d9: {  	[sflag:s20] =	ssyncset.done $0x0  }
0x4da: {  	s30 =	rddreg [dreg:$0x19];
	[sflag:s20] =	ssyncadd.s32 $0xFFFFC000  }
0x4db: {  	[hbm4b:s30+s2] =	stream.linear.scatter [tilespmem:s12], [sflag:$0xB], $0x4000, $0x38;
	[tilespmem:$0x19900] =	vst v63  }
0x4dc: {  	_ =	swait.ge [sflag:s10], $0x4000  }
0x4dd: {  	s31 =	sld [smem:$0x7EB]  }
0x4de: {  	[sflag:s10] =	ssyncset.done $0x0  }
0x4df: {  	[sflag:s10] =	ssyncadd.s32 $0xFFFFC000  }
0x4e0: {  	[tilespmem:s4], [sflag:$0x2] =	stream.indirect.gather [hbm4b:s3+s6], $0x80, s31, s6, $0xb8;
	[tilespmem:$0x19900] =	vst v63  }
0x4e1: {  	_ =	swait.ge [sflag:s19], $0x4000  }
0x4e2: {  	[sflag:s19] =	ssyncset.done $0x0  }
0x4e3: {  	s1 =	rddreg [dreg:$0x1a];
	[sflag:s19] =	ssyncadd.s32 $0xFFFFC000  }
0x4e4: {  	[hbm4b:s1+s2] =	stream.linear.scatter [tilespmem:s11], [sflag:$0xC], $0x4000, $0x38;
	[tilespmem:$0x19900] =	vst v63  }
0x4e5: {  	_ =	swait.ge [sflag:s13], $0x4000  }
0x4e6: {  	s30 =	sld [smem:$0x7EC]  }
0x4e7: {  	[sflag:s13] =	ssyncset.done $0x0  }
0x4e8: {  	[sflag:s13] =	ssyncadd.s32 $0xFFFFC000  }
0x4e9: {  	[tilespmem:s18], [sflag:$0x3] =	stream.indirect.gather [hbm4b:s3+s6], $0x80, s30, s6, $0xb8;
	[tilespmem:$0x19900] =	vst v63  }
0x4ea: {  	_ =	swait.ge [sflag:s7], $0x4000  }
0x4eb: {  	[sflag:s7] =	ssyncset.done $0x0  }
0x4ec: {  	s31 =	rddreg [dreg:$0x1b];
	[sflag:s7] =	ssyncadd.s32 $0xFFFFC000  }
0x4ed: {  	[hbm4b:s31+s2] =	stream.linear.scatter [tilespmem:s5], [sflag:$0x7], $0x4000, $0x38;
	[tilespmem:$0x19900] =	vst v63  }
0x4ee: {  	_ =	swait.ge [sflag:s14], $0x4000  }
0x4ef: {  	s1 =	sld [smem:$0x7ED]  }
0x4f0: {  	[sflag:s14] =	ssyncset.done $0x0  }
0x4f1: {  	[sflag:s14] =	ssyncadd.s32 $0xFFFFC000  }
0x4f2: {  	[tilespmem:s16], [sflag:$0x4] =	stream.indirect.gather [hbm4b:s3+s6], $0x80, s1, s6, $0xb8;
	[tilespmem:$0x19900] =	vst v63  }
0x4f3: {  	_ =	swait.ge [sflag:s9], $0x4000  }
0x4f4: {  	[sflag:s9] =	ssyncset.done $0x0  }
0x4f5: {  	s30 =	rddreg [dreg:$0x1c];
	[sflag:s9] =	ssyncadd.s32 $0xFFFFC000  }
0x4f6: {  	[hbm4b:s30+s2] =	stream.linear.scatter [tilespmem:s4], [sflag:$0x8], $0x4000, $0x38;
	[tilespmem:$0x19900] =	vst v63  }
0x4f7: {  	_ =	swait.ge [sflag:s15], $0x4000  }
0x4f8: {  	s31 =	sld [smem:$0x7EE]  }
0x4f9: {  	[sflag:s15] =	ssyncset.done $0x0  }
0x4fa: {  	[sflag:s15] =	ssyncadd.s32 $0xFFFFC000  }
0x4fb: {  	[tilespmem:s12], [sflag:$0x5] =	stream.indirect.gather [hbm4b:s3+s6], $0x80, s31, s6, $0xb8;
	[tilespmem:$0x19900] =	vst v63  }
0x4fc: {  	_ =	swait.ge [sflag:s22], $0x4000  }
0x4fd: {  	[sflag:s22] =	ssyncset.done $0x0  }
0x4fe: {  	s1 =	rddreg [dreg:$0x1d];
	[sflag:s22] =	ssyncadd.s32 $0xFFFFC000  }
0x4ff: {  	[hbm4b:s1+s2] =	stream.linear.scatter [tilespmem:s18], [sflag:$0x9], $0x4000, $0x38;
	[tilespmem:$0x19900] =	vst v63  }
0x500: {  	_ =	swait.ge [sflag:s17], $0x4000  }
0x501: {  	s30 =	sld [smem:$0x7EF]  }
0x502: {  	[sflag:s17] =	ssyncset.done $0x0  }
0x503: {  	[sflag:s17] =	ssyncadd.s32 $0xFFFFC000  }
0x504: {  	[tilespmem:s11], [sflag:$0x6] =	stream.indirect.gather [hbm4b:s3+s6], $0x80, s30, s6, $0xb8;
	[tilespmem:$0x19900] =	vst v63  }
0x505: {  	_ =	swait.ge [sflag:s21], $0x4000  }
0x506: {  	[sflag:s21] =	ssyncset.done $0x0  }
0x507: {  	s31 =	rddreg [dreg:$0x1e];
	[sflag:s21] =	ssyncadd.s32 $0xFFFFC000  }
0x508: {  	[hbm4b:s31+s2] =	stream.linear.scatter [tilespmem:s16], [sflag:$0xA], $0x4000, $0x38;
	[tilespmem:$0x19900] =	vst v63  }
0x509: {  	_ =	swait.ge [sflag:s8], $0x4000  }
0x50a: {  	s1 =	sld [smem:$0x7F0]  }
0x50b: {  	[sflag:s8] =	ssyncset.done $0x0  }
0x50c: {  	[sflag:s8] =	ssyncadd.s32 $0xFFFFC000  }
0x50d: {  	[tilespmem:s5], [sflag:$0x1] =	stream.indirect.gather [hbm4b:s3+s6], $0x80, s1, s6, $0xb8;
	[tilespmem:$0x19900] =	vst v63  }
0x50e: {  	_ =	swait.ge [sflag:s20], $0x4000  }
0x50f: {  	[sflag:s20] =	ssyncset.done $0x0  }
0x510: {  	s30 =	rddreg [dreg:$0x1f];
	[sflag:s20] =	ssyncadd.s32 $0xFFFFC000  }
0x511: {  	[hbm4b:s30+s2] =	stream.linear.scatter [tilespmem:s12], [sflag:$0xB], $0x4000, $0x38;
	[tilespmem:$0x19900] =	vst v63  }
0x512: {  	_ =	swait.ge [sflag:s10], $0x4000  }
0x513: {  	s31 =	sld [smem:$0x7F1]  }
0x514: {  	[sflag:s10] =	ssyncset.done $0x0  }
0x515: {  	[sflag:s10] =	ssyncadd.s32 $0xFFFFC000  }
0x516: {  	[tilespmem:s4], [sflag:$0x2] =	stream.indirect.gather [hbm4b:s3+s6], $0x80, s31, s6, $0xb8;
	[tilespmem:$0x19900] =	vst v63  }
0x517: {  	_ =	swait.ge [sflag:s19], $0x4000  }
0x518: {  	s1 =	sld [smem:$0x7BF]  }
0x519: {  	[sflag:s19] =	ssyncset.done $0x0  }
0x51a: {  	[sflag:s19] =	ssyncadd.s32 $0xFFFFC000  }
0x51b: {  	[hbm4b:s1+s2] =	stream.linear.scatter [tilespmem:s11], [sflag:$0xC], $0x4000, $0x38;
	[tilespmem:$0x19900] =	vst v63  }
0x51c: {  	_ =	swait.ge [sflag:s13], $0x4000  }
0x51d: {  	s30 =	sld [smem:$0x7F2]  }
0x51e: {  	[sflag:s13] =	ssyncset.done $0x0  }
0x51f: {  	[sflag:s13] =	ssyncadd.s32 $0xFFFFC000  }
0x520: {  	[tilespmem:s18], [sflag:$0x3] =	stream.indirect.gather [hbm4b:s3+s6], $0x80, s30, s6, $0xb8;
	[tilespmem:$0x19900] =	vst v63  }
0x521: {  	_ =	swait.ge [sflag:s7], $0x4000  }
0x522: {  	s31 =	sld [smem:$0x7C0]  }
0x523: {  	[sflag:s7] =	ssyncset.done $0x0  }
0x524: {  	[sflag:s7] =	ssyncadd.s32 $0xFFFFC000  }
0x525: {  	[hbm4b:s31+s2] =	stream.linear.scatter [tilespmem:s5], [sflag:$0x7], $0x4000, $0x38;
	[tilespmem:$0x19900] =	vst v63  }
0x526: {  	_ =	swait.ge [sflag:s14], $0x4000  }
0x527: {  	s1 =	sld [smem:$0x7F3]  }
0x528: {  	[sflag:s14] =	ssyncset.done $0x0  }
0x529: {  	[sflag:s14] =	ssyncadd.s32 $0xFFFFC000  }
0x52a: {  	[tilespmem:s16], [sflag:$0x4] =	stream.indirect.gather [hbm4b:s3+s6], $0x80, s1, s6, $0xb8;
	[tilespmem:$0x19900] =	vst v63  }
0x52b: {  	_ =	swait.ge [sflag:s9], $0x4000  }
0x52c: {  	s30 =	sld [smem:$0x7C1]  }
0x52d: {  	[sflag:s9] =	ssyncset.done $0x0  }
0x52e: {  	[sflag:s9] =	ssyncadd.s32 $0xFFFFC000  }
0x52f: {  	[hbm4b:s30+s2] =	stream.linear.scatter [tilespmem:s4], [sflag:$0x8], $0x4000, $0x38;
	[tilespmem:$0x19900] =	vst v63  }
0x530: {  	_ =	swait.ge [sflag:s15], $0x4000  }
0x531: {  	s31 =	sld [smem:$0x7F4]  }
0x532: {  	[sflag:s15] =	ssyncset.done $0x0  }
0x533: {  	[sflag:s15] =	ssyncadd.s32 $0xFFFFC000  }
0x534: {  	[tilespmem:s12], [sflag:$0x5] =	stream.indirect.gather [hbm4b:s3+s6], $0x80, s31, s6, $0xb8;
	[tilespmem:$0x19900] =	vst v63  }
0x535: {  	_ =	swait.ge [sflag:s22], $0x4000  }
0x536: {  	s1 =	sld [smem:$0x7C2]  }
0x537: {  	[sflag:s22] =	ssyncset.done $0x0  }
0x538: {  	[sflag:s22] =	ssyncadd.s32 $0xFFFFC000  }
0x539: {  	[hbm4b:s1+s2] =	stream.linear.scatter [tilespmem:s18], [sflag:$0x9], $0x4000, $0x38;
	[tilespmem:$0x19900] =	vst v63  }
0x53a: {  	_ =	swait.ge [sflag:s17], $0x4000  }
0x53b: {  	s30 =	sld [smem:$0x7F5]  }
0x53c: {  	[sflag:s17] =	ssyncset.done $0x0  }
0x53d: {  	[sflag:s17] =	ssyncadd.s32 $0xFFFFC000  }
0x53e: {  	[tilespmem:s11], [sflag:$0x6] =	stream.indirect.gather [hbm4b:s3+s6], $0x80, s30, s6, $0xb8;
	[tilespmem:$0x19900] =	vst v63  }
0x53f: {  	_ =	swait.ge [sflag:s21], $0x4000  }
0x540: {  	s31 =	sld [smem:$0x7C3]  }
0x541: {  	[sflag:s21] =	ssyncset.done $0x0  }
0x542: {  	[sflag:s21] =	ssyncadd.s32 $0xFFFFC000  }
0x543: {  	[hbm4b:s31+s2] =	stream.linear.scatter [tilespmem:s16], [sflag:$0xA], $0x4000, $0x38;
	[tilespmem:$0x19900] =	vst v63  }
0x544: {  	_ =	swait.ge [sflag:s8], $0x4000  }
0x545: {  	s1 =	sld [smem:$0x7F6]  }
0x546: {  	[sflag:s8] =	ssyncset.done $0x0  }
0x547: {  	[sflag:s8] =	ssyncadd.s32 $0xFFFFC000  }
0x548: {  	[tilespmem:s5], [sflag:$0x1] =	stream.indirect.gather [hbm4b:s3+s6], $0x80, s1, s6, $0xb8;
	[tilespmem:$0x19900] =	vst v63  }
0x549: {  	_ =	swait.ge [sflag:s20], $0x4000  }
0x54a: {  	s30 =	sld [smem:$0x7C4]  }
0x54b: {  	[sflag:s20] =	ssyncset.done $0x0  }
0x54c: {  	[sflag:s20] =	ssyncadd.s32 $0xFFFFC000  }
0x54d: {  	[hbm4b:s30+s2] =	stream.linear.scatter [tilespmem:s12], [sflag:$0xB], $0x4000, $0x38;
	[tilespmem:$0x19900] =	vst v63  }
0x54e: {  	_ =	swait.ge [sflag:s10], $0x4000  }
0x54f: {  	s31 =	sld [smem:$0x7F7]  }
0x550: {  	[sflag:s10] =	ssyncset.done $0x0  }
0x551: {  	[sflag:s10] =	ssyncadd.s32 $0xFFFFC000  }
0x552: {  	[tilespmem:s4], [sflag:$0x2] =	stream.indirect.gather [hbm4b:s3+s6], $0x80, s31, s6, $0xb8;
	[tilespmem:$0x19900] =	vst v63  }
0x553: {  	_ =	swait.ge [sflag:s19], $0x4000  }
0x554: {  	s1 =	sld [smem:$0x7C5]  }
0x555: {  	[sflag:s19] =	ssyncset.done $0x0  }
0x556: {  	[sflag:s19] =	ssyncadd.s32 $0xFFFFC000  }
0x557: {  	[hbm4b:s1+s2] =	stream.linear.scatter [tilespmem:s11], [sflag:$0xC], $0x4000, $0x38;
	[tilespmem:$0x19900] =	vst v63  }
0x558: {  	_ =	swait.ge [sflag:s13], $0x4000  }
0x559: {  	s30 =	sld [smem:$0x7F8]  }
0x55a: {  	[sflag:s13] =	ssyncset.done $0x0  }
0x55b: {  	[sflag:s13] =	ssyncadd.s32 $0xFFFFC000  }
0x55c: {  	[tilespmem:s18], [sflag:$0x3] =	stream.indirect.gather [hbm4b:s3+s6], $0x80, s30, s6, $0xb8;
	[tilespmem:$0x19900] =	vst v63  }
0x55d: {  	_ =	swait.ge [sflag:s7], $0x4000  }
0x55e: {  	s31 =	sld [smem:$0x7C6]  }
0x55f: {  	[sflag:s7] =	ssyncset.done $0x0  }
0x560: {  	[sflag:s7] =	ssyncadd.s32 $0xFFFFC000  }
0x561: {  	[hbm4b:s31+s2] =	stream.linear.scatter [tilespmem:s5], [sflag:$0x7], $0x4000, $0x38;
	[tilespmem:$0x19900] =	vst v63  }
0x562: {  	_ =	swait.ge [sflag:s14], $0x4000  }
0x563: {  	s1 =	sld [smem:$0x7F9]  }
0x564: {  	[sflag:s14] =	ssyncset.done $0x0  }
0x565: {  	[sflag:s14] =	ssyncadd.s32 $0xFFFFC000  }
0x566: {  	[tilespmem:s16], [sflag:$0x4] =	stream.indirect.gather [hbm4b:s3+s6], $0x80, s1, s6, $0xb8;
	[tilespmem:$0x19900] =	vst v63  }
0x567: {  	_ =	swait.ge [sflag:s9], $0x4000  }
0x568: {  	s30 =	sld [smem:$0x7C7]  }
0x569: {  	[sflag:s9] =	ssyncset.done $0x0  }
0x56a: {  	[sflag:s9] =	ssyncadd.s32 $0xFFFFC000  }
0x56b: {  	[hbm4b:s30+s2] =	stream.linear.scatter [tilespmem:s4], [sflag:$0x8], $0x4000, $0x38;
	[tilespmem:$0x19900] =	vst v63  }
0x56c: {  	_ =	swait.ge [sflag:s15], $0x4000  }
0x56d: {  	s31 =	sld [smem:$0x7FA]  }
0x56e: {  	[sflag:s15] =	ssyncset.done $0x0  }
0x56f: {  	[sflag:s15] =	ssyncadd.s32 $0xFFFFC000  }
0x570: {  	[tilespmem:s12], [sflag:$0x5] =	stream.indirect.gather [hbm4b:s3+s6], $0x80, s31, s6, $0xb8;
	[tilespmem:$0x19900] =	vst v63  }
0x571: {  	_ =	swait.ge [sflag:s22], $0x4000  }
0x572: {  	s1 =	sld [smem:$0x7C8]  }
0x573: {  	[sflag:s22] =	ssyncset.done $0x0  }
0x574: {  	[sflag:s22] =	ssyncadd.s32 $0xFFFFC000  }
0x575: {  	[hbm4b:s1+s2] =	stream.linear.scatter [tilespmem:s18], [sflag:$0x9], $0x4000, $0x38;
	[tilespmem:$0x19900] =	vst v63  }
0x576: {  	_ =	swait.ge [sflag:s17], $0x4000  }
0x577: {  	s30 =	sld [smem:$0x7FB]  }
0x578: {  	[sflag:s17] =	ssyncset.done $0x0  }
0x579: {  	[sflag:s17] =	ssyncadd.s32 $0xFFFFC000  }
0x57a: {  	[tilespmem:s11], [sflag:$0x6] =	stream.indirect.gather [hbm4b:s3+s6], $0x80, s30, s6, $0xb8;
	[tilespmem:$0x19900] =	vst v63  }
0x57b: {  	_ =	swait.ge [sflag:s21], $0x4000  }
0x57c: {  	s31 =	sld [smem:$0x7C9]  }
0x57d: {  	[sflag:s21] =	ssyncset.done $0x0  }
0x57e: {  	[sflag:s21] =	ssyncadd.s32 $0xFFFFC000  }
0x57f: {  	[hbm4b:s31+s2] =	stream.linear.scatter [tilespmem:s16], [sflag:$0xA], $0x4000, $0x38;
	[tilespmem:$0x19900] =	vst v63  }
0x580: {  	_ =	swait.ge [sflag:s8], $0x4000  }
0x581: {  	s1 =	sld [smem:$0x7FC]  }
0x582: {  	[sflag:s8] =	ssyncset.done $0x0  }
0x583: {  	[sflag:s8] =	ssyncadd.s32 $0xFFFFC000  }
0x584: {  	[tilespmem:s5], [sflag:$0x1] =	stream.indirect.gather [hbm4b:s3+s6], $0x80, s1, s6, $0xb8;
	[tilespmem:$0x19900] =	vst v63  }
0x585: {  	_ =	swait.ge [sflag:s20], $0x4000  }
0x586: {  	s30 =	sld [smem:$0x7CA]  }
0x587: {  	[sflag:s20] =	ssyncset.done $0x0  }
0x588: {  	[sflag:s20] =	ssyncadd.s32 $0xFFFFC000  }
0x589: {  	[hbm4b:s30+s2] =	stream.linear.scatter [tilespmem:s12], [sflag:$0xB], $0x4000, $0x38;
	[tilespmem:$0x19900] =	vst v63  }
0x58a: {  	_ =	swait.ge [sflag:s10], $0x4000  }
0x58b: {  	s31 =	sld [smem:$0x7FD]  }
0x58c: {  	[sflag:s10] =	ssyncset.done $0x0  }
0x58d: {  	[sflag:s10] =	ssyncadd.s32 $0xFFFFC000  }
0x58e: {  	[tilespmem:s4], [sflag:$0x2] =	stream.indirect.gather [hbm4b:s3+s6], $0x80, s31, s6, $0xb8;
	[tilespmem:$0x19900] =	vst v63  }
0x58f: {  	_ =	swait.ge [sflag:s19], $0x4000  }
0x590: {  	s1 =	sld [smem:$0x7CB]  }
0x591: {  	[sflag:s19] =	ssyncset.done $0x0  }
0x592: {  	[sflag:s19] =	ssyncadd.s32 $0xFFFFC000  }
0x593: {  	[hbm4b:s1+s2] =	stream.linear.scatter [tilespmem:s11], [sflag:$0xC], $0x4000, $0x38;
	[tilespmem:$0x19900] =	vst v63  }
0x594: {  	_ =	swait.ge [sflag:s13], $0x4000  }
0x595: {  	[sflag:s13] =	ssyncset.done $0x0  }
0x596: {  	[sflag:s13] =	ssyncadd.s32 $0xFFFFC000  }
0x597: {  	[tilespmem:s18], [sflag:$0x3] =	stream.indirect.gather [hbm4b:s3+s6], $0x80, s24, s6, $0xb8;
	[tilespmem:$0x19900] =	vst v63  }
0x598: {  	_ =	swait.ge [sflag:s7], $0x4000  }
0x599: {  	s30 =	sld [smem:$0x7CC]  }
0x59a: {  	[sflag:s7] =	ssyncset.done $0x0  }
0x59b: {  	[sflag:s7] =	ssyncadd.s32 $0xFFFFC000  }
0x59c: {  	[hbm4b:s30+s2] =	stream.linear.scatter [tilespmem:s5], [sflag:$0x7], $0x4000, $0x38;
	[tilespmem:$0x19900] =	vst v63  }
0x59d: {  	_ =	swait.ge [sflag:s14], $0x4000  }
0x59e: {  	[sflag:s14] =	ssyncset.done $0x0  }
0x59f: {  	[sflag:s14] =	ssyncadd.s32 $0xFFFFC000  }
0x5a0: {  	[tilespmem:s16], [sflag:$0x4] =	stream.indirect.gather [hbm4b:s3+s6], $0x80, s29, s6, $0xb8;
	[tilespmem:$0x19900] =	vst v63  }
0x5a1: {  	_ =	swait.ge [sflag:s9], $0x4000  }
0x5a2: {  	s31 =	sld [smem:$0x7CD]  }
0x5a3: {  	[sflag:s9] =	ssyncset.done $0x0  }
0x5a4: {  	[sflag:s9] =	ssyncadd.s32 $0xFFFFC000  }
0x5a5: {  	[hbm4b:s31+s2] =	stream.linear.scatter [tilespmem:s4], [sflag:$0x8], $0x4000, $0x38;
	[tilespmem:$0x19900] =	vst v63  }
0x5a6: {  	_ =	swait.ge [sflag:s15], $0x4000  }
0x5a7: {  	[sflag:s15] =	ssyncset.done $0x0  }
0x5a8: {  	[sflag:s15] =	ssyncadd.s32 $0xFFFFC000  }
0x5a9: {  	[tilespmem:s12], [sflag:$0x5] =	stream.indirect.gather [hbm4b:s3+s6], $0x80, s28, s6, $0xb8;
	[tilespmem:$0x19900] =	vst v63  }
0x5aa: {  	_ =	swait.ge [sflag:s22], $0x4000  }
0x5ab: {  	s1 =	sld [smem:$0x7CE]  }
0x5ac: {  	[sflag:s22] =	ssyncset.done $0x0  }
0x5ad: {  	[sflag:s22] =	ssyncadd.s32 $0xFFFFC000  }
0x5ae: {  	[hbm4b:s1+s2] =	stream.linear.scatter [tilespmem:s18], [sflag:$0x9], $0x4000, $0x38;
	[tilespmem:$0x19900] =	vst v63  }
0x5af: {  	_ =	swait.ge [sflag:s17], $0x4000  }
0x5b0: {  	[sflag:s17] =	ssyncset.done $0x0  }
0x5b1: {  	[sflag:s17] =	ssyncadd.s32 $0xFFFFC000  }
0x5b2: {  	[tilespmem:s11], [sflag:$0x6] =	stream.indirect.gather [hbm4b:s3+s6], $0x80, s26, s6, $0xb8;
	[tilespmem:$0x19900] =	vst v63  }
0x5b3: {  	_ =	swait.ge [sflag:s21], $0x4000  }
0x5b4: {  	s24 =	sld [smem:$0x7CF]  }
0x5b5: {  	[sflag:s21] =	ssyncset.done $0x0  }
0x5b6: {  	[sflag:s21] =	ssyncadd.s32 $0xFFFFC000  }
0x5b7: {  	[hbm4b:s24+s2] =	stream.linear.scatter [tilespmem:s16], [sflag:$0xA], $0x4000, $0x38;
	[tilespmem:$0x19900] =	vst v63  }
0x5b8: {  	_ =	swait.ge [sflag:s8], $0x4000  }
0x5b9: {  	[sflag:s8] =	ssyncset.done $0x0  }
0x5ba: {  	[sflag:s8] =	ssyncadd.s32 $0xFFFFC000  }
0x5bb: {  	[tilespmem:s5], [sflag:$0x1] =	stream.indirect.gather [hbm4b:s3+s6], $0x80, s25, s6, $0xb8;
	[tilespmem:$0x19900] =	vst v63  }
0x5bc: {  	_ =	swait.ge [sflag:s20], $0x4000  }
0x5bd: {  	s26 =	sld [smem:$0x7D0]  }
0x5be: {  	[sflag:s20] =	ssyncset.done $0x0  }
0x5bf: {  	[sflag:s20] =	ssyncadd.s32 $0xFFFFC000  }
0x5c0: {  	[hbm4b:s26+s2] =	stream.linear.scatter [tilespmem:s12], [sflag:$0xB], $0x4000, $0x38;
	[tilespmem:$0x19900] =	vst v63  }
0x5c1: {  	_ =	swait.ge [sflag:s10], $0x4000  }
0x5c2: {  	[sflag:s10] =	ssyncset.done $0x0  }
0x5c3: {  	s28 =	simm.s32 $0x1880;
	[sflag:s10] =	ssyncadd.s32 $0xFFFFC000  }
0x5c4: {  	[tilespmem:s4], [sflag:$0x2] =	stream.indirect.gather [hbm4b:s3+s6], $0x80, s28, s6, $0xb8;
	[tilespmem:$0x19900] =	vst v63  }
0x5c5: {  	_ =	swait.ge [sflag:s19], $0x4000  }
0x5c6: {  	s29 =	sld [smem:$0x7D1]  }
0x5c7: {  	[sflag:s19] =	ssyncset.done $0x0  }
0x5c8: {  	[sflag:s19] =	ssyncadd.s32 $0xFFFFC000  }
0x5c9: {  	[hbm4b:s29+s2] =	stream.linear.scatter [tilespmem:s11], [sflag:$0xC], $0x4000, $0x38;
	[tilespmem:$0x19900] =	vst v63  }
0x5ca: {  	_ =	swait.ge [sflag:s7], $0x4000  }
0x5cb: {  	s30 =	sld [smem:$0x7D2]  }
0x5cc: {  	[sflag:s7] =	ssyncset.done $0x0  }
0x5cd: {  	[sflag:s7] =	ssyncadd.s32 $0xFFFFC000  }
0x5ce: {  	[hbm4b:s30+s2] =	stream.linear.scatter [tilespmem:s5], [sflag:$0x7], $0x4000, $0x38;
	[tilespmem:$0x19900] =	vst v63  }
0x5cf: {  	_ =	swait.ge [sflag:s9], $0x4000  }
0x5d0: {  	s31 =	sld [smem:$0x7D3]  }
0x5d1: {  	[sflag:s9] =	ssyncset.done $0x0  }
0x5d2: {  	[sflag:s9] =	ssyncadd.s32 $0xFFFFC000  }
0x5d3: {  	[hbm4b:s31+s2] =	stream.linear.scatter [tilespmem:s4], [sflag:$0x8], $0x4000, $0x38;
	[tilespmem:$0x19900] =	vst v63  }
0x5d4: {  	_ =	swait.ge [sflag:s13], $0x4000  }
0x5d5: {  	[sflag:s13] =	ssyncset.done $0x0  }
0x5d6: {  	[sflag:s13] =	ssyncadd.s32 $0xFFFFC000  }
0x5d7: {  	_ =	swait.ge [sflag:s14], $0x4000  }
0x5d8: {  	[sflag:s14] =	ssyncset.done $0x0  }
0x5d9: {  	[sflag:s14] =	ssyncadd.s32 $0xFFFFC000  }
0x5da: {  	_ =	swait.ge [sflag:s15], $0x4000  }
0x5db: {  	[sflag:s15] =	ssyncset.done $0x0  }
0x5dc: {  	[sflag:s15] =	ssyncadd.s32 $0xFFFFC000  }
0x5dd: {  	_ =	swait.ge [sflag:s17], $0x4000  }
0x5de: {  	[sflag:s17] =	ssyncset.done $0x0  }
0x5df: {  	[sflag:s17] =	ssyncadd.s32 $0xFFFFC000  }
0x5e0: {  	_ =	swait.ge [sflag:s8], $0x4000  }
0x5e1: {  	[sflag:s8] =	ssyncset.done $0x0  }
0x5e2: {  	[sflag:s8] =	ssyncadd.s32 $0xFFFFC000  }
0x5e3: {  	_ =	swait.ge [sflag:s10], $0x4000  }
0x5e4: {  	[sflag:s10] =	ssyncset.done $0x0  }
0x5e5: {  	[sflag:s10] =	ssyncadd.s32 $0xFFFFC000  }
0x5e6: {  	_ =	sfence.sel $0x180000  }
0x5e7: {  	[bflag:$0x0] =	sbarrier.arrive $0xFFFF  }
0x5e8: {  	_ =	strace $0x90000047  }
0x5e9: {  	[bflag:$0x2] =	sbarrier.arrive $0xFFFF  }
0x5ea: {  	p0 =	sne.s32 s23, $0x0;
	s0 =	rddreg [dreg:$0x2]  }
0x5eb: {  	s0 =	sadd.s32 @!p0 $0x100000, s0  }
0x5ec: {  	[sflag:s0] =	ssyncadd.tile.s32 @!p0 $0x1;
	_ =	shalt  }
.LBB2_1:
.Ltmp3:
0x5ed: {  	(pc) =	sbr.rel .LBB2_6-.Ltmp3, $3  }
0x5ee: {  	_ =	sdelay $0x1  }
0x5ef: {  	s24 =	simm.s32 $0x1600;
	s29 =	simm.s32 $0x1680  }
0x5f0: {  	s28 =	simm.s32 $0x1700;
	s26 =	simm.s32 $0x1780;
	s25 =	simm.s32 $0x1800  }
.LBB2_3:
.Ltmp4:
0x5f1: {  	(pc) =	sbr.rel .LBB2_6-.Ltmp4, $3  }
0x5f2: {  	_ =	sdelay $0x1  }
0x5f3: {  	s24 =	simm.s32 $0x1600;
	s29 =	simm.s32 $0x1680;
	s28 =	simm.s32 $0x1700  }
0x5f4: {  	s26 =	simm.s32 $0x1780;
	s25 =	simm.s32 $0x1800;
	s23 =	stileid.u32  }
.Lfunc_end2:
_tile_overlayer_lowered:
.L_overlay_start_2:
0x5f5: {  	(tag) =	ssettag $0x2  }
0x5f6: {  	s0 =	rddreg [dreg:$0x0];
	s2 =	stileid.u32  }
0x5f7: {  	s1 =	rddreg [dreg:$0x1];
	p0 =	sne.s32 s2, $0x0  }
0x5f8: {  	s3 =	rddreg [dreg:$0x2];
	[bflag:$0x3] =	sbarrier.arrive $0xFFFF;
	s2 =	simm.s32 @!p0 $0x1C0D  }
0x5f9: {  	[timem:s3], [sflag:s2] =	dma.local @!p0 [hbm:s0], s1  }
0x5fa: {  	s0 =	simm.s32 @!p0 $0xD  }
0x5fb: {  	_ =	swait.ge @!p0 [sflag:s0], s1  }
0x5fc: {  	s1 =	ssub.s32 @!p0 $0x0, s1;
	[sflag:s0] =	ssyncset.done @!p0 $0x0  }
0x5fd: {  	[sflag:s0] =	ssyncadd.s32 @!p0 s1  }
0x5fe: {  	[bflag:$0x3] =	sbarrier.arrive $0xFFFF  }
0x5ff: {  	_ =	shalt  }

</sc_bundles>
